<compile_context>
chip_gen: v7x
topology: tpu7x:2x2x1
jax: 0.10.2.dev20260603
libtpu: 0.0.44.dev20260713+nightly
codegen_flags: <defaults>
</compile_context>

<pallas_src>
import jax
import jax.numpy as jnp
from jax import lax
from jax.experimental import pallas as pl
from jax.experimental.pallas import tpu as pltpu
from jax.experimental.pallas import tpu_sc as plsc

N = 10000
E = 320000
D = 128
G = 64
LHID = 128
OUTD = 2

NC = 2
NS = 16
NW = NC * NS
EPW = E // NW
CH = 80
NCHUNK = EPW // CH
NBUF = 2
SNBUF = 4
RPW = 624
TBASE = NS * RPW
NTAIL = N - TBASE

BN = 1000
NB = N // BN



def _sc_deg_body(dst_hbm, zeros_hbm, ones_hbm, out_hbm,
                 didx_all, d0, d1, ones_v, m0, m1, acc_sh):
    c = lax.axis_index("c")
    s = lax.axis_index("s")
    wid = c * NS + s
    db = [d0, d1]
    sm = [m0, m1]
    pltpu.sync_copy(zeros_hbm.at[pl.ds(s * RPW, RPW)], acc_sh.at[pl.ds(s * RPW, RPW)])

    @pl.when(s == 0)
    def _():
        pltpu.sync_copy(zeros_hbm.at[pl.ds(TBASE, NTAIL)], acc_sh.at[pl.ds(TBASE, NTAIL)])

    pltpu.sync_copy(ones_hbm, ones_v)
    pltpu.sync_copy(dst_hbm.at[pl.ds(wid * EPW, EPW)], didx_all)
    plsc.subcore_barrier()

    def stage(i, b):
        off = i * CH
        for k in range(CH // 16):
            db[b][pl.ds(k * 16, 16)] = didx_all[pl.ds(off + k * 16, 16)]

    def ring(j, carry):
        for b in range(NBUF):
            i = j * NBUF + b

            @pl.when(j > 0)
            def _():
                pltpu.make_async_copy(ones_v, acc_sh.at[db[b]], sm[b]).wait()

            stage(i, b)
            pltpu.async_copy(ones_v, acc_sh.at[db[b]], sm[b], add=True)
        return carry

    lax.fori_loop(0, (NCHUNK - 1) // NBUF, ring, 0)
    pltpu.make_async_copy(ones_v, acc_sh.at[db[0]], sm[0]).wait()
    stage(NCHUNK - 1, 0)
    pltpu.async_copy(ones_v, acc_sh.at[db[0]], sm[0], add=True)
    pltpu.make_async_copy(ones_v, acc_sh.at[db[0]], sm[0]).wait()
    pltpu.make_async_copy(ones_v, acc_sh.at[db[1]], sm[1]).wait()
    plsc.subcore_barrier()
    pltpu.sync_copy(acc_sh.at[pl.ds(s * RPW, RPW)],
                    out_hbm.at[pl.ds(c * N + s * RPW, RPW)])

    @pl.when(s == 0)
    def _():
        pltpu.sync_copy(acc_sh.at[pl.ds(TBASE, NTAIL)],
                        out_hbm.at[pl.ds(c * N + TBASE, NTAIL)])


def _sc_scatter_body(g_hbm, src_hbm, dst_hbm, out_hbm,
                     s0, s1, s2, s3, d0, d1, d2, d3,
                     r0, r1, r2, r3,
                     im0, im1, im2, im3, gm0, gm1, gm2, gm3,
                     sm0, sm1, sm2, sm3,
                     acc_sh):
    c = lax.axis_index("c")
    s = lax.axis_index("s")
    wid = c * NS + s
    sb = [s0, s1, s2, s3]
    db = [d0, d1, d2, d3]
    rb = [r0, r1, r2, r3]
    im = [im0, im1, im2, im3]
    gm = [gm0, gm1, gm2, gm3]
    sm = [sm0, sm1, sm2, sm3]

    pltpu.sync_copy(g_hbm.at[pl.ds(s * RPW, RPW)], acc_sh.at[pl.ds(s * RPW, RPW)])

    @pl.when(s == 0)
    def _():
        pltpu.sync_copy(g_hbm.at[pl.ds(TBASE, NTAIL)], acc_sh.at[pl.ds(TBASE, NTAIL)])

    plsc.subcore_barrier()

    def idx_load(i, b):
        base = wid * EPW + i * CH
        pltpu.async_copy(src_hbm.at[pl.ds(base, CH)], sb[b], im[b])
        pltpu.async_copy(dst_hbm.at[pl.ds(base, CH)], db[b], im[b])

    def idx_wait(b):
        pltpu.make_async_copy(src_hbm.at[pl.ds(0, CH)], sb[b], im[b]).wait()
        pltpu.make_async_copy(dst_hbm.at[pl.ds(0, CH)], db[b], im[b]).wait()

    idx_load(0, 0)
    idx_load(1, 1)
    idx_wait(0)
    pltpu.async_copy(g_hbm.at[sb[0]], rb[0], gm[0])

    def ring(j, carry):
        for b in range(SNBUF):
            i = j * SNBUF + b
            b1 = (b + 1) % SNBUF
            b2 = (b + 2) % SNBUF
            if b < 2:
                @pl.when(j > 0)
                def _():
                    pltpu.make_async_copy(rb[b2], acc_sh.at[db[b2]], sm[b2]).wait()
            else:
                pltpu.make_async_copy(rb[b2], acc_sh.at[db[b2]], sm[b2]).wait()
            if b == 3:
                @pl.when(j + 1 < (NCHUNK - 1) // SNBUF)
                def _():
                    idx_load(i + 2, b2)
            else:
                idx_load(i + 2, b2)
            idx_wait(b1)
            pltpu.async_copy(g_hbm.at[sb[b1]], rb[b1], gm[b1])
            pltpu.make_async_copy(g_hbm.at[sb[b]], rb[b], gm[b]).wait()
            pltpu.async_copy(rb[b], acc_sh.at[db[b]], sm[b], add=True)
        return carry

    lax.fori_loop(0, (NCHUNK - 1) // SNBUF, ring, 0)
    pltpu.make_async_copy(rb[2], acc_sh.at[db[2]], sm[2]).wait()
    pltpu.make_async_copy(g_hbm.at[sb[0]], rb[0], gm[0]).wait()
    pltpu.async_copy(rb[0], acc_sh.at[db[0]], sm[0], add=True)
    pltpu.make_async_copy(rb[3], acc_sh.at[db[3]], sm[3]).wait()
    pltpu.make_async_copy(rb[0], acc_sh.at[db[0]], sm[0]).wait()

    plsc.subcore_barrier()
    pltpu.sync_copy(acc_sh.at[pl.ds(s * RPW, RPW)],
                    out_hbm.at[pl.ds(c * N + s * RPW, RPW)])

    @pl.when(s == 0)
    def _():
        pltpu.sync_copy(acc_sh.at[pl.ds(TBASE, NTAIL)],
                        out_hbm.at[pl.ds(c * N + TBASE, NTAIL)])


def _make_sc_degree():
    mesh = plsc.VectorSubcoreMesh(core_axis_name="c", subcore_axis_name="s",
                                  num_cores=NC, num_subcores=NS)
    return pl.kernel(
        _sc_deg_body,
        out_type=jax.ShapeDtypeStruct((NC * N, 16), jnp.float32),
        mesh=mesh,
        compiler_params=pltpu.CompilerParams(use_tc_tiling_on_sc=False),
        scratch_types=[
            pltpu.VMEM((EPW,), jnp.int32),
            pltpu.VMEM((CH,), jnp.int32),
            pltpu.VMEM((CH,), jnp.int32),
            pltpu.VMEM((CH, 16), jnp.float32),
            pltpu.SemaphoreType.DMA,
            pltpu.SemaphoreType.DMA,
            pltpu.VMEM_SHARED((N, 16), jnp.float32),
        ],
    )


def _make_sc_scatter():
    mesh = plsc.VectorSubcoreMesh(core_axis_name="c", subcore_axis_name="s",
                                  num_cores=NC, num_subcores=NS)
    return pl.kernel(
        _sc_scatter_body,
        out_type=jax.ShapeDtypeStruct((NC * N, D), jnp.float32),
        mesh=mesh,
        scratch_types=(
            [pltpu.VMEM((CH,), jnp.int32)] * (2 * SNBUF)
            + [pltpu.VMEM((CH, D), jnp.float32)] * SNBUF
            + [pltpu.SemaphoreType.DMA] * (3 * SNBUF)
            + [pltpu.VMEM_SHARED((N, D), jnp.float32)]
        ),
    )



def _tc_pre_body(deg0_ref, deg1_ref, x_ref, w_ref, dis_ref, g_ref):
    deg = 1.0 + deg0_ref[:, 0:1] + deg1_ref[:, 0:1]
    dis = 1.0 / jnp.sqrt(deg)
    dis_ref[...] = dis
    g_ref[...] = dis * jnp.dot(x_ref[...], w_ref[...],
                               preferred_element_type=jnp.float32)


def _tc_mid_body(p_ref, q_ref, g_ref, dis_ref, b_ref, w_ref, gn_ref):
    dis = dis_ref[...]
    h = jnp.maximum(dis * (p_ref[...] + q_ref[...] - g_ref[...]) + b_ref[...], 0.0)
    gn_ref[...] = dis * jnp.dot(h, w_ref[...], preferred_element_type=jnp.float32)


def _tc_pool_body(p_ref, q_ref, g_ref, dis_ref, b_ref, batch_ref,
                  wih_ref, bih_ref, bhh_ref, wfc_ref, bfc_ref,
                  o_ref, s_acc, c_acc):
    i = pl.program_id(0)
    dis = dis_ref[...]
    h = jnp.maximum(dis * (p_ref[...] + q_ref[...] - g_ref[...]) + b_ref[...], 0.0)
    b_row = batch_ref[...].reshape(1, BN)
    oh = (lax.broadcasted_iota(jnp.int32, (G, BN), 0) == b_row).astype(jnp.float32)

    @pl.when(i == 0)
    def _():
        s_acc[...] = jnp.zeros_like(s_acc)
        c_acc[...] = jnp.zeros_like(c_acc)

    s_acc[...] += jnp.dot(oh, h, preferred_element_type=jnp.float32)
    c_acc[...] += jnp.broadcast_to(jnp.sum(oh, axis=1, keepdims=True), (G, D))

    @pl.when(i == NB - 1)
    def _():
        pooled = s_acc[...] / jnp.maximum(c_acc[...], 1.0)
        gates = (jnp.dot(pooled, wih_ref[...], preferred_element_type=jnp.float32)
                 + bih_ref[...] + bhh_ref[...])
        ig = gates[:, 0:LHID]
        gg = gates[:, 2 * LHID:3 * LHID]
        og = gates[:, 3 * LHID:4 * LHID]
        cc = jax.nn.sigmoid(ig) * jnp.tanh(gg)
        hn = jax.nn.sigmoid(og) * jnp.tanh(cc)
        o_ref[...] = (jnp.dot(hn, wfc_ref[...], preferred_element_type=jnp.float32)
                      + bfc_ref[...])


def _make_tc_pre():
    return pl.pallas_call(
        _tc_pre_body,
        grid=(NB,),
        in_specs=[
            pl.BlockSpec((BN, 16), lambda i: (i, 0)),
            pl.BlockSpec((BN, 16), lambda i: (i + NB, 0)),
            pl.BlockSpec((BN, D), lambda i: (i, 0)),
            pl.BlockSpec((D, D), lambda i: (0, 0)),
        ],
        out_specs=[
            pl.BlockSpec((BN, 1), lambda i: (i, 0)),
            pl.BlockSpec((BN, D), lambda i: (i, 0)),
        ],
        out_shape=[
            jax.ShapeDtypeStruct((N, 1), jnp.float32),
            jax.ShapeDtypeStruct((N, D), jnp.float32),
        ],
    )


def _make_tc_mid():
    return pl.pallas_call(
        _tc_mid_body,
        grid=(NB,),
        in_specs=[
            pl.BlockSpec((BN, D), lambda i: (i, 0)),
            pl.BlockSpec((BN, D), lambda i: (i + NB, 0)),
            pl.BlockSpec((BN, D), lambda i: (i, 0)),
            pl.BlockSpec((BN, 1), lambda i: (i, 0)),
            pl.BlockSpec((1, D), lambda i: (0, 0)),
            pl.BlockSpec((D, D), lambda i: (0, 0)),
        ],
        out_specs=pl.BlockSpec((BN, D), lambda i: (i, 0)),
        out_shape=jax.ShapeDtypeStruct((N, D), jnp.float32),
    )


def _make_tc_pool():
    return pl.pallas_call(
        _tc_pool_body,
        grid=(NB,),
        in_specs=[
            pl.BlockSpec((BN, D), lambda i: (i, 0)),
            pl.BlockSpec((BN, D), lambda i: (i + NB, 0)),
            pl.BlockSpec((BN, D), lambda i: (i, 0)),
            pl.BlockSpec((BN, 1), lambda i: (i, 0)),
            pl.BlockSpec((1, D), lambda i: (0, 0)),
            pl.BlockSpec((1, 1, BN), lambda i: (i, 0, 0)),
            pl.BlockSpec((D, 4 * LHID), lambda i: (0, 0)),
            pl.BlockSpec((1, 4 * LHID), lambda i: (0, 0)),
            pl.BlockSpec((1, 4 * LHID), lambda i: (0, 0)),
            pl.BlockSpec((LHID, OUTD), lambda i: (0, 0)),
            pl.BlockSpec((1, OUTD), lambda i: (0, 0)),
        ],
        out_specs=pl.BlockSpec((G, OUTD), lambda i: (0, 0)),
        out_shape=jax.ShapeDtypeStruct((G, OUTD), jnp.float32),
        scratch_shapes=[
            pltpu.VMEM((G, D), jnp.float32),
            pltpu.VMEM((G, D), jnp.float32),
        ],
    )



def kernel(x, edge_index, batch, W0, b0, W1, b1, W2, b2,
           W_ih, W_hh, b_ih, b_hh, W_fc, b_fc):
    src = edge_index[0]
    dst = edge_index[1]

    sc_degree = _make_sc_degree()
    sc_scatter = _make_sc_scatter()
    tc_pre = _make_tc_pre()
    tc_mid = _make_tc_mid()
    tc_pool = _make_tc_pool()

    degp = sc_degree(dst, jnp.zeros((N, 16), jnp.float32),
                     jnp.ones((CH, 16), jnp.float32))
    dis, g0 = tc_pre(degp, degp, x, W0)

    p = sc_scatter(g0, src, dst)
    g1 = tc_mid(p, p, g0, dis, b0.reshape(1, D), W1)
    p = sc_scatter(g1, src, dst)
    g2 = tc_mid(p, p, g1, dis, b1.reshape(1, D), W2)
    p = sc_scatter(g2, src, dst)
    out = tc_pool(p, p, g2, dis, b2.reshape(1, D), batch.reshape(NB, 1, BN),
                  W_ih.T, b_ih.reshape(1, -1), b_hh.reshape(1, -1),
                  W_fc.T, b_fc.reshape(1, -1))
    return out

# --- scband reference (transcript-rebuilt; emitter-appended) ---
"""Pipeline reference for scband-gcn-lstm-dropout-41884521071236 (READ-ONLY COPY).

The authoritative reference and input builder live on the scoring server;
editing this copy changes nothing except your own understanding.
"""

import jax, jax.numpy as jnp
import numpy as np

N = 10000
E = 320000
D = 128
H = 128
LH = 128
OUT = 2
G = 64


def setup_inputs(seed: int = 0) -> dict:
    key = jax.random.key(seed)
    ks = jax.random.split(key, 16)
    x = jax.random.normal(ks[0], (N, D), dtype=jnp.float32)
    edge_index = jax.random.randint(ks[1], (2, E), 0, N, dtype=jnp.int32)
    batch = jnp.sort(jax.random.randint(ks[2], (N,), 0, G, dtype=jnp.int32))
    def glorot(k, shape):
        fan_in, fan_out = shape[0], shape[1]
        lim = jnp.sqrt(6.0 / (fan_in + fan_out))
        return jax.random.uniform(k, shape, jnp.float32, -lim, lim)
    W0 = glorot(ks[3], (D, H)); b0 = jnp.zeros((H,), jnp.float32)
    W1 = glorot(ks[4], (H, H)); b1 = jnp.zeros((H,), jnp.float32)
    W2 = glorot(ks[5], (H, H)); b2 = jnp.zeros((H,), jnp.float32)
    s = 1.0 / jnp.sqrt(LH)
    W_ih = jax.random.uniform(ks[6], (4 * LH, H), jnp.float32, -s, s)
    W_hh = jax.random.uniform(ks[7], (4 * LH, LH), jnp.float32, -s, s)
    b_ih = jax.random.uniform(ks[8], (4 * LH,), jnp.float32, -s, s)
    b_hh = jax.random.uniform(ks[9], (4 * LH,), jnp.float32, -s, s)
    sf = 1.0 / jnp.sqrt(LH)
    W_fc = jax.random.uniform(ks[10], (OUT, LH), jnp.float32, -sf, sf)
    b_fc = jax.random.uniform(ks[11], (OUT,), jnp.float32, -sf, sf)
    return {"x": x, "edge_index": edge_index, "batch": batch,
            "W0": W0, "b0": b0, "W1": W1, "b1": b1, "W2": W2, "b2": b2,
            "W_ih": W_ih, "W_hh": W_hh, "b_ih": b_ih, "b_hh": b_hh,
            "W_fc": W_fc, "b_fc": b_fc}


def reference(x, edge_index, batch, W0, b0, W1, b1, W2, b2, W_ih, W_hh, b_ih, b_hh, W_fc, b_fc):
    # GCNConv (PyG default): add self-loops, symmetric deg^{-1/2} normalization
    src0, dst0 = edge_index[0], edge_index[1]
    loop = jnp.arange(N, dtype=src0.dtype)
    src = jnp.concatenate([src0, loop])
    dst = jnp.concatenate([dst0, loop])
    deg = jax.ops.segment_sum(jnp.ones_like(src, dtype=jnp.float32), dst, num_segments=N)
    dis = jnp.where(deg > 0, 1.0 / jnp.sqrt(jnp.maximum(deg, 1e-12)), 0.0)
    norm = dis[src] * dis[dst]

    def conv(h, W, b):
        h = h @ W
        msg = h[src] * norm[:, None]
        return jax.ops.segment_sum(msg, dst, num_segments=N) + b

    h = jax.nn.relu(conv(x, W0, b0))
    h = jax.nn.relu(conv(h, W1, b1))
    h = jax.nn.relu(conv(h, W2, b2))
    # gcn_dropout: identity in eval mode
    # global_mean_pool
    s = jax.ops.segment_sum(h, batch, num_segments=G)
    cnt = jax.ops.segment_sum(jnp.ones((N,), jnp.float32), batch, num_segments=G)
    pooled = s / jnp.maximum(cnt, 1.0)[:, None]
    # LSTM: seq_len=1 (unsqueeze(1)), h0=c0=0, torch gate order i,f,g,o
    h0 = jnp.zeros((G, LH), jnp.float32)
    c0 = jnp.zeros((G, LH), jnp.float32)
    gates = pooled @ W_ih.T + b_ih + h0 @ W_hh.T + b_hh
    i_g, f_g, g_g, o_g = jnp.split(gates, 4, axis=1)
    c = jax.nn.sigmoid(f_g) * c0 + jax.nn.sigmoid(i_g) * jnp.tanh(g_g)
    hn = jax.nn.sigmoid(o_g) * jnp.tanh(c)
    out = hn @ W_fc.T + b_fc
    # fc_dropout: identity in eval mode
    return out

if __name__ == "__main__":
    import jax
    _d = setup_inputs()
    print(jax.jit(kernel)(*tuple(_d.values())))

</pallas_src>

<mosaic_0001>
#map = affine_map<(d0, d1) -> (0, 0)>
#map1 = affine_map<(d0, d1) -> (0)>
module attributes {stable_mosaic.version = 14 : i64} {
  func.func @_sc_scatter_body(%arg0: i32, %arg1: i32, %arg2: memref<10000x128xf32, #tpu.memory_space<hbm>>, %arg3: memref<320000xi32, #tpu.memory_space<hbm>>, %arg4: memref<320000xi32, #tpu.memory_space<hbm>>, %arg5: memref<20000x128xf32, #tpu.memory_space<hbm>>, %arg6: memref<80xi32, #tpu.memory_space<vmem>>, %arg7: memref<80xi32, #tpu.memory_space<vmem>>, %arg8: memref<80xi32, #tpu.memory_space<vmem>>, %arg9: memref<80xi32, #tpu.memory_space<vmem>>, %arg10: memref<80xi32, #tpu.memory_space<vmem>>, %arg11: memref<80xi32, #tpu.memory_space<vmem>>, %arg12: memref<80xi32, #tpu.memory_space<vmem>>, %arg13: memref<80xi32, #tpu.memory_space<vmem>>, %arg14: memref<80x128xf32, #tpu.memory_space<vmem>>, %arg15: memref<80x128xf32, #tpu.memory_space<vmem>>, %arg16: memref<80x128xf32, #tpu.memory_space<vmem>>, %arg17: memref<80x128xf32, #tpu.memory_space<vmem>>, %arg18: memref<!tpu.dma_semaphore, #tpu.memory_space<semaphore_mem>>, %arg19: memref<!tpu.dma_semaphore, #tpu.memory_space<semaphore_mem>>, %arg20: memref<!tpu.dma_semaphore, #tpu.memory_space<semaphore_mem>>, %arg21: memref<!tpu.dma_semaphore, #tpu.memory_space<semaphore_mem>>, %arg22: memref<!tpu.dma_semaphore, #tpu.memory_space<semaphore_mem>>, %arg23: memref<!tpu.dma_semaphore, #tpu.memory_space<semaphore_mem>>, %arg24: memref<!tpu.dma_semaphore, #tpu.memory_space<semaphore_mem>>, %arg25: memref<!tpu.dma_semaphore, #tpu.memory_space<semaphore_mem>>, %arg26: memref<!tpu.dma_semaphore, #tpu.memory_space<semaphore_mem>>, %arg27: memref<!tpu.dma_semaphore, #tpu.memory_space<semaphore_mem>>, %arg28: memref<!tpu.dma_semaphore, #tpu.memory_space<semaphore_mem>>, %arg29: memref<!tpu.dma_semaphore, #tpu.memory_space<semaphore_mem>>, %arg30: memref<10000x128xf32, #tpu.memory_space<vmem_shared>>) attributes {dimension_semantics = [#tpu.dimension_semantics<core_parallel>, #tpu.dimension_semantics<subcore_parallel>], iteration_bounds = array<i64: 2, 16>, scalar_prefetch = 0 : i64, scratch_operands = 25 : i64, tpu.core_type = #tpu.core_type<sc_vector_subcore>, window_params = [{transform_indices = #map}, {transform_indices = #map1}, {transform_indices = #map1}, {transform_indices = #map}]} {
    %mul3A = arith.constant 16 : i32
    %mul3A_0 = arith.muli %arg0, %mul3A : i32
    %add3A = arith.addi %mul3A_0, %arg1 : i32
    %mul3A_1 = arith.constant 624 : i32
    %mul3A_2 = arith.muli %arg1, %mul3A_1 : i32
    %mul3A_3 = arith.constant 624 : i32
    %mul3A_4 = arith.muli %arg1, %mul3A_3 : i32
    "tpu.region"() ({
      %run_scoped3A = tpu.sem_alloc : memref<!tpu.dma_semaphore, #tpu.memory_space<semaphore_mem>>
      %dma_start3A_65 = arith.constant 0 : i32
      %dma_start3A_66 = tpu.memref_slice %arg30[%mul3A_4, %dma_start3A_65] : memref<10000x128xf32, #tpu.memory_space<vmem_shared>> -> memref<624x128xf32, #tpu.memory_space<vmem_shared>>
      %dma_start3A_67 = arith.constant 0 : i32
      %dma_start3A_68 = tpu.memref_slice %arg2[%mul3A_2, %dma_start3A_67] : memref<10000x128xf32, #tpu.memory_space<hbm>> -> memref<624x128xf32, #tpu.memory_space<hbm>>
      tpu.enqueue_dma source(%dma_start3A_68 : memref<624x128xf32, #tpu.memory_space<hbm>>) target(%dma_start3A_66 : memref<624x128xf32, #tpu.memory_space<vmem_shared>>) target_semaphore(%run_scoped3A : memref<!tpu.dma_semaphore, #tpu.memory_space<semaphore_mem>>)
      %dma_wait3A_69 = arith.constant 0 : i32
      %dma_wait3A_70 = tpu.memref_slice %arg30[%mul3A_4, %dma_wait3A_69] : memref<10000x128xf32, #tpu.memory_space<vmem_shared>> -> memref<624x128xf32, #tpu.memory_space<vmem_shared>>
      %dma_wait3A_71 = arith.constant 0 : i32
      %dma_wait3A_72 = tpu.memref_slice %arg2[%mul3A_2, %dma_wait3A_71] : memref<10000x128xf32, #tpu.memory_space<hbm>> -> memref<624x128xf32, #tpu.memory_space<hbm>>
      tpu.wait_dma2 semaphore(%run_scoped3A : memref<!tpu.dma_semaphore, #tpu.memory_space<semaphore_mem>>) src(%dma_wait3A_72 : memref<624x128xf32, #tpu.memory_space<hbm>>) dst(%dma_wait3A_70 : memref<624x128xf32, #tpu.memory_space<vmem_shared>>)
      tpu.yield
    }) : () -> ()
    %eq3A = arith.constant 0 : i32
    %eq3A_5 = arith.cmpi eq, %arg1, %eq3A : i32
    %convert_element_type3A = arith.extui %eq3A_5 : i1 to i32
    %cond3A = arith.constant 0 : i32
    %cond3A_6 = arith.cmpi ne, %convert_element_type3A, %cond3A : i32
    scf.if %cond3A_6 {
      "tpu.region"() ({
        %run_scoped3A = tpu.sem_alloc : memref<!tpu.dma_semaphore, #tpu.memory_space<semaphore_mem>>
        %dma_start3A_65 = arith.constant 9984 : i32
        %dma_start3A_66 = arith.constant 0 : i32
        %dma_start3A_67 = tpu.memref_slice %arg30[%dma_start3A_65, %dma_start3A_66] : memref<10000x128xf32, #tpu.memory_space<vmem_shared>> -> memref<16x128xf32, #tpu.memory_space<vmem_shared>>
        %dma_start3A_68 = arith.constant 9984 : i32
        %dma_start3A_69 = arith.constant 0 : i32
        %dma_start3A_70 = tpu.memref_slice %arg2[%dma_start3A_68, %dma_start3A_69] : memref<10000x128xf32, #tpu.memory_space<hbm>> -> memref<16x128xf32, #tpu.memory_space<hbm>>
        tpu.enqueue_dma source(%dma_start3A_70 : memref<16x128xf32, #tpu.memory_space<hbm>>) target(%dma_start3A_67 : memref<16x128xf32, #tpu.memory_space<vmem_shared>>) target_semaphore(%run_scoped3A : memref<!tpu.dma_semaphore, #tpu.memory_space<semaphore_mem>>)
        %dma_wait3A_71 = arith.constant 9984 : i32
        %dma_wait3A_72 = arith.constant 0 : i32
        %dma_wait3A_73 = tpu.memref_slice %arg30[%dma_wait3A_71, %dma_wait3A_72] : memref<10000x128xf32, #tpu.memory_space<vmem_shared>> -> memref<16x128xf32, #tpu.memory_space<vmem_shared>>
        %dma_wait3A_74 = arith.constant 9984 : i32
        %dma_wait3A_75 = arith.constant 0 : i32
        %dma_wait3A_76 = tpu.memref_slice %arg2[%dma_wait3A_74, %dma_wait3A_75] : memref<10000x128xf32, #tpu.memory_space<hbm>> -> memref<16x128xf32, #tpu.memory_space<hbm>>
        tpu.wait_dma2 semaphore(%run_scoped3A : memref<!tpu.dma_semaphore, #tpu.memory_space<semaphore_mem>>) src(%dma_wait3A_76 : memref<16x128xf32, #tpu.memory_space<hbm>>) dst(%dma_wait3A_73 : memref<16x128xf32, #tpu.memory_space<vmem_shared>>)
        tpu.yield
      }) : () -> ()
    } else {
    }
    %barrier3A = arith.constant 0 : index
    tpu.barrier barrier_id(%barrier3A)
    %mul3A_7 = arith.constant 10000 : i32
    %mul3A_8 = arith.muli %add3A, %mul3A_7 : i32
    %add3A_9 = arith.constant 0 : i32
    %add3A_10 = arith.addi %mul3A_8, %add3A_9 : i32
    %dma_start3A = tpu.memref_slice %arg3[%add3A_10] : memref<320000xi32, #tpu.memory_space<hbm>> -> memref<80xi32, #tpu.memory_space<hbm>>
    %dma_start3A_11 = tpu.memref_slice %arg3[%add3A_10] : memref<320000xi32, #tpu.memory_space<hbm>> -> memref<80xi32, #tpu.memory_space<hbm>>
    tpu.enqueue_dma source(%dma_start3A_11 : memref<80xi32, #tpu.memory_space<hbm>>) target(%arg6 : memref<80xi32, #tpu.memory_space<vmem>>) target_semaphore(%arg18 : memref<!tpu.dma_semaphore, #tpu.memory_space<semaphore_mem>>)
    %dma_start3A_12 = tpu.memref_slice %arg4[%add3A_10] : memref<320000xi32, #tpu.memory_space<hbm>> -> memref<80xi32, #tpu.memory_space<hbm>>
    %dma_start3A_13 = tpu.memref_slice %arg4[%add3A_10] : memref<320000xi32, #tpu.memory_space<hbm>> -> memref<80xi32, #tpu.memory_space<hbm>>
    tpu.enqueue_dma source(%dma_start3A_13 : memref<80xi32, #tpu.memory_space<hbm>>) target(%arg10 : memref<80xi32, #tpu.memory_space<vmem>>) target_semaphore(%arg18 : memref<!tpu.dma_semaphore, #tpu.memory_space<semaphore_mem>>)
    %mul3A_14 = arith.constant 10000 : i32
    %mul3A_15 = arith.muli %add3A, %mul3A_14 : i32
    %add3A_16 = arith.constant 80 : i32
    %add3A_17 = arith.addi %mul3A_15, %add3A_16 : i32
    %dma_start3A_18 = tpu.memref_slice %arg3[%add3A_17] : memref<320000xi32, #tpu.memory_space<hbm>> -> memref<80xi32, #tpu.memory_space<hbm>>
    %dma_start3A_19 = tpu.memref_slice %arg3[%add3A_17] : memref<320000xi32, #tpu.memory_space<hbm>> -> memref<80xi32, #tpu.memory_space<hbm>>
    tpu.enqueue_dma source(%dma_start3A_19 : memref<80xi32, #tpu.memory_space<hbm>>) target(%arg7 : memref<80xi32, #tpu.memory_space<vmem>>) target_semaphore(%arg19 : memref<!tpu.dma_semaphore, #tpu.memory_space<semaphore_mem>>)
    %dma_start3A_20 = tpu.memref_slice %arg4[%add3A_17] : memref<320000xi32, #tpu.memory_space<hbm>> -> memref<80xi32, #tpu.memory_space<hbm>>
    %dma_start3A_21 = tpu.memref_slice %arg4[%add3A_17] : memref<320000xi32, #tpu.memory_space<hbm>> -> memref<80xi32, #tpu.memory_space<hbm>>
    tpu.enqueue_dma source(%dma_start3A_21 : memref<80xi32, #tpu.memory_space<hbm>>) target(%arg11 : memref<80xi32, #tpu.memory_space<vmem>>) target_semaphore(%arg19 : memref<!tpu.dma_semaphore, #tpu.memory_space<semaphore_mem>>)
    %dma_wait3A = arith.constant 0 : i32
    %dma_wait3A_22 = tpu.memref_slice %arg3[%dma_wait3A] : memref<320000xi32, #tpu.memory_space<hbm>> -> memref<80xi32, #tpu.memory_space<hbm>>
    %dma_wait3A_23 = arith.constant 0 : i32
    %dma_wait3A_24 = tpu.memref_slice %arg3[%dma_wait3A_23] : memref<320000xi32, #tpu.memory_space<hbm>> -> memref<80xi32, #tpu.memory_space<hbm>>
    tpu.wait_dma2 semaphore(%arg18 : memref<!tpu.dma_semaphore, #tpu.memory_space<semaphore_mem>>) src(%dma_wait3A_24 : memref<80xi32, #tpu.memory_space<hbm>>) dst(%arg6 : memref<80xi32, #tpu.memory_space<vmem>>)
    %dma_wait3A_25 = arith.constant 0 : i32
    %dma_wait3A_26 = tpu.memref_slice %arg4[%dma_wait3A_25] : memref<320000xi32, #tpu.memory_space<hbm>> -> memref<80xi32, #tpu.memory_space<hbm>>
    %dma_wait3A_27 = arith.constant 0 : i32
    %dma_wait3A_28 = tpu.memref_slice %arg4[%dma_wait3A_27] : memref<320000xi32, #tpu.memory_space<hbm>> -> memref<80xi32, #tpu.memory_space<hbm>>
    tpu.wait_dma2 semaphore(%arg18 : memref<!tpu.dma_semaphore, #tpu.memory_space<semaphore_mem>>) src(%dma_wait3A_28 : memref<80xi32, #tpu.memory_space<hbm>>) dst(%arg10 : memref<80xi32, #tpu.memory_space<vmem>>)
    %dma_start3A_29 = arith.constant 0 : i32
    %dma_start3A_30 = arith.constant 0 : i32
    %dma_start3A_31 = tpu.memref_slice %arg2[%dma_start3A_29, %dma_start3A_30] : memref<10000x128xf32, #tpu.memory_space<hbm>> -> memref<10000x128xf32, #tpu.memory_space<hbm>>
    tpu.enqueue_indirect_dma source(%dma_start3A_31 : memref<10000x128xf32, #tpu.memory_space<hbm>>) target(%arg14 : memref<80x128xf32, #tpu.memory_space<vmem>>) offsets(%arg6 : memref<80xi32, #tpu.memory_space<vmem>>) semaphore(%arg22 : memref<!tpu.dma_semaphore, #tpu.memory_space<semaphore_mem>>)
    %scan3A = arith.constant 0 : i32
    %scan3A_32 = arith.constant 0 : i32
    %scan3A_33 = arith.constant 31 : i32
    %scan3A_34 = arith.addi %scan3A_32, %scan3A_33 : i32
    %scan3A_35 = arith.constant 1 : i32
    scf.for %scan3A_65 = %scan3A_32 to %scan3A_34 step %scan3A_35  : i32 {
      %mul3A_66 = arith.constant 4 : i32
      %mul3A_67 = arith.muli %scan3A_65, %mul3A_66 : i32
      %add3A_68 = arith.constant 0 : i32
      %add3A_69 = arith.addi %mul3A_67, %add3A_68 : i32
      %gt3A = arith.constant 0 : i32
      %gt3A_70 = arith.cmpi sgt, %scan3A_65, %gt3A : i32
      %convert_element_type3A_71 = arith.extui %gt3A_70 : i1 to i32
      %cond3A_72 = arith.constant 0 : i32
      %cond3A_73 = arith.cmpi ne, %convert_element_type3A_71, %cond3A_72 : i32
      scf.if %cond3A_73 {
        %dma_wait3A_204 = arith.constant 0 : i32
        %dma_wait3A_205 = arith.constant 0 : i32
        %dma_wait3A_206 = tpu.memref_slice %arg30[%dma_wait3A_204, %dma_wait3A_205] : memref<10000x128xf32, #tpu.memory_space<vmem_shared>> -> memref<10000x128xf32, #tpu.memory_space<vmem_shared>>
        tpu.wait_indirect_dma semaphore(%arg28 : memref<!tpu.dma_semaphore, #tpu.memory_space<semaphore_mem>>) src(%arg16 : memref<80x128xf32, #tpu.memory_space<vmem>>) dst(%dma_wait3A_206 : memref<10000x128xf32, #tpu.memory_space<vmem_shared>>)
      } else {
      }
      %add3A_74 = arith.constant 2 : i32
      %add3A_75 = arith.addi %add3A_69, %add3A_74 : i32
      %mul3A_76 = arith.constant 10000 : i32
      %mul3A_77 = arith.muli %add3A, %mul3A_76 : i32
      %mul3A_78 = arith.constant 80 : i32
      %mul3A_79 = arith.muli %add3A_75, %mul3A_78 : i32
      %add3A_80 = arith.addi %mul3A_77, %mul3A_79 : i32
      %dma_start3A_81 = tpu.memref_slice %arg3[%add3A_80] : memref<320000xi32, #tpu.memory_space<hbm>> -> memref<80xi32, #tpu.memory_space<hbm>>
      %dma_start3A_82 = tpu.memref_slice %arg3[%add3A_80] : memref<320000xi32, #tpu.memory_space<hbm>> -> memref<80xi32, #tpu.memory_space<hbm>>
      tpu.enqueue_dma source(%dma_start3A_82 : memref<80xi32, #tpu.memory_space<hbm>>) target(%arg8 : memref<80xi32, #tpu.memory_space<vmem>>) target_semaphore(%arg20 : memref<!tpu.dma_semaphore, #tpu.memory_space<semaphore_mem>>)
      %dma_start3A_83 = tpu.memref_slice %arg4[%add3A_80] : memref<320000xi32, #tpu.memory_space<hbm>> -> memref<80xi32, #tpu.memory_space<hbm>>
      %dma_start3A_84 = tpu.memref_slice %arg4[%add3A_80] : memref<320000xi32, #tpu.memory_space<hbm>> -> memref<80xi32, #tpu.memory_space<hbm>>
      tpu.enqueue_dma source(%dma_start3A_84 : memref<80xi32, #tpu.memory_space<hbm>>) target(%arg12 : memref<80xi32, #tpu.memory_space<vmem>>) target_semaphore(%arg20 : memref<!tpu.dma_semaphore, #tpu.memory_space<semaphore_mem>>)
      %dma_wait3A_85 = arith.constant 0 : i32
      %dma_wait3A_86 = tpu.memref_slice %arg3[%dma_wait3A_85] : memref<320000xi32, #tpu.memory_space<hbm>> -> memref<80xi32, #tpu.memory_space<hbm>>
      %dma_wait3A_87 = arith.constant 0 : i32
      %dma_wait3A_88 = tpu.memref_slice %arg3[%dma_wait3A_87] : memref<320000xi32, #tpu.memory_space<hbm>> -> memref<80xi32, #tpu.memory_space<hbm>>
      tpu.wait_dma2 semaphore(%arg19 : memref<!tpu.dma_semaphore, #tpu.memory_space<semaphore_mem>>) src(%dma_wait3A_88 : memref<80xi32, #tpu.memory_space<hbm>>) dst(%arg7 : memref<80xi32, #tpu.memory_space<vmem>>)
      %dma_wait3A_89 = arith.constant 0 : i32
      %dma_wait3A_90 = tpu.memref_slice %arg4[%dma_wait3A_89] : memref<320000xi32, #tpu.memory_space<hbm>> -> memref<80xi32, #tpu.memory_space<hbm>>
      %dma_wait3A_91 = arith.constant 0 : i32
      %dma_wait3A_92 = tpu.memref_slice %arg4[%dma_wait3A_91] : memref<320000xi32, #tpu.memory_space<hbm>> -> memref<80xi32, #tpu.memory_space<hbm>>
      tpu.wait_dma2 semaphore(%arg19 : memref<!tpu.dma_semaphore, #tpu.memory_space<semaphore_mem>>) src(%dma_wait3A_92 : memref<80xi32, #tpu.memory_space<hbm>>) dst(%arg11 : memref<80xi32, #tpu.memory_space<vmem>>)
      %dma_start3A_93 = arith.constant 0 : i32
      %dma_start3A_94 = arith.constant 0 : i32
      %dma_start3A_95 = tpu.memref_slice %arg2[%dma_start3A_93, %dma_start3A_94] : memref<10000x128xf32, #tpu.memory_space<hbm>> -> memref<10000x128xf32, #tpu.memory_space<hbm>>
      tpu.enqueue_indirect_dma source(%dma_start3A_95 : memref<10000x128xf32, #tpu.memory_space<hbm>>) target(%arg15 : memref<80x128xf32, #tpu.memory_space<vmem>>) offsets(%arg7 : memref<80xi32, #tpu.memory_space<vmem>>) semaphore(%arg23 : memref<!tpu.dma_semaphore, #tpu.memory_space<semaphore_mem>>)
      %dma_wait3A_96 = arith.constant 0 : i32
      %dma_wait3A_97 = arith.constant 0 : i32
      %dma_wait3A_98 = tpu.memref_slice %arg2[%dma_wait3A_96, %dma_wait3A_97] : memref<10000x128xf32, #tpu.memory_space<hbm>> -> memref<10000x128xf32, #tpu.memory_space<hbm>>
      tpu.wait_indirect_dma semaphore(%arg22 : memref<!tpu.dma_semaphore, #tpu.memory_space<semaphore_mem>>) src(%dma_wait3A_98 : memref<10000x128xf32, #tpu.memory_space<hbm>>) dst(%arg14 : memref<80x128xf32, #tpu.memory_space<vmem>>)
      %dma_start3A_99 = arith.constant 0 : i32
      %dma_start3A_100 = arith.constant 0 : i32
      %dma_start3A_101 = tpu.memref_slice %arg30[%dma_start3A_99, %dma_start3A_100] : memref<10000x128xf32, #tpu.memory_space<vmem_shared>> -> memref<10000x128xf32, #tpu.memory_space<vmem_shared>>
      tpu.enqueue_indirect_dma source(%arg14 : memref<80x128xf32, #tpu.memory_space<vmem>>) target(%dma_start3A_101 : memref<10000x128xf32, #tpu.memory_space<vmem_shared>>) offsets(%arg10 : memref<80xi32, #tpu.memory_space<vmem>>) semaphore(%arg26 : memref<!tpu.dma_semaphore, #tpu.memory_space<semaphore_mem>>) {add = true}
      %mul3A_102 = arith.constant 4 : i32
      %mul3A_103 = arith.muli %scan3A_65, %mul3A_102 : i32
      %add3A_104 = arith.constant 1 : i32
      %add3A_105 = arith.addi %mul3A_103, %add3A_104 : i32
      %gt3A_106 = arith.constant 0 : i32
      %gt3A_107 = arith.cmpi sgt, %scan3A_65, %gt3A_106 : i32
      %convert_element_type3A_108 = arith.extui %gt3A_107 : i1 to i32
      %cond3A_109 = arith.constant 0 : i32
      %cond3A_110 = arith.cmpi ne, %convert_element_type3A_108, %cond3A_109 : i32
      scf.if %cond3A_110 {
        %dma_wait3A_204 = arith.constant 0 : i32
        %dma_wait3A_205 = arith.constant 0 : i32
        %dma_wait3A_206 = tpu.memref_slice %arg30[%dma_wait3A_204, %dma_wait3A_205] : memref<10000x128xf32, #tpu.memory_space<vmem_shared>> -> memref<10000x128xf32, #tpu.memory_space<vmem_shared>>
        tpu.wait_indirect_dma semaphore(%arg29 : memref<!tpu.dma_semaphore, #tpu.memory_space<semaphore_mem>>) src(%arg17 : memref<80x128xf32, #tpu.memory_space<vmem>>) dst(%dma_wait3A_206 : memref<10000x128xf32, #tpu.memory_space<vmem_shared>>)
      } else {
      }
      %add3A_111 = arith.constant 2 : i32
      %add3A_112 = arith.addi %add3A_105, %add3A_111 : i32
      %mul3A_113 = arith.constant 10000 : i32
      %mul3A_114 = arith.muli %add3A, %mul3A_113 : i32
      %mul3A_115 = arith.constant 80 : i32
      %mul3A_116 = arith.muli %add3A_112, %mul3A_115 : i32
      %add3A_117 = arith.addi %mul3A_114, %mul3A_116 : i32
      %dma_start3A_118 = tpu.memref_slice %arg3[%add3A_117] : memref<320000xi32, #tpu.memory_space<hbm>> -> memref<80xi32, #tpu.memory_space<hbm>>
      %dma_start3A_119 = tpu.memref_slice %arg3[%add3A_117] : memref<320000xi32, #tpu.memory_space<hbm>> -> memref<80xi32, #tpu.memory_space<hbm>>
      tpu.enqueue_dma source(%dma_start3A_119 : memref<80xi32, #tpu.memory_space<hbm>>) target(%arg9 : memref<80xi32, #tpu.memory_space<vmem>>) target_semaphore(%arg21 : memref<!tpu.dma_semaphore, #tpu.memory_space<semaphore_mem>>)
      %dma_start3A_120 = tpu.memref_slice %arg4[%add3A_117] : memref<320000xi32, #tpu.memory_space<hbm>> -> memref<80xi32, #tpu.memory_space<hbm>>
      %dma_start3A_121 = tpu.memref_slice %arg4[%add3A_117] : memref<320000xi32, #tpu.memory_space<hbm>> -> memref<80xi32, #tpu.memory_space<hbm>>
      tpu.enqueue_dma source(%dma_start3A_121 : memref<80xi32, #tpu.memory_space<hbm>>) target(%arg13 : memref<80xi32, #tpu.memory_space<vmem>>) target_semaphore(%arg21 : memref<!tpu.dma_semaphore, #tpu.memory_space<semaphore_mem>>)
      %dma_wait3A_122 = arith.constant 0 : i32
      %dma_wait3A_123 = tpu.memref_slice %arg3[%dma_wait3A_122] : memref<320000xi32, #tpu.memory_space<hbm>> -> memref<80xi32, #tpu.memory_space<hbm>>
      %dma_wait3A_124 = arith.constant 0 : i32
      %dma_wait3A_125 = tpu.memref_slice %arg3[%dma_wait3A_124] : memref<320000xi32, #tpu.memory_space<hbm>> -> memref<80xi32, #tpu.memory_space<hbm>>
      tpu.wait_dma2 semaphore(%arg20 : memref<!tpu.dma_semaphore, #tpu.memory_space<semaphore_mem>>) src(%dma_wait3A_125 : memref<80xi32, #tpu.memory_space<hbm>>) dst(%arg8 : memref<80xi32, #tpu.memory_space<vmem>>)
      %dma_wait3A_126 = arith.constant 0 : i32
      %dma_wait3A_127 = tpu.memref_slice %arg4[%dma_wait3A_126] : memref<320000xi32, #tpu.memory_space<hbm>> -> memref<80xi32, #tpu.memory_space<hbm>>
      %dma_wait3A_128 = arith.constant 0 : i32
      %dma_wait3A_129 = tpu.memref_slice %arg4[%dma_wait3A_128] : memref<320000xi32, #tpu.memory_space<hbm>> -> memref<80xi32, #tpu.memory_space<hbm>>
      tpu.wait_dma2 semaphore(%arg20 : memref<!tpu.dma_semaphore, #tpu.memory_space<semaphore_mem>>) src(%dma_wait3A_129 : memref<80xi32, #tpu.memory_space<hbm>>) dst(%arg12 : memref<80xi32, #tpu.memory_space<vmem>>)
      %dma_start3A_130 = arith.constant 0 : i32
      %dma_start3A_131 = arith.constant 0 : i32
      %dma_start3A_132 = tpu.memref_slice %arg2[%dma_start3A_130, %dma_start3A_131] : memref<10000x128xf32, #tpu.memory_space<hbm>> -> memref<10000x128xf32, #tpu.memory_space<hbm>>
      tpu.enqueue_indirect_dma source(%dma_start3A_132 : memref<10000x128xf32, #tpu.memory_space<hbm>>) target(%arg16 : memref<80x128xf32, #tpu.memory_space<vmem>>) offsets(%arg8 : memref<80xi32, #tpu.memory_space<vmem>>) semaphore(%arg24 : memref<!tpu.dma_semaphore, #tpu.memory_space<semaphore_mem>>)
      %dma_wait3A_133 = arith.constant 0 : i32
      %dma_wait3A_134 = arith.constant 0 : i32
      %dma_wait3A_135 = tpu.memref_slice %arg2[%dma_wait3A_133, %dma_wait3A_134] : memref<10000x128xf32, #tpu.memory_space<hbm>> -> memref<10000x128xf32, #tpu.memory_space<hbm>>
      tpu.wait_indirect_dma semaphore(%arg23 : memref<!tpu.dma_semaphore, #tpu.memory_space<semaphore_mem>>) src(%dma_wait3A_135 : memref<10000x128xf32, #tpu.memory_space<hbm>>) dst(%arg15 : memref<80x128xf32, #tpu.memory_space<vmem>>)
      %dma_start3A_136 = arith.constant 0 : i32
      %dma_start3A_137 = arith.constant 0 : i32
      %dma_start3A_138 = tpu.memref_slice %arg30[%dma_start3A_136, %dma_start3A_137] : memref<10000x128xf32, #tpu.memory_space<vmem_shared>> -> memref<10000x128xf32, #tpu.memory_space<vmem_shared>>
      tpu.enqueue_indirect_dma source(%arg15 : memref<80x128xf32, #tpu.memory_space<vmem>>) target(%dma_start3A_138 : memref<10000x128xf32, #tpu.memory_space<vmem_shared>>) offsets(%arg11 : memref<80xi32, #tpu.memory_space<vmem>>) semaphore(%arg27 : memref<!tpu.dma_semaphore, #tpu.memory_space<semaphore_mem>>) {add = true}
      %mul3A_139 = arith.constant 4 : i32
      %mul3A_140 = arith.muli %scan3A_65, %mul3A_139 : i32
      %add3A_141 = arith.constant 2 : i32
      %add3A_142 = arith.addi %mul3A_140, %add3A_141 : i32
      %dma_wait3A_143 = arith.constant 0 : i32
      %dma_wait3A_144 = arith.constant 0 : i32
      %dma_wait3A_145 = tpu.memref_slice %arg30[%dma_wait3A_143, %dma_wait3A_144] : memref<10000x128xf32, #tpu.memory_space<vmem_shared>> -> memref<10000x128xf32, #tpu.memory_space<vmem_shared>>
      tpu.wait_indirect_dma semaphore(%arg26 : memref<!tpu.dma_semaphore, #tpu.memory_space<semaphore_mem>>) src(%arg14 : memref<80x128xf32, #tpu.memory_space<vmem>>) dst(%dma_wait3A_145 : memref<10000x128xf32, #tpu.memory_space<vmem_shared>>)
      %add3A_146 = arith.constant 2 : i32
      %add3A_147 = arith.addi %add3A_142, %add3A_146 : i32
      %mul3A_148 = arith.constant 10000 : i32
      %mul3A_149 = arith.muli %add3A, %mul3A_148 : i32
      %mul3A_150 = arith.constant 80 : i32
      %mul3A_151 = arith.muli %add3A_147, %mul3A_150 : i32
      %add3A_152 = arith.addi %mul3A_149, %mul3A_151 : i32
      %dma_start3A_153 = tpu.memref_slice %arg3[%add3A_152] : memref<320000xi32, #tpu.memory_space<hbm>> -> memref<80xi32, #tpu.memory_space<hbm>>
      %dma_start3A_154 = tpu.memref_slice %arg3[%add3A_152] : memref<320000xi32, #tpu.memory_space<hbm>> -> memref<80xi32, #tpu.memory_space<hbm>>
      tpu.enqueue_dma source(%dma_start3A_154 : memref<80xi32, #tpu.memory_space<hbm>>) target(%arg6 : memref<80xi32, #tpu.memory_space<vmem>>) target_semaphore(%arg18 : memref<!tpu.dma_semaphore, #tpu.memory_space<semaphore_mem>>)
      %dma_start3A_155 = tpu.memref_slice %arg4[%add3A_152] : memref<320000xi32, #tpu.memory_space<hbm>> -> memref<80xi32, #tpu.memory_space<hbm>>
      %dma_start3A_156 = tpu.memref_slice %arg4[%add3A_152] : memref<320000xi32, #tpu.memory_space<hbm>> -> memref<80xi32, #tpu.memory_space<hbm>>
      tpu.enqueue_dma source(%dma_start3A_156 : memref<80xi32, #tpu.memory_space<hbm>>) target(%arg10 : memref<80xi32, #tpu.memory_space<vmem>>) target_semaphore(%arg18 : memref<!tpu.dma_semaphore, #tpu.memory_space<semaphore_mem>>)
      %dma_wait3A_157 = arith.constant 0 : i32
      %dma_wait3A_158 = tpu.memref_slice %arg3[%dma_wait3A_157] : memref<320000xi32, #tpu.memory_space<hbm>> -> memref<80xi32, #tpu.memory_space<hbm>>
      %dma_wait3A_159 = arith.constant 0 : i32
      %dma_wait3A_160 = tpu.memref_slice %arg3[%dma_wait3A_159] : memref<320000xi32, #tpu.memory_space<hbm>> -> memref<80xi32, #tpu.memory_space<hbm>>
      tpu.wait_dma2 semaphore(%arg21 : memref<!tpu.dma_semaphore, #tpu.memory_space<semaphore_mem>>) src(%dma_wait3A_160 : memref<80xi32, #tpu.memory_space<hbm>>) dst(%arg9 : memref<80xi32, #tpu.memory_space<vmem>>)
      %dma_wait3A_161 = arith.constant 0 : i32
      %dma_wait3A_162 = tpu.memref_slice %arg4[%dma_wait3A_161] : memref<320000xi32, #tpu.memory_space<hbm>> -> memref<80xi32, #tpu.memory_space<hbm>>
      %dma_wait3A_163 = arith.constant 0 : i32
      %dma_wait3A_164 = tpu.memref_slice %arg4[%dma_wait3A_163] : memref<320000xi32, #tpu.memory_space<hbm>> -> memref<80xi32, #tpu.memory_space<hbm>>
      tpu.wait_dma2 semaphore(%arg21 : memref<!tpu.dma_semaphore, #tpu.memory_space<semaphore_mem>>) src(%dma_wait3A_164 : memref<80xi32, #tpu.memory_space<hbm>>) dst(%arg13 : memref<80xi32, #tpu.memory_space<vmem>>)
      %dma_start3A_165 = arith.constant 0 : i32
      %dma_start3A_166 = arith.constant 0 : i32
      %dma_start3A_167 = tpu.memref_slice %arg2[%dma_start3A_165, %dma_start3A_166] : memref<10000x128xf32, #tpu.memory_space<hbm>> -> memref<10000x128xf32, #tpu.memory_space<hbm>>
      tpu.enqueue_indirect_dma source(%dma_start3A_167 : memref<10000x128xf32, #tpu.memory_space<hbm>>) target(%arg17 : memref<80x128xf32, #tpu.memory_space<vmem>>) offsets(%arg9 : memref<80xi32, #tpu.memory_space<vmem>>) semaphore(%arg25 : memref<!tpu.dma_semaphore, #tpu.memory_space<semaphore_mem>>)
      %dma_wait3A_168 = arith.constant 0 : i32
      %dma_wait3A_169 = arith.constant 0 : i32
      %dma_wait3A_170 = tpu.memref_slice %arg2[%dma_wait3A_168, %dma_wait3A_169] : memref<10000x128xf32, #tpu.memory_space<hbm>> -> memref<10000x128xf32, #tpu.memory_space<hbm>>
      tpu.wait_indirect_dma semaphore(%arg24 : memref<!tpu.dma_semaphore, #tpu.memory_space<semaphore_mem>>) src(%dma_wait3A_170 : memref<10000x128xf32, #tpu.memory_space<hbm>>) dst(%arg16 : memref<80x128xf32, #tpu.memory_space<vmem>>)
      %dma_start3A_171 = arith.constant 0 : i32
      %dma_start3A_172 = arith.constant 0 : i32
      %dma_start3A_173 = tpu.memref_slice %arg30[%dma_start3A_171, %dma_start3A_172] : memref<10000x128xf32, #tpu.memory_space<vmem_shared>> -> memref<10000x128xf32, #tpu.memory_space<vmem_shared>>
      tpu.enqueue_indirect_dma source(%arg16 : memref<80x128xf32, #tpu.memory_space<vmem>>) target(%dma_start3A_173 : memref<10000x128xf32, #tpu.memory_space<vmem_shared>>) offsets(%arg12 : memref<80xi32, #tpu.memory_space<vmem>>) semaphore(%arg28 : memref<!tpu.dma_semaphore, #tpu.memory_space<semaphore_mem>>) {add = true}
      %mul3A_174 = arith.constant 4 : i32
      %mul3A_175 = arith.muli %scan3A_65, %mul3A_174 : i32
      %add3A_176 = arith.constant 3 : i32
      %add3A_177 = arith.addi %mul3A_175, %add3A_176 : i32
      %dma_wait3A_178 = arith.constant 0 : i32
      %dma_wait3A_179 = arith.constant 0 : i32
      %dma_wait3A_180 = tpu.memref_slice %arg30[%dma_wait3A_178, %dma_wait3A_179] : memref<10000x128xf32, #tpu.memory_space<vmem_shared>> -> memref<10000x128xf32, #tpu.memory_space<vmem_shared>>
      tpu.wait_indirect_dma semaphore(%arg27 : memref<!tpu.dma_semaphore, #tpu.memory_space<semaphore_mem>>) src(%arg15 : memref<80x128xf32, #tpu.memory_space<vmem>>) dst(%dma_wait3A_180 : memref<10000x128xf32, #tpu.memory_space<vmem_shared>>)
      %add3A_181 = arith.constant 1 : i32
      %add3A_182 = arith.addi %scan3A_65, %add3A_181 : i32
      %lt3A = arith.constant 31 : i32
      %lt3A_183 = arith.cmpi slt, %add3A_182, %lt3A : i32
      %convert_element_type3A_184 = arith.extui %lt3A_183 : i1 to i32
      %cond3A_185 = arith.constant 0 : i32
      %cond3A_186 = arith.cmpi ne, %convert_element_type3A_184, %cond3A_185 : i32
      scf.if %cond3A_186 {
        %add3A_204 = arith.constant 2 : i32
        %add3A_205 = arith.addi %add3A_177, %add3A_204 : i32
        %mul3A_206 = arith.constant 10000 : i32
        %mul3A_207 = arith.muli %add3A, %mul3A_206 : i32
        %mul3A_208 = arith.constant 80 : i32
        %mul3A_209 = arith.muli %add3A_205, %mul3A_208 : i32
        %add3A_210 = arith.addi %mul3A_207, %mul3A_209 : i32
        %dma_start3A_211 = tpu.memref_slice %arg3[%add3A_210] : memref<320000xi32, #tpu.memory_space<hbm>> -> memref<80xi32, #tpu.memory_space<hbm>>
        %dma_start3A_212 = tpu.memref_slice %arg3[%add3A_210] : memref<320000xi32, #tpu.memory_space<hbm>> -> memref<80xi32, #tpu.memory_space<hbm>>
        tpu.enqueue_dma source(%dma_start3A_212 : memref<80xi32, #tpu.memory_space<hbm>>) target(%arg7 : memref<80xi32, #tpu.memory_space<vmem>>) target_semaphore(%arg19 : memref<!tpu.dma_semaphore, #tpu.memory_space<semaphore_mem>>)
        %dma_start3A_213 = tpu.memref_slice %arg4[%add3A_210] : memref<320000xi32, #tpu.memory_space<hbm>> -> memref<80xi32, #tpu.memory_space<hbm>>
        %dma_start3A_214 = tpu.memref_slice %arg4[%add3A_210] : memref<320000xi32, #tpu.memory_space<hbm>> -> memref<80xi32, #tpu.memory_space<hbm>>
        tpu.enqueue_dma source(%dma_start3A_214 : memref<80xi32, #tpu.memory_space<hbm>>) target(%arg11 : memref<80xi32, #tpu.memory_space<vmem>>) target_semaphore(%arg19 : memref<!tpu.dma_semaphore, #tpu.memory_space<semaphore_mem>>)
      } else {
      }
      %dma_wait3A_187 = arith.constant 0 : i32
      %dma_wait3A_188 = tpu.memref_slice %arg3[%dma_wait3A_187] : memref<320000xi32, #tpu.memory_space<hbm>> -> memref<80xi32, #tpu.memory_space<hbm>>
      %dma_wait3A_189 = arith.constant 0 : i32
      %dma_wait3A_190 = tpu.memref_slice %arg3[%dma_wait3A_189] : memref<320000xi32, #tpu.memory_space<hbm>> -> memref<80xi32, #tpu.memory_space<hbm>>
      tpu.wait_dma2 semaphore(%arg18 : memref<!tpu.dma_semaphore, #tpu.memory_space<semaphore_mem>>) src(%dma_wait3A_190 : memref<80xi32, #tpu.memory_space<hbm>>) dst(%arg6 : memref<80xi32, #tpu.memory_space<vmem>>)
      %dma_wait3A_191 = arith.constant 0 : i32
      %dma_wait3A_192 = tpu.memref_slice %arg4[%dma_wait3A_191] : memref<320000xi32, #tpu.memory_space<hbm>> -> memref<80xi32, #tpu.memory_space<hbm>>
      %dma_wait3A_193 = arith.constant 0 : i32
      %dma_wait3A_194 = tpu.memref_slice %arg4[%dma_wait3A_193] : memref<320000xi32, #tpu.memory_space<hbm>> -> memref<80xi32, #tpu.memory_space<hbm>>
      tpu.wait_dma2 semaphore(%arg18 : memref<!tpu.dma_semaphore, #tpu.memory_space<semaphore_mem>>) src(%dma_wait3A_194 : memref<80xi32, #tpu.memory_space<hbm>>) dst(%arg10 : memref<80xi32, #tpu.memory_space<vmem>>)
      %dma_start3A_195 = arith.constant 0 : i32
      %dma_start3A_196 = arith.constant 0 : i32
      %dma_start3A_197 = tpu.memref_slice %arg2[%dma_start3A_195, %dma_start3A_196] : memref<10000x128xf32, #tpu.memory_space<hbm>> -> memref<10000x128xf32, #tpu.memory_space<hbm>>
      tpu.enqueue_indirect_dma source(%dma_start3A_197 : memref<10000x128xf32, #tpu.memory_space<hbm>>) target(%arg14 : memref<80x128xf32, #tpu.memory_space<vmem>>) offsets(%arg6 : memref<80xi32, #tpu.memory_space<vmem>>) semaphore(%arg22 : memref<!tpu.dma_semaphore, #tpu.memory_space<semaphore_mem>>)
      %dma_wait3A_198 = arith.constant 0 : i32
      %dma_wait3A_199 = arith.constant 0 : i32
      %dma_wait3A_200 = tpu.memref_slice %arg2[%dma_wait3A_198, %dma_wait3A_199] : memref<10000x128xf32, #tpu.memory_space<hbm>> -> memref<10000x128xf32, #tpu.memory_space<hbm>>
      tpu.wait_indirect_dma semaphore(%arg25 : memref<!tpu.dma_semaphore, #tpu.memory_space<semaphore_mem>>) src(%dma_wait3A_200 : memref<10000x128xf32, #tpu.memory_space<hbm>>) dst(%arg17 : memref<80x128xf32, #tpu.memory_space<vmem>>)
      %dma_start3A_201 = arith.constant 0 : i32
      %dma_start3A_202 = arith.constant 0 : i32
      %dma_start3A_203 = tpu.memref_slice %arg30[%dma_start3A_201, %dma_start3A_202] : memref<10000x128xf32, #tpu.memory_space<vmem_shared>> -> memref<10000x128xf32, #tpu.memory_space<vmem_shared>>
      tpu.enqueue_indirect_dma source(%arg17 : memref<80x128xf32, #tpu.memory_space<vmem>>) target(%dma_start3A_203 : memref<10000x128xf32, #tpu.memory_space<vmem_shared>>) offsets(%arg13 : memref<80xi32, #tpu.memory_space<vmem>>) semaphore(%arg29 : memref<!tpu.dma_semaphore, #tpu.memory_space<semaphore_mem>>) {add = true}
    }
    %scan3A_36 = arith.constant 31 : i32
    %dma_wait3A_37 = arith.constant 0 : i32
    %dma_wait3A_38 = arith.constant 0 : i32
    %dma_wait3A_39 = tpu.memref_slice %arg30[%dma_wait3A_37, %dma_wait3A_38] : memref<10000x128xf32, #tpu.memory_space<vmem_shared>> -> memref<10000x128xf32, #tpu.memory_space<vmem_shared>>
    tpu.wait_indirect_dma semaphore(%arg28 : memref<!tpu.dma_semaphore, #tpu.memory_space<semaphore_mem>>) src(%arg16 : memref<80x128xf32, #tpu.memory_space<vmem>>) dst(%dma_wait3A_39 : memref<10000x128xf32, #tpu.memory_space<vmem_shared>>)
    %dma_wait3A_40 = arith.constant 0 : i32
    %dma_wait3A_41 = arith.constant 0 : i32
    %dma_wait3A_42 = tpu.memref_slice %arg2[%dma_wait3A_40, %dma_wait3A_41] : memref<10000x128xf32, #tpu.memory_space<hbm>> -> memref<10000x128xf32, #tpu.memory_space<hbm>>
    tpu.wait_indirect_dma semaphore(%arg22 : memref<!tpu.dma_semaphore, #tpu.memory_space<semaphore_mem>>) src(%dma_wait3A_42 : memref<10000x128xf32, #tpu.memory_space<hbm>>) dst(%arg14 : memref<80x128xf32, #tpu.memory_space<vmem>>)
    %dma_start3A_43 = arith.constant 0 : i32
    %dma_start3A_44 = arith.constant 0 : i32
    %dma_start3A_45 = tpu.memref_slice %arg30[%dma_start3A_43, %dma_start3A_44] : memref<10000x128xf32, #tpu.memory_space<vmem_shared>> -> memref<10000x128xf32, #tpu.memory_space<vmem_shared>>
    tpu.enqueue_indirect_dma source(%arg14 : memref<80x128xf32, #tpu.memory_space<vmem>>) target(%dma_start3A_45 : memref<10000x128xf32, #tpu.memory_space<vmem_shared>>) offsets(%arg10 : memref<80xi32, #tpu.memory_space<vmem>>) semaphore(%arg26 : memref<!tpu.dma_semaphore, #tpu.memory_space<semaphore_mem>>) {add = true}
    %dma_wait3A_46 = arith.constant 0 : i32
    %dma_wait3A_47 = arith.constant 0 : i32
    %dma_wait3A_48 = tpu.memref_slice %arg30[%dma_wait3A_46, %dma_wait3A_47] : memref<10000x128xf32, #tpu.memory_space<vmem_shared>> -> memref<10000x128xf32, #tpu.memory_space<vmem_shared>>
    tpu.wait_indirect_dma semaphore(%arg29 : memref<!tpu.dma_semaphore, #tpu.memory_space<semaphore_mem>>) src(%arg17 : memref<80x128xf32, #tpu.memory_space<vmem>>) dst(%dma_wait3A_48 : memref<10000x128xf32, #tpu.memory_space<vmem_shared>>)
    %dma_wait3A_49 = arith.constant 0 : i32
    %dma_wait3A_50 = arith.constant 0 : i32
    %dma_wait3A_51 = tpu.memref_slice %arg30[%dma_wait3A_49, %dma_wait3A_50] : memref<10000x128xf32, #tpu.memory_space<vmem_shared>> -> memref<10000x128xf32, #tpu.memory_space<vmem_shared>>
    tpu.wait_indirect_dma semaphore(%arg26 : memref<!tpu.dma_semaphore, #tpu.memory_space<semaphore_mem>>) src(%arg14 : memref<80x128xf32, #tpu.memory_space<vmem>>) dst(%dma_wait3A_51 : memref<10000x128xf32, #tpu.memory_space<vmem_shared>>)
    %barrier3A_52 = arith.constant 0 : index
    tpu.barrier barrier_id(%barrier3A_52)
    %mul3A_53 = arith.constant 624 : i32
    %mul3A_54 = arith.muli %arg1, %mul3A_53 : i32
    %mul3A_55 = arith.constant 10000 : i32
    %mul3A_56 = arith.muli %arg0, %mul3A_55 : i32
    %mul3A_57 = arith.constant 624 : i32
    %mul3A_58 = arith.muli %arg1, %mul3A_57 : i32
    %add3A_59 = arith.addi %mul3A_56, %mul3A_58 : i32
    "tpu.region"() ({
      %run_scoped3A = tpu.sem_alloc : memref<!tpu.dma_semaphore, #tpu.memory_space<semaphore_mem>>
      %dma_start3A_65 = arith.constant 0 : i32
      %dma_start3A_66 = tpu.memref_slice %arg5[%add3A_59, %dma_start3A_65] : memref<20000x128xf32, #tpu.memory_space<hbm>> -> memref<624x128xf32, #tpu.memory_space<hbm>>
      %dma_start3A_67 = arith.constant 0 : i32
      %dma_start3A_68 = tpu.memref_slice %arg30[%mul3A_54, %dma_start3A_67] : memref<10000x128xf32, #tpu.memory_space<vmem_shared>> -> memref<624x128xf32, #tpu.memory_space<vmem_shared>>
      tpu.enqueue_dma source(%dma_start3A_68 : memref<624x128xf32, #tpu.memory_space<vmem_shared>>) target(%dma_start3A_66 : memref<624x128xf32, #tpu.memory_space<hbm>>) target_semaphore(%run_scoped3A : memref<!tpu.dma_semaphore, #tpu.memory_space<semaphore_mem>>)
      %dma_wait3A_69 = arith.constant 0 : i32
      %dma_wait3A_70 = tpu.memref_slice %arg5[%add3A_59, %dma_wait3A_69] : memref<20000x128xf32, #tpu.memory_space<hbm>> -> memref<624x128xf32, #tpu.memory_space<hbm>>
      %dma_wait3A_71 = arith.constant 0 : i32
      %dma_wait3A_72 = tpu.memref_slice %arg30[%mul3A_54, %dma_wait3A_71] : memref<10000x128xf32, #tpu.memory_space<vmem_shared>> -> memref<624x128xf32, #tpu.memory_space<vmem_shared>>
      tpu.wait_dma2 semaphore(%run_scoped3A : memref<!tpu.dma_semaphore, #tpu.memory_space<semaphore_mem>>) src(%dma_wait3A_72 : memref<624x128xf32, #tpu.memory_space<vmem_shared>>) dst(%dma_wait3A_70 : memref<624x128xf32, #tpu.memory_space<hbm>>)
      tpu.yield
    }) : () -> ()
    %eq3A_60 = arith.constant 0 : i32
    %eq3A_61 = arith.cmpi eq, %arg1, %eq3A_60 : i32
    %convert_element_type3A_62 = arith.extui %eq3A_61 : i1 to i32
    %cond3A_63 = arith.constant 0 : i32
    %cond3A_64 = arith.cmpi ne, %convert_element_type3A_62, %cond3A_63 : i32
    scf.if %cond3A_64 {
      %mul3A_65 = arith.constant 10000 : i32
      %mul3A_66 = arith.muli %arg0, %mul3A_65 : i32
      %add3A_67 = arith.constant 9984 : i32
      %add3A_68 = arith.addi %mul3A_66, %add3A_67 : i32
      "tpu.region"() ({
        %run_scoped3A = tpu.sem_alloc : memref<!tpu.dma_semaphore, #tpu.memory_space<semaphore_mem>>
        %dma_start3A_69 = arith.constant 0 : i32
        %dma_start3A_70 = tpu.memref_slice %arg5[%add3A_68, %dma_start3A_69] : memref<20000x128xf32, #tpu.memory_space<hbm>> -> memref<16x128xf32, #tpu.memory_space<hbm>>
        %dma_start3A_71 = arith.constant 9984 : i32
        %dma_start3A_72 = arith.constant 0 : i32
        %dma_start3A_73 = tpu.memref_slice %arg30[%dma_start3A_71, %dma_start3A_72] : memref<10000x128xf32, #tpu.memory_space<vmem_shared>> -> memref<16x128xf32, #tpu.memory_space<vmem_shared>>
        tpu.enqueue_dma source(%dma_start3A_73 : memref<16x128xf32, #tpu.memory_space<vmem_shared>>) target(%dma_start3A_70 : memref<16x128xf32, #tpu.memory_space<hbm>>) target_semaphore(%run_scoped3A : memref<!tpu.dma_semaphore, #tpu.memory_space<semaphore_mem>>)
        %dma_wait3A_74 = arith.constant 0 : i32
        %dma_wait3A_75 = tpu.memref_slice %arg5[%add3A_68, %dma_wait3A_74] : memref<20000x128xf32, #tpu.memory_space<hbm>> -> memref<16x128xf32, #tpu.memory_space<hbm>>
        %dma_wait3A_76 = arith.constant 9984 : i32
        %dma_wait3A_77 = arith.constant 0 : i32
        %dma_wait3A_78 = tpu.memref_slice %arg30[%dma_wait3A_76, %dma_wait3A_77] : memref<10000x128xf32, #tpu.memory_space<vmem_shared>> -> memref<16x128xf32, #tpu.memory_space<vmem_shared>>
        tpu.wait_dma2 semaphore(%run_scoped3A : memref<!tpu.dma_semaphore, #tpu.memory_space<semaphore_mem>>) src(%dma_wait3A_78 : memref<16x128xf32, #tpu.memory_space<vmem_shared>>) dst(%dma_wait3A_75 : memref<16x128xf32, #tpu.memory_space<hbm>>)
        tpu.yield
      }) : () -> ()
    } else {
    }
    return
  }
}

#map = affine_map<(d0, d1) -> (0, 0)>
#map1 = affine_map<(d0, d1) -> (0)>
module attributes {stable_mosaic.version = 14 : i64} {
  func.func @_sc_scatter_body(%arg0: i32, %arg1: i32, %arg2: memref<10000x128xf32, #tpu.memory_space<hbm>>, %arg3: memref<320000xi32, #tpu.memory_space<hbm>>, %arg4: memref<320000xi32, #tpu.memory_space<hbm>>, %arg5: memref<20000x128xf32, #tpu.memory_space<hbm>>, %arg6: memref<80xi32, #tpu.memory_space<vmem>>, %arg7: memref<80xi32, #tpu.memory_space<vmem>>, %arg8: memref<80xi32, #tpu.memory_space<vmem>>, %arg9: memref<80xi32, #tpu.memory_space<vmem>>, %arg10: memref<80xi32, #tpu.memory_space<vmem>>, %arg11: memref<80xi32, #tpu.memory_space<vmem>>, %arg12: memref<80xi32, #tpu.memory_space<vmem>>, %arg13: memref<80xi32, #tpu.memory_space<vmem>>, %arg14: memref<80x128xf32, #tpu.memory_space<vmem>>, %arg15: memref<80x128xf32, #tpu.memory_space<vmem>>, %arg16: memref<80x128xf32, #tpu.memory_space<vmem>>, %arg17: memref<80x128xf32, #tpu.memory_space<vmem>>, %arg18: memref<!tpu.dma_semaphore, #tpu.memory_space<semaphore_mem>>, %arg19: memref<!tpu.dma_semaphore, #tpu.memory_space<semaphore_mem>>, %arg20: memref<!tpu.dma_semaphore, #tpu.memory_space<semaphore_mem>>, %arg21: memref<!tpu.dma_semaphore, #tpu.memory_space<semaphore_mem>>, %arg22: memref<!tpu.dma_semaphore, #tpu.memory_space<semaphore_mem>>, %arg23: memref<!tpu.dma_semaphore, #tpu.memory_space<semaphore_mem>>, %arg24: memref<!tpu.dma_semaphore, #tpu.memory_space<semaphore_mem>>, %arg25: memref<!tpu.dma_semaphore, #tpu.memory_space<semaphore_mem>>, %arg26: memref<!tpu.dma_semaphore, #tpu.memory_space<semaphore_mem>>, %arg27: memref<!tpu.dma_semaphore, #tpu.memory_space<semaphore_mem>>, %arg28: memref<!tpu.dma_semaphore, #tpu.memory_space<semaphore_mem>>, %arg29: memref<!tpu.dma_semaphore, #tpu.memory_space<semaphore_mem>>, %arg30: memref<10000x128xf32, #tpu.memory_space<vmem_shared>>) attributes {dimension_semantics = [#tpu.dimension_semantics<core_parallel>, #tpu.dimension_semantics<subcore_parallel>], iteration_bounds = array<i64: 2, 16>, scalar_prefetch = 0 : i64, scratch_operands = 25 : i64, tpu.core_type = #tpu.core_type<sc_vector_subcore>, window_params = [{transform_indices = #map}, {transform_indices = #map1}, {transform_indices = #map1}, {transform_indices = #map}]} {
    %mul3A = arith.constant 16 : i32
    %mul3A_0 = arith.muli %arg0, %mul3A : i32
    %add3A = arith.addi %mul3A_0, %arg1 : i32
    %mul3A_1 = arith.constant 624 : i32
    %mul3A_2 = arith.muli %arg1, %mul3A_1 : i32
    %mul3A_3 = arith.constant 624 : i32
    %mul3A_4 = arith.muli %arg1, %mul3A_3 : i32
    "tpu.region"() ({
      %run_scoped3A = tpu.sem_alloc : memref<!tpu.dma_semaphore, #tpu.memory_space<semaphore_mem>>
      %dma_start3A_65 = arith.constant 0 : i32
      %dma_start3A_66 = tpu.memref_slice %arg30[%mul3A_4, %dma_start3A_65] : memref<10000x128xf32, #tpu.memory_space<vmem_shared>> -> memref<624x128xf32, #tpu.memory_space<vmem_shared>>
      %dma_start3A_67 = arith.constant 0 : i32
      %dma_start3A_68 = tpu.memref_slice %arg2[%mul3A_2, %dma_start3A_67] : memref<10000x128xf32, #tpu.memory_space<hbm>> -> memref<624x128xf32, #tpu.memory_space<hbm>>
      tpu.enqueue_dma source(%dma_start3A_68 : memref<624x128xf32, #tpu.memory_space<hbm>>) target(%dma_start3A_66 : memref<624x128xf32, #tpu.memory_space<vmem_shared>>) target_semaphore(%run_scoped3A : memref<!tpu.dma_semaphore, #tpu.memory_space<semaphore_mem>>)
      %dma_wait3A_69 = arith.constant 0 : i32
      %dma_wait3A_70 = tpu.memref_slice %arg30[%mul3A_4, %dma_wait3A_69] : memref<10000x128xf32, #tpu.memory_space<vmem_shared>> -> memref<624x128xf32, #tpu.memory_space<vmem_shared>>
      %dma_wait3A_71 = arith.constant 0 : i32
      %dma_wait3A_72 = tpu.memref_slice %arg2[%mul3A_2, %dma_wait3A_71] : memref<10000x128xf32, #tpu.memory_space<hbm>> -> memref<624x128xf32, #tpu.memory_space<hbm>>
      tpu.wait_dma2 semaphore(%run_scoped3A : memref<!tpu.dma_semaphore, #tpu.memory_space<semaphore_mem>>) src(%dma_wait3A_72 : memref<624x128xf32, #tpu.memory_space<hbm>>) dst(%dma_wait3A_70 : memref<624x128xf32, #tpu.memory_space<vmem_shared>>)
      tpu.yield
    }) : () -> ()
    %eq3A = arith.constant 0 : i32
    %eq3A_5 = arith.cmpi eq, %arg1, %eq3A : i32
    %convert_element_type3A = arith.extui %eq3A_5 : i1 to i32
    %cond3A = arith.constant 0 : i32
    %cond3A_6 = arith.cmpi ne, %convert_element_type3A, %cond3A : i32
    scf.if %cond3A_6 {
      "tpu.region"() ({
        %run_scoped3A = tpu.sem_alloc : memref<!tpu.dma_semaphore, #tpu.memory_space<semaphore_mem>>
        %dma_start3A_65 = arith.constant 9984 : i32
        %dma_start3A_66 = arith.constant 0 : i32
        %dma_start3A_67 = tpu.memref_slice %arg30[%dma_start3A_65, %dma_start3A_66] : memref<10000x128xf32, #tpu.memory_space<vmem_shared>> -> memref<16x128xf32, #tpu.memory_space<vmem_shared>>
        %dma_start3A_68 = arith.constant 9984 : i32
        %dma_start3A_69 = arith.constant 0 : i32
        %dma_start3A_70 = tpu.memref_slice %arg2[%dma_start3A_68, %dma_start3A_69] : memref<10000x128xf32, #tpu.memory_space<hbm>> -> memref<16x128xf32, #tpu.memory_space<hbm>>
        tpu.enqueue_dma source(%dma_start3A_70 : memref<16x128xf32, #tpu.memory_space<hbm>>) target(%dma_start3A_67 : memref<16x128xf32, #tpu.memory_space<vmem_shared>>) target_semaphore(%run_scoped3A : memref<!tpu.dma_semaphore, #tpu.memory_space<semaphore_mem>>)
        %dma_wait3A_71 = arith.constant 9984 : i32
        %dma_wait3A_72 = arith.constant 0 : i32
        %dma_wait3A_73 = tpu.memref_slice %arg30[%dma_wait3A_71, %dma_wait3A_72] : memref<10000x128xf32, #tpu.memory_space<vmem_shared>> -> memref<16x128xf32, #tpu.memory_space<vmem_shared>>
        %dma_wait3A_74 = arith.constant 9984 : i32
        %dma_wait3A_75 = arith.constant 0 : i32
        %dma_wait3A_76 = tpu.memref_slice %arg2[%dma_wait3A_74, %dma_wait3A_75] : memref<10000x128xf32, #tpu.memory_space<hbm>> -> memref<16x128xf32, #tpu.memory_space<hbm>>
        tpu.wait_dma2 semaphore(%run_scoped3A : memref<!tpu.dma_semaphore, #tpu.memory_space<semaphore_mem>>) src(%dma_wait3A_76 : memref<16x128xf32, #tpu.memory_space<hbm>>) dst(%dma_wait3A_73 : memref<16x128xf32, #tpu.memory_space<vmem_shared>>)
        tpu.yield
      }) : () -> ()
    } else {
    }
    %barrier3A = arith.constant 0 : index
    tpu.barrier barrier_id(%barrier3A)
    %mul3A_7 = arith.constant 10000 : i32
    %mul3A_8 = arith.muli %add3A, %mul3A_7 : i32
    %add3A_9 = arith.constant 0 : i32
    %add3A_10 = arith.addi %mul3A_8, %add3A_9 : i32
    %dma_start3A = tpu.memref_slice %arg3[%add3A_10] : memref<320000xi32, #tpu.memory_space<hbm>> -> memref<80xi32, #tpu.memory_space<hbm>>
    %dma_start3A_11 = tpu.memref_slice %arg3[%add3A_10] : memref<320000xi32, #tpu.memory_space<hbm>> -> memref<80xi32, #tpu.memory_space<hbm>>
    tpu.enqueue_dma source(%dma_start3A_11 : memref<80xi32, #tpu.memory_space<hbm>>) target(%arg6 : memref<80xi32, #tpu.memory_space<vmem>>) target_semaphore(%arg18 : memref<!tpu.dma_semaphore, #tpu.memory_space<semaphore_mem>>)
    %dma_start3A_12 = tpu.memref_slice %arg4[%add3A_10] : memref<320000xi32, #tpu.memory_space<hbm>> -> memref<80xi32, #tpu.memory_space<hbm>>
    %dma_start3A_13 = tpu.memref_slice %arg4[%add3A_10] : memref<320000xi32, #tpu.memory_space<hbm>> -> memref<80xi32, #tpu.memory_space<hbm>>
    tpu.enqueue_dma source(%dma_start3A_13 : memref<80xi32, #tpu.memory_space<hbm>>) target(%arg10 : memref<80xi32, #tpu.memory_space<vmem>>) target_semaphore(%arg18 : memref<!tpu.dma_semaphore, #tpu.memory_space<semaphore_mem>>)
    %mul3A_14 = arith.constant 10000 : i32
    %mul3A_15 = arith.muli %add3A, %mul3A_14 : i32
    %add3A_16 = arith.constant 80 : i32
    %add3A_17 = arith.addi %mul3A_15, %add3A_16 : i32
    %dma_start3A_18 = tpu.memref_slice %arg3[%add3A_17] : memref<320000xi32, #tpu.memory_space<hbm>> -> memref<80xi32, #tpu.memory_space<hbm>>
    %dma_start3A_19 = tpu.memref_slice %arg3[%add3A_17] : memref<320000xi32, #tpu.memory_space<hbm>> -> memref<80xi32, #tpu.memory_space<hbm>>
    tpu.enqueue_dma source(%dma_start3A_19 : memref<80xi32, #tpu.memory_space<hbm>>) target(%arg7 : memref<80xi32, #tpu.memory_space<vmem>>) target_semaphore(%arg19 : memref<!tpu.dma_semaphore, #tpu.memory_space<semaphore_mem>>)
    %dma_start3A_20 = tpu.memref_slice %arg4[%add3A_17] : memref<320000xi32, #tpu.memory_space<hbm>> -> memref<80xi32, #tpu.memory_space<hbm>>
    %dma_start3A_21 = tpu.memref_slice %arg4[%add3A_17] : memref<320000xi32, #tpu.memory_space<hbm>> -> memref<80xi32, #tpu.memory_space<hbm>>
    tpu.enqueue_dma source(%dma_start3A_21 : memref<80xi32, #tpu.memory_space<hbm>>) target(%arg11 : memref<80xi32, #tpu.memory_space<vmem>>) target_semaphore(%arg19 : memref<!tpu.dma_semaphore, #tpu.memory_space<semaphore_mem>>)
    %dma_wait3A = arith.constant 0 : i32
    %dma_wait3A_22 = tpu.memref_slice %arg3[%dma_wait3A] : memref<320000xi32, #tpu.memory_space<hbm>> -> memref<80xi32, #tpu.memory_space<hbm>>
    %dma_wait3A_23 = arith.constant 0 : i32
    %dma_wait3A_24 = tpu.memref_slice %arg3[%dma_wait3A_23] : memref<320000xi32, #tpu.memory_space<hbm>> -> memref<80xi32, #tpu.memory_space<hbm>>
    tpu.wait_dma2 semaphore(%arg18 : memref<!tpu.dma_semaphore, #tpu.memory_space<semaphore_mem>>) src(%dma_wait3A_24 : memref<80xi32, #tpu.memory_space<hbm>>) dst(%arg6 : memref<80xi32, #tpu.memory_space<vmem>>)
    %dma_wait3A_25 = arith.constant 0 : i32
    %dma_wait3A_26 = tpu.memref_slice %arg4[%dma_wait3A_25] : memref<320000xi32, #tpu.memory_space<hbm>> -> memref<80xi32, #tpu.memory_space<hbm>>
    %dma_wait3A_27 = arith.constant 0 : i32
    %dma_wait3A_28 = tpu.memref_slice %arg4[%dma_wait3A_27] : memref<320000xi32, #tpu.memory_space<hbm>> -> memref<80xi32, #tpu.memory_space<hbm>>
    tpu.wait_dma2 semaphore(%arg18 : memref<!tpu.dma_semaphore, #tpu.memory_space<semaphore_mem>>) src(%dma_wait3A_28 : memref<80xi32, #tpu.memory_space<hbm>>) dst(%arg10 : memref<80xi32, #tpu.memory_space<vmem>>)
    %dma_start3A_29 = arith.constant 0 : i32
    %dma_start3A_30 = arith.constant 0 : i32
    %dma_start3A_31 = tpu.memref_slice %arg2[%dma_start3A_29, %dma_start3A_30] : memref<10000x128xf32, #tpu.memory_space<hbm>> -> memref<10000x128xf32, #tpu.memory_space<hbm>>
    tpu.enqueue_indirect_dma source(%dma_start3A_31 : memref<10000x128xf32, #tpu.memory_space<hbm>>) target(%arg14 : memref<80x128xf32, #tpu.memory_space<vmem>>) offsets(%arg6 : memref<80xi32, #tpu.memory_space<vmem>>) semaphore(%arg22 : memref<!tpu.dma_semaphore, #tpu.memory_space<semaphore_mem>>)
    %scan3A = arith.constant 0 : i32
    %scan3A_32 = arith.constant 0 : i32
    %scan3A_33 = arith.constant 31 : i32
    %scan3A_34 = arith.addi %scan3A_32, %scan3A_33 : i32
    %scan3A_35 = arith.constant 1 : i32
    scf.for %scan3A_65 = %scan3A_32 to %scan3A_34 step %scan3A_35  : i32 {
      %mul3A_66 = arith.constant 4 : i32
      %mul3A_67 = arith.muli %scan3A_65, %mul3A_66 : i32
      %add3A_68 = arith.constant 0 : i32
      %add3A_69 = arith.addi %mul3A_67, %add3A_68 : i32
      %gt3A = arith.constant 0 : i32
      %gt3A_70 = arith.cmpi sgt, %scan3A_65, %gt3A : i32
      %convert_element_type3A_71 = arith.extui %gt3A_70 : i1 to i32
      %cond3A_72 = arith.constant 0 : i32
      %cond3A_73 = arith.cmpi ne, %convert_element_type3A_71, %cond3A_72 : i32
      scf.if %cond3A_73 {
        %dma_wait3A_204 = arith.constant 0 : i32
        %dma_wait3A_205 = arith.constant 0 : i32
        %dma_wait3A_206 = tpu.memref_slice %arg30[%dma_wait3A_204, %dma_wait3A_205] : memref<10000x128xf32, #tpu.memory_space<vmem_shared>> -> memref<10000x128xf32, #tpu.memory_space<vmem_shared>>
        tpu.wait_indirect_dma semaphore(%arg28 : memref<!tpu.dma_semaphore, #tpu.memory_space<semaphore_mem>>) src(%arg16 : memref<80x128xf32, #tpu.memory_space<vmem>>) dst(%dma_wait3A_206 : memref<10000x128xf32, #tpu.memory_space<vmem_shared>>)
      } else {
      }
      %add3A_74 = arith.constant 2 : i32
      %add3A_75 = arith.addi %add3A_69, %add3A_74 : i32
      %mul3A_76 = arith.constant 10000 : i32
      %mul3A_77 = arith.muli %add3A, %mul3A_76 : i32
      %mul3A_78 = arith.constant 80 : i32
      %mul3A_79 = arith.muli %add3A_75, %mul3A_78 : i32
      %add3A_80 = arith.addi %mul3A_77, %mul3A_79 : i32
      %dma_start3A_81 = tpu.memref_slice %arg3[%add3A_80] : memref<320000xi32, #tpu.memory_space<hbm>> -> memref<80xi32, #tpu.memory_space<hbm>>
      %dma_start3A_82 = tpu.memref_slice %arg3[%add3A_80] : memref<320000xi32, #tpu.memory_space<hbm>> -> memref<80xi32, #tpu.memory_space<hbm>>
      tpu.enqueue_dma source(%dma_start3A_82 : memref<80xi32, #tpu.memory_space<hbm>>) target(%arg8 : memref<80xi32, #tpu.memory_space<vmem>>) target_semaphore(%arg20 : memref<!tpu.dma_semaphore, #tpu.memory_space<semaphore_mem>>)
      %dma_start3A_83 = tpu.memref_slice %arg4[%add3A_80] : memref<320000xi32, #tpu.memory_space<hbm>> -> memref<80xi32, #tpu.memory_space<hbm>>
      %dma_start3A_84 = tpu.memref_slice %arg4[%add3A_80] : memref<320000xi32, #tpu.memory_space<hbm>> -> memref<80xi32, #tpu.memory_space<hbm>>
      tpu.enqueue_dma source(%dma_start3A_84 : memref<80xi32, #tpu.memory_space<hbm>>) target(%arg12 : memref<80xi32, #tpu.memory_space<vmem>>) target_semaphore(%arg20 : memref<!tpu.dma_semaphore, #tpu.memory_space<semaphore_mem>>)
      %dma_wait3A_85 = arith.constant 0 : i32
      %dma_wait3A_86 = tpu.memref_slice %arg3[%dma_wait3A_85] : memref<320000xi32, #tpu.memory_space<hbm>> -> memref<80xi32, #tpu.memory_space<hbm>>
      %dma_wait3A_87 = arith.constant 0 : i32
      %dma_wait3A_88 = tpu.memref_slice %arg3[%dma_wait3A_87] : memref<320000xi32, #tpu.memory_space<hbm>> -> memref<80xi32, #tpu.memory_space<hbm>>
      tpu.wait_dma2 semaphore(%arg19 : memref<!tpu.dma_semaphore, #tpu.memory_space<semaphore_mem>>) src(%dma_wait3A_88 : memref<80xi32, #tpu.memory_space<hbm>>) dst(%arg7 : memref<80xi32, #tpu.memory_space<vmem>>)
      %dma_wait3A_89 = arith.constant 0 : i32
      %dma_wait3A_90 = tpu.memref_slice %arg4[%dma_wait3A_89] : memref<320000xi32, #tpu.memory_space<hbm>> -> memref<80xi32, #tpu.memory_space<hbm>>
      %dma_wait3A_91 = arith.constant 0 : i32
      %dma_wait3A_92 = tpu.memref_slice %arg4[%dma_wait3A_91] : memref<320000xi32, #tpu.memory_space<hbm>> -> memref<80xi32, #tpu.memory_space<hbm>>
      tpu.wait_dma2 semaphore(%arg19 : memref<!tpu.dma_semaphore, #tpu.memory_space<semaphore_mem>>) src(%dma_wait3A_92 : memref<80xi32, #tpu.memory_space<hbm>>) dst(%arg11 : memref<80xi32, #tpu.memory_space<vmem>>)
      %dma_start3A_93 = arith.constant 0 : i32
      %dma_start3A_94 = arith.constant 0 : i32
      %dma_start3A_95 = tpu.memref_slice %arg2[%dma_start3A_93, %dma_start3A_94] : memref<10000x128xf32, #tpu.memory_space<hbm>> -> memref<10000x128xf32, #tpu.memory_space<hbm>>
      tpu.enqueue_indirect_dma source(%dma_start3A_95 : memref<10000x128xf32, #tpu.memory_space<hbm>>) target(%arg15 : memref<80x128xf32, #tpu.memory_space<vmem>>) offsets(%arg7 : memref<80xi32, #tpu.memory_space<vmem>>) semaphore(%arg23 : memref<!tpu.dma_semaphore, #tpu.memory_space<semaphore_mem>>)
      %dma_wait3A_96 = arith.constant 0 : i32
      %dma_wait3A_97 = arith.constant 0 : i32
      %dma_wait3A_98 = tpu.memref_slice %arg2[%dma_wait3A_96, %dma_wait3A_97] : memref<10000x128xf32, #tpu.memory_space<hbm>> -> memref<10000x128xf32, #tpu.memory_space<hbm>>
      tpu.wait_indirect_dma semaphore(%arg22 : memref<!tpu.dma_semaphore, #tpu.memory_space<semaphore_mem>>) src(%dma_wait3A_98 : memref<10000x128xf32, #tpu.memory_space<hbm>>) dst(%arg14 : memref<80x128xf32, #tpu.memory_space<vmem>>)
      %dma_start3A_99 = arith.constant 0 : i32
      %dma_start3A_100 = arith.constant 0 : i32
      %dma_start3A_101 = tpu.memref_slice %arg30[%dma_start3A_99, %dma_start3A_100] : memref<10000x128xf32, #tpu.memory_space<vmem_shared>> -> memref<10000x128xf32, #tpu.memory_space<vmem_shared>>
      tpu.enqueue_indirect_dma source(%arg14 : memref<80x128xf32, #tpu.memory_space<vmem>>) target(%dma_start3A_101 : memref<10000x128xf32, #tpu.memory_space<vmem_shared>>) offsets(%arg10 : memref<80xi32, #tpu.memory_space<vmem>>) semaphore(%arg26 : memref<!tpu.dma_semaphore, #tpu.memory_space<semaphore_mem>>) {add = true}
      %mul3A_102 = arith.constant 4 : i32
      %mul3A_103 = arith.muli %scan3A_65, %mul3A_102 : i32
      %add3A_104 = arith.constant 1 : i32
      %add3A_105 = arith.addi %mul3A_103, %add3A_104 : i32
      %gt3A_106 = arith.constant 0 : i32
      %gt3A_107 = arith.cmpi sgt, %scan3A_65, %gt3A_106 : i32
      %convert_element_type3A_108 = arith.extui %gt3A_107 : i1 to i32
      %cond3A_109 = arith.constant 0 : i32
      %cond3A_110 = arith.cmpi ne, %convert_element_type3A_108, %cond3A_109 : i32
      scf.if %cond3A_110 {
        %dma_wait3A_204 = arith.constant 0 : i32
        %dma_wait3A_205 = arith.constant 0 : i32
        %dma_wait3A_206 = tpu.memref_slice %arg30[%dma_wait3A_204, %dma_wait3A_205] : memref<10000x128xf32, #tpu.memory_space<vmem_shared>> -> memref<10000x128xf32, #tpu.memory_space<vmem_shared>>
        tpu.wait_indirect_dma semaphore(%arg29 : memref<!tpu.dma_semaphore, #tpu.memory_space<semaphore_mem>>) src(%arg17 : memref<80x128xf32, #tpu.memory_space<vmem>>) dst(%dma_wait3A_206 : memref<10000x128xf32, #tpu.memory_space<vmem_shared>>)
      } else {
      }
      %add3A_111 = arith.constant 2 : i32
      %add3A_112 = arith.addi %add3A_105, %add3A_111 : i32
      %mul3A_113 = arith.constant 10000 : i32
      %mul3A_114 = arith.muli %add3A, %mul3A_113 : i32
      %mul3A_115 = arith.constant 80 : i32
      %mul3A_116 = arith.muli %add3A_112, %mul3A_115 : i32
      %add3A_117 = arith.addi %mul3A_114, %mul3A_116 : i32
      %dma_start3A_118 = tpu.memref_slice %arg3[%add3A_117] : memref<320000xi32, #tpu.memory_space<hbm>> -> memref<80xi32, #tpu.memory_space<hbm>>
      %dma_start3A_119 = tpu.memref_slice %arg3[%add3A_117] : memref<320000xi32, #tpu.memory_space<hbm>> -> memref<80xi32, #tpu.memory_space<hbm>>
      tpu.enqueue_dma source(%dma_start3A_119 : memref<80xi32, #tpu.memory_space<hbm>>) target(%arg9 : memref<80xi32, #tpu.memory_space<vmem>>) target_semaphore(%arg21 : memref<!tpu.dma_semaphore, #tpu.memory_space<semaphore_mem>>)
      %dma_start3A_120 = tpu.memref_slice %arg4[%add3A_117] : memref<320000xi32, #tpu.memory_space<hbm>> -> memref<80xi32, #tpu.memory_space<hbm>>
      %dma_start3A_121 = tpu.memref_slice %arg4[%add3A_117] : memref<320000xi32, #tpu.memory_space<hbm>> -> memref<80xi32, #tpu.memory_space<hbm>>
      tpu.enqueue_dma source(%dma_start3A_121 : memref<80xi32, #tpu.memory_space<hbm>>) target(%arg13 : memref<80xi32, #tpu.memory_space<vmem>>) target_semaphore(%arg21 : memref<!tpu.dma_semaphore, #tpu.memory_space<semaphore_mem>>)
      %dma_wait3A_122 = arith.constant 0 : i32
      %dma_wait3A_123 = tpu.memref_slice %arg3[%dma_wait3A_122] : memref<320000xi32, #tpu.memory_space<hbm>> -> memref<80xi32, #tpu.memory_space<hbm>>
      %dma_wait3A_124 = arith.constant 0 : i32
      %dma_wait3A_125 = tpu.memref_slice %arg3[%dma_wait3A_124] : memref<320000xi32, #tpu.memory_space<hbm>> -> memref<80xi32, #tpu.memory_space<hbm>>
      tpu.wait_dma2 semaphore(%arg20 : memref<!tpu.dma_semaphore, #tpu.memory_space<semaphore_mem>>) src(%dma_wait3A_125 : memref<80xi32, #tpu.memory_space<hbm>>) dst(%arg8 : memref<80xi32, #tpu.memory_space<vmem>>)
      %dma_wait3A_126 = arith.constant 0 : i32
      %dma_wait3A_127 = tpu.memref_slice %arg4[%dma_wait3A_126] : memref<320000xi32, #tpu.memory_space<hbm>> -> memref<80xi32, #tpu.memory_space<hbm>>
      %dma_wait3A_128 = arith.constant 0 : i32
      %dma_wait3A_129 = tpu.memref_slice %arg4[%dma_wait3A_128] : memref<320000xi32, #tpu.memory_space<hbm>> -> memref<80xi32, #tpu.memory_space<hbm>>
      tpu.wait_dma2 semaphore(%arg20 : memref<!tpu.dma_semaphore, #tpu.memory_space<semaphore_mem>>) src(%dma_wait3A_129 : memref<80xi32, #tpu.memory_space<hbm>>) dst(%arg12 : memref<80xi32, #tpu.memory_space<vmem>>)
      %dma_start3A_130 = arith.constant 0 : i32
      %dma_start3A_131 = arith.constant 0 : i32
      %dma_start3A_132 = tpu.memref_slice %arg2[%dma_start3A_130, %dma_start3A_131] : memref<10000x128xf32, #tpu.memory_space<hbm>> -> memref<10000x128xf32, #tpu.memory_space<hbm>>
      tpu.enqueue_indirect_dma source(%dma_start3A_132 : memref<10000x128xf32, #tpu.memory_space<hbm>>) target(%arg16 : memref<80x128xf32, #tpu.memory_space<vmem>>) offsets(%arg8 : memref<80xi32, #tpu.memory_space<vmem>>) semaphore(%arg24 : memref<!tpu.dma_semaphore, #tpu.memory_space<semaphore_mem>>)
      %dma_wait3A_133 = arith.constant 0 : i32
      %dma_wait3A_134 = arith.constant 0 : i32
      %dma_wait3A_135 = tpu.memref_slice %arg2[%dma_wait3A_133, %dma_wait3A_134] : memref<10000x128xf32, #tpu.memory_space<hbm>> -> memref<10000x128xf32, #tpu.memory_space<hbm>>
      tpu.wait_indirect_dma semaphore(%arg23 : memref<!tpu.dma_semaphore, #tpu.memory_space<semaphore_mem>>) src(%dma_wait3A_135 : memref<10000x128xf32, #tpu.memory_space<hbm>>) dst(%arg15 : memref<80x128xf32, #tpu.memory_space<vmem>>)
      %dma_start3A_136 = arith.constant 0 : i32
      %dma_start3A_137 = arith.constant 0 : i32
      %dma_start3A_138 = tpu.memref_slice %arg30[%dma_start3A_136, %dma_start3A_137] : memref<10000x128xf32, #tpu.memory_space<vmem_shared>> -> memref<10000x128xf32, #tpu.memory_space<vmem_shared>>
      tpu.enqueue_indirect_dma source(%arg15 : memref<80x128xf32, #tpu.memory_space<vmem>>) target(%dma_start3A_138 : memref<10000x128xf32, #tpu.memory_space<vmem_shared>>) offsets(%arg11 : memref<80xi32, #tpu.memory_space<vmem>>) semaphore(%arg27 : memref<!tpu.dma_semaphore, #tpu.memory_space<semaphore_mem>>) {add = true}
      %mul3A_139 = arith.constant 4 : i32
      %mul3A_140 = arith.muli %scan3A_65, %mul3A_139 : i32
      %add3A_141 = arith.constant 2 : i32
      %add3A_142 = arith.addi %mul3A_140, %add3A_141 : i32
      %dma_wait3A_143 = arith.constant 0 : i32
      %dma_wait3A_144 = arith.constant 0 : i32
      %dma_wait3A_145 = tpu.memref_slice %arg30[%dma_wait3A_143, %dma_wait3A_144] : memref<10000x128xf32, #tpu.memory_space<vmem_shared>> -> memref<10000x128xf32, #tpu.memory_space<vmem_shared>>
      tpu.wait_indirect_dma semaphore(%arg26 : memref<!tpu.dma_semaphore, #tpu.memory_space<semaphore_mem>>) src(%arg14 : memref<80x128xf32, #tpu.memory_space<vmem>>) dst(%dma_wait3A_145 : memref<10000x128xf32, #tpu.memory_space<vmem_shared>>)
      %add3A_146 = arith.constant 2 : i32
      %add3A_147 = arith.addi %add3A_142, %add3A_146 : i32
      %mul3A_148 = arith.constant 10000 : i32
      %mul3A_149 = arith.muli %add3A, %mul3A_148 : i32
      %mul3A_150 = arith.constant 80 : i32
      %mul3A_151 = arith.muli %add3A_147, %mul3A_150 : i32
      %add3A_152 = arith.addi %mul3A_149, %mul3A_151 : i32
      %dma_start3A_153 = tpu.memref_slice %arg3[%add3A_152] : memref<320000xi32, #tpu.memory_space<hbm>> -> memref<80xi32, #tpu.memory_space<hbm>>
      %dma_start3A_154 = tpu.memref_slice %arg3[%add3A_152] : memref<320000xi32, #tpu.memory_space<hbm>> -> memref<80xi32, #tpu.memory_space<hbm>>
      tpu.enqueue_dma source(%dma_start3A_154 : memref<80xi32, #tpu.memory_space<hbm>>) target(%arg6 : memref<80xi32, #tpu.memory_space<vmem>>) target_semaphore(%arg18 : memref<!tpu.dma_semaphore, #tpu.memory_space<semaphore_mem>>)
      %dma_start3A_155 = tpu.memref_slice %arg4[%add3A_152] : memref<320000xi32, #tpu.memory_space<hbm>> -> memref<80xi32, #tpu.memory_space<hbm>>
      %dma_start3A_156 = tpu.memref_slice %arg4[%add3A_152] : memref<320000xi32, #tpu.memory_space<hbm>> -> memref<80xi32, #tpu.memory_space<hbm>>
      tpu.enqueue_dma source(%dma_start3A_156 : memref<80xi32, #tpu.memory_space<hbm>>) target(%arg10 : memref<80xi32, #tpu.memory_space<vmem>>) target_semaphore(%arg18 : memref<!tpu.dma_semaphore, #tpu.memory_space<semaphore_mem>>)
      %dma_wait3A_157 = arith.constant 0 : i32
      %dma_wait3A_158 = tpu.memref_slice %arg3[%dma_wait3A_157] : memref<320000xi32, #tpu.memory_space<hbm>> -> memref<80xi32, #tpu.memory_space<hbm>>
      %dma_wait3A_159 = arith.constant 0 : i32
      %dma_wait3A_160 = tpu.memref_slice %arg3[%dma_wait3A_159] : memref<320000xi32, #tpu.memory_space<hbm>> -> memref<80xi32, #tpu.memory_space<hbm>>
      tpu.wait_dma2 semaphore(%arg21 : memref<!tpu.dma_semaphore, #tpu.memory_space<semaphore_mem>>) src(%dma_wait3A_160 : memref<80xi32, #tpu.memory_space<hbm>>) dst(%arg9 : memref<80xi32, #tpu.memory_space<vmem>>)
      %dma_wait3A_161 = arith.constant 0 : i32
      %dma_wait3A_162 = tpu.memref_slice %arg4[%dma_wait3A_161] : memref<320000xi32, #tpu.memory_space<hbm>> -> memref<80xi32, #tpu.memory_space<hbm>>
      %dma_wait3A_163 = arith.constant 0 : i32
      %dma_wait3A_164 = tpu.memref_slice %arg4[%dma_wait3A_163] : memref<320000xi32, #tpu.memory_space<hbm>> -> memref<80xi32, #tpu.memory_space<hbm>>
      tpu.wait_dma2 semaphore(%arg21 : memref<!tpu.dma_semaphore, #tpu.memory_space<semaphore_mem>>) src(%dma_wait3A_164 : memref<80xi32, #tpu.memory_space<hbm>>) dst(%arg13 : memref<80xi32, #tpu.memory_space<vmem>>)
      %dma_start3A_165 = arith.constant 0 : i32
      %dma_start3A_166 = arith.constant 0 : i32
      %dma_start3A_167 = tpu.memref_slice %arg2[%dma_start3A_165, %dma_start3A_166] : memref<10000x128xf32, #tpu.memory_space<hbm>> -> memref<10000x128xf32, #tpu.memory_space<hbm>>
      tpu.enqueue_indirect_dma source(%dma_start3A_167 : memref<10000x128xf32, #tpu.memory_space<hbm>>) target(%arg17 : memref<80x128xf32, #tpu.memory_space<vmem>>) offsets(%arg9 : memref<80xi32, #tpu.memory_space<vmem>>) semaphore(%arg25 : memref<!tpu.dma_semaphore, #tpu.memory_space<semaphore_mem>>)
      %dma_wait3A_168 = arith.constant 0 : i32
      %dma_wait3A_169 = arith.constant 0 : i32
      %dma_wait3A_170 = tpu.memref_slice %arg2[%dma_wait3A_168, %dma_wait3A_169] : memref<10000x128xf32, #tpu.memory_space<hbm>> -> memref<10000x128xf32, #tpu.memory_space<hbm>>
      tpu.wait_indirect_dma semaphore(%arg24 : memref<!tpu.dma_semaphore, #tpu.memory_space<semaphore_mem>>) src(%dma_wait3A_170 : memref<10000x128xf32, #tpu.memory_space<hbm>>) dst(%arg16 : memref<80x128xf32, #tpu.memory_space<vmem>>)
      %dma_start3A_171 = arith.constant 0 : i32
      %dma_start3A_172 = arith.constant 0 : i32
      %dma_start3A_173 = tpu.memref_slice %arg30[%dma_start3A_171, %dma_start3A_172] : memref<10000x128xf32, #tpu.memory_space<vmem_shared>> -> memref<10000x128xf32, #tpu.memory_space<vmem_shared>>
      tpu.enqueue_indirect_dma source(%arg16 : memref<80x128xf32, #tpu.memory_space<vmem>>) target(%dma_start3A_173 : memref<10000x128xf32, #tpu.memory_space<vmem_shared>>) offsets(%arg12 : memref<80xi32, #tpu.memory_space<vmem>>) semaphore(%arg28 : memref<!tpu.dma_semaphore, #tpu.memory_space<semaphore_mem>>) {add = true}
      %mul3A_174 = arith.constant 4 : i32
      %mul3A_175 = arith.muli %scan3A_65, %mul3A_174 : i32
      %add3A_176 = arith.constant 3 : i32
      %add3A_177 = arith.addi %mul3A_175, %add3A_176 : i32
      %dma_wait3A_178 = arith.constant 0 : i32
      %dma_wait3A_179 = arith.constant 0 : i32
      %dma_wait3A_180 = tpu.memref_slice %arg30[%dma_wait3A_178, %dma_wait3A_179] : memref<10000x128xf32, #tpu.memory_space<vmem_shared>> -> memref<10000x128xf32, #tpu.memory_space<vmem_shared>>
      tpu.wait_indirect_dma semaphore(%arg27 : memref<!tpu.dma_semaphore, #tpu.memory_space<semaphore_mem>>) src(%arg15 : memref<80x128xf32, #tpu.memory_space<vmem>>) dst(%dma_wait3A_180 : memref<10000x128xf32, #tpu.memory_space<vmem_shared>>)
      %add3A_181 = arith.constant 1 : i32
      %add3A_182 = arith.addi %scan3A_65, %add3A_181 : i32
      %lt3A = arith.constant 31 : i32
      %lt3A_183 = arith.cmpi slt, %add3A_182, %lt3A : i32
      %convert_element_type3A_184 = arith.extui %lt3A_183 : i1 to i32
      %cond3A_185 = arith.constant 0 : i32
      %cond3A_186 = arith.cmpi ne, %convert_element_type3A_184, %cond3A_185 : i32
      scf.if %cond3A_186 {
        %add3A_204 = arith.constant 2 : i32
        %add3A_205 = arith.addi %add3A_177, %add3A_204 : i32
        %mul3A_206 = arith.constant 10000 : i32
        %mul3A_207 = arith.muli %add3A, %mul3A_206 : i32
        %mul3A_208 = arith.constant 80 : i32
        %mul3A_209 = arith.muli %add3A_205, %mul3A_208 : i32
        %add3A_210 = arith.addi %mul3A_207, %mul3A_209 : i32
        %dma_start3A_211 = tpu.memref_slice %arg3[%add3A_210] : memref<320000xi32, #tpu.memory_space<hbm>> -> memref<80xi32, #tpu.memory_space<hbm>>
        %dma_start3A_212 = tpu.memref_slice %arg3[%add3A_210] : memref<320000xi32, #tpu.memory_space<hbm>> -> memref<80xi32, #tpu.memory_space<hbm>>
        tpu.enqueue_dma source(%dma_start3A_212 : memref<80xi32, #tpu.memory_space<hbm>>) target(%arg7 : memref<80xi32, #tpu.memory_space<vmem>>) target_semaphore(%arg19 : memref<!tpu.dma_semaphore, #tpu.memory_space<semaphore_mem>>)
        %dma_start3A_213 = tpu.memref_slice %arg4[%add3A_210] : memref<320000xi32, #tpu.memory_space<hbm>> -> memref<80xi32, #tpu.memory_space<hbm>>
        %dma_start3A_214 = tpu.memref_slice %arg4[%add3A_210] : memref<320000xi32, #tpu.memory_space<hbm>> -> memref<80xi32, #tpu.memory_space<hbm>>
        tpu.enqueue_dma source(%dma_start3A_214 : memref<80xi32, #tpu.memory_space<hbm>>) target(%arg11 : memref<80xi32, #tpu.memory_space<vmem>>) target_semaphore(%arg19 : memref<!tpu.dma_semaphore, #tpu.memory_space<semaphore_mem>>)
      } else {
      }
      %dma_wait3A_187 = arith.constant 0 : i32
      %dma_wait3A_188 = tpu.memref_slice %arg3[%dma_wait3A_187] : memref<320000xi32, #tpu.memory_space<hbm>> -> memref<80xi32, #tpu.memory_space<hbm>>
      %dma_wait3A_189 = arith.constant 0 : i32
      %dma_wait3A_190 = tpu.memref_slice %arg3[%dma_wait3A_189] : memref<320000xi32, #tpu.memory_space<hbm>> -> memref<80xi32, #tpu.memory_space<hbm>>
      tpu.wait_dma2 semaphore(%arg18 : memref<!tpu.dma_semaphore, #tpu.memory_space<semaphore_mem>>) src(%dma_wait3A_190 : memref<80xi32, #tpu.memory_space<hbm>>) dst(%arg6 : memref<80xi32, #tpu.memory_space<vmem>>)
      %dma_wait3A_191 = arith.constant 0 : i32
      %dma_wait3A_192 = tpu.memref_slice %arg4[%dma_wait3A_191] : memref<320000xi32, #tpu.memory_space<hbm>> -> memref<80xi32, #tpu.memory_space<hbm>>
      %dma_wait3A_193 = arith.constant 0 : i32
      %dma_wait3A_194 = tpu.memref_slice %arg4[%dma_wait3A_193] : memref<320000xi32, #tpu.memory_space<hbm>> -> memref<80xi32, #tpu.memory_space<hbm>>
      tpu.wait_dma2 semaphore(%arg18 : memref<!tpu.dma_semaphore, #tpu.memory_space<semaphore_mem>>) src(%dma_wait3A_194 : memref<80xi32, #tpu.memory_space<hbm>>) dst(%arg10 : memref<80xi32, #tpu.memory_space<vmem>>)
      %dma_start3A_195 = arith.constant 0 : i32
      %dma_start3A_196 = arith.constant 0 : i32
      %dma_start3A_197 = tpu.memref_slice %arg2[%dma_start3A_195, %dma_start3A_196] : memref<10000x128xf32, #tpu.memory_space<hbm>> -> memref<10000x128xf32, #tpu.memory_space<hbm>>
      tpu.enqueue_indirect_dma source(%dma_start3A_197 : memref<10000x128xf32, #tpu.memory_space<hbm>>) target(%arg14 : memref<80x128xf32, #tpu.memory_space<vmem>>) offsets(%arg6 : memref<80xi32, #tpu.memory_space<vmem>>) semaphore(%arg22 : memref<!tpu.dma_semaphore, #tpu.memory_space<semaphore_mem>>)
      %dma_wait3A_198 = arith.constant 0 : i32
      %dma_wait3A_199 = arith.constant 0 : i32
      %dma_wait3A_200 = tpu.memref_slice %arg2[%dma_wait3A_198, %dma_wait3A_199] : memref<10000x128xf32, #tpu.memory_space<hbm>> -> memref<10000x128xf32, #tpu.memory_space<hbm>>
      tpu.wait_indirect_dma semaphore(%arg25 : memref<!tpu.dma_semaphore, #tpu.memory_space<semaphore_mem>>) src(%dma_wait3A_200 : memref<10000x128xf32, #tpu.memory_space<hbm>>) dst(%arg17 : memref<80x128xf32, #tpu.memory_space<vmem>>)
      %dma_start3A_201 = arith.constant 0 : i32
      %dma_start3A_202 = arith.constant 0 : i32
      %dma_start3A_203 = tpu.memref_slice %arg30[%dma_start3A_201, %dma_start3A_202] : memref<10000x128xf32, #tpu.memory_space<vmem_shared>> -> memref<10000x128xf32, #tpu.memory_space<vmem_shared>>
      tpu.enqueue_indirect_dma source(%arg17 : memref<80x128xf32, #tpu.memory_space<vmem>>) target(%dma_start3A_203 : memref<10000x128xf32, #tpu.memory_space<vmem_shared>>) offsets(%arg13 : memref<80xi32, #tpu.memory_space<vmem>>) semaphore(%arg29 : memref<!tpu.dma_semaphore, #tpu.memory_space<semaphore_mem>>) {add = true}
    }
    %scan3A_36 = arith.constant 31 : i32
    %dma_wait3A_37 = arith.constant 0 : i32
    %dma_wait3A_38 = arith.constant 0 : i32
    %dma_wait3A_39 = tpu.memref_slice %arg30[%dma_wait3A_37, %dma_wait3A_38] : memref<10000x128xf32, #tpu.memory_space<vmem_shared>> -> memref<10000x128xf32, #tpu.memory_space<vmem_shared>>
    tpu.wait_indirect_dma semaphore(%arg28 : memref<!tpu.dma_semaphore, #tpu.memory_space<semaphore_mem>>) src(%arg16 : memref<80x128xf32, #tpu.memory_space<vmem>>) dst(%dma_wait3A_39 : memref<10000x128xf32, #tpu.memory_space<vmem_shared>>)
    %dma_wait3A_40 = arith.constant 0 : i32
    %dma_wait3A_41 = arith.constant 0 : i32
    %dma_wait3A_42 = tpu.memref_slice %arg2[%dma_wait3A_40, %dma_wait3A_41] : memref<10000x128xf32, #tpu.memory_space<hbm>> -> memref<10000x128xf32, #tpu.memory_space<hbm>>
    tpu.wait_indirect_dma semaphore(%arg22 : memref<!tpu.dma_semaphore, #tpu.memory_space<semaphore_mem>>) src(%dma_wait3A_42 : memref<10000x128xf32, #tpu.memory_space<hbm>>) dst(%arg14 : memref<80x128xf32, #tpu.memory_space<vmem>>)
    %dma_start3A_43 = arith.constant 0 : i32
    %dma_start3A_44 = arith.constant 0 : i32
    %dma_start3A_45 = tpu.memref_slice %arg30[%dma_start3A_43, %dma_start3A_44] : memref<10000x128xf32, #tpu.memory_space<vmem_shared>> -> memref<10000x128xf32, #tpu.memory_space<vmem_shared>>
    tpu.enqueue_indirect_dma source(%arg14 : memref<80x128xf32, #tpu.memory_space<vmem>>) target(%dma_start3A_45 : memref<10000x128xf32, #tpu.memory_space<vmem_shared>>) offsets(%arg10 : memref<80xi32, #tpu.memory_space<vmem>>) semaphore(%arg26 : memref<!tpu.dma_semaphore, #tpu.memory_space<semaphore_mem>>) {add = true}
    %dma_wait3A_46 = arith.constant 0 : i32
    %dma_wait3A_47 = arith.constant 0 : i32
    %dma_wait3A_48 = tpu.memref_slice %arg30[%dma_wait3A_46, %dma_wait3A_47] : memref<10000x128xf32, #tpu.memory_space<vmem_shared>> -> memref<10000x128xf32, #tpu.memory_space<vmem_shared>>
    tpu.wait_indirect_dma semaphore(%arg29 : memref<!tpu.dma_semaphore, #tpu.memory_space<semaphore_mem>>) src(%arg17 : memref<80x128xf32, #tpu.memory_space<vmem>>) dst(%dma_wait3A_48 : memref<10000x128xf32, #tpu.memory_space<vmem_shared>>)
    %dma_wait3A_49 = arith.constant 0 : i32
    %dma_wait3A_50 = arith.constant 0 : i32
    %dma_wait3A_51 = tpu.memref_slice %arg30[%dma_wait3A_49, %dma_wait3A_50] : memref<10000x128xf32, #tpu.memory_space<vmem_shared>> -> memref<10000x128xf32, #tpu.memory_space<vmem_shared>>
    tpu.wait_indirect_dma semaphore(%arg26 : memref<!tpu.dma_semaphore, #tpu.memory_space<semaphore_mem>>) src(%arg14 : memref<80x128xf32, #tpu.memory_space<vmem>>) dst(%dma_wait3A_51 : memref<10000x128xf32, #tpu.memory_space<vmem_shared>>)
    %barrier3A_52 = arith.constant 0 : index
    tpu.barrier barrier_id(%barrier3A_52)
    %mul3A_53 = arith.constant 624 : i32
    %mul3A_54 = arith.muli %arg1, %mul3A_53 : i32
    %mul3A_55 = arith.constant 10000 : i32
    %mul3A_56 = arith.muli %arg0, %mul3A_55 : i32
    %mul3A_57 = arith.constant 624 : i32
    %mul3A_58 = arith.muli %arg1, %mul3A_57 : i32
    %add3A_59 = arith.addi %mul3A_56, %mul3A_58 : i32
    "tpu.region"() ({
      %run_scoped3A = tpu.sem_alloc : memref<!tpu.dma_semaphore, #tpu.memory_space<semaphore_mem>>
      %dma_start3A_65 = arith.constant 0 : i32
      %dma_start3A_66 = tpu.memref_slice %arg5[%add3A_59, %dma_start3A_65] : memref<20000x128xf32, #tpu.memory_space<hbm>> -> memref<624x128xf32, #tpu.memory_space<hbm>>
      %dma_start3A_67 = arith.constant 0 : i32
      %dma_start3A_68 = tpu.memref_slice %arg30[%mul3A_54, %dma_start3A_67] : memref<10000x128xf32, #tpu.memory_space<vmem_shared>> -> memref<624x128xf32, #tpu.memory_space<vmem_shared>>
      tpu.enqueue_dma source(%dma_start3A_68 : memref<624x128xf32, #tpu.memory_space<vmem_shared>>) target(%dma_start3A_66 : memref<624x128xf32, #tpu.memory_space<hbm>>) target_semaphore(%run_scoped3A : memref<!tpu.dma_semaphore, #tpu.memory_space<semaphore_mem>>)
      %dma_wait3A_69 = arith.constant 0 : i32
      %dma_wait3A_70 = tpu.memref_slice %arg5[%add3A_59, %dma_wait3A_69] : memref<20000x128xf32, #tpu.memory_space<hbm>> -> memref<624x128xf32, #tpu.memory_space<hbm>>
      %dma_wait3A_71 = arith.constant 0 : i32
      %dma_wait3A_72 = tpu.memref_slice %arg30[%mul3A_54, %dma_wait3A_71] : memref<10000x128xf32, #tpu.memory_space<vmem_shared>> -> memref<624x128xf32, #tpu.memory_space<vmem_shared>>
      tpu.wait_dma2 semaphore(%run_scoped3A : memref<!tpu.dma_semaphore, #tpu.memory_space<semaphore_mem>>) src(%dma_wait3A_72 : memref<624x128xf32, #tpu.memory_space<vmem_shared>>) dst(%dma_wait3A_70 : memref<624x128xf32, #tpu.memory_space<hbm>>)
      tpu.yield
    }) : () -> ()
    %eq3A_60 = arith.constant 0 : i32
    %eq3A_61 = arith.cmpi eq, %arg1, %eq3A_60 : i32
    %convert_element_type3A_62 = arith.extui %eq3A_61 : i1 to i32
    %cond3A_63 = arith.constant 0 : i32
    %cond3A_64 = arith.cmpi ne, %convert_element_type3A_62, %cond3A_63 : i32
    scf.if %cond3A_64 {
      %mul3A_65 = arith.constant 10000 : i32
      %mul3A_66 = arith.muli %arg0, %mul3A_65 : i32
      %add3A_67 = arith.constant 9984 : i32
      %add3A_68 = arith.addi %mul3A_66, %add3A_67 : i32
      "tpu.region"() ({
        %run_scoped3A = tpu.sem_alloc : memref<!tpu.dma_semaphore, #tpu.memory_space<semaphore_mem>>
        %dma_start3A_69 = arith.constant 0 : i32
        %dma_start3A_70 = tpu.memref_slice %arg5[%add3A_68, %dma_start3A_69] : memref<20000x128xf32, #tpu.memory_space<hbm>> -> memref<16x128xf32, #tpu.memory_space<hbm>>
        %dma_start3A_71 = arith.constant 9984 : i32
        %dma_start3A_72 = arith.constant 0 : i32
        %dma_start3A_73 = tpu.memref_slice %arg30[%dma_start3A_71, %dma_start3A_72] : memref<10000x128xf32, #tpu.memory_space<vmem_shared>> -> memref<16x128xf32, #tpu.memory_space<vmem_shared>>
        tpu.enqueue_dma source(%dma_start3A_73 : memref<16x128xf32, #tpu.memory_space<vmem_shared>>) target(%dma_start3A_70 : memref<16x128xf32, #tpu.memory_space<hbm>>) target_semaphore(%run_scoped3A : memref<!tpu.dma_semaphore, #tpu.memory_space<semaphore_mem>>)
        %dma_wait3A_74 = arith.constant 0 : i32
        %dma_wait3A_75 = tpu.memref_slice %arg5[%add3A_68, %dma_wait3A_74] : memref<20000x128xf32, #tpu.memory_space<hbm>> -> memref<16x128xf32, #tpu.memory_space<hbm>>
        %dma_wait3A_76 = arith.constant 9984 : i32
        %dma_wait3A_77 = arith.constant 0 : i32
        %dma_wait3A_78 = tpu.memref_slice %arg30[%dma_wait3A_76, %dma_wait3A_77] : memref<10000x128xf32, #tpu.memory_space<vmem_shared>> -> memref<16x128xf32, #tpu.memory_space<vmem_shared>>
        tpu.wait_dma2 semaphore(%run_scoped3A : memref<!tpu.dma_semaphore, #tpu.memory_space<semaphore_mem>>) src(%dma_wait3A_78 : memref<16x128xf32, #tpu.memory_space<vmem_shared>>) dst(%dma_wait3A_75 : memref<16x128xf32, #tpu.memory_space<hbm>>)
        tpu.yield
      }) : () -> ()
    } else {
    }
    return
  }
}

#map = affine_map<(d0, d1) -> (0)>
#map1 = affine_map<(d0, d1) -> (0, 0)>
module attributes {stable_mosaic.version = 14 : i64} {
  func.func @_sc_deg_body(%arg0: i32, %arg1: i32, %arg2: memref<320000xi32, #tpu.memory_space<hbm>>, %arg3: memref<10000x16xf32, #tpu.memory_space<hbm>>, %arg4: memref<80x16xf32, #tpu.memory_space<hbm>>, %arg5: memref<20000x16xf32, #tpu.memory_space<hbm>>, %arg6: memref<10000xi32, #tpu.memory_space<vmem>>, %arg7: memref<80xi32, #tpu.memory_space<vmem>>, %arg8: memref<80xi32, #tpu.memory_space<vmem>>, %arg9: memref<80x16xf32, #tpu.memory_space<vmem>>, %arg10: memref<!tpu.dma_semaphore, #tpu.memory_space<semaphore_mem>>, %arg11: memref<!tpu.dma_semaphore, #tpu.memory_space<semaphore_mem>>, %arg12: memref<10000x16xf32, #tpu.memory_space<vmem_shared>>) attributes {dimension_semantics = [#tpu.dimension_semantics<core_parallel>, #tpu.dimension_semantics<subcore_parallel>], iteration_bounds = array<i64: 2, 16>, scalar_prefetch = 0 : i64, scratch_operands = 7 : i64, tpu.core_type = #tpu.core_type<sc_vector_subcore>, window_params = [{transform_indices = #map}, {transform_indices = #map1}, {transform_indices = #map1}, {transform_indices = #map1}]} {
    %mul3A = arith.constant 16 : i32
    %mul3A_0 = arith.muli %arg0, %mul3A : i32
    %add3A = arith.addi %mul3A_0, %arg1 : i32
    %mul3A_1 = arith.constant 624 : i32
    %mul3A_2 = arith.muli %arg1, %mul3A_1 : i32
    %mul3A_3 = arith.constant 624 : i32
    %mul3A_4 = arith.muli %arg1, %mul3A_3 : i32
    "tpu.region"() ({
      %run_scoped3A = tpu.sem_alloc : memref<!tpu.dma_semaphore, #tpu.memory_space<semaphore_mem>>
      %dma_start3A_70 = arith.constant 0 : i32
      %dma_start3A_71 = tpu.memref_slice %arg12[%mul3A_4, %dma_start3A_70] : memref<10000x16xf32, #tpu.memory_space<vmem_shared>> -> memref<624x16xf32, #tpu.memory_space<vmem_shared>>
      %dma_start3A_72 = arith.constant 0 : i32
      %dma_start3A_73 = tpu.memref_slice %arg3[%mul3A_2, %dma_start3A_72] : memref<10000x16xf32, #tpu.memory_space<hbm>> -> memref<624x16xf32, #tpu.memory_space<hbm>>
      tpu.enqueue_dma source(%dma_start3A_73 : memref<624x16xf32, #tpu.memory_space<hbm>>) target(%dma_start3A_71 : memref<624x16xf32, #tpu.memory_space<vmem_shared>>) target_semaphore(%run_scoped3A : memref<!tpu.dma_semaphore, #tpu.memory_space<semaphore_mem>>)
      %dma_wait3A_74 = arith.constant 0 : i32
      %dma_wait3A_75 = tpu.memref_slice %arg12[%mul3A_4, %dma_wait3A_74] : memref<10000x16xf32, #tpu.memory_space<vmem_shared>> -> memref<624x16xf32, #tpu.memory_space<vmem_shared>>
      %dma_wait3A_76 = arith.constant 0 : i32
      %dma_wait3A_77 = tpu.memref_slice %arg3[%mul3A_2, %dma_wait3A_76] : memref<10000x16xf32, #tpu.memory_space<hbm>> -> memref<624x16xf32, #tpu.memory_space<hbm>>
      tpu.wait_dma2 semaphore(%run_scoped3A : memref<!tpu.dma_semaphore, #tpu.memory_space<semaphore_mem>>) src(%dma_wait3A_77 : memref<624x16xf32, #tpu.memory_space<hbm>>) dst(%dma_wait3A_75 : memref<624x16xf32, #tpu.memory_space<vmem_shared>>)
      tpu.yield
    }) : () -> ()
    %eq3A = arith.constant 0 : i32
    %eq3A_5 = arith.cmpi eq, %arg1, %eq3A : i32
    %convert_element_type3A = arith.extui %eq3A_5 : i1 to i32
    %cond3A = arith.constant 0 : i32
    %cond3A_6 = arith.cmpi ne, %convert_element_type3A, %cond3A : i32
    scf.if %cond3A_6 {
      "tpu.region"() ({
        %run_scoped3A = tpu.sem_alloc : memref<!tpu.dma_semaphore, #tpu.memory_space<semaphore_mem>>
        %dma_start3A_70 = arith.constant 9984 : i32
        %dma_start3A_71 = arith.constant 0 : i32
        %dma_start3A_72 = tpu.memref_slice %arg12[%dma_start3A_70, %dma_start3A_71] : memref<10000x16xf32, #tpu.memory_space<vmem_shared>> -> memref<16x16xf32, #tpu.memory_space<vmem_shared>>
        %dma_start3A_73 = arith.constant 9984 : i32
        %dma_start3A_74 = arith.constant 0 : i32
        %dma_start3A_75 = tpu.memref_slice %arg3[%dma_start3A_73, %dma_start3A_74] : memref<10000x16xf32, #tpu.memory_space<hbm>> -> memref<16x16xf32, #tpu.memory_space<hbm>>
        tpu.enqueue_dma source(%dma_start3A_75 : memref<16x16xf32, #tpu.memory_space<hbm>>) target(%dma_start3A_72 : memref<16x16xf32, #tpu.memory_space<vmem_shared>>) target_semaphore(%run_scoped3A : memref<!tpu.dma_semaphore, #tpu.memory_space<semaphore_mem>>)
        %dma_wait3A_76 = arith.constant 9984 : i32
        %dma_wait3A_77 = arith.constant 0 : i32
        %dma_wait3A_78 = tpu.memref_slice %arg12[%dma_wait3A_76, %dma_wait3A_77] : memref<10000x16xf32, #tpu.memory_space<vmem_shared>> -> memref<16x16xf32, #tpu.memory_space<vmem_shared>>
        %dma_wait3A_79 = arith.constant 9984 : i32
        %dma_wait3A_80 = arith.constant 0 : i32
        %dma_wait3A_81 = tpu.memref_slice %arg3[%dma_wait3A_79, %dma_wait3A_80] : memref<10000x16xf32, #tpu.memory_space<hbm>> -> memref<16x16xf32, #tpu.memory_space<hbm>>
        tpu.wait_dma2 semaphore(%run_scoped3A : memref<!tpu.dma_semaphore, #tpu.memory_space<semaphore_mem>>) src(%dma_wait3A_81 : memref<16x16xf32, #tpu.memory_space<hbm>>) dst(%dma_wait3A_78 : memref<16x16xf32, #tpu.memory_space<vmem_shared>>)
        tpu.yield
      }) : () -> ()
    } else {
    }
    "tpu.region"() ({
      %run_scoped3A = tpu.sem_alloc : memref<!tpu.dma_semaphore, #tpu.memory_space<semaphore_mem>>
      tpu.enqueue_dma source(%arg4 : memref<80x16xf32, #tpu.memory_space<hbm>>) target(%arg9 : memref<80x16xf32, #tpu.memory_space<vmem>>) target_semaphore(%run_scoped3A : memref<!tpu.dma_semaphore, #tpu.memory_space<semaphore_mem>>)
      tpu.wait_dma2 semaphore(%run_scoped3A : memref<!tpu.dma_semaphore, #tpu.memory_space<semaphore_mem>>) src(%arg4 : memref<80x16xf32, #tpu.memory_space<hbm>>) dst(%arg9 : memref<80x16xf32, #tpu.memory_space<vmem>>)
      tpu.yield
    }) : () -> ()
    %mul3A_7 = arith.constant 10000 : i32
    %mul3A_8 = arith.muli %add3A, %mul3A_7 : i32
    "tpu.region"() ({
      %run_scoped3A = tpu.sem_alloc : memref<!tpu.dma_semaphore, #tpu.memory_space<semaphore_mem>>
      %dma_start3A_70 = tpu.memref_slice %arg2[%mul3A_8] : memref<320000xi32, #tpu.memory_space<hbm>> -> memref<10000xi32, #tpu.memory_space<hbm>>
      %dma_start3A_71 = tpu.memref_slice %arg2[%mul3A_8] : memref<320000xi32, #tpu.memory_space<hbm>> -> memref<10000xi32, #tpu.memory_space<hbm>>
      tpu.enqueue_dma source(%dma_start3A_71 : memref<10000xi32, #tpu.memory_space<hbm>>) target(%arg6 : memref<10000xi32, #tpu.memory_space<vmem>>) target_semaphore(%run_scoped3A : memref<!tpu.dma_semaphore, #tpu.memory_space<semaphore_mem>>)
      %dma_wait3A_72 = tpu.memref_slice %arg2[%mul3A_8] : memref<320000xi32, #tpu.memory_space<hbm>> -> memref<10000xi32, #tpu.memory_space<hbm>>
      %dma_wait3A_73 = tpu.memref_slice %arg2[%mul3A_8] : memref<320000xi32, #tpu.memory_space<hbm>> -> memref<10000xi32, #tpu.memory_space<hbm>>
      tpu.wait_dma2 semaphore(%run_scoped3A : memref<!tpu.dma_semaphore, #tpu.memory_space<semaphore_mem>>) src(%dma_wait3A_73 : memref<10000xi32, #tpu.memory_space<hbm>>) dst(%arg6 : memref<10000xi32, #tpu.memory_space<vmem>>)
      tpu.yield
    }) : () -> ()
    %barrier3A = arith.constant 0 : index
    tpu.barrier barrier_id(%barrier3A)
    %scan3A = arith.constant 0 : i32
    %scan3A_9 = arith.constant 0 : i32
    %scan3A_10 = arith.constant 62 : i32
    %scan3A_11 = arith.addi %scan3A_9, %scan3A_10 : i32
    %scan3A_12 = arith.constant 1 : i32
    scf.for %scan3A_70 = %scan3A_9 to %scan3A_11 step %scan3A_12  : i32 {
      %mul3A_71 = arith.constant 2 : i32
      %mul3A_72 = arith.muli %scan3A_70, %mul3A_71 : i32
      %add3A_73 = arith.constant 0 : i32
      %add3A_74 = arith.addi %mul3A_72, %add3A_73 : i32
      %gt3A = arith.constant 0 : i32
      %gt3A_75 = arith.cmpi sgt, %scan3A_70, %gt3A : i32
      %convert_element_type3A_76 = arith.extui %gt3A_75 : i1 to i32
      %cond3A_77 = arith.constant 0 : i32
      %cond3A_78 = arith.cmpi ne, %convert_element_type3A_76, %cond3A_77 : i32
      scf.if %cond3A_78 {
        %dma_wait3A_188 = arith.constant 0 : i32
        %dma_wait3A_189 = arith.constant 0 : i32
        %dma_wait3A_190 = tpu.memref_slice %arg12[%dma_wait3A_188, %dma_wait3A_189] : memref<10000x16xf32, #tpu.memory_space<vmem_shared>> -> memref<10000x16xf32, #tpu.memory_space<vmem_shared>>
        tpu.wait_indirect_dma semaphore(%arg10 : memref<!tpu.dma_semaphore, #tpu.memory_space<semaphore_mem>>) src(%arg9 : memref<80x16xf32, #tpu.memory_space<vmem>>) dst(%dma_wait3A_190 : memref<10000x16xf32, #tpu.memory_space<vmem_shared>>)
      } else {
      }
      %mul3A_79 = arith.constant 80 : i32
      %mul3A_80 = arith.muli %add3A_74, %mul3A_79 : i32
      %add3A_81 = arith.constant 0 : i32
      %add3A_82 = arith.addi %mul3A_80, %add3A_81 : i32
      %get3A_83 = arith.index_cast %add3A_82 : i32 to index
      %get3A_84 = tpu.vector_load %arg6[%get3A_83] {strides = array<i32>} : memref<10000xi32, #tpu.memory_space<vmem>>, vector<16xi32>,
      %get3A_85 = vector.shape_cast %get3A_84 : vector<16xi32> to vector<16xi32>
      %swap3A_86 = arith.constant 0 : index
      %swap3A_87 = tpu.vector_load %arg7[%swap3A_86] {strides = array<i32>} : memref<80xi32, #tpu.memory_space<vmem>>, vector<16xi32>,
      %swap3A_88 = vector.shape_cast %swap3A_87 : vector<16xi32> to vector<16xi32>
      %swap3A_89 = vector.shape_cast %get3A_85 : vector<16xi32> to vector<16xi32>
      tpu.vector_store %arg7[%swap3A_86], %swap3A_89 {strides = array<i32>} : memref<80xi32, #tpu.memory_space<vmem>>, vector<16xi32>,
      %add3A_90 = arith.constant 16 : i32
      %add3A_91 = arith.addi %mul3A_80, %add3A_90 : i32
      %get3A_92 = arith.index_cast %add3A_91 : i32 to index
      %get3A_93 = tpu.vector_load %arg6[%get3A_92] {strides = array<i32>} : memref<10000xi32, #tpu.memory_space<vmem>>, vector<16xi32>,
      %get3A_94 = vector.shape_cast %get3A_93 : vector<16xi32> to vector<16xi32>
      %swap3A_95 = arith.constant 16 : index
      %swap3A_96 = tpu.vector_load %arg7[%swap3A_95] {strides = array<i32>} : memref<80xi32, #tpu.memory_space<vmem>>, vector<16xi32>,
      %swap3A_97 = vector.shape_cast %swap3A_96 : vector<16xi32> to vector<16xi32>
      %swap3A_98 = vector.shape_cast %get3A_94 : vector<16xi32> to vector<16xi32>
      tpu.vector_store %arg7[%swap3A_95], %swap3A_98 {strides = array<i32>} : memref<80xi32, #tpu.memory_space<vmem>>, vector<16xi32>,
      %add3A_99 = arith.constant 32 : i32
      %add3A_100 = arith.addi %mul3A_80, %add3A_99 : i32
      %get3A_101 = arith.index_cast %add3A_100 : i32 to index
      %get3A_102 = tpu.vector_load %arg6[%get3A_101] {strides = array<i32>} : memref<10000xi32, #tpu.memory_space<vmem>>, vector<16xi32>,
      %get3A_103 = vector.shape_cast %get3A_102 : vector<16xi32> to vector<16xi32>
      %swap3A_104 = arith.constant 32 : index
      %swap3A_105 = tpu.vector_load %arg7[%swap3A_104] {strides = array<i32>} : memref<80xi32, #tpu.memory_space<vmem>>, vector<16xi32>,
      %swap3A_106 = vector.shape_cast %swap3A_105 : vector<16xi32> to vector<16xi32>
      %swap3A_107 = vector.shape_cast %get3A_103 : vector<16xi32> to vector<16xi32>
      tpu.vector_store %arg7[%swap3A_104], %swap3A_107 {strides = array<i32>} : memref<80xi32, #tpu.memory_space<vmem>>, vector<16xi32>,
      %add3A_108 = arith.constant 48 : i32
      %add3A_109 = arith.addi %mul3A_80, %add3A_108 : i32
      %get3A_110 = arith.index_cast %add3A_109 : i32 to index
      %get3A_111 = tpu.vector_load %arg6[%get3A_110] {strides = array<i32>} : memref<10000xi32, #tpu.memory_space<vmem>>, vector<16xi32>,
      %get3A_112 = vector.shape_cast %get3A_111 : vector<16xi32> to vector<16xi32>
      %swap3A_113 = arith.constant 48 : index
      %swap3A_114 = tpu.vector_load %arg7[%swap3A_113] {strides = array<i32>} : memref<80xi32, #tpu.memory_space<vmem>>, vector<16xi32>,
      %swap3A_115 = vector.shape_cast %swap3A_114 : vector<16xi32> to vector<16xi32>
      %swap3A_116 = vector.shape_cast %get3A_112 : vector<16xi32> to vector<16xi32>
      tpu.vector_store %arg7[%swap3A_113], %swap3A_116 {strides = array<i32>} : memref<80xi32, #tpu.memory_space<vmem>>, vector<16xi32>,
      %add3A_117 = arith.constant 64 : i32
      %add3A_118 = arith.addi %mul3A_80, %add3A_117 : i32
      %get3A_119 = arith.index_cast %add3A_118 : i32 to index
      %get3A_120 = tpu.vector_load %arg6[%get3A_119] {strides = array<i32>} : memref<10000xi32, #tpu.memory_space<vmem>>, vector<16xi32>,
      %get3A_121 = vector.shape_cast %get3A_120 : vector<16xi32> to vector<16xi32>
      %swap3A_122 = arith.constant 64 : index
      %swap3A_123 = tpu.vector_load %arg7[%swap3A_122] {strides = array<i32>} : memref<80xi32, #tpu.memory_space<vmem>>, vector<16xi32>,
      %swap3A_124 = vector.shape_cast %swap3A_123 : vector<16xi32> to vector<16xi32>
      %swap3A_125 = vector.shape_cast %get3A_121 : vector<16xi32> to vector<16xi32>
      tpu.vector_store %arg7[%swap3A_122], %swap3A_125 {strides = array<i32>} : memref<80xi32, #tpu.memory_space<vmem>>, vector<16xi32>,
      %dma_start3A_126 = arith.constant 0 : i32
      %dma_start3A_127 = arith.constant 0 : i32
      %dma_start3A_128 = tpu.memref_slice %arg12[%dma_start3A_126, %dma_start3A_127] : memref<10000x16xf32, #tpu.memory_space<vmem_shared>> -> memref<10000x16xf32, #tpu.memory_space<vmem_shared>>
      tpu.enqueue_indirect_dma source(%arg9 : memref<80x16xf32, #tpu.memory_space<vmem>>) target(%dma_start3A_128 : memref<10000x16xf32, #tpu.memory_space<vmem_shared>>) offsets(%arg7 : memref<80xi32, #tpu.memory_space<vmem>>) semaphore(%arg10 : memref<!tpu.dma_semaphore, #tpu.memory_space<semaphore_mem>>) {add = true}
      %mul3A_129 = arith.constant 2 : i32
      %mul3A_130 = arith.muli %scan3A_70, %mul3A_129 : i32
      %add3A_131 = arith.constant 1 : i32
      %add3A_132 = arith.addi %mul3A_130, %add3A_131 : i32
      %gt3A_133 = arith.constant 0 : i32
      %gt3A_134 = arith.cmpi sgt, %scan3A_70, %gt3A_133 : i32
      %convert_element_type3A_135 = arith.extui %gt3A_134 : i1 to i32
      %cond3A_136 = arith.constant 0 : i32
      %cond3A_137 = arith.cmpi ne, %convert_element_type3A_135, %cond3A_136 : i32
      scf.if %cond3A_137 {
        %dma_wait3A_188 = arith.constant 0 : i32
        %dma_wait3A_189 = arith.constant 0 : i32
        %dma_wait3A_190 = tpu.memref_slice %arg12[%dma_wait3A_188, %dma_wait3A_189] : memref<10000x16xf32, #tpu.memory_space<vmem_shared>> -> memref<10000x16xf32, #tpu.memory_space<vmem_shared>>
        tpu.wait_indirect_dma semaphore(%arg11 : memref<!tpu.dma_semaphore, #tpu.memory_space<semaphore_mem>>) src(%arg9 : memref<80x16xf32, #tpu.memory_space<vmem>>) dst(%dma_wait3A_190 : memref<10000x16xf32, #tpu.memory_space<vmem_shared>>)
      } else {
      }
      %mul3A_138 = arith.constant 80 : i32
      %mul3A_139 = arith.muli %add3A_132, %mul3A_138 : i32
      %add3A_140 = arith.constant 0 : i32
      %add3A_141 = arith.addi %mul3A_139, %add3A_140 : i32
      %get3A_142 = arith.index_cast %add3A_141 : i32 to index
      %get3A_143 = tpu.vector_load %arg6[%get3A_142] {strides = array<i32>} : memref<10000xi32, #tpu.memory_space<vmem>>, vector<16xi32>,
      %get3A_144 = vector.shape_cast %get3A_143 : vector<16xi32> to vector<16xi32>
      %swap3A_145 = arith.constant 0 : index
      %swap3A_146 = tpu.vector_load %arg8[%swap3A_145] {strides = array<i32>} : memref<80xi32, #tpu.memory_space<vmem>>, vector<16xi32>,
      %swap3A_147 = vector.shape_cast %swap3A_146 : vector<16xi32> to vector<16xi32>
      %swap3A_148 = vector.shape_cast %get3A_144 : vector<16xi32> to vector<16xi32>
      tpu.vector_store %arg8[%swap3A_145], %swap3A_148 {strides = array<i32>} : memref<80xi32, #tpu.memory_space<vmem>>, vector<16xi32>,
      %add3A_149 = arith.constant 16 : i32
      %add3A_150 = arith.addi %mul3A_139, %add3A_149 : i32
      %get3A_151 = arith.index_cast %add3A_150 : i32 to index
      %get3A_152 = tpu.vector_load %arg6[%get3A_151] {strides = array<i32>} : memref<10000xi32, #tpu.memory_space<vmem>>, vector<16xi32>,
      %get3A_153 = vector.shape_cast %get3A_152 : vector<16xi32> to vector<16xi32>
      %swap3A_154 = arith.constant 16 : index
      %swap3A_155 = tpu.vector_load %arg8[%swap3A_154] {strides = array<i32>} : memref<80xi32, #tpu.memory_space<vmem>>, vector<16xi32>,
      %swap3A_156 = vector.shape_cast %swap3A_155 : vector<16xi32> to vector<16xi32>
      %swap3A_157 = vector.shape_cast %get3A_153 : vector<16xi32> to vector<16xi32>
      tpu.vector_store %arg8[%swap3A_154], %swap3A_157 {strides = array<i32>} : memref<80xi32, #tpu.memory_space<vmem>>, vector<16xi32>,
      %add3A_158 = arith.constant 32 : i32
      %add3A_159 = arith.addi %mul3A_139, %add3A_158 : i32
      %get3A_160 = arith.index_cast %add3A_159 : i32 to index
      %get3A_161 = tpu.vector_load %arg6[%get3A_160] {strides = array<i32>} : memref<10000xi32, #tpu.memory_space<vmem>>, vector<16xi32>,
      %get3A_162 = vector.shape_cast %get3A_161 : vector<16xi32> to vector<16xi32>
      %swap3A_163 = arith.constant 32 : index
      %swap3A_164 = tpu.vector_load %arg8[%swap3A_163] {strides = array<i32>} : memref<80xi32, #tpu.memory_space<vmem>>, vector<16xi32>,
      %swap3A_165 = vector.shape_cast %swap3A_164 : vector<16xi32> to vector<16xi32>
      %swap3A_166 = vector.shape_cast %get3A_162 : vector<16xi32> to vector<16xi32>
      tpu.vector_store %arg8[%swap3A_163], %swap3A_166 {strides = array<i32>} : memref<80xi32, #tpu.memory_space<vmem>>, vector<16xi32>,
      %add3A_167 = arith.constant 48 : i32
      %add3A_168 = arith.addi %mul3A_139, %add3A_167 : i32
      %get3A_169 = arith.index_cast %add3A_168 : i32 to index
      %get3A_170 = tpu.vector_load %arg6[%get3A_169] {strides = array<i32>} : memref<10000xi32, #tpu.memory_space<vmem>>, vector<16xi32>,
      %get3A_171 = vector.shape_cast %get3A_170 : vector<16xi32> to vector<16xi32>
      %swap3A_172 = arith.constant 48 : index
      %swap3A_173 = tpu.vector_load %arg8[%swap3A_172] {strides = array<i32>} : memref<80xi32, #tpu.memory_space<vmem>>, vector<16xi32>,
      %swap3A_174 = vector.shape_cast %swap3A_173 : vector<16xi32> to vector<16xi32>
      %swap3A_175 = vector.shape_cast %get3A_171 : vector<16xi32> to vector<16xi32>
      tpu.vector_store %arg8[%swap3A_172], %swap3A_175 {strides = array<i32>} : memref<80xi32, #tpu.memory_space<vmem>>, vector<16xi32>,
      %add3A_176 = arith.constant 64 : i32
      %add3A_177 = arith.addi %mul3A_139, %add3A_176 : i32
      %get3A_178 = arith.index_cast %add3A_177 : i32 to index
      %get3A_179 = tpu.vector_load %arg6[%get3A_178] {strides = array<i32>} : memref<10000xi32, #tpu.memory_space<vmem>>, vector<16xi32>,
      %get3A_180 = vector.shape_cast %get3A_179 : vector<16xi32> to vector<16xi32>
      %swap3A_181 = arith.constant 64 : index
      %swap3A_182 = tpu.vector_load %arg8[%swap3A_181] {strides = array<i32>} : memref<80xi32, #tpu.memory_space<vmem>>, vector<16xi32>,
      %swap3A_183 = vector.shape_cast %swap3A_182 : vector<16xi32> to vector<16xi32>
      %swap3A_184 = vector.shape_cast %get3A_180 : vector<16xi32> to vector<16xi32>
      tpu.vector_store %arg8[%swap3A_181], %swap3A_184 {strides = array<i32>} : memref<80xi32, #tpu.memory_space<vmem>>, vector<16xi32>,
      %dma_start3A_185 = arith.constant 0 : i32
      %dma_start3A_186 = arith.constant 0 : i32
      %dma_start3A_187 = tpu.memref_slice %arg12[%dma_start3A_185, %dma_start3A_186] : memref<10000x16xf32, #tpu.memory_space<vmem_shared>> -> memref<10000x16xf32, #tpu.memory_space<vmem_shared>>
      tpu.enqueue_indirect_dma source(%arg9 : memref<80x16xf32, #tpu.memory_space<vmem>>) target(%dma_start3A_187 : memref<10000x16xf32, #tpu.memory_space<vmem_shared>>) offsets(%arg8 : memref<80xi32, #tpu.memory_space<vmem>>) semaphore(%arg11 : memref<!tpu.dma_semaphore, #tpu.memory_space<semaphore_mem>>) {add = true}
    }
    %scan3A_13 = arith.constant 62 : i32
    %dma_wait3A = arith.constant 0 : i32
    %dma_wait3A_14 = arith.constant 0 : i32
    %dma_wait3A_15 = tpu.memref_slice %arg12[%dma_wait3A, %dma_wait3A_14] : memref<10000x16xf32, #tpu.memory_space<vmem_shared>> -> memref<10000x16xf32, #tpu.memory_space<vmem_shared>>
    tpu.wait_indirect_dma semaphore(%arg10 : memref<!tpu.dma_semaphore, #tpu.memory_space<semaphore_mem>>) src(%arg9 : memref<80x16xf32, #tpu.memory_space<vmem>>) dst(%dma_wait3A_15 : memref<10000x16xf32, #tpu.memory_space<vmem_shared>>)
    %get3A = arith.constant 9920 : index
    %get3A_16 = tpu.vector_load %arg6[%get3A] {strides = array<i32>} : memref<10000xi32, #tpu.memory_space<vmem>>, vector<16xi32>,
    %get3A_17 = vector.shape_cast %get3A_16 : vector<16xi32> to vector<16xi32>
    %swap3A = arith.constant 0 : index
    %swap3A_18 = tpu.vector_load %arg7[%swap3A] {strides = array<i32>} : memref<80xi32, #tpu.memory_space<vmem>>, vector<16xi32>,
    %swap3A_19 = vector.shape_cast %swap3A_18 : vector<16xi32> to vector<16xi32>
    %swap3A_20 = vector.shape_cast %get3A_17 : vector<16xi32> to vector<16xi32>
    tpu.vector_store %arg7[%swap3A], %swap3A_20 {strides = array<i32>} : memref<80xi32, #tpu.memory_space<vmem>>, vector<16xi32>,
    %get3A_21 = arith.constant 9936 : index
    %get3A_22 = tpu.vector_load %arg6[%get3A_21] {strides = array<i32>} : memref<10000xi32, #tpu.memory_space<vmem>>, vector<16xi32>,
    %get3A_23 = vector.shape_cast %get3A_22 : vector<16xi32> to vector<16xi32>
    %swap3A_24 = arith.constant 16 : index
    %swap3A_25 = tpu.vector_load %arg7[%swap3A_24] {strides = array<i32>} : memref<80xi32, #tpu.memory_space<vmem>>, vector<16xi32>,
    %swap3A_26 = vector.shape_cast %swap3A_25 : vector<16xi32> to vector<16xi32>
    %swap3A_27 = vector.shape_cast %get3A_23 : vector<16xi32> to vector<16xi32>
    tpu.vector_store %arg7[%swap3A_24], %swap3A_27 {strides = array<i32>} : memref<80xi32, #tpu.memory_space<vmem>>, vector<16xi32>,
    %get3A_28 = arith.constant 9952 : index
    %get3A_29 = tpu.vector_load %arg6[%get3A_28] {strides = array<i32>} : memref<10000xi32, #tpu.memory_space<vmem>>, vector<16xi32>,
    %get3A_30 = vector.shape_cast %get3A_29 : vector<16xi32> to vector<16xi32>
    %swap3A_31 = arith.constant 32 : index
    %swap3A_32 = tpu.vector_load %arg7[%swap3A_31] {strides = array<i32>} : memref<80xi32, #tpu.memory_space<vmem>>, vector<16xi32>,
    %swap3A_33 = vector.shape_cast %swap3A_32 : vector<16xi32> to vector<16xi32>
    %swap3A_34 = vector.shape_cast %get3A_30 : vector<16xi32> to vector<16xi32>
    tpu.vector_store %arg7[%swap3A_31], %swap3A_34 {strides = array<i32>} : memref<80xi32, #tpu.memory_space<vmem>>, vector<16xi32>,
    %get3A_35 = arith.constant 9968 : index
    %get3A_36 = tpu.vector_load %arg6[%get3A_35] {strides = array<i32>} : memref<10000xi32, #tpu.memory_space<vmem>>, vector<16xi32>,
    %get3A_37 = vector.shape_cast %get3A_36 : vector<16xi32> to vector<16xi32>
    %swap3A_38 = arith.constant 48 : index
    %swap3A_39 = tpu.vector_load %arg7[%swap3A_38] {strides = array<i32>} : memref<80xi32, #tpu.memory_space<vmem>>, vector<16xi32>,
    %swap3A_40 = vector.shape_cast %swap3A_39 : vector<16xi32> to vector<16xi32>
    %swap3A_41 = vector.shape_cast %get3A_37 : vector<16xi32> to vector<16xi32>
    tpu.vector_store %arg7[%swap3A_38], %swap3A_41 {strides = array<i32>} : memref<80xi32, #tpu.memory_space<vmem>>, vector<16xi32>,
    %get3A_42 = arith.constant 9984 : index
    %get3A_43 = tpu.vector_load %arg6[%get3A_42] {strides = array<i32>} : memref<10000xi32, #tpu.memory_space<vmem>>, vector<16xi32>,
    %get3A_44 = vector.shape_cast %get3A_43 : vector<16xi32> to vector<16xi32>
    %swap3A_45 = arith.constant 64 : index
    %swap3A_46 = tpu.vector_load %arg7[%swap3A_45] {strides = array<i32>} : memref<80xi32, #tpu.memory_space<vmem>>, vector<16xi32>,
    %swap3A_47 = vector.shape_cast %swap3A_46 : vector<16xi32> to vector<16xi32>
    %swap3A_48 = vector.shape_cast %get3A_44 : vector<16xi32> to vector<16xi32>
    tpu.vector_store %arg7[%swap3A_45], %swap3A_48 {strides = array<i32>} : memref<80xi32, #tpu.memory_space<vmem>>, vector<16xi32>,
    %dma_start3A = arith.constant 0 : i32
    %dma_start3A_49 = arith.constant 0 : i32
    %dma_start3A_50 = tpu.memref_slice %arg12[%dma_start3A, %dma_start3A_49] : memref<10000x16xf32, #tpu.memory_space<vmem_shared>> -> memref<10000x16xf32, #tpu.memory_space<vmem_shared>>
    tpu.enqueue_indirect_dma source(%arg9 : memref<80x16xf32, #tpu.memory_space<vmem>>) target(%dma_start3A_50 : memref<10000x16xf32, #tpu.memory_space<vmem_shared>>) offsets(%arg7 : memref<80xi32, #tpu.memory_space<vmem>>) semaphore(%arg10 : memref<!tpu.dma_semaphore, #tpu.memory_space<semaphore_mem>>) {add = true}
    %dma_wait3A_51 = arith.constant 0 : i32
    %dma_wait3A_52 = arith.constant 0 : i32
    %dma_wait3A_53 = tpu.memref_slice %arg12[%dma_wait3A_51, %dma_wait3A_52] : memref<10000x16xf32, #tpu.memory_space<vmem_shared>> -> memref<10000x16xf32, #tpu.memory_space<vmem_shared>>
    tpu.wait_indirect_dma semaphore(%arg10 : memref<!tpu.dma_semaphore, #tpu.memory_space<semaphore_mem>>) src(%arg9 : memref<80x16xf32, #tpu.memory_space<vmem>>) dst(%dma_wait3A_53 : memref<10000x16xf32, #tpu.memory_space<vmem_shared>>)
    %dma_wait3A_54 = arith.constant 0 : i32
    %dma_wait3A_55 = arith.constant 0 : i32
    %dma_wait3A_56 = tpu.memref_slice %arg12[%dma_wait3A_54, %dma_wait3A_55] : memref<10000x16xf32, #tpu.memory_space<vmem_shared>> -> memref<10000x16xf32, #tpu.memory_space<vmem_shared>>
    tpu.wait_indirect_dma semaphore(%arg11 : memref<!tpu.dma_semaphore, #tpu.memory_space<semaphore_mem>>) src(%arg9 : memref<80x16xf32, #tpu.memory_space<vmem>>) dst(%dma_wait3A_56 : memref<10000x16xf32, #tpu.memory_space<vmem_shared>>)
    %barrier3A_57 = arith.constant 0 : index
    tpu.barrier barrier_id(%barrier3A_57)
    %mul3A_58 = arith.constant 624 : i32
    %mul3A_59 = arith.muli %arg1, %mul3A_58 : i32
    %mul3A_60 = arith.constant 10000 : i32
    %mul3A_61 = arith.muli %arg0, %mul3A_60 : i32
    %mul3A_62 = arith.constant 624 : i32
    %mul3A_63 = arith.muli %arg1, %mul3A_62 : i32
    %add3A_64 = arith.addi %mul3A_61, %mul3A_63 : i32
    "tpu.region"() ({
      %run_scoped3A = tpu.sem_alloc : memref<!tpu.dma_semaphore, #tpu.memory_space<semaphore_mem>>
      %dma_start3A_70 = arith.constant 0 : i32
      %dma_start3A_71 = tpu.memref_slice %arg5[%add3A_64, %dma_start3A_70] : memref<20000x16xf32, #tpu.memory_space<hbm>> -> memref<624x16xf32, #tpu.memory_space<hbm>>
      %dma_start3A_72 = arith.constant 0 : i32
      %dma_start3A_73 = tpu.memref_slice %arg12[%mul3A_59, %dma_start3A_72] : memref<10000x16xf32, #tpu.memory_space<vmem_shared>> -> memref<624x16xf32, #tpu.memory_space<vmem_shared>>
      tpu.enqueue_dma source(%dma_start3A_73 : memref<624x16xf32, #tpu.memory_space<vmem_shared>>) target(%dma_start3A_71 : memref<624x16xf32, #tpu.memory_space<hbm>>) target_semaphore(%run_scoped3A : memref<!tpu.dma_semaphore, #tpu.memory_space<semaphore_mem>>)
      %dma_wait3A_74 = arith.constant 0 : i32
      %dma_wait3A_75 = tpu.memref_slice %arg5[%add3A_64, %dma_wait3A_74] : memref<20000x16xf32, #tpu.memory_space<hbm>> -> memref<624x16xf32, #tpu.memory_space<hbm>>
      %dma_wait3A_76 = arith.constant 0 : i32
      %dma_wait3A_77 = tpu.memref_slice %arg12[%mul3A_59, %dma_wait3A_76] : memref<10000x16xf32, #tpu.memory_space<vmem_shared>> -> memref<624x16xf32, #tpu.memory_space<vmem_shared>>
      tpu.wait_dma2 semaphore(%run_scoped3A : memref<!tpu.dma_semaphore, #tpu.memory_space<semaphore_mem>>) src(%dma_wait3A_77 : memref<624x16xf32, #tpu.memory_space<vmem_shared>>) dst(%dma_wait3A_75 : memref<624x16xf32, #tpu.memory_space<hbm>>)
      tpu.yield
    }) : () -> ()
    %eq3A_65 = arith.constant 0 : i32
    %eq3A_66 = arith.cmpi eq, %arg1, %eq3A_65 : i32
    %convert_element_type3A_67 = arith.extui %eq3A_66 : i1 to i32
    %cond3A_68 = arith.constant 0 : i32
    %cond3A_69 = arith.cmpi ne, %convert_element_type3A_67, %cond3A_68 : i32
    scf.if %cond3A_69 {
      %mul3A_70 = arith.constant 10000 : i32
      %mul3A_71 = arith.muli %arg0, %mul3A_70 : i32
      %add3A_72 = arith.constant 9984 : i32
      %add3A_73 = arith.addi %mul3A_71, %add3A_72 : i32
      "tpu.region"() ({
        %run_scoped3A = tpu.sem_alloc : memref<!tpu.dma_semaphore, #tpu.memory_space<semaphore_mem>>
        %dma_start3A_74 = arith.constant 0 : i32
        %dma_start3A_75 = tpu.memref_slice %arg5[%add3A_73, %dma_start3A_74] : memref<20000x16xf32, #tpu.memory_space<hbm>> -> memref<16x16xf32, #tpu.memory_space<hbm>>
        %dma_start3A_76 = arith.constant 9984 : i32
        %dma_start3A_77 = arith.constant 0 : i32
        %dma_start3A_78 = tpu.memref_slice %arg12[%dma_start3A_76, %dma_start3A_77] : memref<10000x16xf32, #tpu.memory_space<vmem_shared>> -> memref<16x16xf32, #tpu.memory_space<vmem_shared>>
        tpu.enqueue_dma source(%dma_start3A_78 : memref<16x16xf32, #tpu.memory_space<vmem_shared>>) target(%dma_start3A_75 : memref<16x16xf32, #tpu.memory_space<hbm>>) target_semaphore(%run_scoped3A : memref<!tpu.dma_semaphore, #tpu.memory_space<semaphore_mem>>)
        %dma_wait3A_79 = arith.constant 0 : i32
        %dma_wait3A_80 = tpu.memref_slice %arg5[%add3A_73, %dma_wait3A_79] : memref<20000x16xf32, #tpu.memory_space<hbm>> -> memref<16x16xf32, #tpu.memory_space<hbm>>
        %dma_wait3A_81 = arith.constant 9984 : i32
        %dma_wait3A_82 = arith.constant 0 : i32
        %dma_wait3A_83 = tpu.memref_slice %arg12[%dma_wait3A_81, %dma_wait3A_82] : memref<10000x16xf32, #tpu.memory_space<vmem_shared>> -> memref<16x16xf32, #tpu.memory_space<vmem_shared>>
        tpu.wait_dma2 semaphore(%run_scoped3A : memref<!tpu.dma_semaphore, #tpu.memory_space<semaphore_mem>>) src(%dma_wait3A_83 : memref<16x16xf32, #tpu.memory_space<vmem_shared>>) dst(%dma_wait3A_80 : memref<16x16xf32, #tpu.memory_space<hbm>>)
        tpu.yield
      }) : () -> ()
    } else {
    }
    return
  }
}

#map = affine_map<(d0, d1) -> (0, 0)>
#map1 = affine_map<(d0, d1) -> (0)>
module attributes {stable_mosaic.version = 14 : i64} {
  func.func @_sc_scatter_body(%arg0: i32, %arg1: i32, %arg2: memref<10000x128xf32, #tpu.memory_space<hbm>>, %arg3: memref<320000xi32, #tpu.memory_space<hbm>>, %arg4: memref<320000xi32, #tpu.memory_space<hbm>>, %arg5: memref<20000x128xf32, #tpu.memory_space<hbm>>, %arg6: memref<80xi32, #tpu.memory_space<vmem>>, %arg7: memref<80xi32, #tpu.memory_space<vmem>>, %arg8: memref<80xi32, #tpu.memory_space<vmem>>, %arg9: memref<80xi32, #tpu.memory_space<vmem>>, %arg10: memref<80xi32, #tpu.memory_space<vmem>>, %arg11: memref<80xi32, #tpu.memory_space<vmem>>, %arg12: memref<80xi32, #tpu.memory_space<vmem>>, %arg13: memref<80xi32, #tpu.memory_space<vmem>>, %arg14: memref<80x128xf32, #tpu.memory_space<vmem>>, %arg15: memref<80x128xf32, #tpu.memory_space<vmem>>, %arg16: memref<80x128xf32, #tpu.memory_space<vmem>>, %arg17: memref<80x128xf32, #tpu.memory_space<vmem>>, %arg18: memref<!tpu.dma_semaphore, #tpu.memory_space<semaphore_mem>>, %arg19: memref<!tpu.dma_semaphore, #tpu.memory_space<semaphore_mem>>, %arg20: memref<!tpu.dma_semaphore, #tpu.memory_space<semaphore_mem>>, %arg21: memref<!tpu.dma_semaphore, #tpu.memory_space<semaphore_mem>>, %arg22: memref<!tpu.dma_semaphore, #tpu.memory_space<semaphore_mem>>, %arg23: memref<!tpu.dma_semaphore, #tpu.memory_space<semaphore_mem>>, %arg24: memref<!tpu.dma_semaphore, #tpu.memory_space<semaphore_mem>>, %arg25: memref<!tpu.dma_semaphore, #tpu.memory_space<semaphore_mem>>, %arg26: memref<!tpu.dma_semaphore, #tpu.memory_space<semaphore_mem>>, %arg27: memref<!tpu.dma_semaphore, #tpu.memory_space<semaphore_mem>>, %arg28: memref<!tpu.dma_semaphore, #tpu.memory_space<semaphore_mem>>, %arg29: memref<!tpu.dma_semaphore, #tpu.memory_space<semaphore_mem>>, %arg30: memref<10000x128xf32, #tpu.memory_space<vmem_shared>>) attributes {dimension_semantics = [#tpu.dimension_semantics<core_parallel>, #tpu.dimension_semantics<subcore_parallel>], iteration_bounds = array<i64: 2, 16>, scalar_prefetch = 0 : i64, scratch_operands = 25 : i64, tpu.core_type = #tpu.core_type<sc_vector_subcore>, window_params = [{transform_indices = #map}, {transform_indices = #map1}, {transform_indices = #map1}, {transform_indices = #map}]} {
    %mul3A = arith.constant 16 : i32
    %mul3A_0 = arith.muli %arg0, %mul3A : i32
    %add3A = arith.addi %mul3A_0, %arg1 : i32
    %mul3A_1 = arith.constant 624 : i32
    %mul3A_2 = arith.muli %arg1, %mul3A_1 : i32
    %mul3A_3 = arith.constant 624 : i32
    %mul3A_4 = arith.muli %arg1, %mul3A_3 : i32
    "tpu.region"() ({
      %run_scoped3A = tpu.sem_alloc : memref<!tpu.dma_semaphore, #tpu.memory_space<semaphore_mem>>
      %dma_start3A_65 = arith.constant 0 : i32
      %dma_start3A_66 = tpu.memref_slice %arg30[%mul3A_4, %dma_start3A_65] : memref<10000x128xf32, #tpu.memory_space<vmem_shared>> -> memref<624x128xf32, #tpu.memory_space<vmem_shared>>
      %dma_start3A_67 = arith.constant 0 : i32
      %dma_start3A_68 = tpu.memref_slice %arg2[%mul3A_2, %dma_start3A_67] : memref<10000x128xf32, #tpu.memory_space<hbm>> -> memref<624x128xf32, #tpu.memory_space<hbm>>
      tpu.enqueue_dma source(%dma_start3A_68 : memref<624x128xf32, #tpu.memory_space<hbm>>) target(%dma_start3A_66 : memref<624x128xf32, #tpu.memory_space<vmem_shared>>) target_semaphore(%run_scoped3A : memref<!tpu.dma_semaphore, #tpu.memory_space<semaphore_mem>>)
      %dma_wait3A_69 = arith.constant 0 : i32
      %dma_wait3A_70 = tpu.memref_slice %arg30[%mul3A_4, %dma_wait3A_69] : memref<10000x128xf32, #tpu.memory_space<vmem_shared>> -> memref<624x128xf32, #tpu.memory_space<vmem_shared>>
      %dma_wait3A_71 = arith.constant 0 : i32
      %dma_wait3A_72 = tpu.memref_slice %arg2[%mul3A_2, %dma_wait3A_71] : memref<10000x128xf32, #tpu.memory_space<hbm>> -> memref<624x128xf32, #tpu.memory_space<hbm>>
      tpu.wait_dma2 semaphore(%run_scoped3A : memref<!tpu.dma_semaphore, #tpu.memory_space<semaphore_mem>>) src(%dma_wait3A_72 : memref<624x128xf32, #tpu.memory_space<hbm>>) dst(%dma_wait3A_70 : memref<624x128xf32, #tpu.memory_space<vmem_shared>>)
      tpu.yield
    }) : () -> ()
    %eq3A = arith.constant 0 : i32
    %eq3A_5 = arith.cmpi eq, %arg1, %eq3A : i32
    %convert_element_type3A = arith.extui %eq3A_5 : i1 to i32
    %cond3A = arith.constant 0 : i32
    %cond3A_6 = arith.cmpi ne, %convert_element_type3A, %cond3A : i32
    scf.if %cond3A_6 {
      "tpu.region"() ({
        %run_scoped3A = tpu.sem_alloc : memref<!tpu.dma_semaphore, #tpu.memory_space<semaphore_mem>>
        %dma_start3A_65 = arith.constant 9984 : i32
        %dma_start3A_66 = arith.constant 0 : i32
        %dma_start3A_67 = tpu.memref_slice %arg30[%dma_start3A_65, %dma_start3A_66] : memref<10000x128xf32, #tpu.memory_space<vmem_shared>> -> memref<16x128xf32, #tpu.memory_space<vmem_shared>>
        %dma_start3A_68 = arith.constant 9984 : i32
        %dma_start3A_69 = arith.constant 0 : i32
        %dma_start3A_70 = tpu.memref_slice %arg2[%dma_start3A_68, %dma_start3A_69] : memref<10000x128xf32, #tpu.memory_space<hbm>> -> memref<16x128xf32, #tpu.memory_space<hbm>>
        tpu.enqueue_dma source(%dma_start3A_70 : memref<16x128xf32, #tpu.memory_space<hbm>>) target(%dma_start3A_67 : memref<16x128xf32, #tpu.memory_space<vmem_shared>>) target_semaphore(%run_scoped3A : memref<!tpu.dma_semaphore, #tpu.memory_space<semaphore_mem>>)
        %dma_wait3A_71 = arith.constant 9984 : i32
        %dma_wait3A_72 = arith.constant 0 : i32
        %dma_wait3A_73 = tpu.memref_slice %arg30[%dma_wait3A_71, %dma_wait3A_72] : memref<10000x128xf32, #tpu.memory_space<vmem_shared>> -> memref<16x128xf32, #tpu.memory_space<vmem_shared>>
        %dma_wait3A_74 = arith.constant 9984 : i32
        %dma_wait3A_75 = arith.constant 0 : i32
        %dma_wait3A_76 = tpu.memref_slice %arg2[%dma_wait3A_74, %dma_wait3A_75] : memref<10000x128xf32, #tpu.memory_space<hbm>> -> memref<16x128xf32, #tpu.memory_space<hbm>>
        tpu.wait_dma2 semaphore(%run_scoped3A : memref<!tpu.dma_semaphore, #tpu.memory_space<semaphore_mem>>) src(%dma_wait3A_76 : memref<16x128xf32, #tpu.memory_space<hbm>>) dst(%dma_wait3A_73 : memref<16x128xf32, #tpu.memory_space<vmem_shared>>)
        tpu.yield
      }) : () -> ()
    } else {
    }
    %barrier3A = arith.constant 0 : index
    tpu.barrier barrier_id(%barrier3A)
    %mul3A_7 = arith.constant 10000 : i32
    %mul3A_8 = arith.muli %add3A, %mul3A_7 : i32
    %add3A_9 = arith.constant 0 : i32
    %add3A_10 = arith.addi %mul3A_8, %add3A_9 : i32
    %dma_start3A = tpu.memref_slice %arg3[%add3A_10] : memref<320000xi32, #tpu.memory_space<hbm>> -> memref<80xi32, #tpu.memory_space<hbm>>
    %dma_start3A_11 = tpu.memref_slice %arg3[%add3A_10] : memref<320000xi32, #tpu.memory_space<hbm>> -> memref<80xi32, #tpu.memory_space<hbm>>
    tpu.enqueue_dma source(%dma_start3A_11 : memref<80xi32, #tpu.memory_space<hbm>>) target(%arg6 : memref<80xi32, #tpu.memory_space<vmem>>) target_semaphore(%arg18 : memref<!tpu.dma_semaphore, #tpu.memory_space<semaphore_mem>>)
    %dma_start3A_12 = tpu.memref_slice %arg4[%add3A_10] : memref<320000xi32, #tpu.memory_space<hbm>> -> memref<80xi32, #tpu.memory_space<hbm>>
    %dma_start3A_13 = tpu.memref_slice %arg4[%add3A_10] : memref<320000xi32, #tpu.memory_space<hbm>> -> memref<80xi32, #tpu.memory_space<hbm>>
    tpu.enqueue_dma source(%dma_start3A_13 : memref<80xi32, #tpu.memory_space<hbm>>) target(%arg10 : memref<80xi32, #tpu.memory_space<vmem>>) target_semaphore(%arg18 : memref<!tpu.dma_semaphore, #tpu.memory_space<semaphore_mem>>)
    %mul3A_14 = arith.constant 10000 : i32
    %mul3A_15 = arith.muli %add3A, %mul3A_14 : i32
    %add3A_16 = arith.constant 80 : i32
    %add3A_17 = arith.addi %mul3A_15, %add3A_16 : i32
    %dma_start3A_18 = tpu.memref_slice %arg3[%add3A_17] : memref<320000xi32, #tpu.memory_space<hbm>> -> memref<80xi32, #tpu.memory_space<hbm>>
    %dma_start3A_19 = tpu.memref_slice %arg3[%add3A_17] : memref<320000xi32, #tpu.memory_space<hbm>> -> memref<80xi32, #tpu.memory_space<hbm>>
    tpu.enqueue_dma source(%dma_start3A_19 : memref<80xi32, #tpu.memory_space<hbm>>) target(%arg7 : memref<80xi32, #tpu.memory_space<vmem>>) target_semaphore(%arg19 : memref<!tpu.dma_semaphore, #tpu.memory_space<semaphore_mem>>)
    %dma_start3A_20 = tpu.memref_slice %arg4[%add3A_17] : memref<320000xi32, #tpu.memory_space<hbm>> -> memref<80xi32, #tpu.memory_space<hbm>>
    %dma_start3A_21 = tpu.memref_slice %arg4[%add3A_17] : memref<320000xi32, #tpu.memory_space<hbm>> -> memref<80xi32, #tpu.memory_space<hbm>>
    tpu.enqueue_dma source(%dma_start3A_21 : memref<80xi32, #tpu.memory_space<hbm>>) target(%arg11 : memref<80xi32, #tpu.memory_space<vmem>>) target_semaphore(%arg19 : memref<!tpu.dma_semaphore, #tpu.memory_space<semaphore_mem>>)
    %dma_wait3A = arith.constant 0 : i32
    %dma_wait3A_22 = tpu.memref_slice %arg3[%dma_wait3A] : memref<320000xi32, #tpu.memory_space<hbm>> -> memref<80xi32, #tpu.memory_space<hbm>>
    %dma_wait3A_23 = arith.constant 0 : i32
    %dma_wait3A_24 = tpu.memref_slice %arg3[%dma_wait3A_23] : memref<320000xi32, #tpu.memory_space<hbm>> -> memref<80xi32, #tpu.memory_space<hbm>>
    tpu.wait_dma2 semaphore(%arg18 : memref<!tpu.dma_semaphore, #tpu.memory_space<semaphore_mem>>) src(%dma_wait3A_24 : memref<80xi32, #tpu.memory_space<hbm>>) dst(%arg6 : memref<80xi32, #tpu.memory_space<vmem>>)
    %dma_wait3A_25 = arith.constant 0 : i32
    %dma_wait3A_26 = tpu.memref_slice %arg4[%dma_wait3A_25] : memref<320000xi32, #tpu.memory_space<hbm>> -> memref<80xi32, #tpu.memory_space<hbm>>
    %dma_wait3A_27 = arith.constant 0 : i32
    %dma_wait3A_28 = tpu.memref_slice %arg4[%dma_wait3A_27] : memref<320000xi32, #tpu.memory_space<hbm>> -> memref<80xi32, #tpu.memory_space<hbm>>
    tpu.wait_dma2 semaphore(%arg18 : memref<!tpu.dma_semaphore, #tpu.memory_space<semaphore_mem>>) src(%dma_wait3A_28 : memref<80xi32, #tpu.memory_space<hbm>>) dst(%arg10 : memref<80xi32, #tpu.memory_space<vmem>>)
    %dma_start3A_29 = arith.constant 0 : i32
    %dma_start3A_30 = arith.constant 0 : i32
    %dma_start3A_31 = tpu.memref_slice %arg2[%dma_start3A_29, %dma_start3A_30] : memref<10000x128xf32, #tpu.memory_space<hbm>> -> memref<10000x128xf32, #tpu.memory_space<hbm>>
    tpu.enqueue_indirect_dma source(%dma_start3A_31 : memref<10000x128xf32, #tpu.memory_space<hbm>>) target(%arg14 : memref<80x128xf32, #tpu.memory_space<vmem>>) offsets(%arg6 : memref<80xi32, #tpu.memory_space<vmem>>) semaphore(%arg22 : memref<!tpu.dma_semaphore, #tpu.memory_space<semaphore_mem>>)
    %scan3A = arith.constant 0 : i32
    %scan3A_32 = arith.constant 0 : i32
    %scan3A_33 = arith.constant 31 : i32
    %scan3A_34 = arith.addi %scan3A_32, %scan3A_33 : i32
    %scan3A_35 = arith.constant 1 : i32
    scf.for %scan3A_65 = %scan3A_32 to %scan3A_34 step %scan3A_35  : i32 {
      %mul3A_66 = arith.constant 4 : i32
      %mul3A_67 = arith.muli %scan3A_65, %mul3A_66 : i32
      %add3A_68 = arith.constant 0 : i32
      %add3A_69 = arith.addi %mul3A_67, %add3A_68 : i32
      %gt3A = arith.constant 0 : i32
      %gt3A_70 = arith.cmpi sgt, %scan3A_65, %gt3A : i32
      %convert_element_type3A_71 = arith.extui %gt3A_70 : i1 to i32
      %cond3A_72 = arith.constant 0 : i32
      %cond3A_73 = arith.cmpi ne, %convert_element_type3A_71, %cond3A_72 : i32
      scf.if %cond3A_73 {
        %dma_wait3A_204 = arith.constant 0 : i32
        %dma_wait3A_205 = arith.constant 0 : i32
        %dma_wait3A_206 = tpu.memref_slice %arg30[%dma_wait3A_204, %dma_wait3A_205] : memref<10000x128xf32, #tpu.memory_space<vmem_shared>> -> memref<10000x128xf32, #tpu.memory_space<vmem_shared>>
        tpu.wait_indirect_dma semaphore(%arg28 : memref<!tpu.dma_semaphore, #tpu.memory_space<semaphore_mem>>) src(%arg16 : memref<80x128xf32, #tpu.memory_space<vmem>>) dst(%dma_wait3A_206 : memref<10000x128xf32, #tpu.memory_space<vmem_shared>>)
      } else {
      }
      %add3A_74 = arith.constant 2 : i32
      %add3A_75 = arith.addi %add3A_69, %add3A_74 : i32
      %mul3A_76 = arith.constant 10000 : i32
      %mul3A_77 = arith.muli %add3A, %mul3A_76 : i32
      %mul3A_78 = arith.constant 80 : i32
      %mul3A_79 = arith.muli %add3A_75, %mul3A_78 : i32
      %add3A_80 = arith.addi %mul3A_77, %mul3A_79 : i32
      %dma_start3A_81 = tpu.memref_slice %arg3[%add3A_80] : memref<320000xi32, #tpu.memory_space<hbm>> -> memref<80xi32, #tpu.memory_space<hbm>>
      %dma_start3A_82 = tpu.memref_slice %arg3[%add3A_80] : memref<320000xi32, #tpu.memory_space<hbm>> -> memref<80xi32, #tpu.memory_space<hbm>>
      tpu.enqueue_dma source(%dma_start3A_82 : memref<80xi32, #tpu.memory_space<hbm>>) target(%arg8 : memref<80xi32, #tpu.memory_space<vmem>>) target_semaphore(%arg20 : memref<!tpu.dma_semaphore, #tpu.memory_space<semaphore_mem>>)
      %dma_start3A_83 = tpu.memref_slice %arg4[%add3A_80] : memref<320000xi32, #tpu.memory_space<hbm>> -> memref<80xi32, #tpu.memory_space<hbm>>
      %dma_start3A_84 = tpu.memref_slice %arg4[%add3A_80] : memref<320000xi32, #tpu.memory_space<hbm>> -> memref<80xi32, #tpu.memory_space<hbm>>
      tpu.enqueue_dma source(%dma_start3A_84 : memref<80xi32, #tpu.memory_space<hbm>>) target(%arg12 : memref<80xi32, #tpu.memory_space<vmem>>) target_semaphore(%arg20 : memref<!tpu.dma_semaphore, #tpu.memory_space<semaphore_mem>>)
      %dma_wait3A_85 = arith.constant 0 : i32
      %dma_wait3A_86 = tpu.memref_slice %arg3[%dma_wait3A_85] : memref<320000xi32, #tpu.memory_space<hbm>> -> memref<80xi32, #tpu.memory_space<hbm>>
      %dma_wait3A_87 = arith.constant 0 : i32
      %dma_wait3A_88 = tpu.memref_slice %arg3[%dma_wait3A_87] : memref<320000xi32, #tpu.memory_space<hbm>> -> memref<80xi32, #tpu.memory_space<hbm>>
      tpu.wait_dma2 semaphore(%arg19 : memref<!tpu.dma_semaphore, #tpu.memory_space<semaphore_mem>>) src(%dma_wait3A_88 : memref<80xi32, #tpu.memory_space<hbm>>) dst(%arg7 : memref<80xi32, #tpu.memory_space<vmem>>)
      %dma_wait3A_89 = arith.constant 0 : i32
      %dma_wait3A_90 = tpu.memref_slice %arg4[%dma_wait3A_89] : memref<320000xi32, #tpu.memory_space<hbm>> -> memref<80xi32, #tpu.memory_space<hbm>>
      %dma_wait3A_91 = arith.constant 0 : i32
      %dma_wait3A_92 = tpu.memref_slice %arg4[%dma_wait3A_91] : memref<320000xi32, #tpu.memory_space<hbm>> -> memref<80xi32, #tpu.memory_space<hbm>>
      tpu.wait_dma2 semaphore(%arg19 : memref<!tpu.dma_semaphore, #tpu.memory_space<semaphore_mem>>) src(%dma_wait3A_92 : memref<80xi32, #tpu.memory_space<hbm>>) dst(%arg11 : memref<80xi32, #tpu.memory_space<vmem>>)
      %dma_start3A_93 = arith.constant 0 : i32
      %dma_start3A_94 = arith.constant 0 : i32
      %dma_start3A_95 = tpu.memref_slice %arg2[%dma_start3A_93, %dma_start3A_94] : memref<10000x128xf32, #tpu.memory_space<hbm>> -> memref<10000x128xf32, #tpu.memory_space<hbm>>
      tpu.enqueue_indirect_dma source(%dma_start3A_95 : memref<10000x128xf32, #tpu.memory_space<hbm>>) target(%arg15 : memref<80x128xf32, #tpu.memory_space<vmem>>) offsets(%arg7 : memref<80xi32, #tpu.memory_space<vmem>>) semaphore(%arg23 : memref<!tpu.dma_semaphore, #tpu.memory_space<semaphore_mem>>)
      %dma_wait3A_96 = arith.constant 0 : i32
      %dma_wait3A_97 = arith.constant 0 : i32
      %dma_wait3A_98 = tpu.memref_slice %arg2[%dma_wait3A_96, %dma_wait3A_97] : memref<10000x128xf32, #tpu.memory_space<hbm>> -> memref<10000x128xf32, #tpu.memory_space<hbm>>
      tpu.wait_indirect_dma semaphore(%arg22 : memref<!tpu.dma_semaphore, #tpu.memory_space<semaphore_mem>>) src(%dma_wait3A_98 : memref<10000x128xf32, #tpu.memory_space<hbm>>) dst(%arg14 : memref<80x128xf32, #tpu.memory_space<vmem>>)
      %dma_start3A_99 = arith.constant 0 : i32
      %dma_start3A_100 = arith.constant 0 : i32
      %dma_start3A_101 = tpu.memref_slice %arg30[%dma_start3A_99, %dma_start3A_100] : memref<10000x128xf32, #tpu.memory_space<vmem_shared>> -> memref<10000x128xf32, #tpu.memory_space<vmem_shared>>
      tpu.enqueue_indirect_dma source(%arg14 : memref<80x128xf32, #tpu.memory_space<vmem>>) target(%dma_start3A_101 : memref<10000x128xf32, #tpu.memory_space<vmem_shared>>) offsets(%arg10 : memref<80xi32, #tpu.memory_space<vmem>>) semaphore(%arg26 : memref<!tpu.dma_semaphore, #tpu.memory_space<semaphore_mem>>) {add = true}
      %mul3A_102 = arith.constant 4 : i32
      %mul3A_103 = arith.muli %scan3A_65, %mul3A_102 : i32
      %add3A_104 = arith.constant 1 : i32
      %add3A_105 = arith.addi %mul3A_103, %add3A_104 : i32
      %gt3A_106 = arith.constant 0 : i32
      %gt3A_107 = arith.cmpi sgt, %scan3A_65, %gt3A_106 : i32
      %convert_element_type3A_108 = arith.extui %gt3A_107 : i1 to i32
      %cond3A_109 = arith.constant 0 : i32
      %cond3A_110 = arith.cmpi ne, %convert_element_type3A_108, %cond3A_109 : i32
      scf.if %cond3A_110 {
        %dma_wait3A_204 = arith.constant 0 : i32
        %dma_wait3A_205 = arith.constant 0 : i32
        %dma_wait3A_206 = tpu.memref_slice %arg30[%dma_wait3A_204, %dma_wait3A_205] : memref<10000x128xf32, #tpu.memory_space<vmem_shared>> -> memref<10000x128xf32, #tpu.memory_space<vmem_shared>>
        tpu.wait_indirect_dma semaphore(%arg29 : memref<!tpu.dma_semaphore, #tpu.memory_space<semaphore_mem>>) src(%arg17 : memref<80x128xf32, #tpu.memory_space<vmem>>) dst(%dma_wait3A_206 : memref<10000x128xf32, #tpu.memory_space<vmem_shared>>)
      } else {
      }
      %add3A_111 = arith.constant 2 : i32
      %add3A_112 = arith.addi %add3A_105, %add3A_111 : i32
      %mul3A_113 = arith.constant 10000 : i32
      %mul3A_114 = arith.muli %add3A, %mul3A_113 : i32
      %mul3A_115 = arith.constant 80 : i32
      %mul3A_116 = arith.muli %add3A_112, %mul3A_115 : i32
      %add3A_117 = arith.addi %mul3A_114, %mul3A_116 : i32
      %dma_start3A_118 = tpu.memref_slice %arg3[%add3A_117] : memref<320000xi32, #tpu.memory_space<hbm>> -> memref<80xi32, #tpu.memory_space<hbm>>
      %dma_start3A_119 = tpu.memref_slice %arg3[%add3A_117] : memref<320000xi32, #tpu.memory_space<hbm>> -> memref<80xi32, #tpu.memory_space<hbm>>
      tpu.enqueue_dma source(%dma_start3A_119 : memref<80xi32, #tpu.memory_space<hbm>>) target(%arg9 : memref<80xi32, #tpu.memory_space<vmem>>) target_semaphore(%arg21 : memref<!tpu.dma_semaphore, #tpu.memory_space<semaphore_mem>>)
      %dma_start3A_120 = tpu.memref_slice %arg4[%add3A_117] : memref<320000xi32, #tpu.memory_space<hbm>> -> memref<80xi32, #tpu.memory_space<hbm>>
      %dma_start3A_121 = tpu.memref_slice %arg4[%add3A_117] : memref<320000xi32, #tpu.memory_space<hbm>> -> memref<80xi32, #tpu.memory_space<hbm>>
      tpu.enqueue_dma source(%dma_start3A_121 : memref<80xi32, #tpu.memory_space<hbm>>) target(%arg13 : memref<80xi32, #tpu.memory_space<vmem>>) target_semaphore(%arg21 : memref<!tpu.dma_semaphore, #tpu.memory_space<semaphore_mem>>)
      %dma_wait3A_122 = arith.constant 0 : i32
      %dma_wait3A_123 = tpu.memref_slice %arg3[%dma_wait3A_122] : memref<320000xi32, #tpu.memory_space<hbm>> -> memref<80xi32, #tpu.memory_space<hbm>>
      %dma_wait3A_124 = arith.constant 0 : i32
      %dma_wait3A_125 = tpu.memref_slice %arg3[%dma_wait3A_124] : memref<320000xi32, #tpu.memory_space<hbm>> -> memref<80xi32, #tpu.memory_space<hbm>>
      tpu.wait_dma2 semaphore(%arg20 : memref<!tpu.dma_semaphore, #tpu.memory_space<semaphore_mem>>) src(%dma_wait3A_125 : memref<80xi32, #tpu.memory_space<hbm>>) dst(%arg8 : memref<80xi32, #tpu.memory_space<vmem>>)
      %dma_wait3A_126 = arith.constant 0 : i32
      %dma_wait3A_127 = tpu.memref_slice %arg4[%dma_wait3A_126] : memref<320000xi32, #tpu.memory_space<hbm>> -> memref<80xi32, #tpu.memory_space<hbm>>
      %dma_wait3A_128 = arith.constant 0 : i32
      %dma_wait3A_129 = tpu.memref_slice %arg4[%dma_wait3A_128] : memref<320000xi32, #tpu.memory_space<hbm>> -> memref<80xi32, #tpu.memory_space<hbm>>
      tpu.wait_dma2 semaphore(%arg20 : memref<!tpu.dma_semaphore, #tpu.memory_space<semaphore_mem>>) src(%dma_wait3A_129 : memref<80xi32, #tpu.memory_space<hbm>>) dst(%arg12 : memref<80xi32, #tpu.memory_space<vmem>>)
      %dma_start3A_130 = arith.constant 0 : i32
      %dma_start3A_131 = arith.constant 0 : i32
      %dma_start3A_132 = tpu.memref_slice %arg2[%dma_start3A_130, %dma_start3A_131] : memref<10000x128xf32, #tpu.memory_space<hbm>> -> memref<10000x128xf32, #tpu.memory_space<hbm>>
      tpu.enqueue_indirect_dma source(%dma_start3A_132 : memref<10000x128xf32, #tpu.memory_space<hbm>>) target(%arg16 : memref<80x128xf32, #tpu.memory_space<vmem>>) offsets(%arg8 : memref<80xi32, #tpu.memory_space<vmem>>) semaphore(%arg24 : memref<!tpu.dma_semaphore, #tpu.memory_space<semaphore_mem>>)
      %dma_wait3A_133 = arith.constant 0 : i32
      %dma_wait3A_134 = arith.constant 0 : i32
      %dma_wait3A_135 = tpu.memref_slice %arg2[%dma_wait3A_133, %dma_wait3A_134] : memref<10000x128xf32, #tpu.memory_space<hbm>> -> memref<10000x128xf32, #tpu.memory_space<hbm>>
      tpu.wait_indirect_dma semaphore(%arg23 : memref<!tpu.dma_semaphore, #tpu.memory_space<semaphore_mem>>) src(%dma_wait3A_135 : memref<10000x128xf32, #tpu.memory_space<hbm>>) dst(%arg15 : memref<80x128xf32, #tpu.memory_space<vmem>>)
      %dma_start3A_136 = arith.constant 0 : i32
      %dma_start3A_137 = arith.constant 0 : i32
      %dma_start3A_138 = tpu.memref_slice %arg30[%dma_start3A_136, %dma_start3A_137] : memref<10000x128xf32, #tpu.memory_space<vmem_shared>> -> memref<10000x128xf32, #tpu.memory_space<vmem_shared>>
      tpu.enqueue_indirect_dma source(%arg15 : memref<80x128xf32, #tpu.memory_space<vmem>>) target(%dma_start3A_138 : memref<10000x128xf32, #tpu.memory_space<vmem_shared>>) offsets(%arg11 : memref<80xi32, #tpu.memory_space<vmem>>) semaphore(%arg27 : memref<!tpu.dma_semaphore, #tpu.memory_space<semaphore_mem>>) {add = true}
      %mul3A_139 = arith.constant 4 : i32
      %mul3A_140 = arith.muli %scan3A_65, %mul3A_139 : i32
      %add3A_141 = arith.constant 2 : i32
      %add3A_142 = arith.addi %mul3A_140, %add3A_141 : i32
      %dma_wait3A_143 = arith.constant 0 : i32
      %dma_wait3A_144 = arith.constant 0 : i32
      %dma_wait3A_145 = tpu.memref_slice %arg30[%dma_wait3A_143, %dma_wait3A_144] : memref<10000x128xf32, #tpu.memory_space<vmem_shared>> -> memref<10000x128xf32, #tpu.memory_space<vmem_shared>>
      tpu.wait_indirect_dma semaphore(%arg26 : memref<!tpu.dma_semaphore, #tpu.memory_space<semaphore_mem>>) src(%arg14 : memref<80x128xf32, #tpu.memory_space<vmem>>) dst(%dma_wait3A_145 : memref<10000x128xf32, #tpu.memory_space<vmem_shared>>)
      %add3A_146 = arith.constant 2 : i32
      %add3A_147 = arith.addi %add3A_142, %add3A_146 : i32
      %mul3A_148 = arith.constant 10000 : i32
      %mul3A_149 = arith.muli %add3A, %mul3A_148 : i32
      %mul3A_150 = arith.constant 80 : i32
      %mul3A_151 = arith.muli %add3A_147, %mul3A_150 : i32
      %add3A_152 = arith.addi %mul3A_149, %mul3A_151 : i32
      %dma_start3A_153 = tpu.memref_slice %arg3[%add3A_152] : memref<320000xi32, #tpu.memory_space<hbm>> -> memref<80xi32, #tpu.memory_space<hbm>>
      %dma_start3A_154 = tpu.memref_slice %arg3[%add3A_152] : memref<320000xi32, #tpu.memory_space<hbm>> -> memref<80xi32, #tpu.memory_space<hbm>>
      tpu.enqueue_dma source(%dma_start3A_154 : memref<80xi32, #tpu.memory_space<hbm>>) target(%arg6 : memref<80xi32, #tpu.memory_space<vmem>>) target_semaphore(%arg18 : memref<!tpu.dma_semaphore, #tpu.memory_space<semaphore_mem>>)
      %dma_start3A_155 = tpu.memref_slice %arg4[%add3A_152] : memref<320000xi32, #tpu.memory_space<hbm>> -> memref<80xi32, #tpu.memory_space<hbm>>
      %dma_start3A_156 = tpu.memref_slice %arg4[%add3A_152] : memref<320000xi32, #tpu.memory_space<hbm>> -> memref<80xi32, #tpu.memory_space<hbm>>
      tpu.enqueue_dma source(%dma_start3A_156 : memref<80xi32, #tpu.memory_space<hbm>>) target(%arg10 : memref<80xi32, #tpu.memory_space<vmem>>) target_semaphore(%arg18 : memref<!tpu.dma_semaphore, #tpu.memory_space<semaphore_mem>>)
      %dma_wait3A_157 = arith.constant 0 : i32
      %dma_wait3A_158 = tpu.memref_slice %arg3[%dma_wait3A_157] : memref<320000xi32, #tpu.memory_space<hbm>> -> memref<80xi32, #tpu.memory_space<hbm>>
      %dma_wait3A_159 = arith.constant 0 : i32
      %dma_wait3A_160 = tpu.memref_slice %arg3[%dma_wait3A_159] : memref<320000xi32, #tpu.memory_space<hbm>> -> memref<80xi32, #tpu.memory_space<hbm>>
      tpu.wait_dma2 semaphore(%arg21 : memref<!tpu.dma_semaphore, #tpu.memory_space<semaphore_mem>>) src(%dma_wait3A_160 : memref<80xi32, #tpu.memory_space<hbm>>) dst(%arg9 : memref<80xi32, #tpu.memory_space<vmem>>)
      %dma_wait3A_161 = arith.constant 0 : i32
      %dma_wait3A_162 = tpu.memref_slice %arg4[%dma_wait3A_161] : memref<320000xi32, #tpu.memory_space<hbm>> -> memref<80xi32, #tpu.memory_space<hbm>>
      %dma_wait3A_163 = arith.constant 0 : i32
      %dma_wait3A_164 = tpu.memref_slice %arg4[%dma_wait3A_163] : memref<320000xi32, #tpu.memory_space<hbm>> -> memref<80xi32, #tpu.memory_space<hbm>>
      tpu.wait_dma2 semaphore(%arg21 : memref<!tpu.dma_semaphore, #tpu.memory_space<semaphore_mem>>) src(%dma_wait3A_164 : memref<80xi32, #tpu.memory_space<hbm>>) dst(%arg13 : memref<80xi32, #tpu.memory_space<vmem>>)
      %dma_start3A_165 = arith.constant 0 : i32
      %dma_start3A_166 = arith.constant 0 : i32
      %dma_start3A_167 = tpu.memref_slice %arg2[%dma_start3A_165, %dma_start3A_166] : memref<10000x128xf32, #tpu.memory_space<hbm>> -> memref<10000x128xf32, #tpu.memory_space<hbm>>
      tpu.enqueue_indirect_dma source(%dma_start3A_167 : memref<10000x128xf32, #tpu.memory_space<hbm>>) target(%arg17 : memref<80x128xf32, #tpu.memory_space<vmem>>) offsets(%arg9 : memref<80xi32, #tpu.memory_space<vmem>>) semaphore(%arg25 : memref<!tpu.dma_semaphore, #tpu.memory_space<semaphore_mem>>)
      %dma_wait3A_168 = arith.constant 0 : i32
      %dma_wait3A_169 = arith.constant 0 : i32
      %dma_wait3A_170 = tpu.memref_slice %arg2[%dma_wait3A_168, %dma_wait3A_169] : memref<10000x128xf32, #tpu.memory_space<hbm>> -> memref<10000x128xf32, #tpu.memory_space<hbm>>
      tpu.wait_indirect_dma semaphore(%arg24 : memref<!tpu.dma_semaphore, #tpu.memory_space<semaphore_mem>>) src(%dma_wait3A_170 : memref<10000x128xf32, #tpu.memory_space<hbm>>) dst(%arg16 : memref<80x128xf32, #tpu.memory_space<vmem>>)
      %dma_start3A_171 = arith.constant 0 : i32
      %dma_start3A_172 = arith.constant 0 : i32
      %dma_start3A_173 = tpu.memref_slice %arg30[%dma_start3A_171, %dma_start3A_172] : memref<10000x128xf32, #tpu.memory_space<vmem_shared>> -> memref<10000x128xf32, #tpu.memory_space<vmem_shared>>
      tpu.enqueue_indirect_dma source(%arg16 : memref<80x128xf32, #tpu.memory_space<vmem>>) target(%dma_start3A_173 : memref<10000x128xf32, #tpu.memory_space<vmem_shared>>) offsets(%arg12 : memref<80xi32, #tpu.memory_space<vmem>>) semaphore(%arg28 : memref<!tpu.dma_semaphore, #tpu.memory_space<semaphore_mem>>) {add = true}
      %mul3A_174 = arith.constant 4 : i32
      %mul3A_175 = arith.muli %scan3A_65, %mul3A_174 : i32
      %add3A_176 = arith.constant 3 : i32
      %add3A_177 = arith.addi %mul3A_175, %add3A_176 : i32
      %dma_wait3A_178 = arith.constant 0 : i32
      %dma_wait3A_179 = arith.constant 0 : i32
      %dma_wait3A_180 = tpu.memref_slice %arg30[%dma_wait3A_178, %dma_wait3A_179] : memref<10000x128xf32, #tpu.memory_space<vmem_shared>> -> memref<10000x128xf32, #tpu.memory_space<vmem_shared>>
      tpu.wait_indirect_dma semaphore(%arg27 : memref<!tpu.dma_semaphore, #tpu.memory_space<semaphore_mem>>) src(%arg15 : memref<80x128xf32, #tpu.memory_space<vmem>>) dst(%dma_wait3A_180 : memref<10000x128xf32, #tpu.memory_space<vmem_shared>>)
      %add3A_181 = arith.constant 1 : i32
      %add3A_182 = arith.addi %scan3A_65, %add3A_181 : i32
      %lt3A = arith.constant 31 : i32
      %lt3A_183 = arith.cmpi slt, %add3A_182, %lt3A : i32
      %convert_element_type3A_184 = arith.extui %lt3A_183 : i1 to i32
      %cond3A_185 = arith.constant 0 : i32
      %cond3A_186 = arith.cmpi ne, %convert_element_type3A_184, %cond3A_185 : i32
      scf.if %cond3A_186 {
        %add3A_204 = arith.constant 2 : i32
        %add3A_205 = arith.addi %add3A_177, %add3A_204 : i32
        %mul3A_206 = arith.constant 10000 : i32
        %mul3A_207 = arith.muli %add3A, %mul3A_206 : i32
        %mul3A_208 = arith.constant 80 : i32
        %mul3A_209 = arith.muli %add3A_205, %mul3A_208 : i32
        %add3A_210 = arith.addi %mul3A_207, %mul3A_209 : i32
        %dma_start3A_211 = tpu.memref_slice %arg3[%add3A_210] : memref<320000xi32, #tpu.memory_space<hbm>> -> memref<80xi32, #tpu.memory_space<hbm>>
        %dma_start3A_212 = tpu.memref_slice %arg3[%add3A_210] : memref<320000xi32, #tpu.memory_space<hbm>> -> memref<80xi32, #tpu.memory_space<hbm>>
        tpu.enqueue_dma source(%dma_start3A_212 : memref<80xi32, #tpu.memory_space<hbm>>) target(%arg7 : memref<80xi32, #tpu.memory_space<vmem>>) target_semaphore(%arg19 : memref<!tpu.dma_semaphore, #tpu.memory_space<semaphore_mem>>)
        %dma_start3A_213 = tpu.memref_slice %arg4[%add3A_210] : memref<320000xi32, #tpu.memory_space<hbm>> -> memref<80xi32, #tpu.memory_space<hbm>>
        %dma_start3A_214 = tpu.memref_slice %arg4[%add3A_210] : memref<320000xi32, #tpu.memory_space<hbm>> -> memref<80xi32, #tpu.memory_space<hbm>>
        tpu.enqueue_dma source(%dma_start3A_214 : memref<80xi32, #tpu.memory_space<hbm>>) target(%arg11 : memref<80xi32, #tpu.memory_space<vmem>>) target_semaphore(%arg19 : memref<!tpu.dma_semaphore, #tpu.memory_space<semaphore_mem>>)
      } else {
      }
      %dma_wait3A_187 = arith.constant 0 : i32
      %dma_wait3A_188 = tpu.memref_slice %arg3[%dma_wait3A_187] : memref<320000xi32, #tpu.memory_space<hbm>> -> memref<80xi32, #tpu.memory_space<hbm>>
      %dma_wait3A_189 = arith.constant 0 : i32
      %dma_wait3A_190 = tpu.memref_slice %arg3[%dma_wait3A_189] : memref<320000xi32, #tpu.memory_space<hbm>> -> memref<80xi32, #tpu.memory_space<hbm>>
      tpu.wait_dma2 semaphore(%arg18 : memref<!tpu.dma_semaphore, #tpu.memory_space<semaphore_mem>>) src(%dma_wait3A_190 : memref<80xi32, #tpu.memory_space<hbm>>) dst(%arg6 : memref<80xi32, #tpu.memory_space<vmem>>)
      %dma_wait3A_191 = arith.constant 0 : i32
      %dma_wait3A_192 = tpu.memref_slice %arg4[%dma_wait3A_191] : memref<320000xi32, #tpu.memory_space<hbm>> -> memref<80xi32, #tpu.memory_space<hbm>>
      %dma_wait3A_193 = arith.constant 0 : i32
      %dma_wait3A_194 = tpu.memref_slice %arg4[%dma_wait3A_193] : memref<320000xi32, #tpu.memory_space<hbm>> -> memref<80xi32, #tpu.memory_space<hbm>>
      tpu.wait_dma2 semaphore(%arg18 : memref<!tpu.dma_semaphore, #tpu.memory_space<semaphore_mem>>) src(%dma_wait3A_194 : memref<80xi32, #tpu.memory_space<hbm>>) dst(%arg10 : memref<80xi32, #tpu.memory_space<vmem>>)
      %dma_start3A_195 = arith.constant 0 : i32
      %dma_start3A_196 = arith.constant 0 : i32
      %dma_start3A_197 = tpu.memref_slice %arg2[%dma_start3A_195, %dma_start3A_196] : memref<10000x128xf32, #tpu.memory_space<hbm>> -> memref<10000x128xf32, #tpu.memory_space<hbm>>
      tpu.enqueue_indirect_dma source(%dma_start3A_197 : memref<10000x128xf32, #tpu.memory_space<hbm>>) target(%arg14 : memref<80x128xf32, #tpu.memory_space<vmem>>) offsets(%arg6 : memref<80xi32, #tpu.memory_space<vmem>>) semaphore(%arg22 : memref<!tpu.dma_semaphore, #tpu.memory_space<semaphore_mem>>)
      %dma_wait3A_198 = arith.constant 0 : i32
      %dma_wait3A_199 = arith.constant 0 : i32
      %dma_wait3A_200 = tpu.memref_slice %arg2[%dma_wait3A_198, %dma_wait3A_199] : memref<10000x128xf32, #tpu.memory_space<hbm>> -> memref<10000x128xf32, #tpu.memory_space<hbm>>
      tpu.wait_indirect_dma semaphore(%arg25 : memref<!tpu.dma_semaphore, #tpu.memory_space<semaphore_mem>>) src(%dma_wait3A_200 : memref<10000x128xf32, #tpu.memory_space<hbm>>) dst(%arg17 : memref<80x128xf32, #tpu.memory_space<vmem>>)
      %dma_start3A_201 = arith.constant 0 : i32
      %dma_start3A_202 = arith.constant 0 : i32
      %dma_start3A_203 = tpu.memref_slice %arg30[%dma_start3A_201, %dma_start3A_202] : memref<10000x128xf32, #tpu.memory_space<vmem_shared>> -> memref<10000x128xf32, #tpu.memory_space<vmem_shared>>
      tpu.enqueue_indirect_dma source(%arg17 : memref<80x128xf32, #tpu.memory_space<vmem>>) target(%dma_start3A_203 : memref<10000x128xf32, #tpu.memory_space<vmem_shared>>) offsets(%arg13 : memref<80xi32, #tpu.memory_space<vmem>>) semaphore(%arg29 : memref<!tpu.dma_semaphore, #tpu.memory_space<semaphore_mem>>) {add = true}
    }
    %scan3A_36 = arith.constant 31 : i32
    %dma_wait3A_37 = arith.constant 0 : i32
    %dma_wait3A_38 = arith.constant 0 : i32
    %dma_wait3A_39 = tpu.memref_slice %arg30[%dma_wait3A_37, %dma_wait3A_38] : memref<10000x128xf32, #tpu.memory_space<vmem_shared>> -> memref<10000x128xf32, #tpu.memory_space<vmem_shared>>
    tpu.wait_indirect_dma semaphore(%arg28 : memref<!tpu.dma_semaphore, #tpu.memory_space<semaphore_mem>>) src(%arg16 : memref<80x128xf32, #tpu.memory_space<vmem>>) dst(%dma_wait3A_39 : memref<10000x128xf32, #tpu.memory_space<vmem_shared>>)
    %dma_wait3A_40 = arith.constant 0 : i32
    %dma_wait3A_41 = arith.constant 0 : i32
    %dma_wait3A_42 = tpu.memref_slice %arg2[%dma_wait3A_40, %dma_wait3A_41] : memref<10000x128xf32, #tpu.memory_space<hbm>> -> memref<10000x128xf32, #tpu.memory_space<hbm>>
    tpu.wait_indirect_dma semaphore(%arg22 : memref<!tpu.dma_semaphore, #tpu.memory_space<semaphore_mem>>) src(%dma_wait3A_42 : memref<10000x128xf32, #tpu.memory_space<hbm>>) dst(%arg14 : memref<80x128xf32, #tpu.memory_space<vmem>>)
    %dma_start3A_43 = arith.constant 0 : i32
    %dma_start3A_44 = arith.constant 0 : i32
    %dma_start3A_45 = tpu.memref_slice %arg30[%dma_start3A_43, %dma_start3A_44] : memref<10000x128xf32, #tpu.memory_space<vmem_shared>> -> memref<10000x128xf32, #tpu.memory_space<vmem_shared>>
    tpu.enqueue_indirect_dma source(%arg14 : memref<80x128xf32, #tpu.memory_space<vmem>>) target(%dma_start3A_45 : memref<10000x128xf32, #tpu.memory_space<vmem_shared>>) offsets(%arg10 : memref<80xi32, #tpu.memory_space<vmem>>) semaphore(%arg26 : memref<!tpu.dma_semaphore, #tpu.memory_space<semaphore_mem>>) {add = true}
    %dma_wait3A_46 = arith.constant 0 : i32
    %dma_wait3A_47 = arith.constant 0 : i32
    %dma_wait3A_48 = tpu.memref_slice %arg30[%dma_wait3A_46, %dma_wait3A_47] : memref<10000x128xf32, #tpu.memory_space<vmem_shared>> -> memref<10000x128xf32, #tpu.memory_space<vmem_shared>>
    tpu.wait_indirect_dma semaphore(%arg29 : memref<!tpu.dma_semaphore, #tpu.memory_space<semaphore_mem>>) src(%arg17 : memref<80x128xf32, #tpu.memory_space<vmem>>) dst(%dma_wait3A_48 : memref<10000x128xf32, #tpu.memory_space<vmem_shared>>)
    %dma_wait3A_49 = arith.constant 0 : i32
    %dma_wait3A_50 = arith.constant 0 : i32
    %dma_wait3A_51 = tpu.memref_slice %arg30[%dma_wait3A_49, %dma_wait3A_50] : memref<10000x128xf32, #tpu.memory_space<vmem_shared>> -> memref<10000x128xf32, #tpu.memory_space<vmem_shared>>
    tpu.wait_indirect_dma semaphore(%arg26 : memref<!tpu.dma_semaphore, #tpu.memory_space<semaphore_mem>>) src(%arg14 : memref<80x128xf32, #tpu.memory_space<vmem>>) dst(%dma_wait3A_51 : memref<10000x128xf32, #tpu.memory_space<vmem_shared>>)
    %barrier3A_52 = arith.constant 0 : index
    tpu.barrier barrier_id(%barrier3A_52)
    %mul3A_53 = arith.constant 624 : i32
    %mul3A_54 = arith.muli %arg1, %mul3A_53 : i32
    %mul3A_55 = arith.constant 10000 : i32
    %mul3A_56 = arith.muli %arg0, %mul3A_55 : i32
    %mul3A_57 = arith.constant 624 : i32
    %mul3A_58 = arith.muli %arg1, %mul3A_57 : i32
    %add3A_59 = arith.addi %mul3A_56, %mul3A_58 : i32
    "tpu.region"() ({
      %run_scoped3A = tpu.sem_alloc : memref<!tpu.dma_semaphore, #tpu.memory_space<semaphore_mem>>
      %dma_start3A_65 = arith.constant 0 : i32
      %dma_start3A_66 = tpu.memref_slice %arg5[%add3A_59, %dma_start3A_65] : memref<20000x128xf32, #tpu.memory_space<hbm>> -> memref<624x128xf32, #tpu.memory_space<hbm>>
      %dma_start3A_67 = arith.constant 0 : i32
      %dma_start3A_68 = tpu.memref_slice %arg30[%mul3A_54, %dma_start3A_67] : memref<10000x128xf32, #tpu.memory_space<vmem_shared>> -> memref<624x128xf32, #tpu.memory_space<vmem_shared>>
      tpu.enqueue_dma source(%dma_start3A_68 : memref<624x128xf32, #tpu.memory_space<vmem_shared>>) target(%dma_start3A_66 : memref<624x128xf32, #tpu.memory_space<hbm>>) target_semaphore(%run_scoped3A : memref<!tpu.dma_semaphore, #tpu.memory_space<semaphore_mem>>)
      %dma_wait3A_69 = arith.constant 0 : i32
      %dma_wait3A_70 = tpu.memref_slice %arg5[%add3A_59, %dma_wait3A_69] : memref<20000x128xf32, #tpu.memory_space<hbm>> -> memref<624x128xf32, #tpu.memory_space<hbm>>
      %dma_wait3A_71 = arith.constant 0 : i32
      %dma_wait3A_72 = tpu.memref_slice %arg30[%mul3A_54, %dma_wait3A_71] : memref<10000x128xf32, #tpu.memory_space<vmem_shared>> -> memref<624x128xf32, #tpu.memory_space<vmem_shared>>
      tpu.wait_dma2 semaphore(%run_scoped3A : memref<!tpu.dma_semaphore, #tpu.memory_space<semaphore_mem>>) src(%dma_wait3A_72 : memref<624x128xf32, #tpu.memory_space<vmem_shared>>) dst(%dma_wait3A_70 : memref<624x128xf32, #tpu.memory_space<hbm>>)
      tpu.yield
    }) : () -> ()
    %eq3A_60 = arith.constant 0 : i32
    %eq3A_61 = arith.cmpi eq, %arg1, %eq3A_60 : i32
    %convert_element_type3A_62 = arith.extui %eq3A_61 : i1 to i32
    %cond3A_63 = arith.constant 0 : i32
    %cond3A_64 = arith.cmpi ne, %convert_element_type3A_62, %cond3A_63 : i32
    scf.if %cond3A_64 {
      %mul3A_65 = arith.constant 10000 : i32
      %mul3A_66 = arith.muli %arg0, %mul3A_65 : i32
      %add3A_67 = arith.constant 9984 : i32
      %add3A_68 = arith.addi %mul3A_66, %add3A_67 : i32
      "tpu.region"() ({
        %run_scoped3A = tpu.sem_alloc : memref<!tpu.dma_semaphore, #tpu.memory_space<semaphore_mem>>
        %dma_start3A_69 = arith.constant 0 : i32
        %dma_start3A_70 = tpu.memref_slice %arg5[%add3A_68, %dma_start3A_69] : memref<20000x128xf32, #tpu.memory_space<hbm>> -> memref<16x128xf32, #tpu.memory_space<hbm>>
        %dma_start3A_71 = arith.constant 9984 : i32
        %dma_start3A_72 = arith.constant 0 : i32
        %dma_start3A_73 = tpu.memref_slice %arg30[%dma_start3A_71, %dma_start3A_72] : memref<10000x128xf32, #tpu.memory_space<vmem_shared>> -> memref<16x128xf32, #tpu.memory_space<vmem_shared>>
        tpu.enqueue_dma source(%dma_start3A_73 : memref<16x128xf32, #tpu.memory_space<vmem_shared>>) target(%dma_start3A_70 : memref<16x128xf32, #tpu.memory_space<hbm>>) target_semaphore(%run_scoped3A : memref<!tpu.dma_semaphore, #tpu.memory_space<semaphore_mem>>)
        %dma_wait3A_74 = arith.constant 0 : i32
        %dma_wait3A_75 = tpu.memref_slice %arg5[%add3A_68, %dma_wait3A_74] : memref<20000x128xf32, #tpu.memory_space<hbm>> -> memref<16x128xf32, #tpu.memory_space<hbm>>
        %dma_wait3A_76 = arith.constant 9984 : i32
        %dma_wait3A_77 = arith.constant 0 : i32
        %dma_wait3A_78 = tpu.memref_slice %arg30[%dma_wait3A_76, %dma_wait3A_77] : memref<10000x128xf32, #tpu.memory_space<vmem_shared>> -> memref<16x128xf32, #tpu.memory_space<vmem_shared>>
        tpu.wait_dma2 semaphore(%run_scoped3A : memref<!tpu.dma_semaphore, #tpu.memory_space<semaphore_mem>>) src(%dma_wait3A_78 : memref<16x128xf32, #tpu.memory_space<vmem_shared>>) dst(%dma_wait3A_75 : memref<16x128xf32, #tpu.memory_space<hbm>>)
        tpu.yield
      }) : () -> ()
    } else {
    }
    return
  }
}

module attributes {stable_mosaic.version = 14 : i64} {
  func.func @_tc_pre_body(%arg0: i32, %arg1: memref<1000x16xf32, #tpu.memory_space<vmem>>, %arg2: memref<1000x16xf32, #tpu.memory_space<vmem>>, %arg3: memref<1000x128xf32, #tpu.memory_space<vmem>>, %arg4: memref<128x128xf32, #tpu.memory_space<vmem>>, %arg5: memref<1000x1xf32, #tpu.memory_space<vmem>>, %arg6: memref<1000x128xf32, #tpu.memory_space<vmem>>) attributes {dimension_semantics = [#tpu.dimension_semantics<arbitrary>], iteration_bounds = array<i64: 10>, scalar_prefetch = 0 : i64, scratch_operands = 0 : i64, tpu.core_type = #tpu.core_type<tc>, window_params = [{transform_indices = @transform_0, window_bounds = array<i64: 1000, 16>}, {transform_indices = @transform_1, window_bounds = array<i64: 1000, 16>}, {transform_indices = @transform_2, window_bounds = array<i64: 1000, 128>}, {pipeline_mode = #tpu.pipeline_mode<synchronous>, transform_indices = @transform_3, window_bounds = array<i64: 128, 128>}, {transform_indices = @transform_4, window_bounds = array<i64: 1000, 1>}, {transform_indices = @transform_5, window_bounds = array<i64: 1000, 128>}]} {
    %get3A = arith.constant 0 : index
    %get3A_0 = arith.constant 0 : index
    %get3A_1 = vector.load %arg1[%get3A, %get3A_0] : memref<1000x16xf32, #tpu.memory_space<vmem>>, vector<1000x1xf32>
    %add3A = arith.constant 1.000000e+00 : f32
    %add3A_2 = vector.broadcast %add3A : f32 to vector<1000x1xf32>
    %add3A_3 = arith.addf %add3A_2, %get3A_1 : vector<1000x1xf32>
    %get3A_4 = arith.constant 0 : index
    %get3A_5 = arith.constant 0 : index
    %get3A_6 = vector.load %arg2[%get3A_4, %get3A_5] : memref<1000x16xf32, #tpu.memory_space<vmem>>, vector<1000x1xf32>
    %add3A_7 = arith.addf %add3A_3, %get3A_6 : vector<1000x1xf32>
    %sqrt3A = math.sqrt %add3A_7 : vector<1000x1xf32>
    %div3A = arith.constant 1.000000e+00 : f32
    %div3A_8 = vector.broadcast %div3A : f32 to vector<1000x1xf32>
    %div3A_9 = arith.divf %div3A_8, %sqrt3A : vector<1000x1xf32>
    %swap3A = arith.constant 0 : index
    %swap3A_10 = arith.constant 0 : index
    %swap3A_11 = vector.load %arg5[%swap3A, %swap3A_10] : memref<1000x1xf32, #tpu.memory_space<vmem>>, vector<1000x1xf32>
    tpu.vector_store %arg5[%swap3A, %swap3A_10], %div3A_9 {strides = array<i32>} : memref<1000x1xf32, #tpu.memory_space<vmem>>, vector<1000x1xf32>,
    %get3A_12 = arith.constant 0 : index
    %get3A_13 = arith.constant 0 : index
    %get3A_14 = vector.load %arg3[%get3A_12, %get3A_13] : memref<1000x128xf32, #tpu.memory_space<vmem>>, vector<1000x128xf32>
    %get3A_15 = arith.constant 0 : index
    %get3A_16 = arith.constant 0 : index
    %get3A_17 = vector.load %arg4[%get3A_15, %get3A_16] : memref<128x128xf32, #tpu.memory_space<vmem>>, vector<128x128xf32>
    %dot_general3A = arith.constant dense<0.000000e+00> : vector<1000x128xf32>
    %dot_general3A_18 = tpu.matmul %get3A_14, %get3A_17, %dot_general3A {dimension_numbers = #tpu.dot_dimension_numbers<[1], [0], [0], [1], [0, 0, 1, 1], [], []>, transpose_lhs_hint = false} : vector<1000x128xf32>, vector<128x128xf32>, vector<1000x128xf32> -> vector<1000x128xf32>
    %mul3A = vector.broadcast %div3A_9 : vector<1000x1xf32> to vector<1000x128xf32>
    %mul3A_19 = arith.mulf %mul3A, %dot_general3A_18 : vector<1000x128xf32>
    %swap3A_20 = arith.constant 0 : index
    %swap3A_21 = arith.constant 0 : index
    %swap3A_22 = vector.load %arg6[%swap3A_20, %swap3A_21] : memref<1000x128xf32, #tpu.memory_space<vmem>>, vector<1000x128xf32>
    tpu.vector_store %arg6[%swap3A_20, %swap3A_21], %mul3A_19 {strides = array<i32>} : memref<1000x128xf32, #tpu.memory_space<vmem>>, vector<1000x128xf32>,
    return
  }
  func.func @transform_0(%arg0: i32) -> (i32, i32) {
    %c0_i32 = arith.constant 0 : i32
    %c0_i32_0 = arith.constant 0 : i32
    return %arg0, %c0_i32 : i32, i32
  }
  func.func @transform_1(%arg0: i32) -> (i32, i32) {
    %add3A = arith.constant 10 : i32
    %add3A_0 = arith.addi %arg0, %add3A : i32
    %c0_i32 = arith.constant 0 : i32
    %c0_i32_1 = arith.constant 0 : i32
    return %add3A_0, %c0_i32 : i32, i32
  }
  func.func @transform_2(%arg0: i32) -> (i32, i32) {
    %c0_i32 = arith.constant 0 : i32
    %c0_i32_0 = arith.constant 0 : i32
    return %arg0, %c0_i32 : i32, i32
  }
  func.func @transform_3(%arg0: i32) -> (i32, i32) {
    %c0_i32 = arith.constant 0 : i32
    %c0_i32_0 = arith.constant 0 : i32
    %c0_i32_1 = arith.constant 0 : i32
    return %c0_i32, %c0_i32_0 : i32, i32
  }
  func.func @transform_4(%arg0: i32) -> (i32, i32) {
    %c0_i32 = arith.constant 0 : i32
    %c0_i32_0 = arith.constant 0 : i32
    return %arg0, %c0_i32 : i32, i32
  }
  func.func @transform_5(%arg0: i32) -> (i32, i32) {
    %c0_i32 = arith.constant 0 : i32
    %c0_i32_0 = arith.constant 0 : i32
    return %arg0, %c0_i32 : i32, i32
  }
}

module attributes {stable_mosaic.version = 14 : i64} {
  func.func @_tc_mid_body(%arg0: i32, %arg1: memref<1000x128xf32, #tpu.memory_space<vmem>>, %arg2: memref<1000x128xf32, #tpu.memory_space<vmem>>, %arg3: memref<1000x128xf32, #tpu.memory_space<vmem>>, %arg4: memref<1000x1xf32, #tpu.memory_space<vmem>>, %arg5: memref<1x128xf32, #tpu.memory_space<vmem>>, %arg6: memref<128x128xf32, #tpu.memory_space<vmem>>, %arg7: memref<1000x128xf32, #tpu.memory_space<vmem>>) attributes {dimension_semantics = [#tpu.dimension_semantics<arbitrary>], iteration_bounds = array<i64: 10>, scalar_prefetch = 0 : i64, scratch_operands = 0 : i64, tpu.core_type = #tpu.core_type<tc>, window_params = [{transform_indices = @transform_0, window_bounds = array<i64: 1000, 128>}, {transform_indices = @transform_1, window_bounds = array<i64: 1000, 128>}, {transform_indices = @transform_2, window_bounds = array<i64: 1000, 128>}, {transform_indices = @transform_3, window_bounds = array<i64: 1000, 1>}, {pipeline_mode = #tpu.pipeline_mode<synchronous>, transform_indices = @transform_4, window_bounds = array<i64: 1, 128>}, {pipeline_mode = #tpu.pipeline_mode<synchronous>, transform_indices = @transform_5, window_bounds = array<i64: 128, 128>}, {transform_indices = @transform_6, window_bounds = array<i64: 1000, 128>}]} {
    %get3A = arith.constant 0 : index
    %get3A_0 = arith.constant 0 : index
    %get3A_1 = vector.load %arg4[%get3A, %get3A_0] : memref<1000x1xf32, #tpu.memory_space<vmem>>, vector<1000x1xf32>
    %get3A_2 = arith.constant 0 : index
    %get3A_3 = arith.constant 0 : index
    %get3A_4 = vector.load %arg1[%get3A_2, %get3A_3] : memref<1000x128xf32, #tpu.memory_space<vmem>>, vector<1000x128xf32>
    %get3A_5 = arith.constant 0 : index
    %get3A_6 = arith.constant 0 : index
    %get3A_7 = vector.load %arg2[%get3A_5, %get3A_6] : memref<1000x128xf32, #tpu.memory_space<vmem>>, vector<1000x128xf32>
    %add3A = arith.addf %get3A_4, %get3A_7 : vector<1000x128xf32>
    %get3A_8 = arith.constant 0 : index
    %get3A_9 = arith.constant 0 : index
    %get3A_10 = vector.load %arg3[%get3A_8, %get3A_9] : memref<1000x128xf32, #tpu.memory_space<vmem>>, vector<1000x128xf32>
    %sub3A = arith.subf %add3A, %get3A_10 : vector<1000x128xf32>
    %mul3A = vector.broadcast %get3A_1 : vector<1000x1xf32> to vector<1000x128xf32>
    %mul3A_11 = arith.mulf %mul3A, %sub3A : vector<1000x128xf32>
    %get3A_12 = arith.constant 0 : index
    %get3A_13 = arith.constant 0 : index
    %get3A_14 = vector.load %arg5[%get3A_12, %get3A_13] : memref<1x128xf32, #tpu.memory_space<vmem>>, vector<1x128xf32>
    %add3A_15 = vector.broadcast %get3A_14 : vector<1x128xf32> to vector<1000x128xf32>
    %add3A_16 = arith.addf %mul3A_11, %add3A_15 : vector<1000x128xf32>
    %max3A = arith.constant 0.000000e+00 : f32
    %max3A_17 = vector.broadcast %max3A : f32 to vector<1000x128xf32>
    %max3A_18 = arith.maximumf %add3A_16, %max3A_17 : vector<1000x128xf32>
    %get3A_19 = arith.constant 0 : index
    %get3A_20 = arith.constant 0 : index
    %get3A_21 = vector.load %arg6[%get3A_19, %get3A_20] : memref<128x128xf32, #tpu.memory_space<vmem>>, vector<128x128xf32>
    %dot_general3A = arith.constant dense<0.000000e+00> : vector<1000x128xf32>
    %dot_general3A_22 = tpu.matmul %max3A_18, %get3A_21, %dot_general3A {dimension_numbers = #tpu.dot_dimension_numbers<[1], [0], [0], [1], [0, 0, 1, 1], [], []>, transpose_lhs_hint = false} : vector<1000x128xf32>, vector<128x128xf32>, vector<1000x128xf32> -> vector<1000x128xf32>
    %mul3A_23 = vector.broadcast %get3A_1 : vector<1000x1xf32> to vector<1000x128xf32>
    %mul3A_24 = arith.mulf %mul3A_23, %dot_general3A_22 : vector<1000x128xf32>
    %swap3A = arith.constant 0 : index
    %swap3A_25 = arith.constant 0 : index
    %swap3A_26 = vector.load %arg7[%swap3A, %swap3A_25] : memref<1000x128xf32, #tpu.memory_space<vmem>>, vector<1000x128xf32>
    tpu.vector_store %arg7[%swap3A, %swap3A_25], %mul3A_24 {strides = array<i32>} : memref<1000x128xf32, #tpu.memory_space<vmem>>, vector<1000x128xf32>,
    return
  }
  func.func @transform_0(%arg0: i32) -> (i32, i32) {
    %c0_i32 = arith.constant 0 : i32
    %c0_i32_0 = arith.constant 0 : i32
    return %arg0, %c0_i32 : i32, i32
  }
  func.func @transform_1(%arg0: i32) -> (i32, i32) {
    %add3A = arith.constant 10 : i32
    %add3A_0 = arith.addi %arg0, %add3A : i32
    %c0_i32 = arith.constant 0 : i32
    %c0_i32_1 = arith.constant 0 : i32
    return %add3A_0, %c0_i32 : i32, i32
  }
  func.func @transform_2(%arg0: i32) -> (i32, i32) {
    %c0_i32 = arith.constant 0 : i32
    %c0_i32_0 = arith.constant 0 : i32
    return %arg0, %c0_i32 : i32, i32
  }
  func.func @transform_3(%arg0: i32) -> (i32, i32) {
    %c0_i32 = arith.constant 0 : i32
    %c0_i32_0 = arith.constant 0 : i32
    return %arg0, %c0_i32 : i32, i32
  }
  func.func @transform_4(%arg0: i32) -> (i32, i32) {
    %c0_i32 = arith.constant 0 : i32
    %c0_i32_0 = arith.constant 0 : i32
    %c0_i32_1 = arith.constant 0 : i32
    return %c0_i32, %c0_i32_0 : i32, i32
  }
  func.func @transform_5(%arg0: i32) -> (i32, i32) {
    %c0_i32 = arith.constant 0 : i32
    %c0_i32_0 = arith.constant 0 : i32
    %c0_i32_1 = arith.constant 0 : i32
    return %c0_i32, %c0_i32_0 : i32, i32
  }
  func.func @transform_6(%arg0: i32) -> (i32, i32) {
    %c0_i32 = arith.constant 0 : i32
    %c0_i32_0 = arith.constant 0 : i32
    return %arg0, %c0_i32 : i32, i32
  }
}

module attributes {stable_mosaic.version = 14 : i64} {
  func.func @_tc_pool_body(%arg0: i32, %arg1: memref<1000x128xf32, #tpu.memory_space<vmem>>, %arg2: memref<1000x128xf32, #tpu.memory_space<vmem>>, %arg3: memref<1000x128xf32, #tpu.memory_space<vmem>>, %arg4: memref<1000x1xf32, #tpu.memory_space<vmem>>, %arg5: memref<1x128xf32, #tpu.memory_space<vmem>>, %arg6: memref<1x1x1000xi32, #tpu.memory_space<vmem>>, %arg7: memref<128x512xf32, #tpu.memory_space<vmem>>, %arg8: memref<1x512xf32, #tpu.memory_space<vmem>>, %arg9: memref<1x512xf32, #tpu.memory_space<vmem>>, %arg10: memref<128x2xf32, #tpu.memory_space<vmem>>, %arg11: memref<1x2xf32, #tpu.memory_space<vmem>>, %arg12: memref<64x2xf32, #tpu.memory_space<vmem>>, %arg13: memref<64x128xf32, #tpu.memory_space<vmem>>, %arg14: memref<64x128xf32, #tpu.memory_space<vmem>>) attributes {dimension_semantics = [#tpu.dimension_semantics<arbitrary>], iteration_bounds = array<i64: 10>, scalar_prefetch = 0 : i64, scratch_operands = 2 : i64, tpu.core_type = #tpu.core_type<tc>, window_params = [{transform_indices = @transform_0, window_bounds = array<i64: 1000, 128>}, {transform_indices = @transform_1, window_bounds = array<i64: 1000, 128>}, {transform_indices = @transform_2, window_bounds = array<i64: 1000, 128>}, {transform_indices = @transform_3, window_bounds = array<i64: 1000, 1>}, {pipeline_mode = #tpu.pipeline_mode<synchronous>, transform_indices = @transform_4, window_bounds = array<i64: 1, 128>}, {transform_indices = @transform_5, window_bounds = array<i64: 1, 1, 1000>}, {pipeline_mode = #tpu.pipeline_mode<synchronous>, transform_indices = @transform_6, window_bounds = array<i64: 128, 512>}, {pipeline_mode = #tpu.pipeline_mode<synchronous>, transform_indices = @transform_7, window_bounds = array<i64: 1, 512>}, {pipeline_mode = #tpu.pipeline_mode<synchronous>, transform_indices = @transform_8, window_bounds = array<i64: 1, 512>}, {pipeline_mode = #tpu.pipeline_mode<synchronous>, transform_indices = @transform_9, window_bounds = array<i64: 128, 2>}, {pipeline_mode = #tpu.pipeline_mode<synchronous>, transform_indices = @transform_10, window_bounds = array<i64: 1, 2>}, {pipeline_mode = #tpu.pipeline_mode<synchronous>, transform_indices = @transform_11, window_bounds = array<i64: 64, 2>}]} {
    %get3A = arith.constant 0 : index
    %get3A_0 = arith.constant 0 : index
    %get3A_1 = vector.load %arg4[%get3A, %get3A_0] : memref<1000x1xf32, #tpu.memory_space<vmem>>, vector<1000x1xf32>
    %get3A_2 = arith.constant 0 : index
    %get3A_3 = arith.constant 0 : index
    %get3A_4 = vector.load %arg1[%get3A_2, %get3A_3] : memref<1000x128xf32, #tpu.memory_space<vmem>>, vector<1000x128xf32>
    %get3A_5 = arith.constant 0 : index
    %get3A_6 = arith.constant 0 : index
    %get3A_7 = vector.load %arg2[%get3A_5, %get3A_6] : memref<1000x128xf32, #tpu.memory_space<vmem>>, vector<1000x128xf32>
    %add3A = arith.addf %get3A_4, %get3A_7 : vector<1000x128xf32>
    %get3A_8 = arith.constant 0 : index
    %get3A_9 = arith.constant 0 : index
    %get3A_10 = vector.load %arg3[%get3A_8, %get3A_9] : memref<1000x128xf32, #tpu.memory_space<vmem>>, vector<1000x128xf32>
    %sub3A = arith.subf %add3A, %get3A_10 : vector<1000x128xf32>
    %mul3A = vector.broadcast %get3A_1 : vector<1000x1xf32> to vector<1000x128xf32>
    %mul3A_11 = arith.mulf %mul3A, %sub3A : vector<1000x128xf32>
    %get3A_12 = arith.constant 0 : index
    %get3A_13 = arith.constant 0 : index
    %get3A_14 = vector.load %arg5[%get3A_12, %get3A_13] : memref<1x128xf32, #tpu.memory_space<vmem>>, vector<1x128xf32>
    %add3A_15 = vector.broadcast %get3A_14 : vector<1x128xf32> to vector<1000x128xf32>
    %add3A_16 = arith.addf %mul3A_11, %add3A_15 : vector<1000x128xf32>
    %max3A = arith.constant 0.000000e+00 : f32
    %max3A_17 = vector.broadcast %max3A : f32 to vector<1000x128xf32>
    %max3A_18 = arith.maximumf %add3A_16, %max3A_17 : vector<1000x128xf32>
    %get3A_19 = arith.constant 0 : index
    %get3A_20 = arith.constant 0 : index
    %get3A_21 = arith.constant 0 : index
    %get3A_22 = vector.load %arg6[%get3A_19, %get3A_20, %get3A_21] : memref<1x1x1000xi32, #tpu.memory_space<vmem>>, vector<1x1x1000xi32>
    %reshape3A = vector.shape_cast %get3A_22 : vector<1x1x1000xi32> to vector<1x1000xi32>
    %iota3A = tpu.iota {dimensions = array<i32: 0>} : vector<64x1000xi32>
    %eq3A = vector.broadcast %reshape3A : vector<1x1000xi32> to vector<64x1000xi32>
    %eq3A_23 = arith.cmpi eq, %iota3A, %eq3A : vector<64x1000xi32>
    %convert_element_type3A = arith.extui %eq3A_23 : vector<64x1000xi1> to vector<64x1000xi32>
    %convert_element_type3A_24 = arith.sitofp %convert_element_type3A : vector<64x1000xi32> to vector<64x1000xf32>
    %eq3A_25 = arith.constant 0 : i32
    %eq3A_26 = arith.cmpi eq, %arg0, %eq3A_25 : i32
    %convert_element_type3A_27 = arith.extui %eq3A_26 : i1 to i32
    %cond3A = arith.constant 0 : i32
    %cond3A_28 = arith.cmpi ne, %convert_element_type3A_27, %cond3A : i32
    scf.if %cond3A_28 {
      %broadcast_in_dim3A_51 = arith.constant 0.000000e+00 : f32
      %broadcast_in_dim3A_52 = vector.broadcast %broadcast_in_dim3A_51 : f32 to vector<64x128xf32>
      %swap3A_53 = arith.constant 0 : index
      %swap3A_54 = arith.constant 0 : index
      %swap3A_55 = vector.load %arg13[%swap3A_53, %swap3A_54] : memref<64x128xf32, #tpu.memory_space<vmem>>, vector<64x128xf32>
      tpu.vector_store %arg13[%swap3A_53, %swap3A_54], %broadcast_in_dim3A_52 {strides = array<i32>} : memref<64x128xf32, #tpu.memory_space<vmem>>, vector<64x128xf32>,
      %broadcast_in_dim3A_56 = arith.constant 0.000000e+00 : f32
      %broadcast_in_dim3A_57 = vector.broadcast %broadcast_in_dim3A_56 : f32 to vector<64x128xf32>
      %swap3A_58 = arith.constant 0 : index
      %swap3A_59 = arith.constant 0 : index
      %swap3A_60 = vector.load %arg14[%swap3A_58, %swap3A_59] : memref<64x128xf32, #tpu.memory_space<vmem>>, vector<64x128xf32>
      tpu.vector_store %arg14[%swap3A_58, %swap3A_59], %broadcast_in_dim3A_57 {strides = array<i32>} : memref<64x128xf32, #tpu.memory_space<vmem>>, vector<64x128xf32>,
    } else {
    }
    %get3A_29 = arith.constant 0 : index
    %get3A_30 = arith.constant 0 : index
    %get3A_31 = vector.load %arg13[%get3A_29, %get3A_30] : memref<64x128xf32, #tpu.memory_space<vmem>>, vector<64x128xf32>
    %dot_general3A = arith.constant dense<0.000000e+00> : vector<64x128xf32>
    %dot_general3A_32 = tpu.matmul %convert_element_type3A_24, %max3A_18, %dot_general3A {dimension_numbers = #tpu.dot_dimension_numbers<[1], [0], [0], [1], [0, 0, 1, 1], [], []>, transpose_lhs_hint = false} : vector<64x1000xf32>, vector<1000x128xf32>, vector<64x128xf32> -> vector<64x128xf32>
    %add3A_33 = arith.addf %get3A_31, %dot_general3A_32 : vector<64x128xf32>
    %swap3A = arith.constant 0 : index
    %swap3A_34 = arith.constant 0 : index
    %swap3A_35 = vector.load %arg13[%swap3A, %swap3A_34] : memref<64x128xf32, #tpu.memory_space<vmem>>, vector<64x128xf32>
    tpu.vector_store %arg13[%swap3A, %swap3A_34], %add3A_33 {strides = array<i32>} : memref<64x128xf32, #tpu.memory_space<vmem>>, vector<64x128xf32>,
    %get3A_36 = arith.constant 0 : index
    %get3A_37 = arith.constant 0 : index
    %get3A_38 = vector.load %arg14[%get3A_36, %get3A_37] : memref<64x128xf32, #tpu.memory_space<vmem>>, vector<64x128xf32>
    %reduce_sum3A = arith.constant dense<0.000000e+00> : vector<64xf32>
    %reduce_sum3A_39 = vector.multi_reduction <add>, %convert_element_type3A_24, %reduce_sum3A [1] : vector<64x1000xf32> to vector<64xf32>
    %broadcast_in_dim3A = vector.shape_cast %reduce_sum3A_39 : vector<64xf32> to vector<64x1xf32>
    %broadcast_in_dim3A_40 = vector.shape_cast %broadcast_in_dim3A : vector<64x1xf32> to vector<64x1xf32>
    %broadcast_in_dim3A_41 = vector.broadcast %broadcast_in_dim3A_40 : vector<64x1xf32> to vector<64x128xf32>
    %add3A_42 = arith.addf %get3A_38, %broadcast_in_dim3A_41 : vector<64x128xf32>
    %swap3A_43 = arith.constant 0 : index
    %swap3A_44 = arith.constant 0 : index
    %swap3A_45 = vector.load %arg14[%swap3A_43, %swap3A_44] : memref<64x128xf32, #tpu.memory_space<vmem>>, vector<64x128xf32>
    tpu.vector_store %arg14[%swap3A_43, %swap3A_44], %add3A_42 {strides = array<i32>} : memref<64x128xf32, #tpu.memory_space<vmem>>, vector<64x128xf32>,
    %eq3A_46 = arith.constant 9 : i32
    %eq3A_47 = arith.cmpi eq, %arg0, %eq3A_46 : i32
    %convert_element_type3A_48 = arith.extui %eq3A_47 : i1 to i32
    %cond3A_49 = arith.constant 0 : i32
    %cond3A_50 = arith.cmpi ne, %convert_element_type3A_48, %cond3A_49 : i32
    scf.if %cond3A_50 {
      %get3A_51 = arith.constant 0 : index
      %get3A_52 = arith.constant 0 : index
      %get3A_53 = vector.load %arg13[%get3A_51, %get3A_52] : memref<64x128xf32, #tpu.memory_space<vmem>>, vector<64x128xf32>
      %get3A_54 = arith.constant 0 : index
      %get3A_55 = arith.constant 0 : index
      %get3A_56 = vector.load %arg14[%get3A_54, %get3A_55] : memref<64x128xf32, #tpu.memory_space<vmem>>, vector<64x128xf32>
      %max3A_57 = arith.constant 1.000000e+00 : f32
      %max3A_58 = vector.broadcast %max3A_57 : f32 to vector<64x128xf32>
      %max3A_59 = arith.maximumf %get3A_56, %max3A_58 : vector<64x128xf32>
      %div3A = arith.divf %get3A_53, %max3A_59 : vector<64x128xf32>
      %get3A_60 = arith.constant 0 : index
      %get3A_61 = arith.constant 0 : index
      %get3A_62 = vector.load %arg7[%get3A_60, %get3A_61] : memref<128x512xf32, #tpu.memory_space<vmem>>, vector<128x512xf32>
      %dot_general3A_63 = arith.constant dense<0.000000e+00> : vector<64x512xf32>
      %dot_general3A_64 = tpu.matmul %div3A, %get3A_62, %dot_general3A_63 {dimension_numbers = #tpu.dot_dimension_numbers<[1], [0], [0], [1], [0, 0, 1, 1], [], []>, transpose_lhs_hint = false} : vector<64x128xf32>, vector<128x512xf32>, vector<64x512xf32> -> vector<64x512xf32>
      %get3A_65 = arith.constant 0 : index
      %get3A_66 = arith.constant 0 : index
      %get3A_67 = vector.load %arg8[%get3A_65, %get3A_66] : memref<1x512xf32, #tpu.memory_space<vmem>>, vector<1x512xf32>
      %add3A_68 = vector.broadcast %get3A_67 : vector<1x512xf32> to vector<64x512xf32>
      %add3A_69 = arith.addf %dot_general3A_64, %add3A_68 : vector<64x512xf32>
      %get3A_70 = arith.constant 0 : index
      %get3A_71 = arith.constant 0 : index
      %get3A_72 = vector.load %arg9[%get3A_70, %get3A_71] : memref<1x512xf32, #tpu.memory_space<vmem>>, vector<1x512xf32>
      %add3A_73 = vector.broadcast %get3A_72 : vector<1x512xf32> to vector<64x512xf32>
      %add3A_74 = arith.addf %add3A_69, %add3A_73 : vector<64x512xf32>
      %slice3A = vector.extract_strided_slice %add3A_74 {offsets = [0, 0], sizes = [64, 128], strides = [1, 1]} : vector<64x512xf32> to vector<64x128xf32>
      %slice3A_75 = vector.extract_strided_slice %add3A_74 {offsets = [0, 256], sizes = [64, 128], strides = [1, 1]} : vector<64x512xf32> to vector<64x128xf32>
      %slice3A_76 = vector.extract_strided_slice %add3A_74 {offsets = [0, 384], sizes = [64, 128], strides = [1, 1]} : vector<64x512xf32> to vector<64x128xf32>
      %logistic3A = arith.negf %slice3A : vector<64x128xf32>
      %logistic3A_77 = math.exp %logistic3A : vector<64x128xf32>
      %logistic3A_78 = arith.constant 1.000000e+00 : f32
      %logistic3A_79 = vector.broadcast %logistic3A_78 : f32 to vector<64x128xf32>
      %logistic3A_80 = arith.addf %logistic3A_79, %logistic3A_77 : vector<64x128xf32>
      %logistic3A_81 = arith.divf %logistic3A_79, %logistic3A_80 : vector<64x128xf32>
      %tanh3A = math.tanh %slice3A_75 : vector<64x128xf32>
      %mul3A_82 = arith.mulf %logistic3A_81, %tanh3A : vector<64x128xf32>
      %logistic3A_83 = arith.negf %slice3A_76 : vector<64x128xf32>
      %logistic3A_84 = math.exp %logistic3A_83 : vector<64x128xf32>
      %logistic3A_85 = arith.constant 1.000000e+00 : f32
      %logistic3A_86 = vector.broadcast %logistic3A_85 : f32 to vector<64x128xf32>
      %logistic3A_87 = arith.addf %logistic3A_86, %logistic3A_84 : vector<64x128xf32>
      %logistic3A_88 = arith.divf %logistic3A_86, %logistic3A_87 : vector<64x128xf32>
      %tanh3A_89 = math.tanh %mul3A_82 : vector<64x128xf32>
      %mul3A_90 = arith.mulf %logistic3A_88, %tanh3A_89 : vector<64x128xf32>
      %get3A_91 = arith.constant 0 : index
      %get3A_92 = arith.constant 0 : index
      %get3A_93 = vector.load %arg10[%get3A_91, %get3A_92] : memref<128x2xf32, #tpu.memory_space<vmem>>, vector<128x2xf32>
      %dot_general3A_94 = arith.constant dense<0.000000e+00> : vector<64x2xf32>
      %dot_general3A_95 = tpu.matmul %mul3A_90, %get3A_93, %dot_general3A_94 {dimension_numbers = #tpu.dot_dimension_numbers<[1], [0], [0], [1], [0, 0, 1, 1], [], []>, transpose_lhs_hint = false} : vector<64x128xf32>, vector<128x2xf32>, vector<64x2xf32> -> vector<64x2xf32>
      %get3A_96 = arith.constant 0 : index
      %get3A_97 = arith.constant 0 : index
      %get3A_98 = vector.load %arg11[%get3A_96, %get3A_97] : memref<1x2xf32, #tpu.memory_space<vmem>>, vector<1x2xf32>
      %add3A_99 = vector.broadcast %get3A_98 : vector<1x2xf32> to vector<64x2xf32>
      %add3A_100 = arith.addf %dot_general3A_95, %add3A_99 : vector<64x2xf32>
      %swap3A_101 = arith.constant 0 : index
      %swap3A_102 = arith.constant 0 : index
      %swap3A_103 = vector.load %arg12[%swap3A_101, %swap3A_102] : memref<64x2xf32, #tpu.memory_space<vmem>>, vector<64x2xf32>
      tpu.vector_store %arg12[%swap3A_101, %swap3A_102], %add3A_100 {strides = array<i32>} : memref<64x2xf32, #tpu.memory_space<vmem>>, vector<64x2xf32>,
    } else {
    }
    return
  }
  func.func @transform_0(%arg0: i32) -> (i32, i32) {
    %c0_i32 = arith.constant 0 : i32
    %c0_i32_0 = arith.constant 0 : i32
    return %arg0, %c0_i32 : i32, i32
  }
  func.func @transform_1(%arg0: i32) -> (i32, i32) {
    %add3A = arith.constant 10 : i32
    %add3A_0 = arith.addi %arg0, %add3A : i32
    %c0_i32 = arith.constant 0 : i32
    %c0_i32_1 = arith.constant 0 : i32
    return %add3A_0, %c0_i32 : i32, i32
  }
  func.func @transform_2(%arg0: i32) -> (i32, i32) {
    %c0_i32 = arith.constant 0 : i32
    %c0_i32_0 = arith.constant 0 : i32
    return %arg0, %c0_i32 : i32, i32
  }
  func.func @transform_3(%arg0: i32) -> (i32, i32) {
    %c0_i32 = arith.constant 0 : i32
    %c0_i32_0 = arith.constant 0 : i32
    return %arg0, %c0_i32 : i32, i32
  }
  func.func @transform_4(%arg0: i32) -> (i32, i32) {
    %c0_i32 = arith.constant 0 : i32
    %c0_i32_0 = arith.constant 0 : i32
    %c0_i32_1 = arith.constant 0 : i32
    return %c0_i32, %c0_i32_0 : i32, i32
  }
  func.func @transform_5(%arg0: i32) -> (i32, i32, i32) {
    %c0_i32 = arith.constant 0 : i32
    %c0_i32_0 = arith.constant 0 : i32
    %c0_i32_1 = arith.constant 0 : i32
    return %arg0, %c0_i32, %c0_i32_0 : i32, i32, i32
  }
  func.func @transform_6(%arg0: i32) -> (i32, i32) {
    %c0_i32 = arith.constant 0 : i32
    %c0_i32_0 = arith.constant 0 : i32
    %c0_i32_1 = arith.constant 0 : i32
    return %c0_i32, %c0_i32_0 : i32, i32
  }
  func.func @transform_7(%arg0: i32) -> (i32, i32) {
    %c0_i32 = arith.constant 0 : i32
    %c0_i32_0 = arith.constant 0 : i32
    %c0_i32_1 = arith.constant 0 : i32
    return %c0_i32, %c0_i32_0 : i32, i32
  }
  func.func @transform_8(%arg0: i32) -> (i32, i32) {
    %c0_i32 = arith.constant 0 : i32
    %c0_i32_0 = arith.constant 0 : i32
    %c0_i32_1 = arith.constant 0 : i32
    return %c0_i32, %c0_i32_0 : i32, i32
  }
  func.func @transform_9(%arg0: i32) -> (i32, i32) {
    %c0_i32 = arith.constant 0 : i32
    %c0_i32_0 = arith.constant 0 : i32
    %c0_i32_1 = arith.constant 0 : i32
    return %c0_i32, %c0_i32_0 : i32, i32
  }
  func.func @transform_10(%arg0: i32) -> (i32, i32) {
    %c0_i32 = arith.constant 0 : i32
    %c0_i32_0 = arith.constant 0 : i32
    %c0_i32_1 = arith.constant 0 : i32
    return %c0_i32, %c0_i32_0 : i32, i32
  }
  func.func @transform_11(%arg0: i32) -> (i32, i32) {
    %c0_i32 = arith.constant 0 : i32
    %c0_i32_0 = arith.constant 0 : i32
    %c0_i32_1 = arith.constant 0 : i32
    return %c0_i32, %c0_i32_0 : i32, i32
  }
}

</mosaic_0001>

<sc_bundles>
// kernel: kernel.10.cloned.1.call-start
scs
__scs_entry_jumppad:
0x0: {  	(pc) =	sbr.rel $0x88, $3  }
0x1: {  	(tag) =	ssettag $0x0;
	lr =	simm.s32 $0x1  }
0x2: {  	[smem:$0x3F93] =	sst lr;
	_ =	strace $0xD0000000  }
0x3: {  	_ = 	snop  }
0x4: {  	_ = 	snop  }
0x5: {  	_ = 	snop  }
0x6: {  	_ = 	snop  }
0x7: {  	_ = 	snop  }
__scs_overlays_trampoline_lowered:
0x8: {  	[smem:$0x3FA2] =	sst s0  }
0x9: {  	[smem:$0x3FA3] =	sst s1  }
0xa: {  	[smem:$0x3FA4] =	sst s2  }
0xb: {  	[smem:$0x3FA5] =	sst s3  }
0xc: {  	[smem:$0x3FA6] =	sst s4  }
0xd: {  	[smem:$0x3FA7] =	sst s5  }
0xe: {  	[smem:$0x3FA8] =	sst s6  }
0xf: {  	[smem:$0x3FA9] =	sst s7  }
0x10: {  	[smem:$0x3FAA] =	sst s8  }
0x11: {  	[smem:$0x3FAB] =	sst s9;
	s0 =	simm.s32 @!p0 $0x0  }
0x12: {  	s1 =	sld [smem:$0x3F91];
	s0 =	simm.s32 @p0 $0x1  }
0x13: {  	[smem:$0x3FAC] =	sst s0;
	s0 =	simm.s32 @!p1 $0x0  }
0x14: {  	s2 =	sld [smem:$0x3F90];
	s0 =	simm.s32 @p1 $0x1  }
0x15: {  	[smem:$0x3FAD] =	sst s0;
	s0 =	simm.s32 @!p2 $0x0  }
0x16: {  	s3 =	sld [smem:$0x3FDB];
	s0 =	simm.s32 @p2 $0x1  }
0x17: {  	s4 =	simm.s32 $0x1BF5;
	[smem:$0x3FAF] =	sst s0  }
0x18: {  	s0 =	sld [smem:$0x3F92];
	_ =	swait.ge [sflag:s4], $0x0  }
0x19: {  	s7 =	sld [smem:$0x3F93]  }
0x1a: {  	s8 =	sadd.s32 $0xFFFFE003, lr  }
0x1b: {  	s9 =	sadd.s32 $0xFFFFFEF7, lr;
	s5 =	simm.s32 $0xFFFFFFFF;
	p2 =	slt.u32 s8, $0xFFFFF086  }
0x1c: {  	p1 =	slt.u32 s9, $0xF7A;
	s5 =	simm.s32 @!p2 $0x0  }
0x1d: {  	s5 =	simm.s32 @p1 $0x1;
	p0 =	seq.s32 s7, s2  }
0x1e: {  	s7 =	smul.u32 @!p0 $0xF7A, s2;
	p2 =	seq.s32 @!p0 s5, $0x0  }
0x1f: {  	s9 =	smul.u32 $0xF7A, s1;
	s8 =	simm.s32 @!p0 $0x1BF5;
	p2 =	por !p2, p0  }
0x20: {  	[sflag:s8] =	ssyncset.s32 @!p0 $0xFFFFF086;
	s6 =	sadd.s32 @!p0 s3, s7;
	s7 =	simm.s32 @!p0 $0x108  }
0x21: {  	s3 =	sadd.s32 s3, s9;
	s6 =	sadd.s32 @!p0 $0x88, s6;
	s7 =	simm.s32 @p2 $0x1082  }
0x22: {  	[simem:s7], [sflag:s8] =	dma.local @!p0 [hbm:s6], $0xF7A  }
0x23: {  	s9 =	sor.u32 $0xD0000000, s2;
	s6 =	simm.s32 $0x108;
	_ =	swait.ge @!p0 [sflag:s8], $0x0  }
0x24: {  	s3 =	sadd.s32 $0x88, s3;
	s6 =	simm.s32 @!p1 $0x1082;
	[sflag:s4] =	ssyncset.s32 $0xFFFFF086  }
0x25: {  	[simem:s6], [sflag:s4] =	dma.local [hbm:s3], $0xF7A  }
0x26: {  	[smem:$0x3F93] =	sst s1;
	(tag) =	ssettag s2;
	_ =	strace s9  }
0x27: {  	s1 =	sld [smem:$0x3FA3]  }
0x28: {  	s2 =	sld [smem:$0x3FA4]  }
0x29: {  	s4 =	sld [smem:$0x3FA6]  }
0x2a: {  	p0 =	seq.s32 s5, $0x0;
	s5 =	sld [smem:$0x3FA7]  }
0x2b: {  	s6 =	sld [smem:$0x3FA8]  }
0x2c: {  	s7 =	sld [smem:$0x3FA9]  }
0x2d: {  	s3 =	simm.s32 $0x108;
	s8 =	sld [smem:$0x3FAA]  }
0x2e: {  	s3 =	simm.s32 @!p0 $0x1082;
	s9 =	sld [smem:$0x3FAB]  }
0x2f: {  	lr =	sadd.s32 s0, s3;
	s0 =	sld [smem:$0x3FA2]  }
0x30: {  	s3 =	sld [smem:$0x3FA5]  }
0x31: {  	[smem:$0x3FAE] =	sst s10  }
0x32: {  	s10 =	sld [smem:$0x3FAC];
	_ =	sdelay $0x3  }
0x33: {  	p0 =	seq.s32 s10, $0x1;
	s10 =	sld [smem:$0x3FAE];
	_ =	sdelay $0x3  }
0x34: {  	[smem:$0x3FAE] =	sst s10  }
0x35: {  	s10 =	sld [smem:$0x3FAD];
	_ =	sdelay $0x3  }
0x36: {  	p1 =	seq.s32 s10, $0x1;
	s10 =	sld [smem:$0x3FAE];
	_ =	sdelay $0x3  }
0x37: {  	[smem:$0x3FAE] =	sst s10  }
0x38: {  	s10 =	sld [smem:$0x3FAF]  }
0x39: {  	_ = 	snop;
	(pc) =	sbr.ind lr, $3  }
0x3a: {  	_ = 	snop  }
0x3b: {  	_ = 	snop  }
0x3c: {  	p2 =	seq.s32 s10, $0x1;
	s10 =	sld [smem:$0x3FAE]  }
0x3d: {  	_ =	shalt  }
0x3e: {  	_ =	shalt  }
0x3f: {  	_ =	shalt  }
0x40: {  	_ =	shalt  }
0x41: {  	_ =	shalt  }
0x42: {  	_ =	shalt  }
0x43: {  	_ =	shalt  }
0x44: {  	_ =	shalt  }
0x45: {  	_ =	shalt  }
0x46: {  	_ =	shalt  }
0x47: {  	_ =	shalt  }
0x48: {  	_ =	shalt  }
0x49: {  	_ =	shalt  }
0x4a: {  	_ =	shalt  }
0x4b: {  	_ =	shalt  }
0x4c: {  	_ =	shalt  }
0x4d: {  	_ =	shalt  }
0x4e: {  	_ =	shalt  }
0x4f: {  	_ =	shalt  }
0x50: {  	_ =	shalt  }
0x51: {  	_ =	shalt  }
0x52: {  	_ =	shalt  }
0x53: {  	_ =	shalt  }
0x54: {  	_ =	shalt  }
0x55: {  	_ =	shalt  }
0x56: {  	_ =	shalt  }
0x57: {  	_ =	shalt  }
0x58: {  	_ =	shalt  }
0x59: {  	_ =	shalt  }
0x5a: {  	_ =	shalt  }
0x5b: {  	_ =	shalt  }
0x5c: {  	_ =	shalt  }
0x5d: {  	_ =	shalt  }
0x5e: {  	_ =	shalt  }
0x5f: {  	_ =	shalt  }
0x60: {  	_ =	shalt  }
0x61: {  	_ =	shalt  }
0x62: {  	_ =	shalt  }
0x63: {  	_ =	shalt  }
0x64: {  	_ =	shalt  }
0x65: {  	_ =	shalt  }
0x66: {  	_ =	shalt  }
0x67: {  	_ =	shalt  }
0x68: {  	_ =	shalt  }
0x69: {  	_ =	shalt  }
0x6a: {  	_ =	shalt  }
0x6b: {  	_ =	shalt  }
0x6c: {  	_ =	shalt  }
0x6d: {  	_ =	shalt  }
0x6e: {  	_ =	shalt  }
0x6f: {  	_ =	shalt  }
0x70: {  	_ =	shalt  }
0x71: {  	_ =	shalt  }
0x72: {  	_ =	shalt  }
0x73: {  	_ =	shalt  }
0x74: {  	_ =	shalt  }
0x75: {  	_ =	shalt  }
0x76: {  	_ =	shalt  }
0x77: {  	_ =	shalt  }
0x78: {  	_ =	shalt  }
0x79: {  	_ =	shalt  }
0x7a: {  	_ =	shalt  }
0x7b: {  	_ =	shalt  }
0x7c: {  	_ =	shalt  }
0x7d: {  	_ =	shalt  }
0x7e: {  	_ =	shalt  }
0x7f: {  	_ =	shalt  }
0x80: {  	_ =	shalt  }
0x81: {  	_ =	shalt  }
0x82: {  	_ =	shalt  }
0x83: {  	_ =	shalt  }
0x84: {  	_ =	shalt  }
0x85: {  	_ =	shalt  }
0x86: {  	_ =	shalt  }
0x87: {  	_ =	shalt  }
.Lfunc_end0:
.L_simem_size_0:
called_computation_lowered:
.L_overlay_start_0:
0x88: {  	s2 =	sld [smem:$0x3FD9]  }
0x89: {  	s3 =	sld [smem:$0x3FFE];
	_ =	sdelay $0x1  }
0x8a: {  	s1 =	srdreg.scid  }
0x8b: {  	s0 =	sand.u32 $0x1, s1  }
0x8c: {  	s16 =	sshll.u32 s0, $0xA;
	s2 =	sadd.s32 s3, s2  }
0x8d: {  	s2 =	sadd.s32 s2, s16  }
0x8e: {  	[smem:$0x3FBA] =	sst s2  }
0x8f: {  	_ = 	snop  }
0x90: {  	(tm) =	ssettm $0x1  }
0x91: {  	s17 =	sld [smem:$0x3FFB];
	_ =	sdelay $0x3  }
0x92: {  	_ =	strace s17  }
0x93: {  	s2 =	sld [smem:$0x3FFC];
	_ =	sdelay $0x3  }
0x94: {  	_ =	strace s2  }
0x95: {  	s2 =	sld [smem:$0x3FFD];
	_ =	sdelay $0x3  }
0x96: {  	_ =	strace s2  }
0x97: {  	_ =	strace $0x8FFFFFFF  }
0x98: {  	s18 =	sld [smem:$0x3FDB];
	_ =	sdelay $0x1  }
0x99: {  	s19 =	simm.s32 $_scs_section_size  }
0x9a: {  	s4 =	simm.s32 $_size__tile_overlayer_lowered;
	s5 =	simm.s32 $_tile_overlayer_lowered  }
0x9b: {  	s22 =	simm.s32 $0x1BFF;
	s21 =	sshll.u32 s5, $0x1;
	s2 =	sadd.s32 s19, s18  }
0x9c: {  	s6 =	simm.s32 $0x0;
	s20 =	sshll.u32 s4, $0x1;
	s4 =	sadd.s32 s21, s2  }
0x9d: {  	[timem:s6], [sflag:s22] =	dma.local [hbm:s4], s20  }
0x9e: {  	_ =	swait.ge [sflag:s22], s20  }
0x9f: {  	s3 =	ssub.s32 $0x0, s20;
	[sflag:s22] =	ssyncset.done $0x0  }
0xa0: {  	[sflag:s22] =	ssyncadd.s32 s3;
	_ =	sdelay $0x1  }
0xa1: {  	s23 =	simm.s32 $0x1B8B  }
0xa2: {  	_ =	swait.ge [sflag:s23], $0x1  }
0xa3: {  	[sflag:s23] =	ssyncset.done $0x0  }
0xa4: {  	s25 =	simm.s32 $0x1B8E;
	s24 =	sld [smem:$0x3FFE];
	[sflag:s23] =	ssyncadd.s32 $0xFFFFFFFF  }
0xa5: {  	s26 =	simm.s32 $execute0_lowered;
	[smem:$0x3FD2] =	sst s25  }
0xa6: {  	s4 =	sshll.u32 s26, $0x1;
	_ =	strace $0x80000046;
	[dreg:$0x1] =	wrdreg $0xFFFFFFFF  }
0xa7: {  	s28 =	simm.s32 $_size_execute0_lowered;
	s2 =	sadd.s32 s2, s4;
	[dreg:$0x0] =	wrdreg $0x0  }
0xa8: {  	s4 =	sshll.u32 s28, $0x1;
	[dreg:$0x2] =	wrdreg s2  }
0xa9: {  	[dreg:$0x3] =	wrdreg s4  }
0xaa: {  	[dreg:$0x4] =	wrdreg $0xC0  }
0xab: {  	_ =	task [dreg:s6], $0x5FFFF  }
0xac: {  	[dreg:$0x1] =	wrdreg $0xFFFFFFFF  }
0xad: {  	[dreg:$0x0] =	wrdreg $0x60  }
0xae: {  	[dreg:$0x2] =	wrdreg s24  }
0xaf: {  	[dreg:$0x3] =	wrdreg $0x2CB00  }
0xb0: {  	[dreg:$0x4] =	wrdreg $0x9  }
0xb1: {  	_ =	task.clear_ibuf [dreg:s6], $0x5FFFF;
	_ =	strace $0x90000046  }
0xb2: {  	s29 =	simm.s32 $0x9;
	_ =	strace $0x80000048  }
0xb3: {  	_ =	swait.ge [sflag:s29], $0x1  }
0xb4: {  	[sflag:s29] =	ssyncadd.s32 $0xFFFFFFFF  }
0xb5: {  	_ =	strace $0x90000048  }
0xb6: {  	_ =	sfence  }
0xb7: {  	s30 =	sld [smem:$0x0];
	_ =	sdelay $0x2  }
0xb8: {  	s31 =	sshll.u32 s1, $0xD;
	s1 =	sshrl.u32 s1, $0x2  }
0xb9: {  	s3 =	sand.u32 $0x4000, s31;
	s1 =	sadd.s32 s1, s30  }
0xba: {  	s0 =	sor.u32 s3, s0;
	s1 =	sshll.u32 s1, $0x11  }
0xbb: {  	s0 =	sor.u32 s1, s0  }
0xbc: {  	s0 =	sadd.s32 $0x8F2B, s0  }
0xbd: {  	[sflag:s0] =	ssyncadd.remote.s32 $0x1  }
0xbe: {  	_ =	sfence.sel $0xFFFF  }
0xbf: {  	[dreg:$0x0] =	wrdreg $0xFFFFFFFF;
	(pc) =	sbr.abs _section_cstart, $3  }
0xc0: {  	[dreg:$0x1] =	wrdreg $0xFFFFFFFF  }
0xc1: {  	_ =	task.clear_ibuf [dreg:s6], $0x2FFFF;
	_ =	strace $0x9FFFFFFF  }
0xc2: {  	(tm) =	ssettm $0x7FFFFFFF  }
0xc3: {  	_ =	shalt  }
tec
execute0_lowered:
.L_overlay_start_1:
0x0: {  	(tag) =	ssettag $0x1  }
0x1: {  	s0 =	srdreg.scid  }
0x2: {  	s11 =	stileid.u32;
	s6 =	rddreg [dreg:$0x0]  }
0x3: {  	s1 =	rddreg [dreg:$0x1];
	s2 =	simm.s32 $0x0;
	s17 =	simm.s32 $0x2760  }
0x4: {  	s18 =	simm.s32 $0x1;
	s19 =	simm.s32 $0x2;
	s20 =	simm.s32 $0x0  }
0x5: {  	s5 =	sand.u32 $0x1, s0;
	s4 =	smul.u32 $0x2700, s11;
	[smem:$0x7FF] =	sst s2  }
0x6: {  	s10 =	sadd.s32 $0x1C600, s6;
	s13 =	smul.u32 $0x4E0, s11;
	s28 =	sshll.u32 s11, $0x6  }
0x7: {  	s16 =	sadd.s32 $0x27000, s1;
	p0 =	sne.s32 s11, $0x0;
	s26 =	smul.u32 $0x27100, s5  }
0x8: {  	s0 =	sshll.u32 s5, $0x4;
	s9 =	ssub.s32 $0x2, s5;
	s15 =	smul.u32 $0x4E20, s5  }
0x9: {  	s5 =	sor.u32 $0x1C03, s28;
	s0 =	sor.u32 s11, s0;
	s25 =	sshrl.u32 s4, $0x3  }
0xa: {  	s12 =	sshrl.u32 s9, $0x1;
	s14 =	sadd.s32 s4, s1;
	s3 =	smul.u32 $0x4E2, s0  }
0xb: {  	s0 =	rddreg [dreg:$0x2];
	_ =	strace $0x80000047;
	s8 =	sadd.s32 s25, s6  }
0xc: {  	s12 =	ssub.s32 s9, s12;
	s29 =	sshrl.u32 s26, $0x3;
	s30 =	sadd.s32 s13, s15  }
0xd: {  	s11 =	sshrl.u32 s14, $0x3;
	s13 =	sshrl.u32 @!p0 s16, $0x3;
	s14 =	simm.s32 $0x27B0  }
0xe: {  	s15 =	simm.s32 $0x50;
	s16 =	simm.s32 $0x2710;
	s4 =	sadd.s32 $0x17400, s8  }
0xf: {  	s31 =	sadd.s32 s10, s29;
	s8 =	sadd.s32 s10, s30;
	s10 =	smax.u32 s12, $0x1  }
0x10: {  	s12 =	simm.s32 $0x3;
	s7 =	sadd.s32 s3, s6;
	s3 =	sadd.s32 $0x1C400, s6  }
0x11: {  	s6 =	sadd.s32 $0x1C200, s6;
	s9 =	sadd.s32 $0x4E00, s31;
	s7 =	sadd.s32 $0xD600, s7  }
.LBB2_1:
0x12: {  	[spmem:s11], [sflag:s5] =	dma.local [hbm:s4], $0x4E0  }
0x13: {  	_ =	swait.ge [sflag:s12], $0x4E0  }
0x14: {  	[sflag:s12] =	ssyncset.done $0x0  }
0x15: {  	s21 =	simm.s32 @!p0 $0x3;
	[sflag:s12] =	ssyncadd.s32 $0xFFFFFB20  }
0x16: {  	[spmem:s13], [sflag:s5] =	dma.local @!p0 [hbm:s6], $0x20  }
0x17: {  	_ =	swait.ge @!p0 [sflag:s21], $0x20  }
0x18: {  	[sflag:s21] =	ssyncset.done @!p0 $0x0  }
0x19: {  	[sflag:s21] =	ssyncadd.s32 @!p0 $0xFFFFFFE0  }
0x1a: {  	[tilespmem:s14], [sflag:$0x3] =	stream.linear.gather [hbm4b:s3+s2], $0x500, $0x38;
	[tilespmem:$0x53C0] =	vst v63  }
0x1b: {  	_ =	swait.ge [sflag:s12], $0x500  }
0x1c: {  	[sflag:s12] =	ssyncset.done $0x0  }
0x1d: {  	[sflag:s12] =	ssyncadd.s32 $0xFFFFFB00  }
0x1e: {  	[tilespmem:s2], [sflag:$0x3] =	stream.linear.gather [hbm4b:s7+s2], $0x2710, $0x38;
	[tilespmem:$0x53C0] =	vst v63  }
0x1f: {  	_ =	swait.ge [sflag:s12], $0x2710  }
0x20: {  	[sflag:s12] =	ssyncset.done $0x0  }
0x21: {  	[sflag:s12] =	ssyncadd.s32 $0xFFFFD8F0  }
0x22: {  	[bflag:$0x0] =	sbarrier.arrive $0xFFFF  }
0x23: {  	v0 =	vld [tilespmem:$0x0]  }
0x24: {  	v1 =	vld [tilespmem:$0x10]  }
0x25: {  	v2 =	vld [tilespmem:$0x20]  }
0x26: {  	v3 =	vld [tilespmem:$0x30]  }
0x27: {  	v4 =	vld [tilespmem:$0x40]  }
0x28: {  	[tilespmem:$0x2710] =	vst v0  }
0x29: {  	[tilespmem:$0x2720] =	vst v1  }
0x2a: {  	[tilespmem:$0x2730] =	vst v2  }
0x2b: {  	[tilespmem:$0x2740] =	vst v3  }
0x2c: {  	[tilespmem:$0x2750] =	vst v4  }
0x2d: {  	[spmem:s1] =	stream.indirect.scatter.add.f32 [tilespmem:s14], [sflag:$0x1], $0x10, s16, s15, $0xb8;
	[tilespmem:$0x53C0] =	vst v63  }
0x2e: {  	v57 =	vld [tilespmem:$0x50]  }
0x2f: {  	v58 =	vld [tilespmem:$0x60]  }
0x30: {  	v59 =	vld [tilespmem:$0x70]  }
0x31: {  	v60 =	vld [tilespmem:$0x80]  }
0x32: {  	v61 =	vld [tilespmem:$0x90]  }
0x33: {  	[tilespmem:$0x2760] =	vst v57  }
0x34: {  	[tilespmem:$0x2770] =	vst v58  }
0x35: {  	[tilespmem:$0x2780] =	vst v59  }
0x36: {  	[tilespmem:$0x2790] =	vst v60  }
0x37: {  	[tilespmem:$0x27A0] =	vst v61  }
0x38: {  	[spmem:s1] =	stream.indirect.scatter.add.f32 [tilespmem:s14], [sflag:$0x2], $0x10, s17, s15, $0xb8;
	[tilespmem:$0x53C0] =	vst v63  }
0x39: {  	_ =	swait.ge [sflag:s18], $0x500  }
0x3a: {  	[sflag:s18] =	ssyncset.done $0x0  }
0x3b: {  	s31 =	simm.s32 $0x130;
	[sflag:s18] =	ssyncadd.s32 $0xFFFFFB00  }
0x3c: {  	v62 =	vld [tilespmem:s31+$0xFFFFFF70];
	_ =	sdelay $0x4  }
0x3d: {  	[tilespmem:$0x2710] =	vst v62  }
0x3e: {  	v0 =	vld [tilespmem:s31+$0xFFFFFF80];
	_ =	sdelay $0x4  }
0x3f: {  	[tilespmem:$0x2720] =	vst v0  }
0x40: {  	v0 =	vld [tilespmem:s31+$0xFFFFFF90];
	_ =	sdelay $0x4  }
0x41: {  	[tilespmem:$0x2730] =	vst v0  }
0x42: {  	v0 =	vld [tilespmem:s31+$0xFFFFFFA0];
	_ =	sdelay $0x4  }
0x43: {  	[tilespmem:$0x2740] =	vst v0  }
0x44: {  	v0 =	vld [tilespmem:s31+$0xFFFFFFB0];
	_ =	sdelay $0x4  }
0x45: {  	[tilespmem:$0x2750] =	vst v0  }
0x46: {  	[spmem:s1] =	stream.indirect.scatter.add.f32 [tilespmem:s14], [sflag:$0x1], $0x10, s16, s15, $0xb8;
	[tilespmem:$0x53C0] =	vst v63  }
0x47: {  	_ =	swait.ge [sflag:s19], $0x500  }
0x48: {  	[sflag:s19] =	ssyncset.done $0x0  }
0x49: {  	[sflag:s19] =	ssyncadd.s32 $0xFFFFFB00  }
0x4a: {  	v63 =	vld [tilespmem:s31+$0xFFFFFFC0];
	_ =	sdelay $0x4  }
0x4b: {  	[tilespmem:$0x2760] =	vst v63  }
0x4c: {  	v0 =	vld [tilespmem:s31+$0xFFFFFFD0];
	_ =	sdelay $0x4  }
0x4d: {  	[tilespmem:$0x2770] =	vst v0  }
0x4e: {  	v0 =	vld [tilespmem:s31+$0xFFFFFFE0];
	_ =	sdelay $0x4  }
0x4f: {  	[tilespmem:$0x2780] =	vst v0  }
0x50: {  	v0 =	vld [tilespmem:s31+$0xFFFFFFF0];
	_ =	sdelay $0x4  }
0x51: {  	[tilespmem:$0x2790] =	vst v0  }
0x52: {  	v0 =	vld [tilespmem:s31+$0x0];
	_ =	sdelay $0x4  }
0x53: {  	s21 =	simm.s32 $0x740;
	[tilespmem:$0x27A0] =	vst v0  }
.LBB2_2:
0x54: {  	[spmem:s1] =	stream.indirect.scatter.add.f32 [tilespmem:s14], [sflag:$0x2], $0x10, s17, s15, $0xb8;
	[tilespmem:$0x53C0] =	vst v63  }
0x55: {  	s22 =	smov.u32 s21  }
0x56: {  	p1 =	sne.s32 s21, $0x9AC0;
	s21 =	sadd.s32 $0x280, s21;
	_ =	swait.ge [sflag:s18], $0x500  }
0x57: {  	[sflag:s18] =	ssyncset.done $0x0  }
0x58: {  	s22 =	sshra.s32 s22, $0x2;
	[sflag:s18] =	ssyncadd.s32 $0xFFFFFB00  }
0x59: {  	v0 =	vld [tilespmem:s22+$0xFFFFFF70];
	_ =	sdelay $0x4  }
0x5a: {  	[tilespmem:$0x2710] =	vst v0  }
0x5b: {  	v0 =	vld [tilespmem:s22+$0xFFFFFF80];
	_ =	sdelay $0x4  }
0x5c: {  	[tilespmem:$0x2720] =	vst v0  }
0x5d: {  	v0 =	vld [tilespmem:s22+$0xFFFFFF90];
	_ =	sdelay $0x4  }
0x5e: {  	[tilespmem:$0x2730] =	vst v0  }
0x5f: {  	v0 =	vld [tilespmem:s22+$0xFFFFFFA0];
	_ =	sdelay $0x4  }
0x60: {  	[tilespmem:$0x2740] =	vst v0  }
0x61: {  	v0 =	vld [tilespmem:s22+$0xFFFFFFB0];
	_ =	sdelay $0x4  }
0x62: {  	[tilespmem:$0x2750] =	vst v0  }
0x63: {  	[spmem:s1] =	stream.indirect.scatter.add.f32 [tilespmem:s14], [sflag:$0x1], $0x10, s16, s15, $0xb8;
	[tilespmem:$0x53C0] =	vst v63  }
0x64: {  	_ =	swait.ge [sflag:s19], $0x500  }
0x65: {  	[sflag:s19] =	ssyncset.done $0x0  }
0x66: {  	[sflag:s19] =	ssyncadd.s32 $0xFFFFFB00  }
0x67: {  	v0 =	vld [tilespmem:s22+$0xFFFFFFC0];
	_ =	sdelay $0x4  }
0x68: {  	[tilespmem:$0x2760] =	vst v0  }
0x69: {  	v0 =	vld [tilespmem:s22+$0xFFFFFFD0];
	_ =	sdelay $0x4  }
0x6a: {  	[tilespmem:$0x2770] =	vst v0  }
0x6b: {  	v0 =	vld [tilespmem:s22+$0xFFFFFFE0];
	_ =	sdelay $0x4  }
0x6c: {  	[tilespmem:$0x2780] =	vst v0  }
0x6d: {  	v0 =	vld [tilespmem:s22+$0xFFFFFFF0];
	_ =	sdelay $0x4  }
0x6e: {  	[tilespmem:$0x2790] =	vst v0  }
0x6f: {  	v0 =	vld [tilespmem:s22+$0x0]  }
.Ltmp0:
0x70: {  	(pc) =	sbr.rel @p1 .LBB2_2-.Ltmp0, $2  }
0x71: {  	_ =	sdelay $0x2  }
0x72: {  	[tilespmem:$0x27A0] =	vst v0  }
0x73: {  	[spmem:s1] =	stream.indirect.scatter.add.f32 [tilespmem:s14], [sflag:$0x2], $0x10, s17, s15, $0xb8;
	[tilespmem:$0x53C0] =	vst v63  }
0x74: {  	_ =	swait.ge [sflag:s18], $0x500  }
0x75: {  	[sflag:s18] =	ssyncset.done $0x0  }
0x76: {  	[sflag:s18] =	ssyncadd.s32 $0xFFFFFB00  }
0x77: {  	v0 =	vld [tilespmem:$0x26C0]  }
0x78: {  	v1 =	vld [tilespmem:$0x26D0]  }
0x79: {  	v2 =	vld [tilespmem:$0x26E0]  }
0x7a: {  	v3 =	vld [tilespmem:$0x26F0]  }
0x7b: {  	v4 =	vld [tilespmem:$0x2700]  }
0x7c: {  	[tilespmem:$0x2710] =	vst v0  }
0x7d: {  	[tilespmem:$0x2720] =	vst v1  }
0x7e: {  	[tilespmem:$0x2730] =	vst v2  }
0x7f: {  	[tilespmem:$0x2740] =	vst v3  }
0x80: {  	[tilespmem:$0x2750] =	vst v4  }
0x81: {  	[spmem:s1] =	stream.indirect.scatter.add.f32 [tilespmem:s14], [sflag:$0x1], $0x10, s16, s15, $0xb8;
	[tilespmem:$0x53C0] =	vst v63  }
0x82: {  	_ =	swait.ge [sflag:s18], $0x500  }
0x83: {  	[sflag:s18] =	ssyncset.done $0x0  }
0x84: {  	[sflag:s18] =	ssyncadd.s32 $0xFFFFFB00  }
0x85: {  	_ =	swait.ge [sflag:s19], $0x500  }
0x86: {  	[sflag:s19] =	ssyncset.done $0x0  }
0x87: {  	[sflag:s19] =	ssyncadd.s32 $0xFFFFFB00  }
0x88: {  	[bflag:$0x0] =	sbarrier.arrive $0xFFFF  }
0x89: {  	[hbm:s8], [sflag:s5] =	dma.local [spmem:s11], $0x4E0  }
0x8a: {  	s20 =	sadd.s32 $0x1, s20;
	_ =	swait.ge [sflag:s12], $0x4E0  }
0x8b: {  	p1 =	sne.s32 s20, s10;
	[sflag:s12] =	ssyncset.done $0x0  }
.Ltmp1:
0x8c: {  	s21 =	simm.s32 @!p0 $0x3;
	[sflag:s12] =	ssyncadd.s32 $0xFFFFFB20;
	(pc) =	sbr.rel @p1 .LBB2_1-.Ltmp1, $4  }
0x8d: {  	[hbm:s9], [sflag:s5] =	dma.local @!p0 [spmem:s13], $0x20  }
0x8e: {  	_ =	swait.ge @!p0 [sflag:s21], $0x20  }
0x8f: {  	[sflag:s21] =	ssyncset.done @!p0 $0x0  }
0x90: {  	[sflag:s21] =	ssyncadd.s32 @!p0 $0xFFFFFFE0  }
0x91: {  	_ =	sfence.sel $0x180000  }
0x92: {  	[bflag:$0x0] =	sbarrier.arrive $0xFFFF  }
0x93: {  	_ =	strace $0x90000047  }
0x94: {  	s0 =	sadd.s32 @!p0 $0x100000, s0;
	[bflag:$0x2] =	sbarrier.arrive $0xFFFF  }
0x95: {  	[sflag:s0] =	ssyncadd.tile.s32 @!p0 $0x1;
	_ =	shalt  }
.Lfunc_end2:
_tile_overlayer_lowered:
.L_overlay_start_2:
0x96: {  	(tag) =	ssettag $0x2  }
0x97: {  	s0 =	rddreg [dreg:$0x0];
	s2 =	stileid.u32  }
0x98: {  	s1 =	rddreg [dreg:$0x1];
	p0 =	sne.s32 s2, $0x0  }
0x99: {  	s3 =	rddreg [dreg:$0x2];
	[bflag:$0x3] =	sbarrier.arrive $0xFFFF;
	s2 =	simm.s32 @!p0 $0x1C03  }
0x9a: {  	[timem:s3], [sflag:s2] =	dma.local @!p0 [hbm:s0], s1  }
0x9b: {  	s0 =	simm.s32 @!p0 $0x3  }
0x9c: {  	_ =	swait.ge @!p0 [sflag:s0], s1  }
0x9d: {  	s1 =	ssub.s32 @!p0 $0x0, s1;
	[sflag:s0] =	ssyncset.done @!p0 $0x0  }
0x9e: {  	[sflag:s0] =	ssyncadd.s32 @!p0 s1  }
0x9f: {  	[bflag:$0x3] =	sbarrier.arrive $0xFFFF  }
0xa0: {  	_ =	shalt  }

// kernel: kernel.13.cloned.1.call-start
scs
__scs_entry_jumppad:
0x0: {  	(pc) =	sbr.rel $0x88, $3  }
0x1: {  	(tag) =	ssettag $0x0;
	lr =	simm.s32 $0x1  }
0x2: {  	[smem:$0x3F93] =	sst lr;
	_ =	strace $0xD0000000  }
0x3: {  	_ = 	snop  }
0x4: {  	_ = 	snop  }
0x5: {  	_ = 	snop  }
0x6: {  	_ = 	snop  }
0x7: {  	_ = 	snop  }
__scs_overlays_trampoline_lowered:
0x8: {  	[smem:$0x3FA2] =	sst s0  }
0x9: {  	[smem:$0x3FA3] =	sst s1  }
0xa: {  	[smem:$0x3FA4] =	sst s2  }
0xb: {  	[smem:$0x3FA5] =	sst s3  }
0xc: {  	[smem:$0x3FA6] =	sst s4  }
0xd: {  	[smem:$0x3FA7] =	sst s5  }
0xe: {  	[smem:$0x3FA8] =	sst s6  }
0xf: {  	[smem:$0x3FA9] =	sst s7  }
0x10: {  	[smem:$0x3FAA] =	sst s8  }
0x11: {  	[smem:$0x3FAB] =	sst s9;
	s0 =	simm.s32 @!p0 $0x0  }
0x12: {  	s1 =	sld [smem:$0x3F91];
	s0 =	simm.s32 @p0 $0x1  }
0x13: {  	[smem:$0x3FAC] =	sst s0;
	s0 =	simm.s32 @!p1 $0x0  }
0x14: {  	s2 =	sld [smem:$0x3F90];
	s0 =	simm.s32 @p1 $0x1  }
0x15: {  	[smem:$0x3FAD] =	sst s0;
	s0 =	simm.s32 @!p2 $0x0  }
0x16: {  	s3 =	sld [smem:$0x3FDB];
	s0 =	simm.s32 @p2 $0x1  }
0x17: {  	s4 =	simm.s32 $0x1BF5;
	[smem:$0x3FAF] =	sst s0  }
0x18: {  	s0 =	sld [smem:$0x3F92];
	_ =	swait.ge [sflag:s4], $0x0  }
0x19: {  	s7 =	sld [smem:$0x3F93]  }
0x1a: {  	s8 =	sadd.s32 $0xFFFFE003, lr  }
0x1b: {  	s9 =	sadd.s32 $0xFFFFFEF7, lr;
	s5 =	simm.s32 $0xFFFFFFFF;
	p2 =	slt.u32 s8, $0xFFFFF086  }
0x1c: {  	p1 =	slt.u32 s9, $0xF7A;
	s5 =	simm.s32 @!p2 $0x0  }
0x1d: {  	s5 =	simm.s32 @p1 $0x1;
	p0 =	seq.s32 s7, s2  }
0x1e: {  	s7 =	smul.u32 @!p0 $0xF7A, s2;
	p2 =	seq.s32 @!p0 s5, $0x0  }
0x1f: {  	s9 =	smul.u32 $0xF7A, s1;
	s8 =	simm.s32 @!p0 $0x1BF5;
	p2 =	por !p2, p0  }
0x20: {  	[sflag:s8] =	ssyncset.s32 @!p0 $0xFFFFF086;
	s6 =	sadd.s32 @!p0 s3, s7;
	s7 =	simm.s32 @!p0 $0x108  }
0x21: {  	s3 =	sadd.s32 s3, s9;
	s6 =	sadd.s32 @!p0 $0x88, s6;
	s7 =	simm.s32 @p2 $0x1082  }
0x22: {  	[simem:s7], [sflag:s8] =	dma.local @!p0 [hbm:s6], $0xF7A  }
0x23: {  	s9 =	sor.u32 $0xD0000000, s2;
	s6 =	simm.s32 $0x108;
	_ =	swait.ge @!p0 [sflag:s8], $0x0  }
0x24: {  	s3 =	sadd.s32 $0x88, s3;
	s6 =	simm.s32 @!p1 $0x1082;
	[sflag:s4] =	ssyncset.s32 $0xFFFFF086  }
0x25: {  	[simem:s6], [sflag:s4] =	dma.local [hbm:s3], $0xF7A  }
0x26: {  	[smem:$0x3F93] =	sst s1;
	(tag) =	ssettag s2;
	_ =	strace s9  }
0x27: {  	s1 =	sld [smem:$0x3FA3]  }
0x28: {  	s2 =	sld [smem:$0x3FA4]  }
0x29: {  	s4 =	sld [smem:$0x3FA6]  }
0x2a: {  	p0 =	seq.s32 s5, $0x0;
	s5 =	sld [smem:$0x3FA7]  }
0x2b: {  	s6 =	sld [smem:$0x3FA8]  }
0x2c: {  	s7 =	sld [smem:$0x3FA9]  }
0x2d: {  	s3 =	simm.s32 $0x108;
	s8 =	sld [smem:$0x3FAA]  }
0x2e: {  	s3 =	simm.s32 @!p0 $0x1082;
	s9 =	sld [smem:$0x3FAB]  }
0x2f: {  	lr =	sadd.s32 s0, s3;
	s0 =	sld [smem:$0x3FA2]  }
0x30: {  	s3 =	sld [smem:$0x3FA5]  }
0x31: {  	[smem:$0x3FAE] =	sst s10  }
0x32: {  	s10 =	sld [smem:$0x3FAC];
	_ =	sdelay $0x3  }
0x33: {  	p0 =	seq.s32 s10, $0x1;
	s10 =	sld [smem:$0x3FAE];
	_ =	sdelay $0x3  }
0x34: {  	[smem:$0x3FAE] =	sst s10  }
0x35: {  	s10 =	sld [smem:$0x3FAD];
	_ =	sdelay $0x3  }
0x36: {  	p1 =	seq.s32 s10, $0x1;
	s10 =	sld [smem:$0x3FAE];
	_ =	sdelay $0x3  }
0x37: {  	[smem:$0x3FAE] =	sst s10  }
0x38: {  	s10 =	sld [smem:$0x3FAF]  }
0x39: {  	_ = 	snop;
	(pc) =	sbr.ind lr, $3  }
0x3a: {  	_ = 	snop  }
0x3b: {  	_ = 	snop  }
0x3c: {  	p2 =	seq.s32 s10, $0x1;
	s10 =	sld [smem:$0x3FAE]  }
0x3d: {  	_ =	shalt  }
0x3e: {  	_ =	shalt  }
0x3f: {  	_ =	shalt  }
0x40: {  	_ =	shalt  }
0x41: {  	_ =	shalt  }
0x42: {  	_ =	shalt  }
0x43: {  	_ =	shalt  }
0x44: {  	_ =	shalt  }
0x45: {  	_ =	shalt  }
0x46: {  	_ =	shalt  }
0x47: {  	_ =	shalt  }
0x48: {  	_ =	shalt  }
0x49: {  	_ =	shalt  }
0x4a: {  	_ =	shalt  }
0x4b: {  	_ =	shalt  }
0x4c: {  	_ =	shalt  }
0x4d: {  	_ =	shalt  }
0x4e: {  	_ =	shalt  }
0x4f: {  	_ =	shalt  }
0x50: {  	_ =	shalt  }
0x51: {  	_ =	shalt  }
0x52: {  	_ =	shalt  }
0x53: {  	_ =	shalt  }
0x54: {  	_ =	shalt  }
0x55: {  	_ =	shalt  }
0x56: {  	_ =	shalt  }
0x57: {  	_ =	shalt  }
0x58: {  	_ =	shalt  }
0x59: {  	_ =	shalt  }
0x5a: {  	_ =	shalt  }
0x5b: {  	_ =	shalt  }
0x5c: {  	_ =	shalt  }
0x5d: {  	_ =	shalt  }
0x5e: {  	_ =	shalt  }
0x5f: {  	_ =	shalt  }
0x60: {  	_ =	shalt  }
0x61: {  	_ =	shalt  }
0x62: {  	_ =	shalt  }
0x63: {  	_ =	shalt  }
0x64: {  	_ =	shalt  }
0x65: {  	_ =	shalt  }
0x66: {  	_ =	shalt  }
0x67: {  	_ =	shalt  }
0x68: {  	_ =	shalt  }
0x69: {  	_ =	shalt  }
0x6a: {  	_ =	shalt  }
0x6b: {  	_ =	shalt  }
0x6c: {  	_ =	shalt  }
0x6d: {  	_ =	shalt  }
0x6e: {  	_ =	shalt  }
0x6f: {  	_ =	shalt  }
0x70: {  	_ =	shalt  }
0x71: {  	_ =	shalt  }
0x72: {  	_ =	shalt  }
0x73: {  	_ =	shalt  }
0x74: {  	_ =	shalt  }
0x75: {  	_ =	shalt  }
0x76: {  	_ =	shalt  }
0x77: {  	_ =	shalt  }
0x78: {  	_ =	shalt  }
0x79: {  	_ =	shalt  }
0x7a: {  	_ =	shalt  }
0x7b: {  	_ =	shalt  }
0x7c: {  	_ =	shalt  }
0x7d: {  	_ =	shalt  }
0x7e: {  	_ =	shalt  }
0x7f: {  	_ =	shalt  }
0x80: {  	_ =	shalt  }
0x81: {  	_ =	shalt  }
0x82: {  	_ =	shalt  }
0x83: {  	_ =	shalt  }
0x84: {  	_ =	shalt  }
0x85: {  	_ =	shalt  }
0x86: {  	_ =	shalt  }
0x87: {  	_ =	shalt  }
.Lfunc_end0:
.L_simem_size_0:
called_computation.1_lowered:
.L_overlay_start_0:
0x88: {  	s2 =	sld [smem:$0x3FD9]  }
0x89: {  	s3 =	sld [smem:$0x3FFE];
	_ =	sdelay $0x1  }
0x8a: {  	s1 =	srdreg.scid  }
0x8b: {  	s0 =	sand.u32 $0x1, s1  }
0x8c: {  	s16 =	sshll.u32 s0, $0xA;
	s2 =	sadd.s32 s3, s2  }
0x8d: {  	s2 =	sadd.s32 s2, s16  }
0x8e: {  	[smem:$0x3FBA] =	sst s2  }
0x8f: {  	_ = 	snop  }
0x90: {  	(tm) =	ssettm $0x1  }
0x91: {  	s17 =	sld [smem:$0x3FFB];
	_ =	sdelay $0x3  }
0x92: {  	_ =	strace s17  }
0x93: {  	s2 =	sld [smem:$0x3FFC];
	_ =	sdelay $0x3  }
0x94: {  	_ =	strace s2  }
0x95: {  	s2 =	sld [smem:$0x3FFD];
	_ =	sdelay $0x3  }
0x96: {  	_ =	strace s2  }
0x97: {  	_ =	strace $0x8FFFFFFF  }
0x98: {  	s18 =	sld [smem:$0x3FDB];
	_ =	sdelay $0x1  }
0x99: {  	s19 =	simm.s32 $_scs_section_size  }
0x9a: {  	s4 =	simm.s32 $_size__tile_overlayer_lowered;
	s5 =	simm.s32 $_tile_overlayer_lowered  }
0x9b: {  	s22 =	simm.s32 $0x1BFF;
	s21 =	sshll.u32 s5, $0x1;
	s2 =	sadd.s32 s19, s18  }
0x9c: {  	s6 =	simm.s32 $0x0;
	s20 =	sshll.u32 s4, $0x1;
	s4 =	sadd.s32 s21, s2  }
0x9d: {  	[timem:s6], [sflag:s22] =	dma.local [hbm:s4], s20  }
0x9e: {  	_ =	swait.ge [sflag:s22], s20  }
0x9f: {  	s3 =	ssub.s32 $0x0, s20;
	[sflag:s22] =	ssyncset.done $0x0  }
0xa0: {  	[sflag:s22] =	ssyncadd.s32 s3;
	_ =	sdelay $0x1  }
0xa1: {  	s23 =	simm.s32 $0x1B8B  }
0xa2: {  	_ =	swait.ge [sflag:s23], $0x1  }
0xa3: {  	[sflag:s23] =	ssyncset.done $0x0  }
0xa4: {  	s25 =	simm.s32 $0x1B8E;
	s24 =	sld [smem:$0x3FFE];
	[sflag:s23] =	ssyncadd.s32 $0xFFFFFFFF  }
0xa5: {  	s26 =	simm.s32 $execute0_lowered;
	[smem:$0x3FD2] =	sst s25  }
0xa6: {  	s4 =	sshll.u32 s26, $0x1;
	_ =	strace $0x80000049;
	[dreg:$0x1] =	wrdreg $0xFFFFFFFF  }
0xa7: {  	s28 =	simm.s32 $_size_execute0_lowered;
	s2 =	sadd.s32 s2, s4;
	[dreg:$0x0] =	wrdreg $0x0  }
0xa8: {  	s4 =	sshll.u32 s28, $0x1;
	[dreg:$0x2] =	wrdreg s2  }
0xa9: {  	[dreg:$0x3] =	wrdreg s4  }
0xaa: {  	[dreg:$0x4] =	wrdreg $0xC0  }
0xab: {  	_ =	task [dreg:s6], $0x5FFFF  }
0xac: {  	[dreg:$0x1] =	wrdreg $0xFFFFFFFF  }
0xad: {  	[dreg:$0x0] =	wrdreg $0x60  }
0xae: {  	[dreg:$0x2] =	wrdreg s24  }
0xaf: {  	[dreg:$0x3] =	wrdreg $0xA4000  }
0xb0: {  	[dreg:$0x4] =	wrdreg $0x9  }
0xb1: {  	_ =	task.clear_ibuf [dreg:s6], $0x5FFFF;
	_ =	strace $0x90000049  }
0xb2: {  	s29 =	simm.s32 $0x9;
	_ =	strace $0x8000004B  }
0xb3: {  	_ =	swait.ge [sflag:s29], $0x1  }
0xb4: {  	[sflag:s29] =	ssyncadd.s32 $0xFFFFFFFF  }
0xb5: {  	_ =	strace $0x9000004B  }
0xb6: {  	_ =	sfence  }
0xb7: {  	s30 =	sld [smem:$0x0];
	_ =	sdelay $0x2  }
0xb8: {  	s31 =	sshll.u32 s1, $0xD;
	s1 =	sshrl.u32 s1, $0x2  }
0xb9: {  	s3 =	sand.u32 $0x4000, s31;
	s1 =	sadd.s32 s1, s30  }
0xba: {  	s0 =	sor.u32 s3, s0;
	s1 =	sshll.u32 s1, $0x11  }
0xbb: {  	s0 =	sor.u32 s1, s0  }
0xbc: {  	s0 =	sadd.s32 $0x8F2B, s0  }
0xbd: {  	[sflag:s0] =	ssyncadd.remote.s32 $0x1  }
0xbe: {  	_ =	sfence.sel $0xFFFF  }
0xbf: {  	[dreg:$0x0] =	wrdreg $0xFFFFFFFF;
	(pc) =	sbr.abs _section_cstart, $3  }
0xc0: {  	[dreg:$0x1] =	wrdreg $0xFFFFFFFF  }
0xc1: {  	_ =	task.clear_ibuf [dreg:s6], $0x2FFFF;
	_ =	strace $0x9FFFFFFF  }
0xc2: {  	(tm) =	ssettm $0x7FFFFFFF  }
0xc3: {  	_ =	shalt  }
tec
execute0_lowered:
.L_overlay_start_1:
0x0: {  	(tag) =	ssettag $0x1  }
0x1: {  	s0 =	rddreg [dreg:$0x0]  }
0x2: {  	s1 =	rddreg [dreg:$0x1];
	s2 =	simm.s32 $0x0  }
0x3: {  	s4 =	srdreg.scid;
	s7 =	stileid.u32;
	s28 =	simm.s32 $0x300  }
0x4: {  	s29 =	simm.s32 $0x2;
	s30 =	simm.s32 $0x2C00;
	s31 =	simm.s32 $0x5  }
0x5: {  	[smem:$0x7FF] =	sst s2;
	s3 =	sadd.s32 $0x17400, s0;
	s6 =	sand.u32 $0x1, s4  }
0x6: {  	s4 =	sadd.s32 $0x3800, s0;
	s5 =	sadd.s32 $0xD600, s0;
	s10 =	smul.u32 $0x4E000, s7  }
0x7: {  	s11 =	sadd.s32 $0x3E600, s0;
	s12 =	smul.u32 $0x2700, s7;
	s19 =	sshll.u32 s7, $0x6  }
0x8: {  	s21 =	sadd.s32 $0x138000, s1;
	s22 =	smul.u32 $0x2710, s7;
	s0 =	sadd.s32 $0x3E400, s0  }
0x9: {  	p0 =	sne.s32 s7, $0x0;
	_ =	strace $0x8000004A;
	[dreg:$0xe] =	wrdreg s21  }
0xa: {  	s8 =	ssub.s32 $0x2, s6;
	s18 =	sshll.u32 s6, $0x4;
	[dreg:$0xf] =	wrdreg s0  }
0xb: {  	s17 =	sor.u32 $0x1C0D, s19;
	s20 =	smul.u32 $0x27100, s6;
	[dreg:$0xa] =	wrdreg s5  }
0xc: {  	s6 =	smul.u32 $0x138800, s6;
	[dreg:$0x9] =	wrdreg s4;
	s9 =	sshrl.u32 s8, $0x1  }
0xd: {  	s10 =	sshrl.u32 s10, $0x2;
	s13 =	sadd.s32 s3, s12;
	[dreg:$0xd] =	wrdreg s17  }
0xe: {  	s8 =	ssub.s32 s8, s9;
	s9 =	sor.u32 s7, s18;
	s10 =	sadd.s32 s10, s1  }
0xf: {  	[dreg:$0xc] =	wrdreg s13;
	s6 =	sshrl.u32 s6, $0x3;
	s9 =	smul.u32 $0x2710, s9  }
0x10: {  	s7 =	simm.s32 $0x3;
	[dreg:$0xb] =	wrdreg s10;
	s10 =	sadd.s32 s12, s20  }
0x11: {  	s6 =	sadd.s32 s11, s6;
	s10 =	sadd.s32 s11, s10;
	s9 =	sshrl.u32 s9, $0x3  }
0x12: {  	s12 =	simm.s32 $0x4;
	[dreg:$0x14] =	wrdreg s10;
	s23 =	sadd.s32 s4, s9  }
0x13: {  	s24 =	sadd.s32 $0xA, s9;
	s9 =	sadd.s32 s5, s9;
	[dreg:$0x10] =	wrdreg s23  }
0x14: {  	s11 =	simm.s32 $0x9;
	s10 =	simm.s32 $0x6;
	[dreg:$0x11] =	wrdreg s9  }
0x15: {  	s25 =	sadd.s32 s4, s24;
	s9 =	sadd.s32 s22, s20;
	s0 =	sadd.s32 s5, s24  }
0x16: {  	s23 =	sadd.s32 $0x27000, s6;
	s6 =	simm.s32 $0x380;
	[dreg:$0x12] =	wrdreg s25  }
0x17: {  	s26 =	sadd.s32 $0x190, s9;
	[dreg:$0x13] =	wrdreg s0;
	s15 =	sadd.s32 $0xF0, s9  }
0x18: {  	s19 =	sadd.s32 $0xA0, s9;
	[dreg:$0x15] =	wrdreg s23;
	s25 =	smax.u32 s8, $0x1  }
0x19: {  	s8 =	simm.s32 $0xD;
	s23 =	simm.s32 $0x1;
	s13 =	sshrl.u32 s26, $0x3  }
0x1a: {  	s16 =	sshrl.u32 s15, $0x3;
	[dreg:$0x16] =	wrdreg s25;
	s26 =	sadd.s32 $0x140, s9  }
0x1b: {  	s21 =	sshrl.u32 s19, $0x3;
	s14 =	sadd.s32 s13, s5;
	[dreg:$0x17] =	wrdreg s26  }
0x1c: {  	s25 =	simm.s32 $0x400;
	s0 =	sadd.s32 s13, s4;
	[dreg:$0x3] =	wrdreg s14  }
0x1d: {  	s9 =	simm.s32 $0x5400;
	s18 =	sadd.s32 s16, s5;
	[dreg:$0x4] =	wrdreg s0  }
0x1e: {  	s15 =	simm.s32 $0xA;
	s20 =	sadd.s32 s16, s4;
	[dreg:$0x5] =	wrdreg s18  }
0x1f: {  	s22 =	sadd.s32 s21, s5;
	s24 =	sadd.s32 s21, s4;
	[dreg:$0x6] =	wrdreg s20  }
0x20: {  	s26 =	simm.s32 $0x100;
	s13 =	simm.s32 $0x7C00;
	[dreg:$0x7] =	wrdreg s22  }
0x21: {  	s16 =	simm.s32 $0x8;
	[dreg:$0x8] =	wrdreg s24;
	s24 =	simm.s32 $0x50  }
0x22: {  	s0 =	simm.s32 $0x180;
	s14 =	simm.s32 $0x7;
	s18 =	simm.s32 $0x0  }
.LBB2_1:
0x23: {  	[dreg:$0x18] =	wrdreg s18  }
0x24: {  	s4 =	rddreg [dreg:$0xb]  }
0x25: {  	s22 =	rddreg [dreg:$0xc];
	s5 =	sshrl.u32 s4, $0x3  }
0x26: {  	[dreg:$0x19] =	wrdreg s5  }
0x27: {  	[spmem:s5], [sflag:s17] =	dma.local [hbm:s22], $0x2700  }
0x28: {  	_ =	swait.ge [sflag:s8], $0x2700  }
0x29: {  	s4 =	rddreg [dreg:$0xe]  }
0x2a: {  	[sflag:s8] =	ssyncset.done $0x0;
	s5 =	sshrl.u32 @!p0 s4, $0x3;
	s4 =	rddreg [dreg:$0xf]  }
0x2b: {  	[sflag:s8] =	ssyncadd.s32 $0xFFFFD900;
	s8 =	simm.s32 @!p0 $0xD;
	[dreg:$0x1a] =	wrdreg s5  }
0x2c: {  	[spmem:s5], [sflag:s17] =	dma.local @!p0 [hbm:s4], $0x100  }
0x2d: {  	_ =	swait.ge @!p0 [sflag:s8], $0x100  }
0x2e: {  	[sflag:s8] =	ssyncset.done @!p0 $0x0  }
0x2f: {  	[sflag:s8] =	ssyncadd.s32 @!p0 $0xFFFFFF00  }
0x30: {  	[bflag:$0x0] =	sbarrier.arrive $0xFFFF  }
0x31: {  	s17 =	rddreg [dreg:$0x10]  }
0x32: {  	[tilespmem:s2], [sflag:$0x1] =	stream.linear.gather [hbm4b:s17+s2], $0x50, $0x38;
	[tilespmem:$0x1DC80] =	vst v63  }
0x33: {  	s19 =	simm.s32 $0x200;
	s18 =	rddreg [dreg:$0x11]  }
0x34: {  	[tilespmem:s19], [sflag:$0x1] =	stream.linear.gather [hbm4b:s18+s2], $0x50, $0x38;
	[tilespmem:$0x1DC80] =	vst v63  }
0x35: {  	s5 =	simm.s32 $0x80;
	s20 =	rddreg [dreg:$0x12]  }
0x36: {  	[tilespmem:s5], [sflag:$0x2] =	stream.linear.gather [hbm4b:s20+s2], $0x50, $0x38;
	[tilespmem:$0x1DC80] =	vst v63  }
0x37: {  	s21 =	rddreg [dreg:$0x13];
	s20 =	simm.s32 $0x280  }
0x38: {  	[tilespmem:s20], [sflag:$0x2] =	stream.linear.gather [hbm4b:s21+s2], $0x50, $0x38;
	[tilespmem:$0x1DC80] =	vst v63  }
0x39: {  	_ =	swait.ge [sflag:s23], $0x50  }
0x3a: {  	[sflag:s23] =	ssyncset.done $0x0  }
0x3b: {  	[sflag:s23] =	ssyncadd.s32 $0xFFFFFFB0  }
0x3c: {  	_ =	swait.ge [sflag:s23], $0x50  }
0x3d: {  	p1 =	por $0x1, $0x1;
	[sflag:s23] =	ssyncset.done $0x0  }
0x3e: {  	s8 =	simm.s32 @!p1 $0xB;
	[sflag:s23] =	ssyncadd.s32 $0xFFFFFFB0  }
0x3f: {  	[tilespmem:s25], [sflag:$0x5] =	stream.indirect.gather [hbm4b:s3+s24], $0x80, s2, s24, $0xb8;
	[tilespmem:$0x1DC80] =	vst v63  }
0x40: {  	_ =	swait.ge @!p1 [sflag:s8], $0x2800  }
0x41: {  	s22 =	rddreg [dreg:$0x8];
	[sflag:s8] =	ssyncset.done @!p1 $0x0  }
0x42: {  	s4 =	rddreg [dreg:$0x7];
	[sflag:s8] =	ssyncadd.s32 @!p1 $0xFFFFD800;
	s17 =	sadd.s32 $0x0, s22  }
0x43: {  	[tilespmem:s26], [sflag:$0x3] =	stream.linear.gather [hbm4b:s17+s2], $0x50, $0x38;
	[tilespmem:$0x1DC80] =	vst v63  }
0x44: {  	s21 =	sadd.s32 $0x0, s4  }
0x45: {  	[tilespmem:s28], [sflag:$0x3] =	stream.linear.gather [hbm4b:s21+s2], $0x50, $0x38;
	[tilespmem:$0x1DC80] =	vst v63  }
0x46: {  	_ =	swait.ge [sflag:s29], $0x50  }
0x47: {  	[sflag:s29] =	ssyncset.done $0x0  }
0x48: {  	[sflag:s29] =	ssyncadd.s32 $0xFFFFFFB0  }
0x49: {  	_ =	swait.ge [sflag:s29], $0x50  }
0x4a: {  	[sflag:s29] =	ssyncset.done $0x0  }
0x4b: {  	[sflag:s29] =	ssyncadd.s32 $0xFFFFFFB0  }
0x4c: {  	[tilespmem:s30], [sflag:$0x6] =	stream.indirect.gather [hbm4b:s3+s24], $0x80, s5, s24, $0xb8;
	[tilespmem:$0x1DC80] =	vst v63  }
0x4d: {  	_ =	swait.ge [sflag:s31], $0x2800  }
0x4e: {  	[sflag:s31] =	ssyncset.done $0x0  }
0x4f: {  	s8 =	simm.s32 @!p1 $0xC;
	[sflag:s31] =	ssyncadd.s32 $0xFFFFD800  }
0x50: {  	[spmem:s1] =	stream.indirect.scatter.add.f32 [tilespmem:s25], [sflag:$0x9], $0x80, s19, s24, $0xb8;
	[tilespmem:$0x1DC80] =	vst v63  }
0x51: {  	_ =	swait.ge @!p1 [sflag:s8], $0x2800  }
0x52: {  	s22 =	rddreg [dreg:$0x6];
	[sflag:s8] =	ssyncset.done @!p1 $0x0  }
0x53: {  	s4 =	rddreg [dreg:$0x5];
	[sflag:s8] =	ssyncadd.s32 @!p1 $0xFFFFD800;
	s5 =	sadd.s32 $0x0, s22  }
0x54: {  	[tilespmem:s0], [sflag:$0x4] =	stream.linear.gather [hbm4b:s5+s2], $0x50, $0x38;
	[tilespmem:$0x1DC80] =	vst v63  }
0x55: {  	s17 =	sadd.s32 $0x0, s4  }
0x56: {  	[tilespmem:s6], [sflag:$0x4] =	stream.linear.gather [hbm4b:s17+s2], $0x50, $0x38;
	[tilespmem:$0x1DC80] =	vst v63  }
0x57: {  	_ =	swait.ge [sflag:s7], $0x50  }
0x58: {  	[sflag:s7] =	ssyncset.done $0x0  }
0x59: {  	[sflag:s7] =	ssyncadd.s32 $0xFFFFFFB0  }
0x5a: {  	_ =	swait.ge [sflag:s7], $0x50  }
0x5b: {  	[sflag:s7] =	ssyncset.done $0x0  }
0x5c: {  	[sflag:s7] =	ssyncadd.s32 $0xFFFFFFB0  }
0x5d: {  	[tilespmem:s9], [sflag:$0x7] =	stream.indirect.gather [hbm4b:s3+s24], $0x80, s26, s24, $0xb8;
	[tilespmem:$0x1DC80] =	vst v63  }
0x5e: {  	_ =	swait.ge [sflag:s10], $0x2800  }
0x5f: {  	[sflag:s10] =	ssyncset.done $0x0  }
0x60: {  	[sflag:s10] =	ssyncadd.s32 $0xFFFFD800  }
0x61: {  	[spmem:s1] =	stream.indirect.scatter.add.f32 [tilespmem:s30], [sflag:$0xA], $0x80, s20, s24, $0xb8;
	[tilespmem:$0x1DC80] =	vst v63  }
0x62: {  	_ =	swait.ge [sflag:s11], $0x2800  }
0x63: {  	s5 =	rddreg [dreg:$0x17]  }
0x64: {  	[sflag:s11] =	ssyncset.done $0x0;
	s20 =	rddreg [dreg:$0x9];
	s18 =	sshrl.u32 s5, $0x3  }
0x65: {  	s22 =	rddreg [dreg:$0xa];
	[sflag:s11] =	ssyncadd.s32 $0xFFFFD800;
	s21 =	sadd.s32 s20, s18  }
0x66: {  	[tilespmem:s2], [sflag:$0x1] =	stream.linear.gather [hbm4b:s21+s2], $0x50, $0x38;
	[tilespmem:$0x1DC80] =	vst v63  }
0x67: {  	s8 =	sadd.s32 s22, s18  }
0x68: {  	[tilespmem:s19], [sflag:$0x1] =	stream.linear.gather [hbm4b:s8+s2], $0x50, $0x38;
	[tilespmem:$0x1DC80] =	vst v63  }
0x69: {  	_ =	swait.ge [sflag:s12], $0x50  }
0x6a: {  	[sflag:s12] =	ssyncset.done $0x0  }
0x6b: {  	[sflag:s12] =	ssyncadd.s32 $0xFFFFFFB0  }
0x6c: {  	_ =	swait.ge [sflag:s12], $0x50  }
0x6d: {  	[sflag:s12] =	ssyncset.done $0x0  }
0x6e: {  	[sflag:s12] =	ssyncadd.s32 $0xFFFFFFB0  }
0x6f: {  	[tilespmem:s13], [sflag:$0x8] =	stream.indirect.gather [hbm4b:s3+s24], $0x80, s0, s24, $0xb8;
	[tilespmem:$0x1DC80] =	vst v63  }
0x70: {  	_ =	swait.ge [sflag:s14], $0x2800  }
0x71: {  	[sflag:s14] =	ssyncset.done $0x0  }
0x72: {  	p1 =	por $0x0, $0x0;
	[sflag:s14] =	ssyncadd.s32 $0xFFFFD800  }
0x73: {  	[spmem:s1] =	stream.indirect.scatter.add.f32 [tilespmem:s9], [sflag:$0xB], $0x80, s28, s24, $0xb8;
	[tilespmem:$0x1DC80] =	vst v63  }
0x74: {  	s18 =	simm.s32 @!p1 $0x0;
	_ =	swait.ge [sflag:s15], $0x2800  }
0x75: {  	s19 =	simm.s32 @!p1 $0x80;
	s8 =	rddreg [dreg:$0x4];
	[sflag:s15] =	ssyncset.done $0x0  }
0x76: {  	s17 =	rddreg [dreg:$0x3];
	[sflag:s15] =	ssyncadd.s32 $0xFFFFD800;
	s8 =	sadd.s32 @!p1 $0x0, s8  }
0x77: {  	[tilespmem:s19], [sflag:$0x2] =	stream.linear.gather @!p1 [hbm4b:s8+s18], $0x50, $0x38;
	[tilespmem:$0x1DC80] =	vst v63  }
0x78: {  	s17 =	sadd.s32 @!p1 $0x0, s17;
	s8 =	simm.s32 @!p1 $0x280  }
0x79: {  	[tilespmem:s8], [sflag:$0x2] =	stream.linear.gather @!p1 [hbm4b:s17+s18], $0x50, $0x38;
	[tilespmem:$0x1DC80] =	vst v63  }
0x7a: {  	_ =	swait.ge [sflag:s23], $0x50  }
0x7b: {  	[sflag:s23] =	ssyncset.done $0x0  }
0x7c: {  	[sflag:s23] =	ssyncadd.s32 $0xFFFFFFB0  }
0x7d: {  	_ =	swait.ge [sflag:s23], $0x50  }
0x7e: {  	[sflag:s23] =	ssyncset.done $0x0  }
0x7f: {  	p2 =	por $0x0, $0x0;
	s19 =	sadd.s32 $0x140, s5;
	[sflag:s23] =	ssyncadd.s32 $0xFFFFFFB0  }
0x80: {  	[tilespmem:s25], [sflag:$0x5] =	stream.indirect.gather [hbm4b:s3+s24], $0x80, s2, s24, $0xb8;
	[tilespmem:$0x1DC80] =	vst v63  }
0x81: {  	s18 =	simm.s32 $0x28;
	s8 =	simm.s32 $0x50;
	_ =	swait.ge [sflag:s16], $0x2800  }
.LBB2_2:
0x82: {  	[sflag:s16] =	ssyncset.done $0x0  }
0x83: {  	s21 =	simm.s32 @!p2 $0xB;
	[sflag:s16] =	ssyncadd.s32 $0xFFFFD800  }
0x84: {  	[spmem:s1] =	stream.indirect.scatter.add.f32 [tilespmem:s13], [sflag:$0xC], $0x80, s6, s24, $0xb8;
	[tilespmem:$0x1DC80] =	vst v63  }
0x85: {  	_ =	swait.ge @!p2 [sflag:s21], $0x2800  }
0x86: {  	[sflag:s21] =	ssyncset.done @!p2 $0x0;
	s22 =	rddreg [dreg:$0x8]  }
0x87: {  	s4 =	rddreg [dreg:$0x7];
	[sflag:s21] =	ssyncadd.s32 @!p2 $0xFFFFD800;
	s22 =	sadd.s32 s18, s22  }
0x88: {  	[tilespmem:s26], [sflag:$0x3] =	stream.linear.gather [hbm4b:s22+s2], $0x50, $0x38;
	[tilespmem:$0x1DC80] =	vst v63  }
0x89: {  	s21 =	sadd.s32 s18, s4  }
0x8a: {  	[tilespmem:s28], [sflag:$0x3] =	stream.linear.gather [hbm4b:s21+s2], $0x50, $0x38;
	[tilespmem:$0x1DC80] =	vst v63  }
0x8b: {  	_ =	swait.ge [sflag:s29], $0x50  }
0x8c: {  	[sflag:s29] =	ssyncset.done $0x0  }
0x8d: {  	[sflag:s29] =	ssyncadd.s32 $0xFFFFFFB0  }
0x8e: {  	_ =	swait.ge [sflag:s29], $0x50  }
0x8f: {  	[sflag:s29] =	ssyncset.done $0x0  }
0x90: {  	s4 =	simm.s32 $0x80;
	[sflag:s29] =	ssyncadd.s32 $0xFFFFFFB0  }
0x91: {  	[tilespmem:s30], [sflag:$0x6] =	stream.indirect.gather [hbm4b:s3+s24], $0x80, s4, s24, $0xb8;
	[tilespmem:$0x1DC80] =	vst v63  }
0x92: {  	_ =	swait.ge [sflag:s31], $0x2800  }
0x93: {  	[sflag:s31] =	ssyncset.done $0x0  }
0x94: {  	s20 =	simm.s32 $0x200;
	s21 =	simm.s32 @!p2 $0xC;
	[sflag:s31] =	ssyncadd.s32 $0xFFFFD800  }
0x95: {  	[spmem:s1] =	stream.indirect.scatter.add.f32 [tilespmem:s25], [sflag:$0x9], $0x80, s20, s24, $0xb8;
	[tilespmem:$0x1DC80] =	vst v63  }
0x96: {  	_ =	swait.ge @!p2 [sflag:s21], $0x2800  }
0x97: {  	s5 =	rddreg [dreg:$0x6];
	[sflag:s21] =	ssyncset.done @!p2 $0x0  }
0x98: {  	s4 =	rddreg [dreg:$0x5];
	[sflag:s21] =	ssyncadd.s32 @!p2 $0xFFFFD800;
	s5 =	sadd.s32 s18, s5  }
0x99: {  	[tilespmem:s0], [sflag:$0x4] =	stream.linear.gather [hbm4b:s5+s2], $0x50, $0x38;
	[tilespmem:$0x1DC80] =	vst v63  }
0x9a: {  	s4 =	sadd.s32 s18, s4  }
0x9b: {  	[tilespmem:s6], [sflag:$0x4] =	stream.linear.gather [hbm4b:s4+s2], $0x50, $0x38;
	[tilespmem:$0x1DC80] =	vst v63  }
0x9c: {  	_ =	swait.ge [sflag:s7], $0x50  }
0x9d: {  	[sflag:s7] =	ssyncset.done $0x0  }
0x9e: {  	[sflag:s7] =	ssyncadd.s32 $0xFFFFFFB0  }
0x9f: {  	_ =	swait.ge [sflag:s7], $0x50  }
0xa0: {  	[sflag:s7] =	ssyncset.done $0x0  }
0xa1: {  	[sflag:s7] =	ssyncadd.s32 $0xFFFFFFB0  }
0xa2: {  	[tilespmem:s9], [sflag:$0x7] =	stream.indirect.gather [hbm4b:s3+s24], $0x80, s26, s24, $0xb8;
	[tilespmem:$0x1DC80] =	vst v63  }
0xa3: {  	_ =	swait.ge [sflag:s10], $0x2800  }
0xa4: {  	[sflag:s10] =	ssyncset.done $0x0  }
0xa5: {  	s22 =	simm.s32 $0x280;
	[sflag:s10] =	ssyncadd.s32 $0xFFFFD800  }
0xa6: {  	[spmem:s1] =	stream.indirect.scatter.add.f32 [tilespmem:s30], [sflag:$0xA], $0x80, s22, s24, $0xb8;
	[tilespmem:$0x1DC80] =	vst v63  }
0xa7: {  	_ =	swait.ge [sflag:s11], $0x2800  }
0xa8: {  	s4 =	sshrl.u32 s19, $0x3;
	[sflag:s11] =	ssyncset.done $0x0;
	s5 =	rddreg [dreg:$0x9]  }
0xa9: {  	s22 =	rddreg [dreg:$0xa];
	s5 =	sadd.s32 s5, s4;
	[sflag:s11] =	ssyncadd.s32 $0xFFFFD800  }
0xaa: {  	[tilespmem:s2], [sflag:$0x1] =	stream.linear.gather [hbm4b:s5+s2], $0x50, $0x38;
	[tilespmem:$0x1DC80] =	vst v63  }
0xab: {  	s4 =	sadd.s32 s22, s4  }
0xac: {  	[tilespmem:s20], [sflag:$0x1] =	stream.linear.gather [hbm4b:s4+s2], $0x50, $0x38;
	[tilespmem:$0x1DC80] =	vst v63  }
0xad: {  	_ =	swait.ge [sflag:s12], $0x50  }
0xae: {  	[sflag:s12] =	ssyncset.done $0x0  }
0xaf: {  	[sflag:s12] =	ssyncadd.s32 $0xFFFFFFB0  }
0xb0: {  	_ =	swait.ge [sflag:s12], $0x50  }
0xb1: {  	[sflag:s12] =	ssyncset.done $0x0  }
0xb2: {  	[sflag:s12] =	ssyncadd.s32 $0xFFFFFFB0  }
0xb3: {  	[tilespmem:s13], [sflag:$0x8] =	stream.indirect.gather [hbm4b:s3+s24], $0x80, s0, s24, $0xb8;
	[tilespmem:$0x1DC80] =	vst v63  }
0xb4: {  	_ =	swait.ge [sflag:s14], $0x2800  }
0xb5: {  	[sflag:s14] =	ssyncset.done $0x0  }
0xb6: {  	p2 =	seq.s32 s18, $0x4B0;
	[sflag:s14] =	ssyncadd.s32 $0xFFFFD800  }
0xb7: {  	[spmem:s1] =	stream.indirect.scatter.add.f32 [tilespmem:s9], [sflag:$0xB], $0x80, s28, s24, $0xb8;
	[tilespmem:$0x1DC80] =	vst v63  }
0xb8: {  	s22 =	simm.s32 @!p2 $0x0;
	_ =	swait.ge [sflag:s15], $0x2800  }
0xb9: {  	s5 =	simm.s32 @!p2 $0x80;
	s4 =	rddreg [dreg:$0x4];
	[sflag:s15] =	ssyncset.done $0x0  }
0xba: {  	s21 =	rddreg [dreg:$0x3];
	[sflag:s15] =	ssyncadd.s32 $0xFFFFD800;
	s4 =	sadd.s32 @!p2 s18, s4  }
0xbb: {  	[tilespmem:s5], [sflag:$0x2] =	stream.linear.gather @!p2 [hbm4b:s4+s22], $0x50, $0x38;
	[tilespmem:$0x1DC80] =	vst v63  }
0xbc: {  	s20 =	simm.s32 @!p2 $0x280;
	s4 =	sadd.s32 @!p2 s18, s21  }
0xbd: {  	[tilespmem:s20], [sflag:$0x2] =	stream.linear.gather @!p2 [hbm4b:s4+s22], $0x50, $0x38;
	[tilespmem:$0x1DC80] =	vst v63  }
0xbe: {  	_ =	swait.ge [sflag:s23], $0x50  }
0xbf: {  	s17 =	smov.u32 s8;
	s8 =	sadd.s32 $0x28, s8;
	[sflag:s23] =	ssyncset.done $0x0  }
0xc0: {  	p1 =	sne.s32 s8, $0x4D8;
	[sflag:s23] =	ssyncadd.s32 $0xFFFFFFB0  }
.Ltmp0:
0xc1: {  	_ =	swait.ge [sflag:s23], $0x50;
	(pc) =	sbr.rel @p1 .LBB2_2-.Ltmp0, $4  }
0xc2: {  	[sflag:s23] =	ssyncset.done $0x0  }
0xc3: {  	s18 =	smov.u32 s17;
	[sflag:s23] =	ssyncadd.s32 $0xFFFFFFB0  }
0xc4: {  	[tilespmem:s25], [sflag:$0x5] =	stream.indirect.gather [hbm4b:s3+s24], $0x80, s2, s24, $0xb8;
	[tilespmem:$0x1DC80] =	vst v63  }
0xc5: {  	s19 =	sadd.s32 $0x140, s19;
	p2 =	seq.s32 s18, $0x0;
	_ =	swait.ge [sflag:s16], $0x2800  }
0xc6: {  	[sflag:s16] =	ssyncset.done $0x0  }
0xc7: {  	s4 =	simm.s32 @!p2 $0xB;
	[sflag:s16] =	ssyncadd.s32 $0xFFFFD800  }
0xc8: {  	[spmem:s1] =	stream.indirect.scatter.add.f32 [tilespmem:s13], [sflag:$0xC], $0x80, s6, s24, $0xb8;
	[tilespmem:$0x1DC80] =	vst v63  }
0xc9: {  	_ =	swait.ge @!p2 [sflag:s4], $0x2800  }
0xca: {  	s5 =	rddreg [dreg:$0x8];
	[sflag:s4] =	ssyncset.done @!p2 $0x0  }
0xcb: {  	s8 =	rddreg [dreg:$0x7];
	[sflag:s4] =	ssyncadd.s32 @!p2 $0xFFFFD800;
	s5 =	sadd.s32 s18, s5  }
0xcc: {  	[tilespmem:s26], [sflag:$0x3] =	stream.linear.gather [hbm4b:s5+s2], $0x50, $0x38;
	[tilespmem:$0x1DC80] =	vst v63  }
0xcd: {  	s17 =	sadd.s32 s18, s8  }
0xce: {  	[tilespmem:s28], [sflag:$0x3] =	stream.linear.gather [hbm4b:s17+s2], $0x50, $0x38;
	[tilespmem:$0x1DC80] =	vst v63  }
0xcf: {  	_ =	swait.ge [sflag:s29], $0x50  }
0xd0: {  	[sflag:s29] =	ssyncset.done $0x0  }
0xd1: {  	[sflag:s29] =	ssyncadd.s32 $0xFFFFFFB0  }
0xd2: {  	_ =	swait.ge [sflag:s29], $0x50  }
0xd3: {  	[sflag:s29] =	ssyncset.done $0x0  }
0xd4: {  	s20 =	simm.s32 $0x80;
	[sflag:s29] =	ssyncadd.s32 $0xFFFFFFB0  }
0xd5: {  	[tilespmem:s30], [sflag:$0x6] =	stream.indirect.gather [hbm4b:s3+s24], $0x80, s20, s24, $0xb8;
	[tilespmem:$0x1DC80] =	vst v63  }
0xd6: {  	_ =	swait.ge [sflag:s31], $0x2800  }
0xd7: {  	[sflag:s31] =	ssyncset.done $0x0  }
0xd8: {  	s4 =	simm.s32 @!p2 $0xC;
	s20 =	simm.s32 $0x200;
	[sflag:s31] =	ssyncadd.s32 $0xFFFFD800  }
0xd9: {  	[spmem:s1] =	stream.indirect.scatter.add.f32 [tilespmem:s25], [sflag:$0x9], $0x80, s20, s24, $0xb8;
	[tilespmem:$0x1DC80] =	vst v63  }
0xda: {  	_ =	swait.ge @!p2 [sflag:s4], $0x2800  }
0xdb: {  	s21 =	rddreg [dreg:$0x6];
	[sflag:s4] =	ssyncset.done @!p2 $0x0  }
0xdc: {  	s22 =	rddreg [dreg:$0x5];
	[sflag:s4] =	ssyncadd.s32 @!p2 $0xFFFFD800;
	s5 =	sadd.s32 s18, s21  }
0xdd: {  	[tilespmem:s0], [sflag:$0x4] =	stream.linear.gather [hbm4b:s5+s2], $0x50, $0x38;
	[tilespmem:$0x1DC80] =	vst v63  }
0xde: {  	s8 =	sadd.s32 s18, s22  }
0xdf: {  	[tilespmem:s6], [sflag:$0x4] =	stream.linear.gather [hbm4b:s8+s2], $0x50, $0x38;
	[tilespmem:$0x1DC80] =	vst v63  }
0xe0: {  	_ =	swait.ge [sflag:s7], $0x50  }
0xe1: {  	[sflag:s7] =	ssyncset.done $0x0  }
0xe2: {  	[sflag:s7] =	ssyncadd.s32 $0xFFFFFFB0  }
0xe3: {  	_ =	swait.ge [sflag:s7], $0x50  }
0xe4: {  	[sflag:s7] =	ssyncset.done $0x0  }
0xe5: {  	[sflag:s7] =	ssyncadd.s32 $0xFFFFFFB0  }
0xe6: {  	[tilespmem:s9], [sflag:$0x7] =	stream.indirect.gather [hbm4b:s3+s24], $0x80, s26, s24, $0xb8;
	[tilespmem:$0x1DC80] =	vst v63  }
0xe7: {  	_ =	swait.ge [sflag:s10], $0x2800  }
0xe8: {  	[sflag:s10] =	ssyncset.done $0x0  }
0xe9: {  	s17 =	simm.s32 $0x280;
	[sflag:s10] =	ssyncadd.s32 $0xFFFFD800  }
0xea: {  	[spmem:s1] =	stream.indirect.scatter.add.f32 [tilespmem:s30], [sflag:$0xA], $0x80, s17, s24, $0xb8;
	[tilespmem:$0x1DC80] =	vst v63  }
0xeb: {  	_ =	swait.ge [sflag:s11], $0x2800  }
0xec: {  	s21 =	sshrl.u32 s19, $0x3;
	[sflag:s11] =	ssyncset.done $0x0;
	s22 =	rddreg [dreg:$0x9]  }
0xed: {  	s8 =	rddreg [dreg:$0xa];
	s5 =	sadd.s32 s22, s21;
	[sflag:s11] =	ssyncadd.s32 $0xFFFFD800  }
0xee: {  	[tilespmem:s2], [sflag:$0x1] =	stream.linear.gather [hbm4b:s5+s2], $0x50, $0x38;
	[tilespmem:$0x1DC80] =	vst v63  }
0xef: {  	s4 =	sadd.s32 s8, s21  }
0xf0: {  	[tilespmem:s20], [sflag:$0x1] =	stream.linear.gather [hbm4b:s4+s2], $0x50, $0x38;
	[tilespmem:$0x1DC80] =	vst v63  }
0xf1: {  	_ =	swait.ge [sflag:s12], $0x50  }
0xf2: {  	[sflag:s12] =	ssyncset.done $0x0  }
0xf3: {  	[sflag:s12] =	ssyncadd.s32 $0xFFFFFFB0  }
0xf4: {  	_ =	swait.ge [sflag:s12], $0x50  }
0xf5: {  	[sflag:s12] =	ssyncset.done $0x0  }
0xf6: {  	[sflag:s12] =	ssyncadd.s32 $0xFFFFFFB0  }
0xf7: {  	[tilespmem:s13], [sflag:$0x8] =	stream.indirect.gather [hbm4b:s3+s24], $0x80, s0, s24, $0xb8;
	[tilespmem:$0x1DC80] =	vst v63  }
0xf8: {  	_ =	swait.ge [sflag:s14], $0x2800  }
0xf9: {  	[sflag:s14] =	ssyncset.done $0x0  }
0xfa: {  	p1 =	seq.s32 s18, $0x4B0;
	[sflag:s14] =	ssyncadd.s32 $0xFFFFD800  }
0xfb: {  	[spmem:s1] =	stream.indirect.scatter.add.f32 [tilespmem:s9], [sflag:$0xB], $0x80, s28, s24, $0xb8;
	[tilespmem:$0x1DC80] =	vst v63  }
0xfc: {  	s17 =	simm.s32 @!p1 $0x80;
	_ =	swait.ge [sflag:s15], $0x2800  }
0xfd: {  	s8 =	simm.s32 @!p1 $0x0;
	s4 =	rddreg [dreg:$0x4];
	[sflag:s15] =	ssyncset.done $0x0  }
0xfe: {  	s5 =	rddreg [dreg:$0x3];
	[sflag:s15] =	ssyncadd.s32 $0xFFFFD800;
	s4 =	sadd.s32 @!p1 s18, s4  }
0xff: {  	[tilespmem:s17], [sflag:$0x2] =	stream.linear.gather @!p1 [hbm4b:s4+s8], $0x50, $0x38;
	[tilespmem:$0x1DC80] =	vst v63  }
0x100: {  	s4 =	sadd.s32 @!p1 s18, s5;
	s5 =	simm.s32 @!p1 $0x280  }
0x101: {  	[tilespmem:s5], [sflag:$0x2] =	stream.linear.gather @!p1 [hbm4b:s4+s8], $0x50, $0x38;
	[tilespmem:$0x1DC80] =	vst v63  }
0x102: {  	_ =	swait.ge [sflag:s23], $0x50  }
0x103: {  	[sflag:s23] =	ssyncset.done $0x0  }
0x104: {  	[sflag:s23] =	ssyncadd.s32 $0xFFFFFFB0  }
0x105: {  	_ =	swait.ge [sflag:s23], $0x50  }
0x106: {  	[sflag:s23] =	ssyncset.done $0x0  }
0x107: {  	[sflag:s23] =	ssyncadd.s32 $0xFFFFFFB0  }
0x108: {  	[tilespmem:s25], [sflag:$0x5] =	stream.indirect.gather [hbm4b:s3+s24], $0x80, s2, s24, $0xb8;
	[tilespmem:$0x1DC80] =	vst v63  }
0x109: {  	_ =	swait.ge [sflag:s16], $0x2800  }
0x10a: {  	[sflag:s16] =	ssyncset.done $0x0  }
0x10b: {  	s17 =	simm.s32 $0xB;
	[sflag:s16] =	ssyncadd.s32 $0xFFFFD800  }
0x10c: {  	[spmem:s1] =	stream.indirect.scatter.add.f32 [tilespmem:s13], [sflag:$0xC], $0x80, s6, s24, $0xb8;
	[tilespmem:$0x1DC80] =	vst v63  }
0x10d: {  	_ =	swait.ge [sflag:s17], $0x2800  }
0x10e: {  	[sflag:s17] =	ssyncset.done $0x0  }
0x10f: {  	[sflag:s17] =	ssyncadd.s32 $0xFFFFD800  }
0x110: {  	_ =	swait.ge [sflag:s31], $0x2800  }
0x111: {  	[sflag:s31] =	ssyncset.done $0x0  }
0x112: {  	s18 =	simm.s32 $0xC;
	[sflag:s31] =	ssyncadd.s32 $0xFFFFD800  }
0x113: {  	[spmem:s1] =	stream.indirect.scatter.add.f32 [tilespmem:s25], [sflag:$0x9], $0x80, s20, s24, $0xb8;
	[tilespmem:$0x1DC80] =	vst v63  }
0x114: {  	_ =	swait.ge [sflag:s18], $0x2800  }
0x115: {  	[sflag:s18] =	ssyncset.done $0x0  }
0x116: {  	[sflag:s18] =	ssyncadd.s32 $0xFFFFD800  }
0x117: {  	_ =	swait.ge [sflag:s11], $0x2800  }
0x118: {  	[sflag:s11] =	ssyncset.done $0x0  }
0x119: {  	[sflag:s11] =	ssyncadd.s32 $0xFFFFD800  }
0x11a: {  	[bflag:$0x0] =	sbarrier.arrive $0xFFFF  }
0x11b: {  	s17 =	rddreg [dreg:$0xd]  }
0x11c: {  	s19 =	rddreg [dreg:$0x14]  }
0x11d: {  	s8 =	simm.s32 $0xD;
	s20 =	rddreg [dreg:$0x19]  }
0x11e: {  	[hbm:s19], [sflag:s17] =	dma.local [spmem:s20], $0x2700  }
0x11f: {  	_ =	swait.ge [sflag:s8], $0x2700  }
0x120: {  	[sflag:s8] =	ssyncset.done $0x0;
	s4 =	rddreg [dreg:$0x15]  }
0x121: {  	s5 =	rddreg [dreg:$0x1a];
	[sflag:s8] =	ssyncadd.s32 $0xFFFFD900  }
0x122: {  	[hbm:s4], [sflag:s17] =	dma.local @!p0 [spmem:s5], $0x100  }
0x123: {  	s4 =	simm.s32 @!p0 $0xD  }
0x124: {  	_ =	swait.ge @!p0 [sflag:s4], $0x100  }
0x125: {  	s21 =	rddreg [dreg:$0x18]  }
0x126: {  	s22 =	rddreg [dreg:$0x16];
	s18 =	sadd.s32 $0x1, s21  }
0x127: {  	p1 =	sne.s32 s18, s22  }
.Ltmp1:
0x128: {  	_ = 	snop;
	(pc) =	sbr.rel @p1 .LBB2_1-.Ltmp1, $3  }
0x129: {  	_ =	sdelay $0x1  }
0x12a: {  	[sflag:s4] =	ssyncset.done @!p0 $0x0  }
0x12b: {  	[sflag:s4] =	ssyncadd.s32 @!p0 $0xFFFFFF00  }
0x12c: {  	_ =	sfence.sel $0x180000  }
0x12d: {  	[bflag:$0x0] =	sbarrier.arrive $0xFFFF  }
0x12e: {  	_ =	strace $0x9000004A  }
0x12f: {  	[bflag:$0x2] =	sbarrier.arrive $0xFFFF  }
0x130: {  	s0 =	rddreg [dreg:$0x2]  }
0x131: {  	s0 =	sadd.s32 @!p0 $0x100000, s0  }
0x132: {  	[sflag:s0] =	ssyncadd.tile.s32 @!p0 $0x1;
	_ =	shalt  }
.Lfunc_end2:
_tile_overlayer_lowered:
.L_overlay_start_2:
0x133: {  	(tag) =	ssettag $0x2  }
0x134: {  	s0 =	rddreg [dreg:$0x0];
	s2 =	stileid.u32  }
0x135: {  	s1 =	rddreg [dreg:$0x1];
	p0 =	sne.s32 s2, $0x0  }
0x136: {  	s3 =	rddreg [dreg:$0x2];
	[bflag:$0x3] =	sbarrier.arrive $0xFFFF;
	s2 =	simm.s32 @!p0 $0x1C0D  }
0x137: {  	[timem:s3], [sflag:s2] =	dma.local @!p0 [hbm:s0], s1  }
0x138: {  	s0 =	simm.s32 @!p0 $0xD  }
0x139: {  	_ =	swait.ge @!p0 [sflag:s0], s1  }
0x13a: {  	s1 =	ssub.s32 @!p0 $0x0, s1;
	[sflag:s0] =	ssyncset.done @!p0 $0x0  }
0x13b: {  	[sflag:s0] =	ssyncadd.s32 @!p0 s1  }
0x13c: {  	[bflag:$0x3] =	sbarrier.arrive $0xFFFF  }
0x13d: {  	_ =	shalt  }

// kernel: kernel.16.cloned.1.call-start
scs
__scs_entry_jumppad:
0x0: {  	(pc) =	sbr.rel $0x88, $3  }
0x1: {  	(tag) =	ssettag $0x0;
	lr =	simm.s32 $0x1  }
0x2: {  	[smem:$0x3F93] =	sst lr;
	_ =	strace $0xD0000000  }
0x3: {  	_ = 	snop  }
0x4: {  	_ = 	snop  }
0x5: {  	_ = 	snop  }
0x6: {  	_ = 	snop  }
0x7: {  	_ = 	snop  }
__scs_overlays_trampoline_lowered:
0x8: {  	[smem:$0x3FA2] =	sst s0  }
0x9: {  	[smem:$0x3FA3] =	sst s1  }
0xa: {  	[smem:$0x3FA4] =	sst s2  }
0xb: {  	[smem:$0x3FA5] =	sst s3  }
0xc: {  	[smem:$0x3FA6] =	sst s4  }
0xd: {  	[smem:$0x3FA7] =	sst s5  }
0xe: {  	[smem:$0x3FA8] =	sst s6  }
0xf: {  	[smem:$0x3FA9] =	sst s7  }
0x10: {  	[smem:$0x3FAA] =	sst s8  }
0x11: {  	[smem:$0x3FAB] =	sst s9;
	s0 =	simm.s32 @!p0 $0x0  }
0x12: {  	s1 =	sld [smem:$0x3F91];
	s0 =	simm.s32 @p0 $0x1  }
0x13: {  	[smem:$0x3FAC] =	sst s0;
	s0 =	simm.s32 @!p1 $0x0  }
0x14: {  	s2 =	sld [smem:$0x3F90];
	s0 =	simm.s32 @p1 $0x1  }
0x15: {  	[smem:$0x3FAD] =	sst s0;
	s0 =	simm.s32 @!p2 $0x0  }
0x16: {  	s3 =	sld [smem:$0x3FDB];
	s0 =	simm.s32 @p2 $0x1  }
0x17: {  	s4 =	simm.s32 $0x1BF5;
	[smem:$0x3FAF] =	sst s0  }
0x18: {  	s0 =	sld [smem:$0x3F92];
	_ =	swait.ge [sflag:s4], $0x0  }
0x19: {  	s7 =	sld [smem:$0x3F93]  }
0x1a: {  	s8 =	sadd.s32 $0xFFFFE003, lr  }
0x1b: {  	s9 =	sadd.s32 $0xFFFFFEF7, lr;
	s5 =	simm.s32 $0xFFFFFFFF;
	p2 =	slt.u32 s8, $0xFFFFF086  }
0x1c: {  	p1 =	slt.u32 s9, $0xF7A;
	s5 =	simm.s32 @!p2 $0x0  }
0x1d: {  	s5 =	simm.s32 @p1 $0x1;
	p0 =	seq.s32 s7, s2  }
0x1e: {  	s7 =	smul.u32 @!p0 $0xF7A, s2;
	p2 =	seq.s32 @!p0 s5, $0x0  }
0x1f: {  	s9 =	smul.u32 $0xF7A, s1;
	s8 =	simm.s32 @!p0 $0x1BF5;
	p2 =	por !p2, p0  }
0x20: {  	[sflag:s8] =	ssyncset.s32 @!p0 $0xFFFFF086;
	s6 =	sadd.s32 @!p0 s3, s7;
	s7 =	simm.s32 @!p0 $0x108  }
0x21: {  	s3 =	sadd.s32 s3, s9;
	s6 =	sadd.s32 @!p0 $0x88, s6;
	s7 =	simm.s32 @p2 $0x1082  }
0x22: {  	[simem:s7], [sflag:s8] =	dma.local @!p0 [hbm:s6], $0xF7A  }
0x23: {  	s9 =	sor.u32 $0xD0000000, s2;
	s6 =	simm.s32 $0x108;
	_ =	swait.ge @!p0 [sflag:s8], $0x0  }
0x24: {  	s3 =	sadd.s32 $0x88, s3;
	s6 =	simm.s32 @!p1 $0x1082;
	[sflag:s4] =	ssyncset.s32 $0xFFFFF086  }
0x25: {  	[simem:s6], [sflag:s4] =	dma.local [hbm:s3], $0xF7A  }
0x26: {  	[smem:$0x3F93] =	sst s1;
	(tag) =	ssettag s2;
	_ =	strace s9  }
0x27: {  	s1 =	sld [smem:$0x3FA3]  }
0x28: {  	s2 =	sld [smem:$0x3FA4]  }
0x29: {  	s4 =	sld [smem:$0x3FA6]  }
0x2a: {  	p0 =	seq.s32 s5, $0x0;
	s5 =	sld [smem:$0x3FA7]  }
0x2b: {  	s6 =	sld [smem:$0x3FA8]  }
0x2c: {  	s7 =	sld [smem:$0x3FA9]  }
0x2d: {  	s3 =	simm.s32 $0x108;
	s8 =	sld [smem:$0x3FAA]  }
0x2e: {  	s3 =	simm.s32 @!p0 $0x1082;
	s9 =	sld [smem:$0x3FAB]  }
0x2f: {  	lr =	sadd.s32 s0, s3;
	s0 =	sld [smem:$0x3FA2]  }
0x30: {  	s3 =	sld [smem:$0x3FA5]  }
0x31: {  	[smem:$0x3FAE] =	sst s10  }
0x32: {  	s10 =	sld [smem:$0x3FAC];
	_ =	sdelay $0x3  }
0x33: {  	p0 =	seq.s32 s10, $0x1;
	s10 =	sld [smem:$0x3FAE];
	_ =	sdelay $0x3  }
0x34: {  	[smem:$0x3FAE] =	sst s10  }
0x35: {  	s10 =	sld [smem:$0x3FAD];
	_ =	sdelay $0x3  }
0x36: {  	p1 =	seq.s32 s10, $0x1;
	s10 =	sld [smem:$0x3FAE];
	_ =	sdelay $0x3  }
0x37: {  	[smem:$0x3FAE] =	sst s10  }
0x38: {  	s10 =	sld [smem:$0x3FAF]  }
0x39: {  	_ = 	snop;
	(pc) =	sbr.ind lr, $3  }
0x3a: {  	_ = 	snop  }
0x3b: {  	_ = 	snop  }
0x3c: {  	p2 =	seq.s32 s10, $0x1;
	s10 =	sld [smem:$0x3FAE]  }
0x3d: {  	_ =	shalt  }
0x3e: {  	_ =	shalt  }
0x3f: {  	_ =	shalt  }
0x40: {  	_ =	shalt  }
0x41: {  	_ =	shalt  }
0x42: {  	_ =	shalt  }
0x43: {  	_ =	shalt  }
0x44: {  	_ =	shalt  }
0x45: {  	_ =	shalt  }
0x46: {  	_ =	shalt  }
0x47: {  	_ =	shalt  }
0x48: {  	_ =	shalt  }
0x49: {  	_ =	shalt  }
0x4a: {  	_ =	shalt  }
0x4b: {  	_ =	shalt  }
0x4c: {  	_ =	shalt  }
0x4d: {  	_ =	shalt  }
0x4e: {  	_ =	shalt  }
0x4f: {  	_ =	shalt  }
0x50: {  	_ =	shalt  }
0x51: {  	_ =	shalt  }
0x52: {  	_ =	shalt  }
0x53: {  	_ =	shalt  }
0x54: {  	_ =	shalt  }
0x55: {  	_ =	shalt  }
0x56: {  	_ =	shalt  }
0x57: {  	_ =	shalt  }
0x58: {  	_ =	shalt  }
0x59: {  	_ =	shalt  }
0x5a: {  	_ =	shalt  }
0x5b: {  	_ =	shalt  }
0x5c: {  	_ =	shalt  }
0x5d: {  	_ =	shalt  }
0x5e: {  	_ =	shalt  }
0x5f: {  	_ =	shalt  }
0x60: {  	_ =	shalt  }
0x61: {  	_ =	shalt  }
0x62: {  	_ =	shalt  }
0x63: {  	_ =	shalt  }
0x64: {  	_ =	shalt  }
0x65: {  	_ =	shalt  }
0x66: {  	_ =	shalt  }
0x67: {  	_ =	shalt  }
0x68: {  	_ =	shalt  }
0x69: {  	_ =	shalt  }
0x6a: {  	_ =	shalt  }
0x6b: {  	_ =	shalt  }
0x6c: {  	_ =	shalt  }
0x6d: {  	_ =	shalt  }
0x6e: {  	_ =	shalt  }
0x6f: {  	_ =	shalt  }
0x70: {  	_ =	shalt  }
0x71: {  	_ =	shalt  }
0x72: {  	_ =	shalt  }
0x73: {  	_ =	shalt  }
0x74: {  	_ =	shalt  }
0x75: {  	_ =	shalt  }
0x76: {  	_ =	shalt  }
0x77: {  	_ =	shalt  }
0x78: {  	_ =	shalt  }
0x79: {  	_ =	shalt  }
0x7a: {  	_ =	shalt  }
0x7b: {  	_ =	shalt  }
0x7c: {  	_ =	shalt  }
0x7d: {  	_ =	shalt  }
0x7e: {  	_ =	shalt  }
0x7f: {  	_ =	shalt  }
0x80: {  	_ =	shalt  }
0x81: {  	_ =	shalt  }
0x82: {  	_ =	shalt  }
0x83: {  	_ =	shalt  }
0x84: {  	_ =	shalt  }
0x85: {  	_ =	shalt  }
0x86: {  	_ =	shalt  }
0x87: {  	_ =	shalt  }
.Lfunc_end0:
.L_simem_size_0:
called_computation.2_lowered:
.L_overlay_start_0:
0x88: {  	s2 =	sld [smem:$0x3FD9]  }
0x89: {  	s3 =	sld [smem:$0x3FFE];
	_ =	sdelay $0x1  }
0x8a: {  	s1 =	srdreg.scid  }
0x8b: {  	s0 =	sand.u32 $0x1, s1  }
0x8c: {  	s16 =	sshll.u32 s0, $0xA;
	s2 =	sadd.s32 s3, s2  }
0x8d: {  	s2 =	sadd.s32 s2, s16  }
0x8e: {  	[smem:$0x3FBA] =	sst s2  }
0x8f: {  	_ = 	snop  }
0x90: {  	(tm) =	ssettm $0x1  }
0x91: {  	s17 =	sld [smem:$0x3FFB];
	_ =	sdelay $0x3  }
0x92: {  	_ =	strace s17  }
0x93: {  	s2 =	sld [smem:$0x3FFC];
	_ =	sdelay $0x3  }
0x94: {  	_ =	strace s2  }
0x95: {  	s2 =	sld [smem:$0x3FFD];
	_ =	sdelay $0x3  }
0x96: {  	_ =	strace s2  }
0x97: {  	_ =	strace $0x8FFFFFFF  }
0x98: {  	s18 =	sld [smem:$0x3FDB];
	_ =	sdelay $0x1  }
0x99: {  	s19 =	simm.s32 $_scs_section_size  }
0x9a: {  	s4 =	simm.s32 $_size__tile_overlayer_lowered;
	s5 =	simm.s32 $_tile_overlayer_lowered  }
0x9b: {  	s22 =	simm.s32 $0x1BFF;
	s21 =	sshll.u32 s5, $0x1;
	s2 =	sadd.s32 s19, s18  }
0x9c: {  	s6 =	simm.s32 $0x0;
	s20 =	sshll.u32 s4, $0x1;
	s4 =	sadd.s32 s21, s2  }
0x9d: {  	[timem:s6], [sflag:s22] =	dma.local [hbm:s4], s20  }
0x9e: {  	_ =	swait.ge [sflag:s22], s20  }
0x9f: {  	s3 =	ssub.s32 $0x0, s20;
	[sflag:s22] =	ssyncset.done $0x0  }
0xa0: {  	[sflag:s22] =	ssyncadd.s32 s3;
	_ =	sdelay $0x1  }
0xa1: {  	s23 =	simm.s32 $0x1B8B  }
0xa2: {  	_ =	swait.ge [sflag:s23], $0x1  }
0xa3: {  	[sflag:s23] =	ssyncset.done $0x0  }
0xa4: {  	s25 =	simm.s32 $0x1B8E;
	s24 =	sld [smem:$0x3FFE];
	[sflag:s23] =	ssyncadd.s32 $0xFFFFFFFF  }
0xa5: {  	s26 =	simm.s32 $execute0_lowered;
	[smem:$0x3FD2] =	sst s25  }
0xa6: {  	s4 =	sshll.u32 s26, $0x1;
	_ =	strace $0x8000004C;
	[dreg:$0x1] =	wrdreg $0xFFFFFFFF  }
0xa7: {  	s28 =	simm.s32 $_size_execute0_lowered;
	s2 =	sadd.s32 s2, s4;
	[dreg:$0x0] =	wrdreg $0x0  }
0xa8: {  	s4 =	sshll.u32 s28, $0x1;
	[dreg:$0x2] =	wrdreg s2  }
0xa9: {  	[dreg:$0x3] =	wrdreg s4  }
0xaa: {  	[dreg:$0x4] =	wrdreg $0xC0  }
0xab: {  	_ =	task [dreg:s6], $0x5FFFF  }
0xac: {  	[dreg:$0x1] =	wrdreg $0xFFFFFFFF  }
0xad: {  	[dreg:$0x0] =	wrdreg $0x60  }
0xae: {  	[dreg:$0x2] =	wrdreg s24  }
0xaf: {  	[dreg:$0x3] =	wrdreg $0xA4000  }
0xb0: {  	[dreg:$0x4] =	wrdreg $0x9  }
0xb1: {  	_ =	task.clear_ibuf [dreg:s6], $0x5FFFF;
	_ =	strace $0x9000004C  }
0xb2: {  	s29 =	simm.s32 $0x9;
	_ =	strace $0x8000004E  }
0xb3: {  	_ =	swait.ge [sflag:s29], $0x1  }
0xb4: {  	[sflag:s29] =	ssyncadd.s32 $0xFFFFFFFF  }
0xb5: {  	_ =	strace $0x9000004E  }
0xb6: {  	_ =	sfence  }
0xb7: {  	s30 =	sld [smem:$0x0];
	_ =	sdelay $0x2  }
0xb8: {  	s31 =	sshll.u32 s1, $0xD;
	s1 =	sshrl.u32 s1, $0x2  }
0xb9: {  	s3 =	sand.u32 $0x4000, s31;
	s1 =	sadd.s32 s1, s30  }
0xba: {  	s0 =	sor.u32 s3, s0;
	s1 =	sshll.u32 s1, $0x11  }
0xbb: {  	s0 =	sor.u32 s1, s0  }
0xbc: {  	s0 =	sadd.s32 $0x8F2B, s0  }
0xbd: {  	[sflag:s0] =	ssyncadd.remote.s32 $0x1  }
0xbe: {  	_ =	sfence.sel $0xFFFF  }
0xbf: {  	[dreg:$0x0] =	wrdreg $0xFFFFFFFF;
	(pc) =	sbr.abs _section_cstart, $3  }
0xc0: {  	[dreg:$0x1] =	wrdreg $0xFFFFFFFF  }
0xc1: {  	_ =	task.clear_ibuf [dreg:s6], $0x2FFFF;
	_ =	strace $0x9FFFFFFF  }
0xc2: {  	(tm) =	ssettm $0x7FFFFFFF  }
0xc3: {  	_ =	shalt  }
tec
execute0_lowered:
.L_overlay_start_1:
0x0: {  	(tag) =	ssettag $0x1  }
0x1: {  	s0 =	rddreg [dreg:$0x0]  }
0x2: {  	s1 =	rddreg [dreg:$0x1];
	s2 =	simm.s32 $0x0  }
0x3: {  	s4 =	srdreg.scid;
	s7 =	stileid.u32;
	s28 =	simm.s32 $0x300  }
0x4: {  	s29 =	simm.s32 $0x2;
	s30 =	simm.s32 $0x2C00;
	s31 =	simm.s32 $0x5  }
0x5: {  	[smem:$0x7FF] =	sst s2;
	s3 =	sadd.s32 $0x17400, s0;
	s6 =	sand.u32 $0x1, s4  }
0x6: {  	s4 =	sadd.s32 $0x3800, s0;
	s5 =	sadd.s32 $0xD600, s0;
	s10 =	smul.u32 $0x4E000, s7  }
0x7: {  	s11 =	sadd.s32 $0x3E600, s0;
	s12 =	smul.u32 $0x2700, s7;
	s19 =	sshll.u32 s7, $0x6  }
0x8: {  	s21 =	sadd.s32 $0x138000, s1;
	s22 =	smul.u32 $0x2710, s7;
	s0 =	sadd.s32 $0x3E400, s0  }
0x9: {  	p0 =	sne.s32 s7, $0x0;
	_ =	strace $0x8000004D;
	[dreg:$0xe] =	wrdreg s21  }
0xa: {  	s8 =	ssub.s32 $0x2, s6;
	s18 =	sshll.u32 s6, $0x4;
	[dreg:$0xf] =	wrdreg s0  }
0xb: {  	s17 =	sor.u32 $0x1C0D, s19;
	s20 =	smul.u32 $0x27100, s6;
	[dreg:$0xa] =	wrdreg s5  }
0xc: {  	s6 =	smul.u32 $0x138800, s6;
	[dreg:$0x9] =	wrdreg s4;
	s9 =	sshrl.u32 s8, $0x1  }
0xd: {  	s10 =	sshrl.u32 s10, $0x2;
	s13 =	sadd.s32 s3, s12;
	[dreg:$0xd] =	wrdreg s17  }
0xe: {  	s8 =	ssub.s32 s8, s9;
	s9 =	sor.u32 s7, s18;
	s10 =	sadd.s32 s10, s1  }
0xf: {  	[dreg:$0xc] =	wrdreg s13;
	s6 =	sshrl.u32 s6, $0x3;
	s9 =	smul.u32 $0x2710, s9  }
0x10: {  	s7 =	simm.s32 $0x3;
	[dreg:$0xb] =	wrdreg s10;
	s10 =	sadd.s32 s12, s20  }
0x11: {  	s6 =	sadd.s32 s11, s6;
	s10 =	sadd.s32 s11, s10;
	s9 =	sshrl.u32 s9, $0x3  }
0x12: {  	s12 =	simm.s32 $0x4;
	[dreg:$0x14] =	wrdreg s10;
	s23 =	sadd.s32 s4, s9  }
0x13: {  	s24 =	sadd.s32 $0xA, s9;
	s9 =	sadd.s32 s5, s9;
	[dreg:$0x10] =	wrdreg s23  }
0x14: {  	s11 =	simm.s32 $0x9;
	s10 =	simm.s32 $0x6;
	[dreg:$0x11] =	wrdreg s9  }
0x15: {  	s25 =	sadd.s32 s4, s24;
	s9 =	sadd.s32 s22, s20;
	s0 =	sadd.s32 s5, s24  }
0x16: {  	s23 =	sadd.s32 $0x27000, s6;
	s6 =	simm.s32 $0x380;
	[dreg:$0x12] =	wrdreg s25  }
0x17: {  	s26 =	sadd.s32 $0x190, s9;
	[dreg:$0x13] =	wrdreg s0;
	s15 =	sadd.s32 $0xF0, s9  }
0x18: {  	s19 =	sadd.s32 $0xA0, s9;
	[dreg:$0x15] =	wrdreg s23;
	s25 =	smax.u32 s8, $0x1  }
0x19: {  	s8 =	simm.s32 $0xD;
	s23 =	simm.s32 $0x1;
	s13 =	sshrl.u32 s26, $0x3  }
0x1a: {  	s16 =	sshrl.u32 s15, $0x3;
	[dreg:$0x16] =	wrdreg s25;
	s26 =	sadd.s32 $0x140, s9  }
0x1b: {  	s21 =	sshrl.u32 s19, $0x3;
	s14 =	sadd.s32 s13, s5;
	[dreg:$0x17] =	wrdreg s26  }
0x1c: {  	s25 =	simm.s32 $0x400;
	s0 =	sadd.s32 s13, s4;
	[dreg:$0x3] =	wrdreg s14  }
0x1d: {  	s9 =	simm.s32 $0x5400;
	s18 =	sadd.s32 s16, s5;
	[dreg:$0x4] =	wrdreg s0  }
0x1e: {  	s15 =	simm.s32 $0xA;
	s20 =	sadd.s32 s16, s4;
	[dreg:$0x5] =	wrdreg s18  }
0x1f: {  	s22 =	sadd.s32 s21, s5;
	s24 =	sadd.s32 s21, s4;
	[dreg:$0x6] =	wrdreg s20  }
0x20: {  	s26 =	simm.s32 $0x100;
	s13 =	simm.s32 $0x7C00;
	[dreg:$0x7] =	wrdreg s22  }
0x21: {  	s16 =	simm.s32 $0x8;
	[dreg:$0x8] =	wrdreg s24;
	s24 =	simm.s32 $0x50  }
0x22: {  	s0 =	simm.s32 $0x180;
	s14 =	simm.s32 $0x7;
	s18 =	simm.s32 $0x0  }
.LBB2_1:
0x23: {  	[dreg:$0x18] =	wrdreg s18  }
0x24: {  	s4 =	rddreg [dreg:$0xb]  }
0x25: {  	s22 =	rddreg [dreg:$0xc];
	s5 =	sshrl.u32 s4, $0x3  }
0x26: {  	[dreg:$0x19] =	wrdreg s5  }
0x27: {  	[spmem:s5], [sflag:s17] =	dma.local [hbm:s22], $0x2700  }
0x28: {  	_ =	swait.ge [sflag:s8], $0x2700  }
0x29: {  	s4 =	rddreg [dreg:$0xe]  }
0x2a: {  	[sflag:s8] =	ssyncset.done $0x0;
	s5 =	sshrl.u32 @!p0 s4, $0x3;
	s4 =	rddreg [dreg:$0xf]  }
0x2b: {  	[sflag:s8] =	ssyncadd.s32 $0xFFFFD900;
	s8 =	simm.s32 @!p0 $0xD;
	[dreg:$0x1a] =	wrdreg s5  }
0x2c: {  	[spmem:s5], [sflag:s17] =	dma.local @!p0 [hbm:s4], $0x100  }
0x2d: {  	_ =	swait.ge @!p0 [sflag:s8], $0x100  }
0x2e: {  	[sflag:s8] =	ssyncset.done @!p0 $0x0  }
0x2f: {  	[sflag:s8] =	ssyncadd.s32 @!p0 $0xFFFFFF00  }
0x30: {  	[bflag:$0x0] =	sbarrier.arrive $0xFFFF  }
0x31: {  	s17 =	rddreg [dreg:$0x10]  }
0x32: {  	[tilespmem:s2], [sflag:$0x1] =	stream.linear.gather [hbm4b:s17+s2], $0x50, $0x38;
	[tilespmem:$0x1DC80] =	vst v63  }
0x33: {  	s19 =	simm.s32 $0x200;
	s18 =	rddreg [dreg:$0x11]  }
0x34: {  	[tilespmem:s19], [sflag:$0x1] =	stream.linear.gather [hbm4b:s18+s2], $0x50, $0x38;
	[tilespmem:$0x1DC80] =	vst v63  }
0x35: {  	s5 =	simm.s32 $0x80;
	s20 =	rddreg [dreg:$0x12]  }
0x36: {  	[tilespmem:s5], [sflag:$0x2] =	stream.linear.gather [hbm4b:s20+s2], $0x50, $0x38;
	[tilespmem:$0x1DC80] =	vst v63  }
0x37: {  	s21 =	rddreg [dreg:$0x13];
	s20 =	simm.s32 $0x280  }
0x38: {  	[tilespmem:s20], [sflag:$0x2] =	stream.linear.gather [hbm4b:s21+s2], $0x50, $0x38;
	[tilespmem:$0x1DC80] =	vst v63  }
0x39: {  	_ =	swait.ge [sflag:s23], $0x50  }
0x3a: {  	[sflag:s23] =	ssyncset.done $0x0  }
0x3b: {  	[sflag:s23] =	ssyncadd.s32 $0xFFFFFFB0  }
0x3c: {  	_ =	swait.ge [sflag:s23], $0x50  }
0x3d: {  	p1 =	por $0x1, $0x1;
	[sflag:s23] =	ssyncset.done $0x0  }
0x3e: {  	s8 =	simm.s32 @!p1 $0xB;
	[sflag:s23] =	ssyncadd.s32 $0xFFFFFFB0  }
0x3f: {  	[tilespmem:s25], [sflag:$0x5] =	stream.indirect.gather [hbm4b:s3+s24], $0x80, s2, s24, $0xb8;
	[tilespmem:$0x1DC80] =	vst v63  }
0x40: {  	_ =	swait.ge @!p1 [sflag:s8], $0x2800  }
0x41: {  	s22 =	rddreg [dreg:$0x8];
	[sflag:s8] =	ssyncset.done @!p1 $0x0  }
0x42: {  	s4 =	rddreg [dreg:$0x7];
	[sflag:s8] =	ssyncadd.s32 @!p1 $0xFFFFD800;
	s17 =	sadd.s32 $0x0, s22  }
0x43: {  	[tilespmem:s26], [sflag:$0x3] =	stream.linear.gather [hbm4b:s17+s2], $0x50, $0x38;
	[tilespmem:$0x1DC80] =	vst v63  }
0x44: {  	s21 =	sadd.s32 $0x0, s4  }
0x45: {  	[tilespmem:s28], [sflag:$0x3] =	stream.linear.gather [hbm4b:s21+s2], $0x50, $0x38;
	[tilespmem:$0x1DC80] =	vst v63  }
0x46: {  	_ =	swait.ge [sflag:s29], $0x50  }
0x47: {  	[sflag:s29] =	ssyncset.done $0x0  }
0x48: {  	[sflag:s29] =	ssyncadd.s32 $0xFFFFFFB0  }
0x49: {  	_ =	swait.ge [sflag:s29], $0x50  }
0x4a: {  	[sflag:s29] =	ssyncset.done $0x0  }
0x4b: {  	[sflag:s29] =	ssyncadd.s32 $0xFFFFFFB0  }
0x4c: {  	[tilespmem:s30], [sflag:$0x6] =	stream.indirect.gather [hbm4b:s3+s24], $0x80, s5, s24, $0xb8;
	[tilespmem:$0x1DC80] =	vst v63  }
0x4d: {  	_ =	swait.ge [sflag:s31], $0x2800  }
0x4e: {  	[sflag:s31] =	ssyncset.done $0x0  }
0x4f: {  	s8 =	simm.s32 @!p1 $0xC;
	[sflag:s31] =	ssyncadd.s32 $0xFFFFD800  }
0x50: {  	[spmem:s1] =	stream.indirect.scatter.add.f32 [tilespmem:s25], [sflag:$0x9], $0x80, s19, s24, $0xb8;
	[tilespmem:$0x1DC80] =	vst v63  }
0x51: {  	_ =	swait.ge @!p1 [sflag:s8], $0x2800  }
0x52: {  	s22 =	rddreg [dreg:$0x6];
	[sflag:s8] =	ssyncset.done @!p1 $0x0  }
0x53: {  	s4 =	rddreg [dreg:$0x5];
	[sflag:s8] =	ssyncadd.s32 @!p1 $0xFFFFD800;
	s5 =	sadd.s32 $0x0, s22  }
0x54: {  	[tilespmem:s0], [sflag:$0x4] =	stream.linear.gather [hbm4b:s5+s2], $0x50, $0x38;
	[tilespmem:$0x1DC80] =	vst v63  }
0x55: {  	s17 =	sadd.s32 $0x0, s4  }
0x56: {  	[tilespmem:s6], [sflag:$0x4] =	stream.linear.gather [hbm4b:s17+s2], $0x50, $0x38;
	[tilespmem:$0x1DC80] =	vst v63  }
0x57: {  	_ =	swait.ge [sflag:s7], $0x50  }
0x58: {  	[sflag:s7] =	ssyncset.done $0x0  }
0x59: {  	[sflag:s7] =	ssyncadd.s32 $0xFFFFFFB0  }
0x5a: {  	_ =	swait.ge [sflag:s7], $0x50  }
0x5b: {  	[sflag:s7] =	ssyncset.done $0x0  }
0x5c: {  	[sflag:s7] =	ssyncadd.s32 $0xFFFFFFB0  }
0x5d: {  	[tilespmem:s9], [sflag:$0x7] =	stream.indirect.gather [hbm4b:s3+s24], $0x80, s26, s24, $0xb8;
	[tilespmem:$0x1DC80] =	vst v63  }
0x5e: {  	_ =	swait.ge [sflag:s10], $0x2800  }
0x5f: {  	[sflag:s10] =	ssyncset.done $0x0  }
0x60: {  	[sflag:s10] =	ssyncadd.s32 $0xFFFFD800  }
0x61: {  	[spmem:s1] =	stream.indirect.scatter.add.f32 [tilespmem:s30], [sflag:$0xA], $0x80, s20, s24, $0xb8;
	[tilespmem:$0x1DC80] =	vst v63  }
0x62: {  	_ =	swait.ge [sflag:s11], $0x2800  }
0x63: {  	s5 =	rddreg [dreg:$0x17]  }
0x64: {  	[sflag:s11] =	ssyncset.done $0x0;
	s20 =	rddreg [dreg:$0x9];
	s18 =	sshrl.u32 s5, $0x3  }
0x65: {  	s22 =	rddreg [dreg:$0xa];
	[sflag:s11] =	ssyncadd.s32 $0xFFFFD800;
	s21 =	sadd.s32 s20, s18  }
0x66: {  	[tilespmem:s2], [sflag:$0x1] =	stream.linear.gather [hbm4b:s21+s2], $0x50, $0x38;
	[tilespmem:$0x1DC80] =	vst v63  }
0x67: {  	s8 =	sadd.s32 s22, s18  }
0x68: {  	[tilespmem:s19], [sflag:$0x1] =	stream.linear.gather [hbm4b:s8+s2], $0x50, $0x38;
	[tilespmem:$0x1DC80] =	vst v63  }
0x69: {  	_ =	swait.ge [sflag:s12], $0x50  }
0x6a: {  	[sflag:s12] =	ssyncset.done $0x0  }
0x6b: {  	[sflag:s12] =	ssyncadd.s32 $0xFFFFFFB0  }
0x6c: {  	_ =	swait.ge [sflag:s12], $0x50  }
0x6d: {  	[sflag:s12] =	ssyncset.done $0x0  }
0x6e: {  	[sflag:s12] =	ssyncadd.s32 $0xFFFFFFB0  }
0x6f: {  	[tilespmem:s13], [sflag:$0x8] =	stream.indirect.gather [hbm4b:s3+s24], $0x80, s0, s24, $0xb8;
	[tilespmem:$0x1DC80] =	vst v63  }
0x70: {  	_ =	swait.ge [sflag:s14], $0x2800  }
0x71: {  	[sflag:s14] =	ssyncset.done $0x0  }
0x72: {  	p1 =	por $0x0, $0x0;
	[sflag:s14] =	ssyncadd.s32 $0xFFFFD800  }
0x73: {  	[spmem:s1] =	stream.indirect.scatter.add.f32 [tilespmem:s9], [sflag:$0xB], $0x80, s28, s24, $0xb8;
	[tilespmem:$0x1DC80] =	vst v63  }
0x74: {  	s18 =	simm.s32 @!p1 $0x0;
	_ =	swait.ge [sflag:s15], $0x2800  }
0x75: {  	s19 =	simm.s32 @!p1 $0x80;
	s8 =	rddreg [dreg:$0x4];
	[sflag:s15] =	ssyncset.done $0x0  }
0x76: {  	s17 =	rddreg [dreg:$0x3];
	[sflag:s15] =	ssyncadd.s32 $0xFFFFD800;
	s8 =	sadd.s32 @!p1 $0x0, s8  }
0x77: {  	[tilespmem:s19], [sflag:$0x2] =	stream.linear.gather @!p1 [hbm4b:s8+s18], $0x50, $0x38;
	[tilespmem:$0x1DC80] =	vst v63  }
0x78: {  	s17 =	sadd.s32 @!p1 $0x0, s17;
	s8 =	simm.s32 @!p1 $0x280  }
0x79: {  	[tilespmem:s8], [sflag:$0x2] =	stream.linear.gather @!p1 [hbm4b:s17+s18], $0x50, $0x38;
	[tilespmem:$0x1DC80] =	vst v63  }
0x7a: {  	_ =	swait.ge [sflag:s23], $0x50  }
0x7b: {  	[sflag:s23] =	ssyncset.done $0x0  }
0x7c: {  	[sflag:s23] =	ssyncadd.s32 $0xFFFFFFB0  }
0x7d: {  	_ =	swait.ge [sflag:s23], $0x50  }
0x7e: {  	[sflag:s23] =	ssyncset.done $0x0  }
0x7f: {  	p2 =	por $0x0, $0x0;
	s19 =	sadd.s32 $0x140, s5;
	[sflag:s23] =	ssyncadd.s32 $0xFFFFFFB0  }
0x80: {  	[tilespmem:s25], [sflag:$0x5] =	stream.indirect.gather [hbm4b:s3+s24], $0x80, s2, s24, $0xb8;
	[tilespmem:$0x1DC80] =	vst v63  }
0x81: {  	s18 =	simm.s32 $0x28;
	s8 =	simm.s32 $0x50;
	_ =	swait.ge [sflag:s16], $0x2800  }
.LBB2_2:
0x82: {  	[sflag:s16] =	ssyncset.done $0x0  }
0x83: {  	s21 =	simm.s32 @!p2 $0xB;
	[sflag:s16] =	ssyncadd.s32 $0xFFFFD800  }
0x84: {  	[spmem:s1] =	stream.indirect.scatter.add.f32 [tilespmem:s13], [sflag:$0xC], $0x80, s6, s24, $0xb8;
	[tilespmem:$0x1DC80] =	vst v63  }
0x85: {  	_ =	swait.ge @!p2 [sflag:s21], $0x2800  }
0x86: {  	[sflag:s21] =	ssyncset.done @!p2 $0x0;
	s22 =	rddreg [dreg:$0x8]  }
0x87: {  	s4 =	rddreg [dreg:$0x7];
	[sflag:s21] =	ssyncadd.s32 @!p2 $0xFFFFD800;
	s22 =	sadd.s32 s18, s22  }
0x88: {  	[tilespmem:s26], [sflag:$0x3] =	stream.linear.gather [hbm4b:s22+s2], $0x50, $0x38;
	[tilespmem:$0x1DC80] =	vst v63  }
0x89: {  	s21 =	sadd.s32 s18, s4  }
0x8a: {  	[tilespmem:s28], [sflag:$0x3] =	stream.linear.gather [hbm4b:s21+s2], $0x50, $0x38;
	[tilespmem:$0x1DC80] =	vst v63  }
0x8b: {  	_ =	swait.ge [sflag:s29], $0x50  }
0x8c: {  	[sflag:s29] =	ssyncset.done $0x0  }
0x8d: {  	[sflag:s29] =	ssyncadd.s32 $0xFFFFFFB0  }
0x8e: {  	_ =	swait.ge [sflag:s29], $0x50  }
0x8f: {  	[sflag:s29] =	ssyncset.done $0x0  }
0x90: {  	s4 =	simm.s32 $0x80;
	[sflag:s29] =	ssyncadd.s32 $0xFFFFFFB0  }
0x91: {  	[tilespmem:s30], [sflag:$0x6] =	stream.indirect.gather [hbm4b:s3+s24], $0x80, s4, s24, $0xb8;
	[tilespmem:$0x1DC80] =	vst v63  }
0x92: {  	_ =	swait.ge [sflag:s31], $0x2800  }
0x93: {  	[sflag:s31] =	ssyncset.done $0x0  }
0x94: {  	s20 =	simm.s32 $0x200;
	s21 =	simm.s32 @!p2 $0xC;
	[sflag:s31] =	ssyncadd.s32 $0xFFFFD800  }
0x95: {  	[spmem:s1] =	stream.indirect.scatter.add.f32 [tilespmem:s25], [sflag:$0x9], $0x80, s20, s24, $0xb8;
	[tilespmem:$0x1DC80] =	vst v63  }
0x96: {  	_ =	swait.ge @!p2 [sflag:s21], $0x2800  }
0x97: {  	s5 =	rddreg [dreg:$0x6];
	[sflag:s21] =	ssyncset.done @!p2 $0x0  }
0x98: {  	s4 =	rddreg [dreg:$0x5];
	[sflag:s21] =	ssyncadd.s32 @!p2 $0xFFFFD800;
	s5 =	sadd.s32 s18, s5  }
0x99: {  	[tilespmem:s0], [sflag:$0x4] =	stream.linear.gather [hbm4b:s5+s2], $0x50, $0x38;
	[tilespmem:$0x1DC80] =	vst v63  }
0x9a: {  	s4 =	sadd.s32 s18, s4  }
0x9b: {  	[tilespmem:s6], [sflag:$0x4] =	stream.linear.gather [hbm4b:s4+s2], $0x50, $0x38;
	[tilespmem:$0x1DC80] =	vst v63  }
0x9c: {  	_ =	swait.ge [sflag:s7], $0x50  }
0x9d: {  	[sflag:s7] =	ssyncset.done $0x0  }
0x9e: {  	[sflag:s7] =	ssyncadd.s32 $0xFFFFFFB0  }
0x9f: {  	_ =	swait.ge [sflag:s7], $0x50  }
0xa0: {  	[sflag:s7] =	ssyncset.done $0x0  }
0xa1: {  	[sflag:s7] =	ssyncadd.s32 $0xFFFFFFB0  }
0xa2: {  	[tilespmem:s9], [sflag:$0x7] =	stream.indirect.gather [hbm4b:s3+s24], $0x80, s26, s24, $0xb8;
	[tilespmem:$0x1DC80] =	vst v63  }
0xa3: {  	_ =	swait.ge [sflag:s10], $0x2800  }
0xa4: {  	[sflag:s10] =	ssyncset.done $0x0  }
0xa5: {  	s22 =	simm.s32 $0x280;
	[sflag:s10] =	ssyncadd.s32 $0xFFFFD800  }
0xa6: {  	[spmem:s1] =	stream.indirect.scatter.add.f32 [tilespmem:s30], [sflag:$0xA], $0x80, s22, s24, $0xb8;
	[tilespmem:$0x1DC80] =	vst v63  }
0xa7: {  	_ =	swait.ge [sflag:s11], $0x2800  }
0xa8: {  	s4 =	sshrl.u32 s19, $0x3;
	[sflag:s11] =	ssyncset.done $0x0;
	s5 =	rddreg [dreg:$0x9]  }
0xa9: {  	s22 =	rddreg [dreg:$0xa];
	s5 =	sadd.s32 s5, s4;
	[sflag:s11] =	ssyncadd.s32 $0xFFFFD800  }
0xaa: {  	[tilespmem:s2], [sflag:$0x1] =	stream.linear.gather [hbm4b:s5+s2], $0x50, $0x38;
	[tilespmem:$0x1DC80] =	vst v63  }
0xab: {  	s4 =	sadd.s32 s22, s4  }
0xac: {  	[tilespmem:s20], [sflag:$0x1] =	stream.linear.gather [hbm4b:s4+s2], $0x50, $0x38;
	[tilespmem:$0x1DC80] =	vst v63  }
0xad: {  	_ =	swait.ge [sflag:s12], $0x50  }
0xae: {  	[sflag:s12] =	ssyncset.done $0x0  }
0xaf: {  	[sflag:s12] =	ssyncadd.s32 $0xFFFFFFB0  }
0xb0: {  	_ =	swait.ge [sflag:s12], $0x50  }
0xb1: {  	[sflag:s12] =	ssyncset.done $0x0  }
0xb2: {  	[sflag:s12] =	ssyncadd.s32 $0xFFFFFFB0  }
0xb3: {  	[tilespmem:s13], [sflag:$0x8] =	stream.indirect.gather [hbm4b:s3+s24], $0x80, s0, s24, $0xb8;
	[tilespmem:$0x1DC80] =	vst v63  }
0xb4: {  	_ =	swait.ge [sflag:s14], $0x2800  }
0xb5: {  	[sflag:s14] =	ssyncset.done $0x0  }
0xb6: {  	p2 =	seq.s32 s18, $0x4B0;
	[sflag:s14] =	ssyncadd.s32 $0xFFFFD800  }
0xb7: {  	[spmem:s1] =	stream.indirect.scatter.add.f32 [tilespmem:s9], [sflag:$0xB], $0x80, s28, s24, $0xb8;
	[tilespmem:$0x1DC80] =	vst v63  }
0xb8: {  	s22 =	simm.s32 @!p2 $0x0;
	_ =	swait.ge [sflag:s15], $0x2800  }
0xb9: {  	s5 =	simm.s32 @!p2 $0x80;
	s4 =	rddreg [dreg:$0x4];
	[sflag:s15] =	ssyncset.done $0x0  }
0xba: {  	s21 =	rddreg [dreg:$0x3];
	[sflag:s15] =	ssyncadd.s32 $0xFFFFD800;
	s4 =	sadd.s32 @!p2 s18, s4  }
0xbb: {  	[tilespmem:s5], [sflag:$0x2] =	stream.linear.gather @!p2 [hbm4b:s4+s22], $0x50, $0x38;
	[tilespmem:$0x1DC80] =	vst v63  }
0xbc: {  	s20 =	simm.s32 @!p2 $0x280;
	s4 =	sadd.s32 @!p2 s18, s21  }
0xbd: {  	[tilespmem:s20], [sflag:$0x2] =	stream.linear.gather @!p2 [hbm4b:s4+s22], $0x50, $0x38;
	[tilespmem:$0x1DC80] =	vst v63  }
0xbe: {  	_ =	swait.ge [sflag:s23], $0x50  }
0xbf: {  	s17 =	smov.u32 s8;
	s8 =	sadd.s32 $0x28, s8;
	[sflag:s23] =	ssyncset.done $0x0  }
0xc0: {  	p1 =	sne.s32 s8, $0x4D8;
	[sflag:s23] =	ssyncadd.s32 $0xFFFFFFB0  }
.Ltmp0:
0xc1: {  	_ =	swait.ge [sflag:s23], $0x50;
	(pc) =	sbr.rel @p1 .LBB2_2-.Ltmp0, $4  }
0xc2: {  	[sflag:s23] =	ssyncset.done $0x0  }
0xc3: {  	s18 =	smov.u32 s17;
	[sflag:s23] =	ssyncadd.s32 $0xFFFFFFB0  }
0xc4: {  	[tilespmem:s25], [sflag:$0x5] =	stream.indirect.gather [hbm4b:s3+s24], $0x80, s2, s24, $0xb8;
	[tilespmem:$0x1DC80] =	vst v63  }
0xc5: {  	s19 =	sadd.s32 $0x140, s19;
	p2 =	seq.s32 s18, $0x0;
	_ =	swait.ge [sflag:s16], $0x2800  }
0xc6: {  	[sflag:s16] =	ssyncset.done $0x0  }
0xc7: {  	s4 =	simm.s32 @!p2 $0xB;
	[sflag:s16] =	ssyncadd.s32 $0xFFFFD800  }
0xc8: {  	[spmem:s1] =	stream.indirect.scatter.add.f32 [tilespmem:s13], [sflag:$0xC], $0x80, s6, s24, $0xb8;
	[tilespmem:$0x1DC80] =	vst v63  }
0xc9: {  	_ =	swait.ge @!p2 [sflag:s4], $0x2800  }
0xca: {  	s5 =	rddreg [dreg:$0x8];
	[sflag:s4] =	ssyncset.done @!p2 $0x0  }
0xcb: {  	s8 =	rddreg [dreg:$0x7];
	[sflag:s4] =	ssyncadd.s32 @!p2 $0xFFFFD800;
	s5 =	sadd.s32 s18, s5  }
0xcc: {  	[tilespmem:s26], [sflag:$0x3] =	stream.linear.gather [hbm4b:s5+s2], $0x50, $0x38;
	[tilespmem:$0x1DC80] =	vst v63  }
0xcd: {  	s17 =	sadd.s32 s18, s8  }
0xce: {  	[tilespmem:s28], [sflag:$0x3] =	stream.linear.gather [hbm4b:s17+s2], $0x50, $0x38;
	[tilespmem:$0x1DC80] =	vst v63  }
0xcf: {  	_ =	swait.ge [sflag:s29], $0x50  }
0xd0: {  	[sflag:s29] =	ssyncset.done $0x0  }
0xd1: {  	[sflag:s29] =	ssyncadd.s32 $0xFFFFFFB0  }
0xd2: {  	_ =	swait.ge [sflag:s29], $0x50  }
0xd3: {  	[sflag:s29] =	ssyncset.done $0x0  }
0xd4: {  	s20 =	simm.s32 $0x80;
	[sflag:s29] =	ssyncadd.s32 $0xFFFFFFB0  }
0xd5: {  	[tilespmem:s30], [sflag:$0x6] =	stream.indirect.gather [hbm4b:s3+s24], $0x80, s20, s24, $0xb8;
	[tilespmem:$0x1DC80] =	vst v63  }
0xd6: {  	_ =	swait.ge [sflag:s31], $0x2800  }
0xd7: {  	[sflag:s31] =	ssyncset.done $0x0  }
0xd8: {  	s4 =	simm.s32 @!p2 $0xC;
	s20 =	simm.s32 $0x200;
	[sflag:s31] =	ssyncadd.s32 $0xFFFFD800  }
0xd9: {  	[spmem:s1] =	stream.indirect.scatter.add.f32 [tilespmem:s25], [sflag:$0x9], $0x80, s20, s24, $0xb8;
	[tilespmem:$0x1DC80] =	vst v63  }
0xda: {  	_ =	swait.ge @!p2 [sflag:s4], $0x2800  }
0xdb: {  	s21 =	rddreg [dreg:$0x6];
	[sflag:s4] =	ssyncset.done @!p2 $0x0  }
0xdc: {  	s22 =	rddreg [dreg:$0x5];
	[sflag:s4] =	ssyncadd.s32 @!p2 $0xFFFFD800;
	s5 =	sadd.s32 s18, s21  }
0xdd: {  	[tilespmem:s0], [sflag:$0x4] =	stream.linear.gather [hbm4b:s5+s2], $0x50, $0x38;
	[tilespmem:$0x1DC80] =	vst v63  }
0xde: {  	s8 =	sadd.s32 s18, s22  }
0xdf: {  	[tilespmem:s6], [sflag:$0x4] =	stream.linear.gather [hbm4b:s8+s2], $0x50, $0x38;
	[tilespmem:$0x1DC80] =	vst v63  }
0xe0: {  	_ =	swait.ge [sflag:s7], $0x50  }
0xe1: {  	[sflag:s7] =	ssyncset.done $0x0  }
0xe2: {  	[sflag:s7] =	ssyncadd.s32 $0xFFFFFFB0  }
0xe3: {  	_ =	swait.ge [sflag:s7], $0x50  }
0xe4: {  	[sflag:s7] =	ssyncset.done $0x0  }
0xe5: {  	[sflag:s7] =	ssyncadd.s32 $0xFFFFFFB0  }
0xe6: {  	[tilespmem:s9], [sflag:$0x7] =	stream.indirect.gather [hbm4b:s3+s24], $0x80, s26, s24, $0xb8;
	[tilespmem:$0x1DC80] =	vst v63  }
0xe7: {  	_ =	swait.ge [sflag:s10], $0x2800  }
0xe8: {  	[sflag:s10] =	ssyncset.done $0x0  }
0xe9: {  	s17 =	simm.s32 $0x280;
	[sflag:s10] =	ssyncadd.s32 $0xFFFFD800  }
0xea: {  	[spmem:s1] =	stream.indirect.scatter.add.f32 [tilespmem:s30], [sflag:$0xA], $0x80, s17, s24, $0xb8;
	[tilespmem:$0x1DC80] =	vst v63  }
0xeb: {  	_ =	swait.ge [sflag:s11], $0x2800  }
0xec: {  	s21 =	sshrl.u32 s19, $0x3;
	[sflag:s11] =	ssyncset.done $0x0;
	s22 =	rddreg [dreg:$0x9]  }
0xed: {  	s8 =	rddreg [dreg:$0xa];
	s5 =	sadd.s32 s22, s21;
	[sflag:s11] =	ssyncadd.s32 $0xFFFFD800  }
0xee: {  	[tilespmem:s2], [sflag:$0x1] =	stream.linear.gather [hbm4b:s5+s2], $0x50, $0x38;
	[tilespmem:$0x1DC80] =	vst v63  }
0xef: {  	s4 =	sadd.s32 s8, s21  }
0xf0: {  	[tilespmem:s20], [sflag:$0x1] =	stream.linear.gather [hbm4b:s4+s2], $0x50, $0x38;
	[tilespmem:$0x1DC80] =	vst v63  }
0xf1: {  	_ =	swait.ge [sflag:s12], $0x50  }
0xf2: {  	[sflag:s12] =	ssyncset.done $0x0  }
0xf3: {  	[sflag:s12] =	ssyncadd.s32 $0xFFFFFFB0  }
0xf4: {  	_ =	swait.ge [sflag:s12], $0x50  }
0xf5: {  	[sflag:s12] =	ssyncset.done $0x0  }
0xf6: {  	[sflag:s12] =	ssyncadd.s32 $0xFFFFFFB0  }
0xf7: {  	[tilespmem:s13], [sflag:$0x8] =	stream.indirect.gather [hbm4b:s3+s24], $0x80, s0, s24, $0xb8;
	[tilespmem:$0x1DC80] =	vst v63  }
0xf8: {  	_ =	swait.ge [sflag:s14], $0x2800  }
0xf9: {  	[sflag:s14] =	ssyncset.done $0x0  }
0xfa: {  	p1 =	seq.s32 s18, $0x4B0;
	[sflag:s14] =	ssyncadd.s32 $0xFFFFD800  }
0xfb: {  	[spmem:s1] =	stream.indirect.scatter.add.f32 [tilespmem:s9], [sflag:$0xB], $0x80, s28, s24, $0xb8;
	[tilespmem:$0x1DC80] =	vst v63  }
0xfc: {  	s17 =	simm.s32 @!p1 $0x80;
	_ =	swait.ge [sflag:s15], $0x2800  }
0xfd: {  	s8 =	simm.s32 @!p1 $0x0;
	s4 =	rddreg [dreg:$0x4];
	[sflag:s15] =	ssyncset.done $0x0  }
0xfe: {  	s5 =	rddreg [dreg:$0x3];
	[sflag:s15] =	ssyncadd.s32 $0xFFFFD800;
	s4 =	sadd.s32 @!p1 s18, s4  }
0xff: {  	[tilespmem:s17], [sflag:$0x2] =	stream.linear.gather @!p1 [hbm4b:s4+s8], $0x50, $0x38;
	[tilespmem:$0x1DC80] =	vst v63  }
0x100: {  	s4 =	sadd.s32 @!p1 s18, s5;
	s5 =	simm.s32 @!p1 $0x280  }
0x101: {  	[tilespmem:s5], [sflag:$0x2] =	stream.linear.gather @!p1 [hbm4b:s4+s8], $0x50, $0x38;
	[tilespmem:$0x1DC80] =	vst v63  }
0x102: {  	_ =	swait.ge [sflag:s23], $0x50  }
0x103: {  	[sflag:s23] =	ssyncset.done $0x0  }
0x104: {  	[sflag:s23] =	ssyncadd.s32 $0xFFFFFFB0  }
0x105: {  	_ =	swait.ge [sflag:s23], $0x50  }
0x106: {  	[sflag:s23] =	ssyncset.done $0x0  }
0x107: {  	[sflag:s23] =	ssyncadd.s32 $0xFFFFFFB0  }
0x108: {  	[tilespmem:s25], [sflag:$0x5] =	stream.indirect.gather [hbm4b:s3+s24], $0x80, s2, s24, $0xb8;
	[tilespmem:$0x1DC80] =	vst v63  }
0x109: {  	_ =	swait.ge [sflag:s16], $0x2800  }
0x10a: {  	[sflag:s16] =	ssyncset.done $0x0  }
0x10b: {  	s17 =	simm.s32 $0xB;
	[sflag:s16] =	ssyncadd.s32 $0xFFFFD800  }
0x10c: {  	[spmem:s1] =	stream.indirect.scatter.add.f32 [tilespmem:s13], [sflag:$0xC], $0x80, s6, s24, $0xb8;
	[tilespmem:$0x1DC80] =	vst v63  }
0x10d: {  	_ =	swait.ge [sflag:s17], $0x2800  }
0x10e: {  	[sflag:s17] =	ssyncset.done $0x0  }
0x10f: {  	[sflag:s17] =	ssyncadd.s32 $0xFFFFD800  }
0x110: {  	_ =	swait.ge [sflag:s31], $0x2800  }
0x111: {  	[sflag:s31] =	ssyncset.done $0x0  }
0x112: {  	s18 =	simm.s32 $0xC;
	[sflag:s31] =	ssyncadd.s32 $0xFFFFD800  }
0x113: {  	[spmem:s1] =	stream.indirect.scatter.add.f32 [tilespmem:s25], [sflag:$0x9], $0x80, s20, s24, $0xb8;
	[tilespmem:$0x1DC80] =	vst v63  }
0x114: {  	_ =	swait.ge [sflag:s18], $0x2800  }
0x115: {  	[sflag:s18] =	ssyncset.done $0x0  }
0x116: {  	[sflag:s18] =	ssyncadd.s32 $0xFFFFD800  }
0x117: {  	_ =	swait.ge [sflag:s11], $0x2800  }
0x118: {  	[sflag:s11] =	ssyncset.done $0x0  }
0x119: {  	[sflag:s11] =	ssyncadd.s32 $0xFFFFD800  }
0x11a: {  	[bflag:$0x0] =	sbarrier.arrive $0xFFFF  }
0x11b: {  	s17 =	rddreg [dreg:$0xd]  }
0x11c: {  	s19 =	rddreg [dreg:$0x14]  }
0x11d: {  	s8 =	simm.s32 $0xD;
	s20 =	rddreg [dreg:$0x19]  }
0x11e: {  	[hbm:s19], [sflag:s17] =	dma.local [spmem:s20], $0x2700  }
0x11f: {  	_ =	swait.ge [sflag:s8], $0x2700  }
0x120: {  	[sflag:s8] =	ssyncset.done $0x0;
	s4 =	rddreg [dreg:$0x15]  }
0x121: {  	s5 =	rddreg [dreg:$0x1a];
	[sflag:s8] =	ssyncadd.s32 $0xFFFFD900  }
0x122: {  	[hbm:s4], [sflag:s17] =	dma.local @!p0 [spmem:s5], $0x100  }
0x123: {  	s4 =	simm.s32 @!p0 $0xD  }
0x124: {  	_ =	swait.ge @!p0 [sflag:s4], $0x100  }
0x125: {  	s21 =	rddreg [dreg:$0x18]  }
0x126: {  	s22 =	rddreg [dreg:$0x16];
	s18 =	sadd.s32 $0x1, s21  }
0x127: {  	p1 =	sne.s32 s18, s22  }
.Ltmp1:
0x128: {  	_ = 	snop;
	(pc) =	sbr.rel @p1 .LBB2_1-.Ltmp1, $3  }
0x129: {  	_ =	sdelay $0x1  }
0x12a: {  	[sflag:s4] =	ssyncset.done @!p0 $0x0  }
0x12b: {  	[sflag:s4] =	ssyncadd.s32 @!p0 $0xFFFFFF00  }
0x12c: {  	_ =	sfence.sel $0x180000  }
0x12d: {  	[bflag:$0x0] =	sbarrier.arrive $0xFFFF  }
0x12e: {  	_ =	strace $0x9000004D  }
0x12f: {  	[bflag:$0x2] =	sbarrier.arrive $0xFFFF  }
0x130: {  	s0 =	rddreg [dreg:$0x2]  }
0x131: {  	s0 =	sadd.s32 @!p0 $0x100000, s0  }
0x132: {  	[sflag:s0] =	ssyncadd.tile.s32 @!p0 $0x1;
	_ =	shalt  }
.Lfunc_end2:
_tile_overlayer_lowered:
.L_overlay_start_2:
0x133: {  	(tag) =	ssettag $0x2  }
0x134: {  	s0 =	rddreg [dreg:$0x0];
	s2 =	stileid.u32  }
0x135: {  	s1 =	rddreg [dreg:$0x1];
	p0 =	sne.s32 s2, $0x0  }
0x136: {  	s3 =	rddreg [dreg:$0x2];
	[bflag:$0x3] =	sbarrier.arrive $0xFFFF;
	s2 =	simm.s32 @!p0 $0x1C0D  }
0x137: {  	[timem:s3], [sflag:s2] =	dma.local @!p0 [hbm:s0], s1  }
0x138: {  	s0 =	simm.s32 @!p0 $0xD  }
0x139: {  	_ =	swait.ge @!p0 [sflag:s0], s1  }
0x13a: {  	s1 =	ssub.s32 @!p0 $0x0, s1;
	[sflag:s0] =	ssyncset.done @!p0 $0x0  }
0x13b: {  	[sflag:s0] =	ssyncadd.s32 @!p0 s1  }
0x13c: {  	[bflag:$0x3] =	sbarrier.arrive $0xFFFF  }
0x13d: {  	_ =	shalt  }

// kernel: kernel.19.cloned.1.call-start
scs
__scs_entry_jumppad:
0x0: {  	(pc) =	sbr.rel $0x88, $3  }
0x1: {  	(tag) =	ssettag $0x0;
	lr =	simm.s32 $0x1  }
0x2: {  	[smem:$0x3F93] =	sst lr;
	_ =	strace $0xD0000000  }
0x3: {  	_ = 	snop  }
0x4: {  	_ = 	snop  }
0x5: {  	_ = 	snop  }
0x6: {  	_ = 	snop  }
0x7: {  	_ = 	snop  }
__scs_overlays_trampoline_lowered:
0x8: {  	[smem:$0x3FA2] =	sst s0  }
0x9: {  	[smem:$0x3FA3] =	sst s1  }
0xa: {  	[smem:$0x3FA4] =	sst s2  }
0xb: {  	[smem:$0x3FA5] =	sst s3  }
0xc: {  	[smem:$0x3FA6] =	sst s4  }
0xd: {  	[smem:$0x3FA7] =	sst s5  }
0xe: {  	[smem:$0x3FA8] =	sst s6  }
0xf: {  	[smem:$0x3FA9] =	sst s7  }
0x10: {  	[smem:$0x3FAA] =	sst s8  }
0x11: {  	[smem:$0x3FAB] =	sst s9;
	s0 =	simm.s32 @!p0 $0x0  }
0x12: {  	s1 =	sld [smem:$0x3F91];
	s0 =	simm.s32 @p0 $0x1  }
0x13: {  	[smem:$0x3FAC] =	sst s0;
	s0 =	simm.s32 @!p1 $0x0  }
0x14: {  	s2 =	sld [smem:$0x3F90];
	s0 =	simm.s32 @p1 $0x1  }
0x15: {  	[smem:$0x3FAD] =	sst s0;
	s0 =	simm.s32 @!p2 $0x0  }
0x16: {  	s3 =	sld [smem:$0x3FDB];
	s0 =	simm.s32 @p2 $0x1  }
0x17: {  	s4 =	simm.s32 $0x1BF5;
	[smem:$0x3FAF] =	sst s0  }
0x18: {  	s0 =	sld [smem:$0x3F92];
	_ =	swait.ge [sflag:s4], $0x0  }
0x19: {  	s7 =	sld [smem:$0x3F93]  }
0x1a: {  	s8 =	sadd.s32 $0xFFFFE003, lr  }
0x1b: {  	s9 =	sadd.s32 $0xFFFFFEF7, lr;
	s5 =	simm.s32 $0xFFFFFFFF;
	p2 =	slt.u32 s8, $0xFFFFF086  }
0x1c: {  	p1 =	slt.u32 s9, $0xF7A;
	s5 =	simm.s32 @!p2 $0x0  }
0x1d: {  	s5 =	simm.s32 @p1 $0x1;
	p0 =	seq.s32 s7, s2  }
0x1e: {  	s7 =	smul.u32 @!p0 $0xF7A, s2;
	p2 =	seq.s32 @!p0 s5, $0x0  }
0x1f: {  	s9 =	smul.u32 $0xF7A, s1;
	s8 =	simm.s32 @!p0 $0x1BF5;
	p2 =	por !p2, p0  }
0x20: {  	[sflag:s8] =	ssyncset.s32 @!p0 $0xFFFFF086;
	s6 =	sadd.s32 @!p0 s3, s7;
	s7 =	simm.s32 @!p0 $0x108  }
0x21: {  	s3 =	sadd.s32 s3, s9;
	s6 =	sadd.s32 @!p0 $0x88, s6;
	s7 =	simm.s32 @p2 $0x1082  }
0x22: {  	[simem:s7], [sflag:s8] =	dma.local @!p0 [hbm:s6], $0xF7A  }
0x23: {  	s9 =	sor.u32 $0xD0000000, s2;
	s6 =	simm.s32 $0x108;
	_ =	swait.ge @!p0 [sflag:s8], $0x0  }
0x24: {  	s3 =	sadd.s32 $0x88, s3;
	s6 =	simm.s32 @!p1 $0x1082;
	[sflag:s4] =	ssyncset.s32 $0xFFFFF086  }
0x25: {  	[simem:s6], [sflag:s4] =	dma.local [hbm:s3], $0xF7A  }
0x26: {  	[smem:$0x3F93] =	sst s1;
	(tag) =	ssettag s2;
	_ =	strace s9  }
0x27: {  	s1 =	sld [smem:$0x3FA3]  }
0x28: {  	s2 =	sld [smem:$0x3FA4]  }
0x29: {  	s4 =	sld [smem:$0x3FA6]  }
0x2a: {  	p0 =	seq.s32 s5, $0x0;
	s5 =	sld [smem:$0x3FA7]  }
0x2b: {  	s6 =	sld [smem:$0x3FA8]  }
0x2c: {  	s7 =	sld [smem:$0x3FA9]  }
0x2d: {  	s3 =	simm.s32 $0x108;
	s8 =	sld [smem:$0x3FAA]  }
0x2e: {  	s3 =	simm.s32 @!p0 $0x1082;
	s9 =	sld [smem:$0x3FAB]  }
0x2f: {  	lr =	sadd.s32 s0, s3;
	s0 =	sld [smem:$0x3FA2]  }
0x30: {  	s3 =	sld [smem:$0x3FA5]  }
0x31: {  	[smem:$0x3FAE] =	sst s10  }
0x32: {  	s10 =	sld [smem:$0x3FAC];
	_ =	sdelay $0x3  }
0x33: {  	p0 =	seq.s32 s10, $0x1;
	s10 =	sld [smem:$0x3FAE];
	_ =	sdelay $0x3  }
0x34: {  	[smem:$0x3FAE] =	sst s10  }
0x35: {  	s10 =	sld [smem:$0x3FAD];
	_ =	sdelay $0x3  }
0x36: {  	p1 =	seq.s32 s10, $0x1;
	s10 =	sld [smem:$0x3FAE];
	_ =	sdelay $0x3  }
0x37: {  	[smem:$0x3FAE] =	sst s10  }
0x38: {  	s10 =	sld [smem:$0x3FAF]  }
0x39: {  	_ = 	snop;
	(pc) =	sbr.ind lr, $3  }
0x3a: {  	_ = 	snop  }
0x3b: {  	_ = 	snop  }
0x3c: {  	p2 =	seq.s32 s10, $0x1;
	s10 =	sld [smem:$0x3FAE]  }
0x3d: {  	_ =	shalt  }
0x3e: {  	_ =	shalt  }
0x3f: {  	_ =	shalt  }
0x40: {  	_ =	shalt  }
0x41: {  	_ =	shalt  }
0x42: {  	_ =	shalt  }
0x43: {  	_ =	shalt  }
0x44: {  	_ =	shalt  }
0x45: {  	_ =	shalt  }
0x46: {  	_ =	shalt  }
0x47: {  	_ =	shalt  }
0x48: {  	_ =	shalt  }
0x49: {  	_ =	shalt  }
0x4a: {  	_ =	shalt  }
0x4b: {  	_ =	shalt  }
0x4c: {  	_ =	shalt  }
0x4d: {  	_ =	shalt  }
0x4e: {  	_ =	shalt  }
0x4f: {  	_ =	shalt  }
0x50: {  	_ =	shalt  }
0x51: {  	_ =	shalt  }
0x52: {  	_ =	shalt  }
0x53: {  	_ =	shalt  }
0x54: {  	_ =	shalt  }
0x55: {  	_ =	shalt  }
0x56: {  	_ =	shalt  }
0x57: {  	_ =	shalt  }
0x58: {  	_ =	shalt  }
0x59: {  	_ =	shalt  }
0x5a: {  	_ =	shalt  }
0x5b: {  	_ =	shalt  }
0x5c: {  	_ =	shalt  }
0x5d: {  	_ =	shalt  }
0x5e: {  	_ =	shalt  }
0x5f: {  	_ =	shalt  }
0x60: {  	_ =	shalt  }
0x61: {  	_ =	shalt  }
0x62: {  	_ =	shalt  }
0x63: {  	_ =	shalt  }
0x64: {  	_ =	shalt  }
0x65: {  	_ =	shalt  }
0x66: {  	_ =	shalt  }
0x67: {  	_ =	shalt  }
0x68: {  	_ =	shalt  }
0x69: {  	_ =	shalt  }
0x6a: {  	_ =	shalt  }
0x6b: {  	_ =	shalt  }
0x6c: {  	_ =	shalt  }
0x6d: {  	_ =	shalt  }
0x6e: {  	_ =	shalt  }
0x6f: {  	_ =	shalt  }
0x70: {  	_ =	shalt  }
0x71: {  	_ =	shalt  }
0x72: {  	_ =	shalt  }
0x73: {  	_ =	shalt  }
0x74: {  	_ =	shalt  }
0x75: {  	_ =	shalt  }
0x76: {  	_ =	shalt  }
0x77: {  	_ =	shalt  }
0x78: {  	_ =	shalt  }
0x79: {  	_ =	shalt  }
0x7a: {  	_ =	shalt  }
0x7b: {  	_ =	shalt  }
0x7c: {  	_ =	shalt  }
0x7d: {  	_ =	shalt  }
0x7e: {  	_ =	shalt  }
0x7f: {  	_ =	shalt  }
0x80: {  	_ =	shalt  }
0x81: {  	_ =	shalt  }
0x82: {  	_ =	shalt  }
0x83: {  	_ =	shalt  }
0x84: {  	_ =	shalt  }
0x85: {  	_ =	shalt  }
0x86: {  	_ =	shalt  }
0x87: {  	_ =	shalt  }
.Lfunc_end0:
.L_simem_size_0:
called_computation.3_lowered:
.L_overlay_start_0:
0x88: {  	s2 =	sld [smem:$0x3FD9]  }
0x89: {  	s3 =	sld [smem:$0x3FFE];
	_ =	sdelay $0x1  }
0x8a: {  	s1 =	srdreg.scid  }
0x8b: {  	s0 =	sand.u32 $0x1, s1  }
0x8c: {  	s16 =	sshll.u32 s0, $0xA;
	s2 =	sadd.s32 s3, s2  }
0x8d: {  	s2 =	sadd.s32 s2, s16  }
0x8e: {  	[smem:$0x3FBA] =	sst s2  }
0x8f: {  	_ = 	snop  }
0x90: {  	(tm) =	ssettm $0x1  }
0x91: {  	s17 =	sld [smem:$0x3FFB];
	_ =	sdelay $0x3  }
0x92: {  	_ =	strace s17  }
0x93: {  	s2 =	sld [smem:$0x3FFC];
	_ =	sdelay $0x3  }
0x94: {  	_ =	strace s2  }
0x95: {  	s2 =	sld [smem:$0x3FFD];
	_ =	sdelay $0x3  }
0x96: {  	_ =	strace s2  }
0x97: {  	_ =	strace $0x8FFFFFFF  }
0x98: {  	s18 =	sld [smem:$0x3FDB];
	_ =	sdelay $0x1  }
0x99: {  	s19 =	simm.s32 $_scs_section_size  }
0x9a: {  	s4 =	simm.s32 $_size__tile_overlayer_lowered;
	s5 =	simm.s32 $_tile_overlayer_lowered  }
0x9b: {  	s22 =	simm.s32 $0x1BFF;
	s21 =	sshll.u32 s5, $0x1;
	s2 =	sadd.s32 s19, s18  }
0x9c: {  	s6 =	simm.s32 $0x0;
	s20 =	sshll.u32 s4, $0x1;
	s4 =	sadd.s32 s21, s2  }
0x9d: {  	[timem:s6], [sflag:s22] =	dma.local [hbm:s4], s20  }
0x9e: {  	_ =	swait.ge [sflag:s22], s20  }
0x9f: {  	s3 =	ssub.s32 $0x0, s20;
	[sflag:s22] =	ssyncset.done $0x0  }
0xa0: {  	[sflag:s22] =	ssyncadd.s32 s3;
	_ =	sdelay $0x1  }
0xa1: {  	s23 =	simm.s32 $0x1B8B  }
0xa2: {  	_ =	swait.ge [sflag:s23], $0x1  }
0xa3: {  	[sflag:s23] =	ssyncset.done $0x0  }
0xa4: {  	s25 =	simm.s32 $0x1B8E;
	s24 =	sld [smem:$0x3FFE];
	[sflag:s23] =	ssyncadd.s32 $0xFFFFFFFF  }
0xa5: {  	s26 =	simm.s32 $execute0_lowered;
	[smem:$0x3FD2] =	sst s25  }
0xa6: {  	s4 =	sshll.u32 s26, $0x1;
	_ =	strace $0x8000004F;
	[dreg:$0x1] =	wrdreg $0xFFFFFFFF  }
0xa7: {  	s28 =	simm.s32 $_size_execute0_lowered;
	s2 =	sadd.s32 s2, s4;
	[dreg:$0x0] =	wrdreg $0x0  }
0xa8: {  	s4 =	sshll.u32 s28, $0x1;
	[dreg:$0x2] =	wrdreg s2  }
0xa9: {  	[dreg:$0x3] =	wrdreg s4  }
0xaa: {  	[dreg:$0x4] =	wrdreg $0xC0  }
0xab: {  	_ =	task [dreg:s6], $0x5FFFF  }
0xac: {  	[dreg:$0x1] =	wrdreg $0xFFFFFFFF  }
0xad: {  	[dreg:$0x0] =	wrdreg $0x60  }
0xae: {  	[dreg:$0x2] =	wrdreg s24  }
0xaf: {  	[dreg:$0x3] =	wrdreg $0xA4000  }
0xb0: {  	[dreg:$0x4] =	wrdreg $0x9  }
0xb1: {  	_ =	task.clear_ibuf [dreg:s6], $0x5FFFF;
	_ =	strace $0x9000004F  }
0xb2: {  	s29 =	simm.s32 $0x9;
	_ =	strace $0x80000051  }
0xb3: {  	_ =	swait.ge [sflag:s29], $0x1  }
0xb4: {  	[sflag:s29] =	ssyncadd.s32 $0xFFFFFFFF  }
0xb5: {  	_ =	strace $0x90000051  }
0xb6: {  	_ =	sfence  }
0xb7: {  	s30 =	sld [smem:$0x0];
	_ =	sdelay $0x2  }
0xb8: {  	s31 =	sshll.u32 s1, $0xD;
	s1 =	sshrl.u32 s1, $0x2  }
0xb9: {  	s3 =	sand.u32 $0x4000, s31;
	s1 =	sadd.s32 s1, s30  }
0xba: {  	s0 =	sor.u32 s3, s0;
	s1 =	sshll.u32 s1, $0x11  }
0xbb: {  	s0 =	sor.u32 s1, s0  }
0xbc: {  	s0 =	sadd.s32 $0x8F2B, s0  }
0xbd: {  	[sflag:s0] =	ssyncadd.remote.s32 $0x1  }
0xbe: {  	_ =	sfence.sel $0xFFFF  }
0xbf: {  	[dreg:$0x0] =	wrdreg $0xFFFFFFFF;
	(pc) =	sbr.abs _section_cstart, $3  }
0xc0: {  	[dreg:$0x1] =	wrdreg $0xFFFFFFFF  }
0xc1: {  	_ =	task.clear_ibuf [dreg:s6], $0x2FFFF;
	_ =	strace $0x9FFFFFFF  }
0xc2: {  	(tm) =	ssettm $0x7FFFFFFF  }
0xc3: {  	_ =	shalt  }
tec
execute0_lowered:
.L_overlay_start_1:
0x0: {  	(tag) =	ssettag $0x1  }
0x1: {  	s0 =	rddreg [dreg:$0x0]  }
0x2: {  	s1 =	rddreg [dreg:$0x1];
	s2 =	simm.s32 $0x0  }
0x3: {  	s4 =	srdreg.scid;
	s7 =	stileid.u32;
	s28 =	simm.s32 $0x300  }
0x4: {  	s29 =	simm.s32 $0x2;
	s30 =	simm.s32 $0x2C00;
	s31 =	simm.s32 $0x5  }
0x5: {  	[smem:$0x7FF] =	sst s2;
	s3 =	sadd.s32 $0x17400, s0;
	s6 =	sand.u32 $0x1, s4  }
0x6: {  	s4 =	sadd.s32 $0x3800, s0;
	s5 =	sadd.s32 $0xD600, s0;
	s10 =	smul.u32 $0x4E000, s7  }
0x7: {  	s11 =	sadd.s32 $0x3E600, s0;
	s12 =	smul.u32 $0x2700, s7;
	s19 =	sshll.u32 s7, $0x6  }
0x8: {  	s21 =	sadd.s32 $0x138000, s1;
	s22 =	smul.u32 $0x2710, s7;
	s0 =	sadd.s32 $0x3E400, s0  }
0x9: {  	p0 =	sne.s32 s7, $0x0;
	_ =	strace $0x80000050;
	[dreg:$0xe] =	wrdreg s21  }
0xa: {  	s8 =	ssub.s32 $0x2, s6;
	s18 =	sshll.u32 s6, $0x4;
	[dreg:$0xf] =	wrdreg s0  }
0xb: {  	s17 =	sor.u32 $0x1C0D, s19;
	s20 =	smul.u32 $0x27100, s6;
	[dreg:$0xa] =	wrdreg s5  }
0xc: {  	s6 =	smul.u32 $0x138800, s6;
	[dreg:$0x9] =	wrdreg s4;
	s9 =	sshrl.u32 s8, $0x1  }
0xd: {  	s10 =	sshrl.u32 s10, $0x2;
	s13 =	sadd.s32 s3, s12;
	[dreg:$0xd] =	wrdreg s17  }
0xe: {  	s8 =	ssub.s32 s8, s9;
	s9 =	sor.u32 s7, s18;
	s10 =	sadd.s32 s10, s1  }
0xf: {  	[dreg:$0xc] =	wrdreg s13;
	s6 =	sshrl.u32 s6, $0x3;
	s9 =	smul.u32 $0x2710, s9  }
0x10: {  	s7 =	simm.s32 $0x3;
	[dreg:$0xb] =	wrdreg s10;
	s10 =	sadd.s32 s12, s20  }
0x11: {  	s6 =	sadd.s32 s11, s6;
	s10 =	sadd.s32 s11, s10;
	s9 =	sshrl.u32 s9, $0x3  }
0x12: {  	s12 =	simm.s32 $0x4;
	[dreg:$0x14] =	wrdreg s10;
	s23 =	sadd.s32 s4, s9  }
0x13: {  	s24 =	sadd.s32 $0xA, s9;
	s9 =	sadd.s32 s5, s9;
	[dreg:$0x10] =	wrdreg s23  }
0x14: {  	s11 =	simm.s32 $0x9;
	s10 =	simm.s32 $0x6;
	[dreg:$0x11] =	wrdreg s9  }
0x15: {  	s25 =	sadd.s32 s4, s24;
	s9 =	sadd.s32 s22, s20;
	s0 =	sadd.s32 s5, s24  }
0x16: {  	s23 =	sadd.s32 $0x27000, s6;
	s6 =	simm.s32 $0x380;
	[dreg:$0x12] =	wrdreg s25  }
0x17: {  	s26 =	sadd.s32 $0x190, s9;
	[dreg:$0x13] =	wrdreg s0;
	s15 =	sadd.s32 $0xF0, s9  }
0x18: {  	s19 =	sadd.s32 $0xA0, s9;
	[dreg:$0x15] =	wrdreg s23;
	s25 =	smax.u32 s8, $0x1  }
0x19: {  	s8 =	simm.s32 $0xD;
	s23 =	simm.s32 $0x1;
	s13 =	sshrl.u32 s26, $0x3  }
0x1a: {  	s16 =	sshrl.u32 s15, $0x3;
	[dreg:$0x16] =	wrdreg s25;
	s26 =	sadd.s32 $0x140, s9  }
0x1b: {  	s21 =	sshrl.u32 s19, $0x3;
	s14 =	sadd.s32 s13, s5;
	[dreg:$0x17] =	wrdreg s26  }
0x1c: {  	s25 =	simm.s32 $0x400;
	s0 =	sadd.s32 s13, s4;
	[dreg:$0x3] =	wrdreg s14  }
0x1d: {  	s9 =	simm.s32 $0x5400;
	s18 =	sadd.s32 s16, s5;
	[dreg:$0x4] =	wrdreg s0  }
0x1e: {  	s15 =	simm.s32 $0xA;
	s20 =	sadd.s32 s16, s4;
	[dreg:$0x5] =	wrdreg s18  }
0x1f: {  	s22 =	sadd.s32 s21, s5;
	s24 =	sadd.s32 s21, s4;
	[dreg:$0x6] =	wrdreg s20  }
0x20: {  	s26 =	simm.s32 $0x100;
	s13 =	simm.s32 $0x7C00;
	[dreg:$0x7] =	wrdreg s22  }
0x21: {  	s16 =	simm.s32 $0x8;
	[dreg:$0x8] =	wrdreg s24;
	s24 =	simm.s32 $0x50  }
0x22: {  	s0 =	simm.s32 $0x180;
	s14 =	simm.s32 $0x7;
	s18 =	simm.s32 $0x0  }
.LBB2_1:
0x23: {  	[dreg:$0x18] =	wrdreg s18  }
0x24: {  	s4 =	rddreg [dreg:$0xb]  }
0x25: {  	s22 =	rddreg [dreg:$0xc];
	s5 =	sshrl.u32 s4, $0x3  }
0x26: {  	[dreg:$0x19] =	wrdreg s5  }
0x27: {  	[spmem:s5], [sflag:s17] =	dma.local [hbm:s22], $0x2700  }
0x28: {  	_ =	swait.ge [sflag:s8], $0x2700  }
0x29: {  	s4 =	rddreg [dreg:$0xe]  }
0x2a: {  	[sflag:s8] =	ssyncset.done $0x0;
	s5 =	sshrl.u32 @!p0 s4, $0x3;
	s4 =	rddreg [dreg:$0xf]  }
0x2b: {  	[sflag:s8] =	ssyncadd.s32 $0xFFFFD900;
	s8 =	simm.s32 @!p0 $0xD;
	[dreg:$0x1a] =	wrdreg s5  }
0x2c: {  	[spmem:s5], [sflag:s17] =	dma.local @!p0 [hbm:s4], $0x100  }
0x2d: {  	_ =	swait.ge @!p0 [sflag:s8], $0x100  }
0x2e: {  	[sflag:s8] =	ssyncset.done @!p0 $0x0  }
0x2f: {  	[sflag:s8] =	ssyncadd.s32 @!p0 $0xFFFFFF00  }
0x30: {  	[bflag:$0x0] =	sbarrier.arrive $0xFFFF  }
0x31: {  	s17 =	rddreg [dreg:$0x10]  }
0x32: {  	[tilespmem:s2], [sflag:$0x1] =	stream.linear.gather [hbm4b:s17+s2], $0x50, $0x38;
	[tilespmem:$0x1DC80] =	vst v63  }
0x33: {  	s19 =	simm.s32 $0x200;
	s18 =	rddreg [dreg:$0x11]  }
0x34: {  	[tilespmem:s19], [sflag:$0x1] =	stream.linear.gather [hbm4b:s18+s2], $0x50, $0x38;
	[tilespmem:$0x1DC80] =	vst v63  }
0x35: {  	s5 =	simm.s32 $0x80;
	s20 =	rddreg [dreg:$0x12]  }
0x36: {  	[tilespmem:s5], [sflag:$0x2] =	stream.linear.gather [hbm4b:s20+s2], $0x50, $0x38;
	[tilespmem:$0x1DC80] =	vst v63  }
0x37: {  	s21 =	rddreg [dreg:$0x13];
	s20 =	simm.s32 $0x280  }
0x38: {  	[tilespmem:s20], [sflag:$0x2] =	stream.linear.gather [hbm4b:s21+s2], $0x50, $0x38;
	[tilespmem:$0x1DC80] =	vst v63  }
0x39: {  	_ =	swait.ge [sflag:s23], $0x50  }
0x3a: {  	[sflag:s23] =	ssyncset.done $0x0  }
0x3b: {  	[sflag:s23] =	ssyncadd.s32 $0xFFFFFFB0  }
0x3c: {  	_ =	swait.ge [sflag:s23], $0x50  }
0x3d: {  	p1 =	por $0x1, $0x1;
	[sflag:s23] =	ssyncset.done $0x0  }
0x3e: {  	s8 =	simm.s32 @!p1 $0xB;
	[sflag:s23] =	ssyncadd.s32 $0xFFFFFFB0  }
0x3f: {  	[tilespmem:s25], [sflag:$0x5] =	stream.indirect.gather [hbm4b:s3+s24], $0x80, s2, s24, $0xb8;
	[tilespmem:$0x1DC80] =	vst v63  }
0x40: {  	_ =	swait.ge @!p1 [sflag:s8], $0x2800  }
0x41: {  	s22 =	rddreg [dreg:$0x8];
	[sflag:s8] =	ssyncset.done @!p1 $0x0  }
0x42: {  	s4 =	rddreg [dreg:$0x7];
	[sflag:s8] =	ssyncadd.s32 @!p1 $0xFFFFD800;
	s17 =	sadd.s32 $0x0, s22  }
0x43: {  	[tilespmem:s26], [sflag:$0x3] =	stream.linear.gather [hbm4b:s17+s2], $0x50, $0x38;
	[tilespmem:$0x1DC80] =	vst v63  }
0x44: {  	s21 =	sadd.s32 $0x0, s4  }
0x45: {  	[tilespmem:s28], [sflag:$0x3] =	stream.linear.gather [hbm4b:s21+s2], $0x50, $0x38;
	[tilespmem:$0x1DC80] =	vst v63  }
0x46: {  	_ =	swait.ge [sflag:s29], $0x50  }
0x47: {  	[sflag:s29] =	ssyncset.done $0x0  }
0x48: {  	[sflag:s29] =	ssyncadd.s32 $0xFFFFFFB0  }
0x49: {  	_ =	swait.ge [sflag:s29], $0x50  }
0x4a: {  	[sflag:s29] =	ssyncset.done $0x0  }
0x4b: {  	[sflag:s29] =	ssyncadd.s32 $0xFFFFFFB0  }
0x4c: {  	[tilespmem:s30], [sflag:$0x6] =	stream.indirect.gather [hbm4b:s3+s24], $0x80, s5, s24, $0xb8;
	[tilespmem:$0x1DC80] =	vst v63  }
0x4d: {  	_ =	swait.ge [sflag:s31], $0x2800  }
0x4e: {  	[sflag:s31] =	ssyncset.done $0x0  }
0x4f: {  	s8 =	simm.s32 @!p1 $0xC;
	[sflag:s31] =	ssyncadd.s32 $0xFFFFD800  }
0x50: {  	[spmem:s1] =	stream.indirect.scatter.add.f32 [tilespmem:s25], [sflag:$0x9], $0x80, s19, s24, $0xb8;
	[tilespmem:$0x1DC80] =	vst v63  }
0x51: {  	_ =	swait.ge @!p1 [sflag:s8], $0x2800  }
0x52: {  	s22 =	rddreg [dreg:$0x6];
	[sflag:s8] =	ssyncset.done @!p1 $0x0  }
0x53: {  	s4 =	rddreg [dreg:$0x5];
	[sflag:s8] =	ssyncadd.s32 @!p1 $0xFFFFD800;
	s5 =	sadd.s32 $0x0, s22  }
0x54: {  	[tilespmem:s0], [sflag:$0x4] =	stream.linear.gather [hbm4b:s5+s2], $0x50, $0x38;
	[tilespmem:$0x1DC80] =	vst v63  }
0x55: {  	s17 =	sadd.s32 $0x0, s4  }
0x56: {  	[tilespmem:s6], [sflag:$0x4] =	stream.linear.gather [hbm4b:s17+s2], $0x50, $0x38;
	[tilespmem:$0x1DC80] =	vst v63  }
0x57: {  	_ =	swait.ge [sflag:s7], $0x50  }
0x58: {  	[sflag:s7] =	ssyncset.done $0x0  }
0x59: {  	[sflag:s7] =	ssyncadd.s32 $0xFFFFFFB0  }
0x5a: {  	_ =	swait.ge [sflag:s7], $0x50  }
0x5b: {  	[sflag:s7] =	ssyncset.done $0x0  }
0x5c: {  	[sflag:s7] =	ssyncadd.s32 $0xFFFFFFB0  }
0x5d: {  	[tilespmem:s9], [sflag:$0x7] =	stream.indirect.gather [hbm4b:s3+s24], $0x80, s26, s24, $0xb8;
	[tilespmem:$0x1DC80] =	vst v63  }
0x5e: {  	_ =	swait.ge [sflag:s10], $0x2800  }
0x5f: {  	[sflag:s10] =	ssyncset.done $0x0  }
0x60: {  	[sflag:s10] =	ssyncadd.s32 $0xFFFFD800  }
0x61: {  	[spmem:s1] =	stream.indirect.scatter.add.f32 [tilespmem:s30], [sflag:$0xA], $0x80, s20, s24, $0xb8;
	[tilespmem:$0x1DC80] =	vst v63  }
0x62: {  	_ =	swait.ge [sflag:s11], $0x2800  }
0x63: {  	s5 =	rddreg [dreg:$0x17]  }
0x64: {  	[sflag:s11] =	ssyncset.done $0x0;
	s20 =	rddreg [dreg:$0x9];
	s18 =	sshrl.u32 s5, $0x3  }
0x65: {  	s22 =	rddreg [dreg:$0xa];
	[sflag:s11] =	ssyncadd.s32 $0xFFFFD800;
	s21 =	sadd.s32 s20, s18  }
0x66: {  	[tilespmem:s2], [sflag:$0x1] =	stream.linear.gather [hbm4b:s21+s2], $0x50, $0x38;
	[tilespmem:$0x1DC80] =	vst v63  }
0x67: {  	s8 =	sadd.s32 s22, s18  }
0x68: {  	[tilespmem:s19], [sflag:$0x1] =	stream.linear.gather [hbm4b:s8+s2], $0x50, $0x38;
	[tilespmem:$0x1DC80] =	vst v63  }
0x69: {  	_ =	swait.ge [sflag:s12], $0x50  }
0x6a: {  	[sflag:s12] =	ssyncset.done $0x0  }
0x6b: {  	[sflag:s12] =	ssyncadd.s32 $0xFFFFFFB0  }
0x6c: {  	_ =	swait.ge [sflag:s12], $0x50  }
0x6d: {  	[sflag:s12] =	ssyncset.done $0x0  }
0x6e: {  	[sflag:s12] =	ssyncadd.s32 $0xFFFFFFB0  }
0x6f: {  	[tilespmem:s13], [sflag:$0x8] =	stream.indirect.gather [hbm4b:s3+s24], $0x80, s0, s24, $0xb8;
	[tilespmem:$0x1DC80] =	vst v63  }
0x70: {  	_ =	swait.ge [sflag:s14], $0x2800  }
0x71: {  	[sflag:s14] =	ssyncset.done $0x0  }
0x72: {  	p1 =	por $0x0, $0x0;
	[sflag:s14] =	ssyncadd.s32 $0xFFFFD800  }
0x73: {  	[spmem:s1] =	stream.indirect.scatter.add.f32 [tilespmem:s9], [sflag:$0xB], $0x80, s28, s24, $0xb8;
	[tilespmem:$0x1DC80] =	vst v63  }
0x74: {  	s18 =	simm.s32 @!p1 $0x0;
	_ =	swait.ge [sflag:s15], $0x2800  }
0x75: {  	s19 =	simm.s32 @!p1 $0x80;
	s8 =	rddreg [dreg:$0x4];
	[sflag:s15] =	ssyncset.done $0x0  }
0x76: {  	s17 =	rddreg [dreg:$0x3];
	[sflag:s15] =	ssyncadd.s32 $0xFFFFD800;
	s8 =	sadd.s32 @!p1 $0x0, s8  }
0x77: {  	[tilespmem:s19], [sflag:$0x2] =	stream.linear.gather @!p1 [hbm4b:s8+s18], $0x50, $0x38;
	[tilespmem:$0x1DC80] =	vst v63  }
0x78: {  	s17 =	sadd.s32 @!p1 $0x0, s17;
	s8 =	simm.s32 @!p1 $0x280  }
0x79: {  	[tilespmem:s8], [sflag:$0x2] =	stream.linear.gather @!p1 [hbm4b:s17+s18], $0x50, $0x38;
	[tilespmem:$0x1DC80] =	vst v63  }
0x7a: {  	_ =	swait.ge [sflag:s23], $0x50  }
0x7b: {  	[sflag:s23] =	ssyncset.done $0x0  }
0x7c: {  	[sflag:s23] =	ssyncadd.s32 $0xFFFFFFB0  }
0x7d: {  	_ =	swait.ge [sflag:s23], $0x50  }
0x7e: {  	[sflag:s23] =	ssyncset.done $0x0  }
0x7f: {  	p2 =	por $0x0, $0x0;
	s19 =	sadd.s32 $0x140, s5;
	[sflag:s23] =	ssyncadd.s32 $0xFFFFFFB0  }
0x80: {  	[tilespmem:s25], [sflag:$0x5] =	stream.indirect.gather [hbm4b:s3+s24], $0x80, s2, s24, $0xb8;
	[tilespmem:$0x1DC80] =	vst v63  }
0x81: {  	s18 =	simm.s32 $0x28;
	s8 =	simm.s32 $0x50;
	_ =	swait.ge [sflag:s16], $0x2800  }
.LBB2_2:
0x82: {  	[sflag:s16] =	ssyncset.done $0x0  }
0x83: {  	s21 =	simm.s32 @!p2 $0xB;
	[sflag:s16] =	ssyncadd.s32 $0xFFFFD800  }
0x84: {  	[spmem:s1] =	stream.indirect.scatter.add.f32 [tilespmem:s13], [sflag:$0xC], $0x80, s6, s24, $0xb8;
	[tilespmem:$0x1DC80] =	vst v63  }
0x85: {  	_ =	swait.ge @!p2 [sflag:s21], $0x2800  }
0x86: {  	[sflag:s21] =	ssyncset.done @!p2 $0x0;
	s22 =	rddreg [dreg:$0x8]  }
0x87: {  	s4 =	rddreg [dreg:$0x7];
	[sflag:s21] =	ssyncadd.s32 @!p2 $0xFFFFD800;
	s22 =	sadd.s32 s18, s22  }
0x88: {  	[tilespmem:s26], [sflag:$0x3] =	stream.linear.gather [hbm4b:s22+s2], $0x50, $0x38;
	[tilespmem:$0x1DC80] =	vst v63  }
0x89: {  	s21 =	sadd.s32 s18, s4  }
0x8a: {  	[tilespmem:s28], [sflag:$0x3] =	stream.linear.gather [hbm4b:s21+s2], $0x50, $0x38;
	[tilespmem:$0x1DC80] =	vst v63  }
0x8b: {  	_ =	swait.ge [sflag:s29], $0x50  }
0x8c: {  	[sflag:s29] =	ssyncset.done $0x0  }
0x8d: {  	[sflag:s29] =	ssyncadd.s32 $0xFFFFFFB0  }
0x8e: {  	_ =	swait.ge [sflag:s29], $0x50  }
0x8f: {  	[sflag:s29] =	ssyncset.done $0x0  }
0x90: {  	s4 =	simm.s32 $0x80;
	[sflag:s29] =	ssyncadd.s32 $0xFFFFFFB0  }
0x91: {  	[tilespmem:s30], [sflag:$0x6] =	stream.indirect.gather [hbm4b:s3+s24], $0x80, s4, s24, $0xb8;
	[tilespmem:$0x1DC80] =	vst v63  }
0x92: {  	_ =	swait.ge [sflag:s31], $0x2800  }
0x93: {  	[sflag:s31] =	ssyncset.done $0x0  }
0x94: {  	s20 =	simm.s32 $0x200;
	s21 =	simm.s32 @!p2 $0xC;
	[sflag:s31] =	ssyncadd.s32 $0xFFFFD800  }
0x95: {  	[spmem:s1] =	stream.indirect.scatter.add.f32 [tilespmem:s25], [sflag:$0x9], $0x80, s20, s24, $0xb8;
	[tilespmem:$0x1DC80] =	vst v63  }
0x96: {  	_ =	swait.ge @!p2 [sflag:s21], $0x2800  }
0x97: {  	s5 =	rddreg [dreg:$0x6];
	[sflag:s21] =	ssyncset.done @!p2 $0x0  }
0x98: {  	s4 =	rddreg [dreg:$0x5];
	[sflag:s21] =	ssyncadd.s32 @!p2 $0xFFFFD800;
	s5 =	sadd.s32 s18, s5  }
0x99: {  	[tilespmem:s0], [sflag:$0x4] =	stream.linear.gather [hbm4b:s5+s2], $0x50, $0x38;
	[tilespmem:$0x1DC80] =	vst v63  }
0x9a: {  	s4 =	sadd.s32 s18, s4  }
0x9b: {  	[tilespmem:s6], [sflag:$0x4] =	stream.linear.gather [hbm4b:s4+s2], $0x50, $0x38;
	[tilespmem:$0x1DC80] =	vst v63  }
0x9c: {  	_ =	swait.ge [sflag:s7], $0x50  }
0x9d: {  	[sflag:s7] =	ssyncset.done $0x0  }
0x9e: {  	[sflag:s7] =	ssyncadd.s32 $0xFFFFFFB0  }
0x9f: {  	_ =	swait.ge [sflag:s7], $0x50  }
0xa0: {  	[sflag:s7] =	ssyncset.done $0x0  }
0xa1: {  	[sflag:s7] =	ssyncadd.s32 $0xFFFFFFB0  }
0xa2: {  	[tilespmem:s9], [sflag:$0x7] =	stream.indirect.gather [hbm4b:s3+s24], $0x80, s26, s24, $0xb8;
	[tilespmem:$0x1DC80] =	vst v63  }
0xa3: {  	_ =	swait.ge [sflag:s10], $0x2800  }
0xa4: {  	[sflag:s10] =	ssyncset.done $0x0  }
0xa5: {  	s22 =	simm.s32 $0x280;
	[sflag:s10] =	ssyncadd.s32 $0xFFFFD800  }
0xa6: {  	[spmem:s1] =	stream.indirect.scatter.add.f32 [tilespmem:s30], [sflag:$0xA], $0x80, s22, s24, $0xb8;
	[tilespmem:$0x1DC80] =	vst v63  }
0xa7: {  	_ =	swait.ge [sflag:s11], $0x2800  }
0xa8: {  	s4 =	sshrl.u32 s19, $0x3;
	[sflag:s11] =	ssyncset.done $0x0;
	s5 =	rddreg [dreg:$0x9]  }
0xa9: {  	s22 =	rddreg [dreg:$0xa];
	s5 =	sadd.s32 s5, s4;
	[sflag:s11] =	ssyncadd.s32 $0xFFFFD800  }
0xaa: {  	[tilespmem:s2], [sflag:$0x1] =	stream.linear.gather [hbm4b:s5+s2], $0x50, $0x38;
	[tilespmem:$0x1DC80] =	vst v63  }
0xab: {  	s4 =	sadd.s32 s22, s4  }
0xac: {  	[tilespmem:s20], [sflag:$0x1] =	stream.linear.gather [hbm4b:s4+s2], $0x50, $0x38;
	[tilespmem:$0x1DC80] =	vst v63  }
0xad: {  	_ =	swait.ge [sflag:s12], $0x50  }
0xae: {  	[sflag:s12] =	ssyncset.done $0x0  }
0xaf: {  	[sflag:s12] =	ssyncadd.s32 $0xFFFFFFB0  }
0xb0: {  	_ =	swait.ge [sflag:s12], $0x50  }
0xb1: {  	[sflag:s12] =	ssyncset.done $0x0  }
0xb2: {  	[sflag:s12] =	ssyncadd.s32 $0xFFFFFFB0  }
0xb3: {  	[tilespmem:s13], [sflag:$0x8] =	stream.indirect.gather [hbm4b:s3+s24], $0x80, s0, s24, $0xb8;
	[tilespmem:$0x1DC80] =	vst v63  }
0xb4: {  	_ =	swait.ge [sflag:s14], $0x2800  }
0xb5: {  	[sflag:s14] =	ssyncset.done $0x0  }
0xb6: {  	p2 =	seq.s32 s18, $0x4B0;
	[sflag:s14] =	ssyncadd.s32 $0xFFFFD800  }
0xb7: {  	[spmem:s1] =	stream.indirect.scatter.add.f32 [tilespmem:s9], [sflag:$0xB], $0x80, s28, s24, $0xb8;
	[tilespmem:$0x1DC80] =	vst v63  }
0xb8: {  	s22 =	simm.s32 @!p2 $0x0;
	_ =	swait.ge [sflag:s15], $0x2800  }
0xb9: {  	s5 =	simm.s32 @!p2 $0x80;
	s4 =	rddreg [dreg:$0x4];
	[sflag:s15] =	ssyncset.done $0x0  }
0xba: {  	s21 =	rddreg [dreg:$0x3];
	[sflag:s15] =	ssyncadd.s32 $0xFFFFD800;
	s4 =	sadd.s32 @!p2 s18, s4  }
0xbb: {  	[tilespmem:s5], [sflag:$0x2] =	stream.linear.gather @!p2 [hbm4b:s4+s22], $0x50, $0x38;
	[tilespmem:$0x1DC80] =	vst v63  }
0xbc: {  	s20 =	simm.s32 @!p2 $0x280;
	s4 =	sadd.s32 @!p2 s18, s21  }
0xbd: {  	[tilespmem:s20], [sflag:$0x2] =	stream.linear.gather @!p2 [hbm4b:s4+s22], $0x50, $0x38;
	[tilespmem:$0x1DC80] =	vst v63  }
0xbe: {  	_ =	swait.ge [sflag:s23], $0x50  }
0xbf: {  	s17 =	smov.u32 s8;
	s8 =	sadd.s32 $0x28, s8;
	[sflag:s23] =	ssyncset.done $0x0  }
0xc0: {  	p1 =	sne.s32 s8, $0x4D8;
	[sflag:s23] =	ssyncadd.s32 $0xFFFFFFB0  }
.Ltmp0:
0xc1: {  	_ =	swait.ge [sflag:s23], $0x50;
	(pc) =	sbr.rel @p1 .LBB2_2-.Ltmp0, $4  }
0xc2: {  	[sflag:s23] =	ssyncset.done $0x0  }
0xc3: {  	s18 =	smov.u32 s17;
	[sflag:s23] =	ssyncadd.s32 $0xFFFFFFB0  }
0xc4: {  	[tilespmem:s25], [sflag:$0x5] =	stream.indirect.gather [hbm4b:s3+s24], $0x80, s2, s24, $0xb8;
	[tilespmem:$0x1DC80] =	vst v63  }
0xc5: {  	s19 =	sadd.s32 $0x140, s19;
	p2 =	seq.s32 s18, $0x0;
	_ =	swait.ge [sflag:s16], $0x2800  }
0xc6: {  	[sflag:s16] =	ssyncset.done $0x0  }
0xc7: {  	s4 =	simm.s32 @!p2 $0xB;
	[sflag:s16] =	ssyncadd.s32 $0xFFFFD800  }
0xc8: {  	[spmem:s1] =	stream.indirect.scatter.add.f32 [tilespmem:s13], [sflag:$0xC], $0x80, s6, s24, $0xb8;
	[tilespmem:$0x1DC80] =	vst v63  }
0xc9: {  	_ =	swait.ge @!p2 [sflag:s4], $0x2800  }
0xca: {  	s5 =	rddreg [dreg:$0x8];
	[sflag:s4] =	ssyncset.done @!p2 $0x0  }
0xcb: {  	s8 =	rddreg [dreg:$0x7];
	[sflag:s4] =	ssyncadd.s32 @!p2 $0xFFFFD800;
	s5 =	sadd.s32 s18, s5  }
0xcc: {  	[tilespmem:s26], [sflag:$0x3] =	stream.linear.gather [hbm4b:s5+s2], $0x50, $0x38;
	[tilespmem:$0x1DC80] =	vst v63  }
0xcd: {  	s17 =	sadd.s32 s18, s8  }
0xce: {  	[tilespmem:s28], [sflag:$0x3] =	stream.linear.gather [hbm4b:s17+s2], $0x50, $0x38;
	[tilespmem:$0x1DC80] =	vst v63  }
0xcf: {  	_ =	swait.ge [sflag:s29], $0x50  }
0xd0: {  	[sflag:s29] =	ssyncset.done $0x0  }
0xd1: {  	[sflag:s29] =	ssyncadd.s32 $0xFFFFFFB0  }
0xd2: {  	_ =	swait.ge [sflag:s29], $0x50  }
0xd3: {  	[sflag:s29] =	ssyncset.done $0x0  }
0xd4: {  	s20 =	simm.s32 $0x80;
	[sflag:s29] =	ssyncadd.s32 $0xFFFFFFB0  }
0xd5: {  	[tilespmem:s30], [sflag:$0x6] =	stream.indirect.gather [hbm4b:s3+s24], $0x80, s20, s24, $0xb8;
	[tilespmem:$0x1DC80] =	vst v63  }
0xd6: {  	_ =	swait.ge [sflag:s31], $0x2800  }
0xd7: {  	[sflag:s31] =	ssyncset.done $0x0  }
0xd8: {  	s4 =	simm.s32 @!p2 $0xC;
	s20 =	simm.s32 $0x200;
	[sflag:s31] =	ssyncadd.s32 $0xFFFFD800  }
0xd9: {  	[spmem:s1] =	stream.indirect.scatter.add.f32 [tilespmem:s25], [sflag:$0x9], $0x80, s20, s24, $0xb8;
	[tilespmem:$0x1DC80] =	vst v63  }
0xda: {  	_ =	swait.ge @!p2 [sflag:s4], $0x2800  }
0xdb: {  	s21 =	rddreg [dreg:$0x6];
	[sflag:s4] =	ssyncset.done @!p2 $0x0  }
0xdc: {  	s22 =	rddreg [dreg:$0x5];
	[sflag:s4] =	ssyncadd.s32 @!p2 $0xFFFFD800;
	s5 =	sadd.s32 s18, s21  }
0xdd: {  	[tilespmem:s0], [sflag:$0x4] =	stream.linear.gather [hbm4b:s5+s2], $0x50, $0x38;
	[tilespmem:$0x1DC80] =	vst v63  }
0xde: {  	s8 =	sadd.s32 s18, s22  }
0xdf: {  	[tilespmem:s6], [sflag:$0x4] =	stream.linear.gather [hbm4b:s8+s2], $0x50, $0x38;
	[tilespmem:$0x1DC80] =	vst v63  }
0xe0: {  	_ =	swait.ge [sflag:s7], $0x50  }
0xe1: {  	[sflag:s7] =	ssyncset.done $0x0  }
0xe2: {  	[sflag:s7] =	ssyncadd.s32 $0xFFFFFFB0  }
0xe3: {  	_ =	swait.ge [sflag:s7], $0x50  }
0xe4: {  	[sflag:s7] =	ssyncset.done $0x0  }
0xe5: {  	[sflag:s7] =	ssyncadd.s32 $0xFFFFFFB0  }
0xe6: {  	[tilespmem:s9], [sflag:$0x7] =	stream.indirect.gather [hbm4b:s3+s24], $0x80, s26, s24, $0xb8;
	[tilespmem:$0x1DC80] =	vst v63  }
0xe7: {  	_ =	swait.ge [sflag:s10], $0x2800  }
0xe8: {  	[sflag:s10] =	ssyncset.done $0x0  }
0xe9: {  	s17 =	simm.s32 $0x280;
	[sflag:s10] =	ssyncadd.s32 $0xFFFFD800  }
0xea: {  	[spmem:s1] =	stream.indirect.scatter.add.f32 [tilespmem:s30], [sflag:$0xA], $0x80, s17, s24, $0xb8;
	[tilespmem:$0x1DC80] =	vst v63  }
0xeb: {  	_ =	swait.ge [sflag:s11], $0x2800  }
0xec: {  	s21 =	sshrl.u32 s19, $0x3;
	[sflag:s11] =	ssyncset.done $0x0;
	s22 =	rddreg [dreg:$0x9]  }
0xed: {  	s8 =	rddreg [dreg:$0xa];
	s5 =	sadd.s32 s22, s21;
	[sflag:s11] =	ssyncadd.s32 $0xFFFFD800  }
0xee: {  	[tilespmem:s2], [sflag:$0x1] =	stream.linear.gather [hbm4b:s5+s2], $0x50, $0x38;
	[tilespmem:$0x1DC80] =	vst v63  }
0xef: {  	s4 =	sadd.s32 s8, s21  }
0xf0: {  	[tilespmem:s20], [sflag:$0x1] =	stream.linear.gather [hbm4b:s4+s2], $0x50, $0x38;
	[tilespmem:$0x1DC80] =	vst v63  }
0xf1: {  	_ =	swait.ge [sflag:s12], $0x50  }
0xf2: {  	[sflag:s12] =	ssyncset.done $0x0  }
0xf3: {  	[sflag:s12] =	ssyncadd.s32 $0xFFFFFFB0  }
0xf4: {  	_ =	swait.ge [sflag:s12], $0x50  }
0xf5: {  	[sflag:s12] =	ssyncset.done $0x0  }
0xf6: {  	[sflag:s12] =	ssyncadd.s32 $0xFFFFFFB0  }
0xf7: {  	[tilespmem:s13], [sflag:$0x8] =	stream.indirect.gather [hbm4b:s3+s24], $0x80, s0, s24, $0xb8;
	[tilespmem:$0x1DC80] =	vst v63  }
0xf8: {  	_ =	swait.ge [sflag:s14], $0x2800  }
0xf9: {  	[sflag:s14] =	ssyncset.done $0x0  }
0xfa: {  	p1 =	seq.s32 s18, $0x4B0;
	[sflag:s14] =	ssyncadd.s32 $0xFFFFD800  }
0xfb: {  	[spmem:s1] =	stream.indirect.scatter.add.f32 [tilespmem:s9], [sflag:$0xB], $0x80, s28, s24, $0xb8;
	[tilespmem:$0x1DC80] =	vst v63  }
0xfc: {  	s17 =	simm.s32 @!p1 $0x80;
	_ =	swait.ge [sflag:s15], $0x2800  }
0xfd: {  	s8 =	simm.s32 @!p1 $0x0;
	s4 =	rddreg [dreg:$0x4];
	[sflag:s15] =	ssyncset.done $0x0  }
0xfe: {  	s5 =	rddreg [dreg:$0x3];
	[sflag:s15] =	ssyncadd.s32 $0xFFFFD800;
	s4 =	sadd.s32 @!p1 s18, s4  }
0xff: {  	[tilespmem:s17], [sflag:$0x2] =	stream.linear.gather @!p1 [hbm4b:s4+s8], $0x50, $0x38;
	[tilespmem:$0x1DC80] =	vst v63  }
0x100: {  	s4 =	sadd.s32 @!p1 s18, s5;
	s5 =	simm.s32 @!p1 $0x280  }
0x101: {  	[tilespmem:s5], [sflag:$0x2] =	stream.linear.gather @!p1 [hbm4b:s4+s8], $0x50, $0x38;
	[tilespmem:$0x1DC80] =	vst v63  }
0x102: {  	_ =	swait.ge [sflag:s23], $0x50  }
0x103: {  	[sflag:s23] =	ssyncset.done $0x0  }
0x104: {  	[sflag:s23] =	ssyncadd.s32 $0xFFFFFFB0  }
0x105: {  	_ =	swait.ge [sflag:s23], $0x50  }
0x106: {  	[sflag:s23] =	ssyncset.done $0x0  }
0x107: {  	[sflag:s23] =	ssyncadd.s32 $0xFFFFFFB0  }
0x108: {  	[tilespmem:s25], [sflag:$0x5] =	stream.indirect.gather [hbm4b:s3+s24], $0x80, s2, s24, $0xb8;
	[tilespmem:$0x1DC80] =	vst v63  }
0x109: {  	_ =	swait.ge [sflag:s16], $0x2800  }
0x10a: {  	[sflag:s16] =	ssyncset.done $0x0  }
0x10b: {  	s17 =	simm.s32 $0xB;
	[sflag:s16] =	ssyncadd.s32 $0xFFFFD800  }
0x10c: {  	[spmem:s1] =	stream.indirect.scatter.add.f32 [tilespmem:s13], [sflag:$0xC], $0x80, s6, s24, $0xb8;
	[tilespmem:$0x1DC80] =	vst v63  }
0x10d: {  	_ =	swait.ge [sflag:s17], $0x2800  }
0x10e: {  	[sflag:s17] =	ssyncset.done $0x0  }
0x10f: {  	[sflag:s17] =	ssyncadd.s32 $0xFFFFD800  }
0x110: {  	_ =	swait.ge [sflag:s31], $0x2800  }
0x111: {  	[sflag:s31] =	ssyncset.done $0x0  }
0x112: {  	s18 =	simm.s32 $0xC;
	[sflag:s31] =	ssyncadd.s32 $0xFFFFD800  }
0x113: {  	[spmem:s1] =	stream.indirect.scatter.add.f32 [tilespmem:s25], [sflag:$0x9], $0x80, s20, s24, $0xb8;
	[tilespmem:$0x1DC80] =	vst v63  }
0x114: {  	_ =	swait.ge [sflag:s18], $0x2800  }
0x115: {  	[sflag:s18] =	ssyncset.done $0x0  }
0x116: {  	[sflag:s18] =	ssyncadd.s32 $0xFFFFD800  }
0x117: {  	_ =	swait.ge [sflag:s11], $0x2800  }
0x118: {  	[sflag:s11] =	ssyncset.done $0x0  }
0x119: {  	[sflag:s11] =	ssyncadd.s32 $0xFFFFD800  }
0x11a: {  	[bflag:$0x0] =	sbarrier.arrive $0xFFFF  }
0x11b: {  	s17 =	rddreg [dreg:$0xd]  }
0x11c: {  	s19 =	rddreg [dreg:$0x14]  }
0x11d: {  	s8 =	simm.s32 $0xD;
	s20 =	rddreg [dreg:$0x19]  }
0x11e: {  	[hbm:s19], [sflag:s17] =	dma.local [spmem:s20], $0x2700  }
0x11f: {  	_ =	swait.ge [sflag:s8], $0x2700  }
0x120: {  	[sflag:s8] =	ssyncset.done $0x0;
	s4 =	rddreg [dreg:$0x15]  }
0x121: {  	s5 =	rddreg [dreg:$0x1a];
	[sflag:s8] =	ssyncadd.s32 $0xFFFFD900  }
0x122: {  	[hbm:s4], [sflag:s17] =	dma.local @!p0 [spmem:s5], $0x100  }
0x123: {  	s4 =	simm.s32 @!p0 $0xD  }
0x124: {  	_ =	swait.ge @!p0 [sflag:s4], $0x100  }
0x125: {  	s21 =	rddreg [dreg:$0x18]  }
0x126: {  	s22 =	rddreg [dreg:$0x16];
	s18 =	sadd.s32 $0x1, s21  }
0x127: {  	p1 =	sne.s32 s18, s22  }
.Ltmp1:
0x128: {  	_ = 	snop;
	(pc) =	sbr.rel @p1 .LBB2_1-.Ltmp1, $3  }
0x129: {  	_ =	sdelay $0x1  }
0x12a: {  	[sflag:s4] =	ssyncset.done @!p0 $0x0  }
0x12b: {  	[sflag:s4] =	ssyncadd.s32 @!p0 $0xFFFFFF00  }
0x12c: {  	_ =	sfence.sel $0x180000  }
0x12d: {  	[bflag:$0x0] =	sbarrier.arrive $0xFFFF  }
0x12e: {  	_ =	strace $0x90000050  }
0x12f: {  	[bflag:$0x2] =	sbarrier.arrive $0xFFFF  }
0x130: {  	s0 =	rddreg [dreg:$0x2]  }
0x131: {  	s0 =	sadd.s32 @!p0 $0x100000, s0  }
0x132: {  	[sflag:s0] =	ssyncadd.tile.s32 @!p0 $0x1;
	_ =	shalt  }
.Lfunc_end2:
_tile_overlayer_lowered:
.L_overlay_start_2:
0x133: {  	(tag) =	ssettag $0x2  }
0x134: {  	s0 =	rddreg [dreg:$0x0];
	s2 =	stileid.u32  }
0x135: {  	s1 =	rddreg [dreg:$0x1];
	p0 =	sne.s32 s2, $0x0  }
0x136: {  	s3 =	rddreg [dreg:$0x2];
	[bflag:$0x3] =	sbarrier.arrive $0xFFFF;
	s2 =	simm.s32 @!p0 $0x1C0D  }
0x137: {  	[timem:s3], [sflag:s2] =	dma.local @!p0 [hbm:s0], s1  }
0x138: {  	s0 =	simm.s32 @!p0 $0xD  }
0x139: {  	_ =	swait.ge @!p0 [sflag:s0], s1  }
0x13a: {  	s1 =	ssub.s32 @!p0 $0x0, s1;
	[sflag:s0] =	ssyncset.done @!p0 $0x0  }
0x13b: {  	[sflag:s0] =	ssyncadd.s32 @!p0 s1  }
0x13c: {  	[bflag:$0x3] =	sbarrier.arrive $0xFFFF  }
0x13d: {  	_ =	shalt  }

</sc_bundles>
